<compile_context>
chip_gen: v7x
topology: tpu7x:2x2x1
jax: 0.10.2.dev20260603
libtpu: 0.0.44.dev20260713+nightly
codegen_flags: <defaults>
</compile_context>

<pallas_src>
import functools

import jax
import jax.numpy as jnp
from jax import lax
from jax.experimental import pallas as pl
from jax.experimental.pallas import tpu as pltpu
from jax.experimental.pallas import tpu_sc as plsc

H = 512
W = 512
HD = 128
D = 2 * HD
NC = 2
NS = 16
NW = NC * NS
RPW = H // NW
BR = 128
NCH = W // BR
NVEC = HD // 16

_mesh = plsc.VectorSubcoreMesh(
    core_axis_name="c", subcore_axis_name="s", num_cores=NC, num_subcores=NS)


@functools.partial(
    pl.kernel,
    mesh=_mesh,
    out_type=jax.ShapeDtypeStruct((H, W, D), jnp.float32),
    scratch_types=[
        pltpu.VMEM((RPW, HD), jnp.float32),
        pltpu.VMEM((W, HD), jnp.float32),
        pltpu.VMEM((BR, HD), jnp.float32),
        pltpu.VMEM((BR, HD), jnp.float32),
        pltpu.SemaphoreType.DMA,
        pltpu.SemaphoreType.DMA,
        pltpu.SemaphoreType.DMA,
    ],
)
def _pe_sc(row_hbm, col_hbm, out_hbm, rows_v, col_v, blk_a, blk_b, sem_a,
           sem_b, sem_c):
    wid = lax.axis_index("s") * NC + lax.axis_index("c")
    base = wid * RPW
    pltpu.sync_copy(row_hbm.at[pl.ds(base, RPW)], rows_v)
    pltpu.sync_copy(col_hbm, col_v)

    blks = (blk_a, blk_b)
    sems = (sem_a, sem_b)
    pending = [None, None]
    col_pending = []
    for ii in range(RPW):
        b = ii % 2
        if pending[b] is not None:
            for hnd in pending[b]:
                hnd.wait()
        blk = blks[b]
        rv = [rows_v[ii, pl.ds(v * 16, 16)] for v in range(NVEC)]

        def fill(j, _, blk=blk, rv=rv):
            for v in range(NVEC):
                blk[j, pl.ds(v * 16, 16)] = rv[v]
            return 0

        lax.fori_loop(0, BR, fill, 0)
        r = base + ii
        col_pending.append(pltpu.async_copy(
            col_v, out_hbm.at[r, :, pl.ds(HD, HD)], sem_c))
        hs = []
        for c in range(NCH):
            hs.append(pltpu.async_copy(
                blk, out_hbm.at[r, pl.ds(c * BR, BR), pl.ds(0, HD)], sems[b]))
        pending[b] = hs
    for b in range(2):
        for hnd in pending[b]:
            hnd.wait()
    for hnd in col_pending:
        hnd.wait()


def kernel(row_embed, col_embed):
    return _pe_sc(row_embed, col_embed).reshape(H * W, D)

# --- scband reference (transcript-rebuilt; emitter-appended) ---
"""Pipeline reference for scband-positional-encoding2-d-10780367913313 (READ-ONLY COPY).

The authoritative reference and input builder live on the scoring server;
editing this copy changes nothing except your own understanding.
"""

import jax, jax.numpy as jnp
import numpy as np

HEIGHT = 512
WIDTH = 512
DIM = 256


def setup_inputs(seed: int = 0) -> dict:
    key = jax.random.key(seed)
    k1, k2 = jax.random.split(key)
    row_embed = jax.random.normal(k1, (HEIGHT, DIM // 2), dtype=jnp.float32)
    col_embed = jax.random.normal(k2, (WIDTH, DIM // 2), dtype=jnp.float32)
    return {"row_embed": row_embed, "col_embed": col_embed}


def reference(row_embed, col_embed):
    rows = jnp.arange(HEIGHT)
    cols = jnp.arange(WIDTH)
    rr, cc = jnp.meshgrid(rows, cols, indexing='ij')
    pos = jnp.stack([rr, cc], axis=-1).reshape(-1, 2)
    row_pos = jnp.take(row_embed, pos[:, 0], axis=0)
    col_pos = jnp.take(col_embed, pos[:, 1], axis=0)
    return jnp.concatenate([row_pos, col_pos], axis=1)

if __name__ == "__main__":
    import jax
    _d = setup_inputs()
    print(jax.jit(kernel)(*tuple(_d.values())))

</pallas_src>

<mosaic_0001>
#map = affine_map<(d0, d1) -> (0, 0)>
#map1 = affine_map<(d0, d1) -> (0, 0, 0)>
module attributes {stable_mosaic.version = 14 : i64} {
  func.func @_pe_sc(%arg0: i32, %arg1: i32, %arg2: memref<512x128xf32, #tpu.memory_space<hbm>>, %arg3: memref<512x128xf32, #tpu.memory_space<hbm>>, %arg4: memref<512x512x256xf32, #tpu.memory_space<hbm>>, %arg5: memref<16x128xf32, #tpu.memory_space<vmem>>, %arg6: memref<512x128xf32, #tpu.memory_space<vmem>>, %arg7: memref<128x128xf32, #tpu.memory_space<vmem>>, %arg8: memref<128x128xf32, #tpu.memory_space<vmem>>, %arg9: memref<!tpu.dma_semaphore, #tpu.memory_space<semaphore_mem>>, %arg10: memref<!tpu.dma_semaphore, #tpu.memory_space<semaphore_mem>>, %arg11: memref<!tpu.dma_semaphore, #tpu.memory_space<semaphore_mem>>) attributes {dimension_semantics = [#tpu.dimension_semantics<core_parallel>, #tpu.dimension_semantics<subcore_parallel>], iteration_bounds = array<i64: 2, 16>, scalar_prefetch = 0 : i64, scratch_operands = 7 : i64, tpu.core_type = #tpu.core_type<sc_vector_subcore>, window_params = [{transform_indices = #map}, {transform_indices = #map}, {transform_indices = #map1}]} {
    %mul3A = arith.constant 2 : i32
    %mul3A_0 = arith.muli %arg1, %mul3A : i32
    %add3A = arith.addi %mul3A_0, %arg0 : i32
    %mul3A_1 = arith.constant 16 : i32
    %mul3A_2 = arith.muli %add3A, %mul3A_1 : i32
    "tpu.region"() ({
      %run_scoped3A = tpu.sem_alloc : memref<!tpu.dma_semaphore, #tpu.memory_space<semaphore_mem>>
      %dma_start3A_2063 = arith.constant 0 : i32
      %dma_start3A_2064 = tpu.memref_slice %arg2[%mul3A_2, %dma_start3A_2063] : memref<512x128xf32, #tpu.memory_space<hbm>> -> memref<16x128xf32, #tpu.memory_space<hbm>>
      %dma_start3A_2065 = arith.constant 0 : i32
      %dma_start3A_2066 = tpu.memref_slice %arg2[%mul3A_2, %dma_start3A_2065] : memref<512x128xf32, #tpu.memory_space<hbm>> -> memref<16x128xf32, #tpu.memory_space<hbm>>
      tpu.enqueue_dma source(%dma_start3A_2066 : memref<16x128xf32, #tpu.memory_space<hbm>>) target(%arg5 : memref<16x128xf32, #tpu.memory_space<vmem>>) target_semaphore(%run_scoped3A : memref<!tpu.dma_semaphore, #tpu.memory_space<semaphore_mem>>)
      %dma_wait3A_2067 = arith.constant 0 : i32
      %dma_wait3A_2068 = tpu.memref_slice %arg2[%mul3A_2, %dma_wait3A_2067] : memref<512x128xf32, #tpu.memory_space<hbm>> -> memref<16x128xf32, #tpu.memory_space<hbm>>
      %dma_wait3A_2069 = arith.constant 0 : i32
      %dma_wait3A_2070 = tpu.memref_slice %arg2[%mul3A_2, %dma_wait3A_2069] : memref<512x128xf32, #tpu.memory_space<hbm>> -> memref<16x128xf32, #tpu.memory_space<hbm>>
      tpu.wait_dma2 semaphore(%run_scoped3A : memref<!tpu.dma_semaphore, #tpu.memory_space<semaphore_mem>>) src(%dma_wait3A_2070 : memref<16x128xf32, #tpu.memory_space<hbm>>) dst(%arg5 : memref<16x128xf32, #tpu.memory_space<vmem>>)
      tpu.yield
    }) : () -> ()
    "tpu.region"() ({
      %run_scoped3A = tpu.sem_alloc : memref<!tpu.dma_semaphore, #tpu.memory_space<semaphore_mem>>
      tpu.enqueue_dma source(%arg3 : memref<512x128xf32, #tpu.memory_space<hbm>>) target(%arg6 : memref<512x128xf32, #tpu.memory_space<vmem>>) target_semaphore(%run_scoped3A : memref<!tpu.dma_semaphore, #tpu.memory_space<semaphore_mem>>)
      tpu.wait_dma2 semaphore(%run_scoped3A : memref<!tpu.dma_semaphore, #tpu.memory_space<semaphore_mem>>) src(%arg3 : memref<512x128xf32, #tpu.memory_space<hbm>>) dst(%arg6 : memref<512x128xf32, #tpu.memory_space<vmem>>)
      tpu.yield
    }) : () -> ()
    %get3A = arith.constant 0 : i32
    %get3A_3 = arith.index_cast %get3A : i32 to index
    %get3A_4 = arith.constant 0 : index
    %get3A_5 = tpu.vector_load %arg5[%get3A_3, %get3A_4] {strides = array<i32>} : memref<16x128xf32, #tpu.memory_space<vmem>>, vector<1x16xf32>,
    %get3A_6 = vector.shape_cast %get3A_5 : vector<1x16xf32> to vector<16xf32>
    %get3A_7 = arith.constant 0 : i32
    %get3A_8 = arith.index_cast %get3A_7 : i32 to index
    %get3A_9 = arith.constant 16 : index
    %get3A_10 = tpu.vector_load %arg5[%get3A_8, %get3A_9] {strides = array<i32>} : memref<16x128xf32, #tpu.memory_space<vmem>>, vector<1x16xf32>,
    %get3A_11 = vector.shape_cast %get3A_10 : vector<1x16xf32> to vector<16xf32>
    %get3A_12 = arith.constant 0 : i32
    %get3A_13 = arith.index_cast %get3A_12 : i32 to index
    %get3A_14 = arith.constant 32 : index
    %get3A_15 = tpu.vector_load %arg5[%get3A_13, %get3A_14] {strides = array<i32>} : memref<16x128xf32, #tpu.memory_space<vmem>>, vector<1x16xf32>,
    %get3A_16 = vector.shape_cast %get3A_15 : vector<1x16xf32> to vector<16xf32>
    %get3A_17 = arith.constant 0 : i32
    %get3A_18 = arith.index_cast %get3A_17 : i32 to index
    %get3A_19 = arith.constant 48 : index
    %get3A_20 = tpu.vector_load %arg5[%get3A_18, %get3A_19] {strides = array<i32>} : memref<16x128xf32, #tpu.memory_space<vmem>>, vector<1x16xf32>,
    %get3A_21 = vector.shape_cast %get3A_20 : vector<1x16xf32> to vector<16xf32>
    %get3A_22 = arith.constant 0 : i32
    %get3A_23 = arith.index_cast %get3A_22 : i32 to index
    %get3A_24 = arith.constant 64 : index
    %get3A_25 = tpu.vector_load %arg5[%get3A_23, %get3A_24] {strides = array<i32>} : memref<16x128xf32, #tpu.memory_space<vmem>>, vector<1x16xf32>,
    %get3A_26 = vector.shape_cast %get3A_25 : vector<1x16xf32> to vector<16xf32>
    %get3A_27 = arith.constant 0 : i32
    %get3A_28 = arith.index_cast %get3A_27 : i32 to index
    %get3A_29 = arith.constant 80 : index
    %get3A_30 = tpu.vector_load %arg5[%get3A_28, %get3A_29] {strides = array<i32>} : memref<16x128xf32, #tpu.memory_space<vmem>>, vector<1x16xf32>,
    %get3A_31 = vector.shape_cast %get3A_30 : vector<1x16xf32> to vector<16xf32>
    %get3A_32 = arith.constant 0 : i32
    %get3A_33 = arith.index_cast %get3A_32 : i32 to index
    %get3A_34 = arith.constant 96 : index
    %get3A_35 = tpu.vector_load %arg5[%get3A_33, %get3A_34] {strides = array<i32>} : memref<16x128xf32, #tpu.memory_space<vmem>>, vector<1x16xf32>,
    %get3A_36 = vector.shape_cast %get3A_35 : vector<1x16xf32> to vector<16xf32>
    %get3A_37 = arith.constant 0 : i32
    %get3A_38 = arith.index_cast %get3A_37 : i32 to index
    %get3A_39 = arith.constant 112 : index
    %get3A_40 = tpu.vector_load %arg5[%get3A_38, %get3A_39] {strides = array<i32>} : memref<16x128xf32, #tpu.memory_space<vmem>>, vector<1x16xf32>,
    %get3A_41 = vector.shape_cast %get3A_40 : vector<1x16xf32> to vector<16xf32>
    %scan3A = arith.constant 0 : i32
    %scan3A_42 = arith.constant 0 : i32
    %scan3A_43 = arith.constant 128 : i32
    %scan3A_44 = arith.addi %scan3A_42, %scan3A_43 : i32
    %scan3A_45 = arith.constant 1 : i32
    %scan3A_46 = scf.for %scan3A_2063 = %scan3A_42 to %scan3A_44 step %scan3A_45 iter_args(%scan3A_2064 = %scan3A) -> (i32)  : i32 {
      %swap3A = arith.index_cast %scan3A_2063 : i32 to index
      %swap3A_2065 = arith.constant 0 : index
      %swap3A_2066 = tpu.vector_load %arg7[%swap3A, %swap3A_2065] {strides = array<i32>} : memref<128x128xf32, #tpu.memory_space<vmem>>, vector<1x16xf32>,
      %swap3A_2067 = vector.shape_cast %swap3A_2066 : vector<1x16xf32> to vector<16xf32>
      %swap3A_2068 = vector.shape_cast %get3A_6 : vector<16xf32> to vector<1x16xf32>
      tpu.vector_store %arg7[%swap3A, %swap3A_2065], %swap3A_2068 {strides = array<i32>} : memref<128x128xf32, #tpu.memory_space<vmem>>, vector<1x16xf32>,
      %swap3A_2069 = arith.index_cast %scan3A_2063 : i32 to index
      %swap3A_2070 = arith.constant 16 : index
      %swap3A_2071 = tpu.vector_load %arg7[%swap3A_2069, %swap3A_2070] {strides = array<i32>} : memref<128x128xf32, #tpu.memory_space<vmem>>, vector<1x16xf32>,
      %swap3A_2072 = vector.shape_cast %swap3A_2071 : vector<1x16xf32> to vector<16xf32>
      %swap3A_2073 = vector.shape_cast %get3A_11 : vector<16xf32> to vector<1x16xf32>
      tpu.vector_store %arg7[%swap3A_2069, %swap3A_2070], %swap3A_2073 {strides = array<i32>} : memref<128x128xf32, #tpu.memory_space<vmem>>, vector<1x16xf32>,
      %swap3A_2074 = arith.index_cast %scan3A_2063 : i32 to index
      %swap3A_2075 = arith.constant 32 : index
      %swap3A_2076 = tpu.vector_load %arg7[%swap3A_2074, %swap3A_2075] {strides = array<i32>} : memref<128x128xf32, #tpu.memory_space<vmem>>, vector<1x16xf32>,
      %swap3A_2077 = vector.shape_cast %swap3A_2076 : vector<1x16xf32> to vector<16xf32>
      %swap3A_2078 = vector.shape_cast %get3A_16 : vector<16xf32> to vector<1x16xf32>
      tpu.vector_store %arg7[%swap3A_2074, %swap3A_2075], %swap3A_2078 {strides = array<i32>} : memref<128x128xf32, #tpu.memory_space<vmem>>, vector<1x16xf32>,
      %swap3A_2079 = arith.index_cast %scan3A_2063 : i32 to index
      %swap3A_2080 = arith.constant 48 : index
      %swap3A_2081 = tpu.vector_load %arg7[%swap3A_2079, %swap3A_2080] {strides = array<i32>} : memref<128x128xf32, #tpu.memory_space<vmem>>, vector<1x16xf32>,
      %swap3A_2082 = vector.shape_cast %swap3A_2081 : vector<1x16xf32> to vector<16xf32>
      %swap3A_2083 = vector.shape_cast %get3A_21 : vector<16xf32> to vector<1x16xf32>
      tpu.vector_store %arg7[%swap3A_2079, %swap3A_2080], %swap3A_2083 {strides = array<i32>} : memref<128x128xf32, #tpu.memory_space<vmem>>, vector<1x16xf32>,
      %swap3A_2084 = arith.index_cast %scan3A_2063 : i32 to index
      %swap3A_2085 = arith.constant 64 : index
      %swap3A_2086 = tpu.vector_load %arg7[%swap3A_2084, %swap3A_2085] {strides = array<i32>} : memref<128x128xf32, #tpu.memory_space<vmem>>, vector<1x16xf32>,
      %swap3A_2087 = vector.shape_cast %swap3A_2086 : vector<1x16xf32> to vector<16xf32>
      %swap3A_2088 = vector.shape_cast %get3A_26 : vector<16xf32> to vector<1x16xf32>
      tpu.vector_store %arg7[%swap3A_2084, %swap3A_2085], %swap3A_2088 {strides = array<i32>} : memref<128x128xf32, #tpu.memory_space<vmem>>, vector<1x16xf32>,
      %swap3A_2089 = arith.index_cast %scan3A_2063 : i32 to index
      %swap3A_2090 = arith.constant 80 : index
      %swap3A_2091 = tpu.vector_load %arg7[%swap3A_2089, %swap3A_2090] {strides = array<i32>} : memref<128x128xf32, #tpu.memory_space<vmem>>, vector<1x16xf32>,
      %swap3A_2092 = vector.shape_cast %swap3A_2091 : vector<1x16xf32> to vector<16xf32>
      %swap3A_2093 = vector.shape_cast %get3A_31 : vector<16xf32> to vector<1x16xf32>
      tpu.vector_store %arg7[%swap3A_2089, %swap3A_2090], %swap3A_2093 {strides = array<i32>} : memref<128x128xf32, #tpu.memory_space<vmem>>, vector<1x16xf32>,
      %swap3A_2094 = arith.index_cast %scan3A_2063 : i32 to index
      %swap3A_2095 = arith.constant 96 : index
      %swap3A_2096 = tpu.vector_load %arg7[%swap3A_2094, %swap3A_2095] {strides = array<i32>} : memref<128x128xf32, #tpu.memory_space<vmem>>, vector<1x16xf32>,
      %swap3A_2097 = vector.shape_cast %swap3A_2096 : vector<1x16xf32> to vector<16xf32>
      %swap3A_2098 = vector.shape_cast %get3A_36 : vector<16xf32> to vector<1x16xf32>
      tpu.vector_store %arg7[%swap3A_2094, %swap3A_2095], %swap3A_2098 {strides = array<i32>} : memref<128x128xf32, #tpu.memory_space<vmem>>, vector<1x16xf32>,
      %swap3A_2099 = arith.index_cast %scan3A_2063 : i32 to index
      %swap3A_2100 = arith.constant 112 : index
      %swap3A_2101 = tpu.vector_load %arg7[%swap3A_2099, %swap3A_2100] {strides = array<i32>} : memref<128x128xf32, #tpu.memory_space<vmem>>, vector<1x16xf32>,
      %swap3A_2102 = vector.shape_cast %swap3A_2101 : vector<1x16xf32> to vector<16xf32>
      %swap3A_2103 = vector.shape_cast %get3A_41 : vector<16xf32> to vector<1x16xf32>
      tpu.vector_store %arg7[%swap3A_2099, %swap3A_2100], %swap3A_2103 {strides = array<i32>} : memref<128x128xf32, #tpu.memory_space<vmem>>, vector<1x16xf32>,
      %scan3A_2104 = arith.constant 0 : i32
      scf.yield %scan3A_2104 : i32
    }
    %scan3A_47 = arith.constant 128 : i32
    %add3A_48 = arith.constant 0 : i32
    %add3A_49 = arith.addi %mul3A_2, %add3A_48 : i32
    %dma_start3A = arith.constant 0 : i32
    %dma_start3A_50 = arith.constant 128 : i32
    %dma_start3A_51 = tpu.memref_slice %arg4[%add3A_49, %dma_start3A, %dma_start3A_50] : memref<512x512x256xf32, #tpu.memory_space<hbm>> -> memref<1x512x128xf32, #tpu.memory_space<hbm>>
    %dma_start3A_52 = tpu.memref_squeeze %dma_start3A_51 : memref<1x512x128xf32, #tpu.memory_space<hbm>> -> memref<512x128xf32, #tpu.memory_space<hbm>>
    %dma_start3A_53 = arith.constant 0 : i32
    %dma_start3A_54 = arith.constant 128 : i32
    %dma_start3A_55 = tpu.memref_slice %arg4[%add3A_49, %dma_start3A_53, %dma_start3A_54] : memref<512x512x256xf32, #tpu.memory_space<hbm>> -> memref<1x512x128xf32, #tpu.memory_space<hbm>>
    %dma_start3A_56 = tpu.memref_squeeze %dma_start3A_55 : memref<1x512x128xf32, #tpu.memory_space<hbm>> -> memref<512x128xf32, #tpu.memory_space<hbm>>
    tpu.enqueue_dma source(%arg6 : memref<512x128xf32, #tpu.memory_space<vmem>>) target(%dma_start3A_56 : memref<512x128xf32, #tpu.memory_space<hbm>>) target_semaphore(%arg11 : memref<!tpu.dma_semaphore, #tpu.memory_space<semaphore_mem>>)
    %dma_start3A_57 = arith.constant 0 : i32
    %dma_start3A_58 = arith.constant 0 : i32
    %dma_start3A_59 = tpu.memref_slice %arg4[%add3A_49, %dma_start3A_57, %dma_start3A_58] : memref<512x512x256xf32, #tpu.memory_space<hbm>> -> memref<1x128x128xf32, #tpu.memory_space<hbm>>
    %dma_start3A_60 = tpu.memref_squeeze %dma_start3A_59 : memref<1x128x128xf32, #tpu.memory_space<hbm>> -> memref<128x128xf32, #tpu.memory_space<hbm>>
    %dma_start3A_61 = arith.constant 0 : i32
    %dma_start3A_62 = arith.constant 0 : i32
    %dma_start3A_63 = tpu.memref_slice %arg4[%add3A_49, %dma_start3A_61, %dma_start3A_62] : memref<512x512x256xf32, #tpu.memory_space<hbm>> -> memref<1x128x128xf32, #tpu.memory_space<hbm>>
    %dma_start3A_64 = tpu.memref_squeeze %dma_start3A_63 : memref<1x128x128xf32, #tpu.memory_space<hbm>> -> memref<128x128xf32, #tpu.memory_space<hbm>>
    tpu.enqueue_dma source(%arg7 : memref<128x128xf32, #tpu.memory_space<vmem>>) target(%dma_start3A_64 : memref<128x128xf32, #tpu.memory_space<hbm>>) target_semaphore(%arg9 : memref<!tpu.dma_semaphore, #tpu.memory_space<semaphore_mem>>)
    %dma_start3A_65 = arith.constant 128 : i32
    %dma_start3A_66 = arith.constant 0 : i32
    %dma_start3A_67 = tpu.memref_slice %arg4[%add3A_49, %dma_start3A_65, %dma_start3A_66] : memref<512x512x256xf32, #tpu.memory_space<hbm>> -> memref<1x128x128xf32, #tpu.memory_space<hbm>>
    %dma_start3A_68 = tpu.memref_squeeze %dma_start3A_67 : memref<1x128x128xf32, #tpu.memory_space<hbm>> -> memref<128x128xf32, #tpu.memory_space<hbm>>
    %dma_start3A_69 = arith.constant 128 : i32
    %dma_start3A_70 = arith.constant 0 : i32
    %dma_start3A_71 = tpu.memref_slice %arg4[%add3A_49, %dma_start3A_69, %dma_start3A_70] : memref<512x512x256xf32, #tpu.memory_space<hbm>> -> memref<1x128x128xf32, #tpu.memory_space<hbm>>
    %dma_start3A_72 = tpu.memref_squeeze %dma_start3A_71 : memref<1x128x128xf32, #tpu.memory_space<hbm>> -> memref<128x128xf32, #tpu.memory_space<hbm>>
    tpu.enqueue_dma source(%arg7 : memref<128x128xf32, #tpu.memory_space<vmem>>) target(%dma_start3A_72 : memref<128x128xf32, #tpu.memory_space<hbm>>) target_semaphore(%arg9 : memref<!tpu.dma_semaphore, #tpu.memory_space<semaphore_mem>>)
    %dma_start3A_73 = arith.constant 256 : i32
    %dma_start3A_74 = arith.constant 0 : i32
    %dma_start3A_75 = tpu.memref_slice %arg4[%add3A_49, %dma_start3A_73, %dma_start3A_74] : memref<512x512x256xf32, #tpu.memory_space<hbm>> -> memref<1x128x128xf32, #tpu.memory_space<hbm>>
    %dma_start3A_76 = tpu.memref_squeeze %dma_start3A_75 : memref<1x128x128xf32, #tpu.memory_space<hbm>> -> memref<128x128xf32, #tpu.memory_space<hbm>>
    %dma_start3A_77 = arith.constant 256 : i32
    %dma_start3A_78 = arith.constant 0 : i32
    %dma_start3A_79 = tpu.memref_slice %arg4[%add3A_49, %dma_start3A_77, %dma_start3A_78] : memref<512x512x256xf32, #tpu.memory_space<hbm>> -> memref<1x128x128xf32, #tpu.memory_space<hbm>>
    %dma_start3A_80 = tpu.memref_squeeze %dma_start3A_79 : memref<1x128x128xf32, #tpu.memory_space<hbm>> -> memref<128x128xf32, #tpu.memory_space<hbm>>
    tpu.enqueue_dma source(%arg7 : memref<128x128xf32, #tpu.memory_space<vmem>>) target(%dma_start3A_80 : memref<128x128xf32, #tpu.memory_space<hbm>>) target_semaphore(%arg9 : memref<!tpu.dma_semaphore, #tpu.memory_space<semaphore_mem>>)
    %dma_start3A_81 = arith.constant 384 : i32
    %dma_start3A_82 = arith.constant 0 : i32
    %dma_start3A_83 = tpu.memref_slice %arg4[%add3A_49, %dma_start3A_81, %dma_start3A_82] : memref<512x512x256xf32, #tpu.memory_space<hbm>> -> memref<1x128x128xf32, #tpu.memory_space<hbm>>
    %dma_start3A_84 = tpu.memref_squeeze %dma_start3A_83 : memref<1x128x128xf32, #tpu.memory_space<hbm>> -> memref<128x128xf32, #tpu.memory_space<hbm>>
    %dma_start3A_85 = arith.constant 384 : i32
    %dma_start3A_86 = arith.constant 0 : i32
    %dma_start3A_87 = tpu.memref_slice %arg4[%add3A_49, %dma_start3A_85, %dma_start3A_86] : memref<512x512x256xf32, #tpu.memory_space<hbm>> -> memref<1x128x128xf32, #tpu.memory_space<hbm>>
    %dma_start3A_88 = tpu.memref_squeeze %dma_start3A_87 : memref<1x128x128xf32, #tpu.memory_space<hbm>> -> memref<128x128xf32, #tpu.memory_space<hbm>>
    tpu.enqueue_dma source(%arg7 : memref<128x128xf32, #tpu.memory_space<vmem>>) target(%dma_start3A_88 : memref<128x128xf32, #tpu.memory_space<hbm>>) target_semaphore(%arg9 : memref<!tpu.dma_semaphore, #tpu.memory_space<semaphore_mem>>)
    %get3A_89 = arith.constant 1 : i32
    %get3A_90 = arith.index_cast %get3A_89 : i32 to index
    %get3A_91 = arith.constant 0 : index
    %get3A_92 = tpu.vector_load %arg5[%get3A_90, %get3A_91] {strides = array<i32>} : memref<16x128xf32, #tpu.memory_space<vmem>>, vector<1x16xf32>,
    %get3A_93 = vector.shape_cast %get3A_92 : vector<1x16xf32> to vector<16xf32>
    %get3A_94 = arith.constant 1 : i32
    %get3A_95 = arith.index_cast %get3A_94 : i32 to index
    %get3A_96 = arith.constant 16 : index
    %get3A_97 = tpu.vector_load %arg5[%get3A_95, %get3A_96] {strides = array<i32>} : memref<16x128xf32, #tpu.memory_space<vmem>>, vector<1x16xf32>,
    %get3A_98 = vector.shape_cast %get3A_97 : vector<1x16xf32> to vector<16xf32>
    %get3A_99 = arith.constant 1 : i32
    %get3A_100 = arith.index_cast %get3A_99 : i32 to index
    %get3A_101 = arith.constant 32 : index
    %get3A_102 = tpu.vector_load %arg5[%get3A_100, %get3A_101] {strides = array<i32>} : memref<16x128xf32, #tpu.memory_space<vmem>>, vector<1x16xf32>,
    %get3A_103 = vector.shape_cast %get3A_102 : vector<1x16xf32> to vector<16xf32>
    %get3A_104 = arith.constant 1 : i32
    %get3A_105 = arith.index_cast %get3A_104 : i32 to index
    %get3A_106 = arith.constant 48 : index
    %get3A_107 = tpu.vector_load %arg5[%get3A_105, %get3A_106] {strides = array<i32>} : memref<16x128xf32, #tpu.memory_space<vmem>>, vector<1x16xf32>,
    %get3A_108 = vector.shape_cast %get3A_107 : vector<1x16xf32> to vector<16xf32>
    %get3A_109 = arith.constant 1 : i32
    %get3A_110 = arith.index_cast %get3A_109 : i32 to index
    %get3A_111 = arith.constant 64 : index
    %get3A_112 = tpu.vector_load %arg5[%get3A_110, %get3A_111] {strides = array<i32>} : memref<16x128xf32, #tpu.memory_space<vmem>>, vector<1x16xf32>,
    %get3A_113 = vector.shape_cast %get3A_112 : vector<1x16xf32> to vector<16xf32>
    %get3A_114 = arith.constant 1 : i32
    %get3A_115 = arith.index_cast %get3A_114 : i32 to index
    %get3A_116 = arith.constant 80 : index
    %get3A_117 = tpu.vector_load %arg5[%get3A_115, %get3A_116] {strides = array<i32>} : memref<16x128xf32, #tpu.memory_space<vmem>>, vector<1x16xf32>,
    %get3A_118 = vector.shape_cast %get3A_117 : vector<1x16xf32> to vector<16xf32>
    %get3A_119 = arith.constant 1 : i32
    %get3A_120 = arith.index_cast %get3A_119 : i32 to index
    %get3A_121 = arith.constant 96 : index
    %get3A_122 = tpu.vector_load %arg5[%get3A_120, %get3A_121] {strides = array<i32>} : memref<16x128xf32, #tpu.memory_space<vmem>>, vector<1x16xf32>,
    %get3A_123 = vector.shape_cast %get3A_122 : vector<1x16xf32> to vector<16xf32>
    %get3A_124 = arith.constant 1 : i32
    %get3A_125 = arith.index_cast %get3A_124 : i32 to index
    %get3A_126 = arith.constant 112 : index
    %get3A_127 = tpu.vector_load %arg5[%get3A_125, %get3A_126] {strides = array<i32>} : memref<16x128xf32, #tpu.memory_space<vmem>>, vector<1x16xf32>,
    %get3A_128 = vector.shape_cast %get3A_127 : vector<1x16xf32> to vector<16xf32>
    %scan3A_129 = arith.constant 0 : i32
    %scan3A_130 = arith.constant 0 : i32
    %scan3A_131 = arith.constant 128 : i32
    %scan3A_132 = arith.addi %scan3A_130, %scan3A_131 : i32
    %scan3A_133 = arith.constant 1 : i32
    %scan3A_134 = scf.for %scan3A_2063 = %scan3A_130 to %scan3A_132 step %scan3A_133 iter_args(%scan3A_2064 = %scan3A_129) -> (i32)  : i32 {
      %swap3A = arith.index_cast %scan3A_2063 : i32 to index
      %swap3A_2065 = arith.constant 0 : index
      %swap3A_2066 = tpu.vector_load %arg8[%swap3A, %swap3A_2065] {strides = array<i32>} : memref<128x128xf32, #tpu.memory_space<vmem>>, vector<1x16xf32>,
      %swap3A_2067 = vector.shape_cast %swap3A_2066 : vector<1x16xf32> to vector<16xf32>
      %swap3A_2068 = vector.shape_cast %get3A_93 : vector<16xf32> to vector<1x16xf32>
      tpu.vector_store %arg8[%swap3A, %swap3A_2065], %swap3A_2068 {strides = array<i32>} : memref<128x128xf32, #tpu.memory_space<vmem>>, vector<1x16xf32>,
      %swap3A_2069 = arith.index_cast %scan3A_2063 : i32 to index
      %swap3A_2070 = arith.constant 16 : index
      %swap3A_2071 = tpu.vector_load %arg8[%swap3A_2069, %swap3A_2070] {strides = array<i32>} : memref<128x128xf32, #tpu.memory_space<vmem>>, vector<1x16xf32>,
      %swap3A_2072 = vector.shape_cast %swap3A_2071 : vector<1x16xf32> to vector<16xf32>
      %swap3A_2073 = vector.shape_cast %get3A_98 : vector<16xf32> to vector<1x16xf32>
      tpu.vector_store %arg8[%swap3A_2069, %swap3A_2070], %swap3A_2073 {strides = array<i32>} : memref<128x128xf32, #tpu.memory_space<vmem>>, vector<1x16xf32>,
      %swap3A_2074 = arith.index_cast %scan3A_2063 : i32 to index
      %swap3A_2075 = arith.constant 32 : index
      %swap3A_2076 = tpu.vector_load %arg8[%swap3A_2074, %swap3A_2075] {strides = array<i32>} : memref<128x128xf32, #tpu.memory_space<vmem>>, vector<1x16xf32>,
      %swap3A_2077 = vector.shape_cast %swap3A_2076 : vector<1x16xf32> to vector<16xf32>
      %swap3A_2078 = vector.shape_cast %get3A_103 : vector<16xf32> to vector<1x16xf32>
      tpu.vector_store %arg8[%swap3A_2074, %swap3A_2075], %swap3A_2078 {strides = array<i32>} : memref<128x128xf32, #tpu.memory_space<vmem>>, vector<1x16xf32>,
      %swap3A_2079 = arith.index_cast %scan3A_2063 : i32 to index
      %swap3A_2080 = arith.constant 48 : index
      %swap3A_2081 = tpu.vector_load %arg8[%swap3A_2079, %swap3A_2080] {strides = array<i32>} : memref<128x128xf32, #tpu.memory_space<vmem>>, vector<1x16xf32>,
      %swap3A_2082 = vector.shape_cast %swap3A_2081 : vector<1x16xf32> to vector<16xf32>
      %swap3A_2083 = vector.shape_cast %get3A_108 : vector<16xf32> to vector<1x16xf32>
      tpu.vector_store %arg8[%swap3A_2079, %swap3A_2080], %swap3A_2083 {strides = array<i32>} : memref<128x128xf32, #tpu.memory_space<vmem>>, vector<1x16xf32>,
      %swap3A_2084 = arith.index_cast %scan3A_2063 : i32 to index
      %swap3A_2085 = arith.constant 64 : index
      %swap3A_2086 = tpu.vector_load %arg8[%swap3A_2084, %swap3A_2085] {strides = array<i32>} : memref<128x128xf32, #tpu.memory_space<vmem>>, vector<1x16xf32>,
      %swap3A_2087 = vector.shape_cast %swap3A_2086 : vector<1x16xf32> to vector<16xf32>
      %swap3A_2088 = vector.shape_cast %get3A_113 : vector<16xf32> to vector<1x16xf32>
      tpu.vector_store %arg8[%swap3A_2084, %swap3A_2085], %swap3A_2088 {strides = array<i32>} : memref<128x128xf32, #tpu.memory_space<vmem>>, vector<1x16xf32>,
      %swap3A_2089 = arith.index_cast %scan3A_2063 : i32 to index
      %swap3A_2090 = arith.constant 80 : index
      %swap3A_2091 = tpu.vector_load %arg8[%swap3A_2089, %swap3A_2090] {strides = array<i32>} : memref<128x128xf32, #tpu.memory_space<vmem>>, vector<1x16xf32>,
      %swap3A_2092 = vector.shape_cast %swap3A_2091 : vector<1x16xf32> to vector<16xf32>
      %swap3A_2093 = vector.shape_cast %get3A_118 : vector<16xf32> to vector<1x16xf32>
      tpu.vector_store %arg8[%swap3A_2089, %swap3A_2090], %swap3A_2093 {strides = array<i32>} : memref<128x128xf32, #tpu.memory_space<vmem>>, vector<1x16xf32>,
      %swap3A_2094 = arith.index_cast %scan3A_2063 : i32 to index
      %swap3A_2095 = arith.constant 96 : index
      %swap3A_2096 = tpu.vector_load %arg8[%swap3A_2094, %swap3A_2095] {strides = array<i32>} : memref<128x128xf32, #tpu.memory_space<vmem>>, vector<1x16xf32>,
      %swap3A_2097 = vector.shape_cast %swap3A_2096 : vector<1x16xf32> to vector<16xf32>
      %swap3A_2098 = vector.shape_cast %get3A_123 : vector<16xf32> to vector<1x16xf32>
      tpu.vector_store %arg8[%swap3A_2094, %swap3A_2095], %swap3A_2098 {strides = array<i32>} : memref<128x128xf32, #tpu.memory_space<vmem>>, vector<1x16xf32>,
      %swap3A_2099 = arith.index_cast %scan3A_2063 : i32 to index
      %swap3A_2100 = arith.constant 112 : index
      %swap3A_2101 = tpu.vector_load %arg8[%swap3A_2099, %swap3A_2100] {strides = array<i32>} : memref<128x128xf32, #tpu.memory_space<vmem>>, vector<1x16xf32>,
      %swap3A_2102 = vector.shape_cast %swap3A_2101 : vector<1x16xf32> to vector<16xf32>
      %swap3A_2103 = vector.shape_cast %get3A_128 : vector<16xf32> to vector<1x16xf32>
      tpu.vector_store %arg8[%swap3A_2099, %swap3A_2100], %swap3A_2103 {strides = array<i32>} : memref<128x128xf32, #tpu.memory_space<vmem>>, vector<1x16xf32>,
      %scan3A_2104 = arith.constant 0 : i32
      scf.yield %scan3A_2104 : i32
    }
    %scan3A_135 = arith.constant 128 : i32
    %add3A_136 = arith.constant 1 : i32
    %add3A_137 = arith.addi %mul3A_2, %add3A_136 : i32
    %dma_start3A_138 = arith.constant 0 : i32
    %dma_start3A_139 = arith.constant 128 : i32
    %dma_start3A_140 = tpu.memref_slice %arg4[%add3A_137, %dma_start3A_138, %dma_start3A_139] : memref<512x512x256xf32, #tpu.memory_space<hbm>> -> memref<1x512x128xf32, #tpu.memory_space<hbm>>
    %dma_start3A_141 = tpu.memref_squeeze %dma_start3A_140 : memref<1x512x128xf32, #tpu.memory_space<hbm>> -> memref<512x128xf32, #tpu.memory_space<hbm>>
    %dma_start3A_142 = arith.constant 0 : i32
    %dma_start3A_143 = arith.constant 128 : i32
    %dma_start3A_144 = tpu.memref_slice %arg4[%add3A_137, %dma_start3A_142, %dma_start3A_143] : memref<512x512x256xf32, #tpu.memory_space<hbm>> -> memref<1x512x128xf32, #tpu.memory_space<hbm>>
    %dma_start3A_145 = tpu.memref_squeeze %dma_start3A_144 : memref<1x512x128xf32, #tpu.memory_space<hbm>> -> memref<512x128xf32, #tpu.memory_space<hbm>>
    tpu.enqueue_dma source(%arg6 : memref<512x128xf32, #tpu.memory_space<vmem>>) target(%dma_start3A_145 : memref<512x128xf32, #tpu.memory_space<hbm>>) target_semaphore(%arg11 : memref<!tpu.dma_semaphore, #tpu.memory_space<semaphore_mem>>)
    %dma_start3A_146 = arith.constant 0 : i32
    %dma_start3A_147 = arith.constant 0 : i32
    %dma_start3A_148 = tpu.memref_slice %arg4[%add3A_137, %dma_start3A_146, %dma_start3A_147] : memref<512x512x256xf32, #tpu.memory_space<hbm>> -> memref<1x128x128xf32, #tpu.memory_space<hbm>>
    %dma_start3A_149 = tpu.memref_squeeze %dma_start3A_148 : memref<1x128x128xf32, #tpu.memory_space<hbm>> -> memref<128x128xf32, #tpu.memory_space<hbm>>
    %dma_start3A_150 = arith.constant 0 : i32
    %dma_start3A_151 = arith.constant 0 : i32
    %dma_start3A_152 = tpu.memref_slice %arg4[%add3A_137, %dma_start3A_150, %dma_start3A_151] : memref<512x512x256xf32, #tpu.memory_space<hbm>> -> memref<1x128x128xf32, #tpu.memory_space<hbm>>
    %dma_start3A_153 = tpu.memref_squeeze %dma_start3A_152 : memref<1x128x128xf32, #tpu.memory_space<hbm>> -> memref<128x128xf32, #tpu.memory_space<hbm>>
    tpu.enqueue_dma source(%arg8 : memref<128x128xf32, #tpu.memory_space<vmem>>) target(%dma_start3A_153 : memref<128x128xf32, #tpu.memory_space<hbm>>) target_semaphore(%arg10 : memref<!tpu.dma_semaphore, #tpu.memory_space<semaphore_mem>>)
    %dma_start3A_154 = arith.constant 128 : i32
    %dma_start3A_155 = arith.constant 0 : i32
    %dma_start3A_156 = tpu.memref_slice %arg4[%add3A_137, %dma_start3A_154, %dma_start3A_155] : memref<512x512x256xf32, #tpu.memory_space<hbm>> -> memref<1x128x128xf32, #tpu.memory_space<hbm>>
    %dma_start3A_157 = tpu.memref_squeeze %dma_start3A_156 : memref<1x128x128xf32, #tpu.memory_space<hbm>> -> memref<128x128xf32, #tpu.memory_space<hbm>>
    %dma_start3A_158 = arith.constant 128 : i32
    %dma_start3A_159 = arith.constant 0 : i32
    %dma_start3A_160 = tpu.memref_slice %arg4[%add3A_137, %dma_start3A_158, %dma_start3A_159] : memref<512x512x256xf32, #tpu.memory_space<hbm>> -> memref<1x128x128xf32, #tpu.memory_space<hbm>>
    %dma_start3A_161 = tpu.memref_squeeze %dma_start3A_160 : memref<1x128x128xf32, #tpu.memory_space<hbm>> -> memref<128x128xf32, #tpu.memory_space<hbm>>
    tpu.enqueue_dma source(%arg8 : memref<128x128xf32, #tpu.memory_space<vmem>>) target(%dma_start3A_161 : memref<128x128xf32, #tpu.memory_space<hbm>>) target_semaphore(%arg10 : memref<!tpu.dma_semaphore, #tpu.memory_space<semaphore_mem>>)
    %dma_start3A_162 = arith.constant 256 : i32
    %dma_start3A_163 = arith.constant 0 : i32
    %dma_start3A_164 = tpu.memref_slice %arg4[%add3A_137, %dma_start3A_162, %dma_start3A_163] : memref<512x512x256xf32, #tpu.memory_space<hbm>> -> memref<1x128x128xf32, #tpu.memory_space<hbm>>
    %dma_start3A_165 = tpu.memref_squeeze %dma_start3A_164 : memref<1x128x128xf32, #tpu.memory_space<hbm>> -> memref<128x128xf32, #tpu.memory_space<hbm>>
    %dma_start3A_166 = arith.constant 256 : i32
    %dma_start3A_167 = arith.constant 0 : i32
    %dma_start3A_168 = tpu.memref_slice %arg4[%add3A_137, %dma_start3A_166, %dma_start3A_167] : memref<512x512x256xf32, #tpu.memory_space<hbm>> -> memref<1x128x128xf32, #tpu.memory_space<hbm>>
    %dma_start3A_169 = tpu.memref_squeeze %dma_start3A_168 : memref<1x128x128xf32, #tpu.memory_space<hbm>> -> memref<128x128xf32, #tpu.memory_space<hbm>>
    tpu.enqueue_dma source(%arg8 : memref<128x128xf32, #tpu.memory_space<vmem>>) target(%dma_start3A_169 : memref<128x128xf32, #tpu.memory_space<hbm>>) target_semaphore(%arg10 : memref<!tpu.dma_semaphore, #tpu.memory_space<semaphore_mem>>)
    %dma_start3A_170 = arith.constant 384 : i32
    %dma_start3A_171 = arith.constant 0 : i32
    %dma_start3A_172 = tpu.memref_slice %arg4[%add3A_137, %dma_start3A_170, %dma_start3A_171] : memref<512x512x256xf32, #tpu.memory_space<hbm>> -> memref<1x128x128xf32, #tpu.memory_space<hbm>>
    %dma_start3A_173 = tpu.memref_squeeze %dma_start3A_172 : memref<1x128x128xf32, #tpu.memory_space<hbm>> -> memref<128x128xf32, #tpu.memory_space<hbm>>
    %dma_start3A_174 = arith.constant 384 : i32
    %dma_start3A_175 = arith.constant 0 : i32
    %dma_start3A_176 = tpu.memref_slice %arg4[%add3A_137, %dma_start3A_174, %dma_start3A_175] : memref<512x512x256xf32, #tpu.memory_space<hbm>> -> memref<1x128x128xf32, #tpu.memory_space<hbm>>
    %dma_start3A_177 = tpu.memref_squeeze %dma_start3A_176 : memref<1x128x128xf32, #tpu.memory_space<hbm>> -> memref<128x128xf32, #tpu.memory_space<hbm>>
    tpu.enqueue_dma source(%arg8 : memref<128x128xf32, #tpu.memory_space<vmem>>) target(%dma_start3A_177 : memref<128x128xf32, #tpu.memory_space<hbm>>) target_semaphore(%arg10 : memref<!tpu.dma_semaphore, #tpu.memory_space<semaphore_mem>>)
    %dma_wait3A = arith.constant 0 : i32
    %dma_wait3A_178 = arith.constant 0 : i32
    %dma_wait3A_179 = tpu.memref_slice %arg4[%add3A_49, %dma_wait3A, %dma_wait3A_178] : memref<512x512x256xf32, #tpu.memory_space<hbm>> -> memref<1x128x128xf32, #tpu.memory_space<hbm>>
    %dma_wait3A_180 = tpu.memref_squeeze %dma_wait3A_179 : memref<1x128x128xf32, #tpu.memory_space<hbm>> -> memref<128x128xf32, #tpu.memory_space<hbm>>
    %dma_wait3A_181 = arith.constant 0 : i32
    %dma_wait3A_182 = arith.constant 0 : i32
    %dma_wait3A_183 = tpu.memref_slice %arg4[%add3A_49, %dma_wait3A_181, %dma_wait3A_182] : memref<512x512x256xf32, #tpu.memory_space<hbm>> -> memref<1x128x128xf32, #tpu.memory_space<hbm>>
    %dma_wait3A_184 = tpu.memref_squeeze %dma_wait3A_183 : memref<1x128x128xf32, #tpu.memory_space<hbm>> -> memref<128x128xf32, #tpu.memory_space<hbm>>
    tpu.wait_dma2 semaphore(%arg9 : memref<!tpu.dma_semaphore, #tpu.memory_space<semaphore_mem>>) src(%arg7 : memref<128x128xf32, #tpu.memory_space<vmem>>) dst(%dma_wait3A_184 : memref<128x128xf32, #tpu.memory_space<hbm>>)
    %dma_wait3A_185 = arith.constant 128 : i32
    %dma_wait3A_186 = arith.constant 0 : i32
    %dma_wait3A_187 = tpu.memref_slice %arg4[%add3A_49, %dma_wait3A_185, %dma_wait3A_186] : memref<512x512x256xf32, #tpu.memory_space<hbm>> -> memref<1x128x128xf32, #tpu.memory_space<hbm>>
    %dma_wait3A_188 = tpu.memref_squeeze %dma_wait3A_187 : memref<1x128x128xf32, #tpu.memory_space<hbm>> -> memref<128x128xf32, #tpu.memory_space<hbm>>
    %dma_wait3A_189 = arith.constant 128 : i32
    %dma_wait3A_190 = arith.constant 0 : i32
    %dma_wait3A_191 = tpu.memref_slice %arg4[%add3A_49, %dma_wait3A_189, %dma_wait3A_190] : memref<512x512x256xf32, #tpu.memory_space<hbm>> -> memref<1x128x128xf32, #tpu.memory_space<hbm>>
    %dma_wait3A_192 = tpu.memref_squeeze %dma_wait3A_191 : memref<1x128x128xf32, #tpu.memory_space<hbm>> -> memref<128x128xf32, #tpu.memory_space<hbm>>
    tpu.wait_dma2 semaphore(%arg9 : memref<!tpu.dma_semaphore, #tpu.memory_space<semaphore_mem>>) src(%arg7 : memref<128x128xf32, #tpu.memory_space<vmem>>) dst(%dma_wait3A_192 : memref<128x128xf32, #tpu.memory_space<hbm>>)
    %dma_wait3A_193 = arith.constant 256 : i32
    %dma_wait3A_194 = arith.constant 0 : i32
    %dma_wait3A_195 = tpu.memref_slice %arg4[%add3A_49, %dma_wait3A_193, %dma_wait3A_194] : memref<512x512x256xf32, #tpu.memory_space<hbm>> -> memref<1x128x128xf32, #tpu.memory_space<hbm>>
    %dma_wait3A_196 = tpu.memref_squeeze %dma_wait3A_195 : memref<1x128x128xf32, #tpu.memory_space<hbm>> -> memref<128x128xf32, #tpu.memory_space<hbm>>
    %dma_wait3A_197 = arith.constant 256 : i32
    %dma_wait3A_198 = arith.constant 0 : i32
    %dma_wait3A_199 = tpu.memref_slice %arg4[%add3A_49, %dma_wait3A_197, %dma_wait3A_198] : memref<512x512x256xf32, #tpu.memory_space<hbm>> -> memref<1x128x128xf32, #tpu.memory_space<hbm>>
    %dma_wait3A_200 = tpu.memref_squeeze %dma_wait3A_199 : memref<1x128x128xf32, #tpu.memory_space<hbm>> -> memref<128x128xf32, #tpu.memory_space<hbm>>
    tpu.wait_dma2 semaphore(%arg9 : memref<!tpu.dma_semaphore, #tpu.memory_space<semaphore_mem>>) src(%arg7 : memref<128x128xf32, #tpu.memory_space<vmem>>) dst(%dma_wait3A_200 : memref<128x128xf32, #tpu.memory_space<hbm>>)
    %dma_wait3A_201 = arith.constant 384 : i32
    %dma_wait3A_202 = arith.constant 0 : i32
    %dma_wait3A_203 = tpu.memref_slice %arg4[%add3A_49, %dma_wait3A_201, %dma_wait3A_202] : memref<512x512x256xf32, #tpu.memory_space<hbm>> -> memref<1x128x128xf32, #tpu.memory_space<hbm>>
    %dma_wait3A_204 = tpu.memref_squeeze %dma_wait3A_203 : memref<1x128x128xf32, #tpu.memory_space<hbm>> -> memref<128x128xf32, #tpu.memory_space<hbm>>
    %dma_wait3A_205 = arith.constant 384 : i32
    %dma_wait3A_206 = arith.constant 0 : i32
    %dma_wait3A_207 = tpu.memref_slice %arg4[%add3A_49, %dma_wait3A_205, %dma_wait3A_206] : memref<512x512x256xf32, #tpu.memory_space<hbm>> -> memref<1x128x128xf32, #tpu.memory_space<hbm>>
    %dma_wait3A_208 = tpu.memref_squeeze %dma_wait3A_207 : memref<1x128x128xf32, #tpu.memory_space<hbm>> -> memref<128x128xf32, #tpu.memory_space<hbm>>
    tpu.wait_dma2 semaphore(%arg9 : memref<!tpu.dma_semaphore, #tpu.memory_space<semaphore_mem>>) src(%arg7 : memref<128x128xf32, #tpu.memory_space<vmem>>) dst(%dma_wait3A_208 : memref<128x128xf32, #tpu.memory_space<hbm>>)
    %get3A_209 = arith.constant 2 : i32
    %get3A_210 = arith.index_cast %get3A_209 : i32 to index
    %get3A_211 = arith.constant 0 : index
    %get3A_212 = tpu.vector_load %arg5[%get3A_210, %get3A_211] {strides = array<i32>} : memref<16x128xf32, #tpu.memory_space<vmem>>, vector<1x16xf32>,
    %get3A_213 = vector.shape_cast %get3A_212 : vector<1x16xf32> to vector<16xf32>
    %get3A_214 = arith.constant 2 : i32
    %get3A_215 = arith.index_cast %get3A_214 : i32 to index
    %get3A_216 = arith.constant 16 : index
    %get3A_217 = tpu.vector_load %arg5[%get3A_215, %get3A_216] {strides = array<i32>} : memref<16x128xf32, #tpu.memory_space<vmem>>, vector<1x16xf32>,
    %get3A_218 = vector.shape_cast %get3A_217 : vector<1x16xf32> to vector<16xf32>
    %get3A_219 = arith.constant 2 : i32
    %get3A_220 = arith.index_cast %get3A_219 : i32 to index
    %get3A_221 = arith.constant 32 : index
    %get3A_222 = tpu.vector_load %arg5[%get3A_220, %get3A_221] {strides = array<i32>} : memref<16x128xf32, #tpu.memory_space<vmem>>, vector<1x16xf32>,
    %get3A_223 = vector.shape_cast %get3A_222 : vector<1x16xf32> to vector<16xf32>
    %get3A_224 = arith.constant 2 : i32
    %get3A_225 = arith.index_cast %get3A_224 : i32 to index
    %get3A_226 = arith.constant 48 : index
    %get3A_227 = tpu.vector_load %arg5[%get3A_225, %get3A_226] {strides = array<i32>} : memref<16x128xf32, #tpu.memory_space<vmem>>, vector<1x16xf32>,
    %get3A_228 = vector.shape_cast %get3A_227 : vector<1x16xf32> to vector<16xf32>
    %get3A_229 = arith.constant 2 : i32
    %get3A_230 = arith.index_cast %get3A_229 : i32 to index
    %get3A_231 = arith.constant 64 : index
    %get3A_232 = tpu.vector_load %arg5[%get3A_230, %get3A_231] {strides = array<i32>} : memref<16x128xf32, #tpu.memory_space<vmem>>, vector<1x16xf32>,
    %get3A_233 = vector.shape_cast %get3A_232 : vector<1x16xf32> to vector<16xf32>
    %get3A_234 = arith.constant 2 : i32
    %get3A_235 = arith.index_cast %get3A_234 : i32 to index
    %get3A_236 = arith.constant 80 : index
    %get3A_237 = tpu.vector_load %arg5[%get3A_235, %get3A_236] {strides = array<i32>} : memref<16x128xf32, #tpu.memory_space<vmem>>, vector<1x16xf32>,
    %get3A_238 = vector.shape_cast %get3A_237 : vector<1x16xf32> to vector<16xf32>
    %get3A_239 = arith.constant 2 : i32
    %get3A_240 = arith.index_cast %get3A_239 : i32 to index
    %get3A_241 = arith.constant 96 : index
    %get3A_242 = tpu.vector_load %arg5[%get3A_240, %get3A_241] {strides = array<i32>} : memref<16x128xf32, #tpu.memory_space<vmem>>, vector<1x16xf32>,
    %get3A_243 = vector.shape_cast %get3A_242 : vector<1x16xf32> to vector<16xf32>
    %get3A_244 = arith.constant 2 : i32
    %get3A_245 = arith.index_cast %get3A_244 : i32 to index
    %get3A_246 = arith.constant 112 : index
    %get3A_247 = tpu.vector_load %arg5[%get3A_245, %get3A_246] {strides = array<i32>} : memref<16x128xf32, #tpu.memory_space<vmem>>, vector<1x16xf32>,
    %get3A_248 = vector.shape_cast %get3A_247 : vector<1x16xf32> to vector<16xf32>
    %scan3A_249 = arith.constant 0 : i32
    %scan3A_250 = arith.constant 0 : i32
    %scan3A_251 = arith.constant 128 : i32
    %scan3A_252 = arith.addi %scan3A_250, %scan3A_251 : i32
    %scan3A_253 = arith.constant 1 : i32
    %scan3A_254 = scf.for %scan3A_2063 = %scan3A_250 to %scan3A_252 step %scan3A_253 iter_args(%scan3A_2064 = %scan3A_249) -> (i32)  : i32 {
      %swap3A = arith.index_cast %scan3A_2063 : i32 to index
      %swap3A_2065 = arith.constant 0 : index
      %swap3A_2066 = tpu.vector_load %arg7[%swap3A, %swap3A_2065] {strides = array<i32>} : memref<128x128xf32, #tpu.memory_space<vmem>>, vector<1x16xf32>,
      %swap3A_2067 = vector.shape_cast %swap3A_2066 : vector<1x16xf32> to vector<16xf32>
      %swap3A_2068 = vector.shape_cast %get3A_213 : vector<16xf32> to vector<1x16xf32>
      tpu.vector_store %arg7[%swap3A, %swap3A_2065], %swap3A_2068 {strides = array<i32>} : memref<128x128xf32, #tpu.memory_space<vmem>>, vector<1x16xf32>,
      %swap3A_2069 = arith.index_cast %scan3A_2063 : i32 to index
      %swap3A_2070 = arith.constant 16 : index
      %swap3A_2071 = tpu.vector_load %arg7[%swap3A_2069, %swap3A_2070] {strides = array<i32>} : memref<128x128xf32, #tpu.memory_space<vmem>>, vector<1x16xf32>,
      %swap3A_2072 = vector.shape_cast %swap3A_2071 : vector<1x16xf32> to vector<16xf32>
      %swap3A_2073 = vector.shape_cast %get3A_218 : vector<16xf32> to vector<1x16xf32>
      tpu.vector_store %arg7[%swap3A_2069, %swap3A_2070], %swap3A_2073 {strides = array<i32>} : memref<128x128xf32, #tpu.memory_space<vmem>>, vector<1x16xf32>,
      %swap3A_2074 = arith.index_cast %scan3A_2063 : i32 to index
      %swap3A_2075 = arith.constant 32 : index
      %swap3A_2076 = tpu.vector_load %arg7[%swap3A_2074, %swap3A_2075] {strides = array<i32>} : memref<128x128xf32, #tpu.memory_space<vmem>>, vector<1x16xf32>,
      %swap3A_2077 = vector.shape_cast %swap3A_2076 : vector<1x16xf32> to vector<16xf32>
      %swap3A_2078 = vector.shape_cast %get3A_223 : vector<16xf32> to vector<1x16xf32>
      tpu.vector_store %arg7[%swap3A_2074, %swap3A_2075], %swap3A_2078 {strides = array<i32>} : memref<128x128xf32, #tpu.memory_space<vmem>>, vector<1x16xf32>,
      %swap3A_2079 = arith.index_cast %scan3A_2063 : i32 to index
      %swap3A_2080 = arith.constant 48 : index
      %swap3A_2081 = tpu.vector_load %arg7[%swap3A_2079, %swap3A_2080] {strides = array<i32>} : memref<128x128xf32, #tpu.memory_space<vmem>>, vector<1x16xf32>,
      %swap3A_2082 = vector.shape_cast %swap3A_2081 : vector<1x16xf32> to vector<16xf32>
      %swap3A_2083 = vector.shape_cast %get3A_228 : vector<16xf32> to vector<1x16xf32>
      tpu.vector_store %arg7[%swap3A_2079, %swap3A_2080], %swap3A_2083 {strides = array<i32>} : memref<128x128xf32, #tpu.memory_space<vmem>>, vector<1x16xf32>,
      %swap3A_2084 = arith.index_cast %scan3A_2063 : i32 to index
      %swap3A_2085 = arith.constant 64 : index
      %swap3A_2086 = tpu.vector_load %arg7[%swap3A_2084, %swap3A_2085] {strides = array<i32>} : memref<128x128xf32, #tpu.memory_space<vmem>>, vector<1x16xf32>,
      %swap3A_2087 = vector.shape_cast %swap3A_2086 : vector<1x16xf32> to vector<16xf32>
      %swap3A_2088 = vector.shape_cast %get3A_233 : vector<16xf32> to vector<1x16xf32>
      tpu.vector_store %arg7[%swap3A_2084, %swap3A_2085], %swap3A_2088 {strides = array<i32>} : memref<128x128xf32, #tpu.memory_space<vmem>>, vector<1x16xf32>,
      %swap3A_2089 = arith.index_cast %scan3A_2063 : i32 to index
      %swap3A_2090 = arith.constant 80 : index
      %swap3A_2091 = tpu.vector_load %arg7[%swap3A_2089, %swap3A_2090] {strides = array<i32>} : memref<128x128xf32, #tpu.memory_space<vmem>>, vector<1x16xf32>,
      %swap3A_2092 = vector.shape_cast %swap3A_2091 : vector<1x16xf32> to vector<16xf32>
      %swap3A_2093 = vector.shape_cast %get3A_238 : vector<16xf32> to vector<1x16xf32>
      tpu.vector_store %arg7[%swap3A_2089, %swap3A_2090], %swap3A_2093 {strides = array<i32>} : memref<128x128xf32, #tpu.memory_space<vmem>>, vector<1x16xf32>,
      %swap3A_2094 = arith.index_cast %scan3A_2063 : i32 to index
      %swap3A_2095 = arith.constant 96 : index
      %swap3A_2096 = tpu.vector_load %arg7[%swap3A_2094, %swap3A_2095] {strides = array<i32>} : memref<128x128xf32, #tpu.memory_space<vmem>>, vector<1x16xf32>,
      %swap3A_2097 = vector.shape_cast %swap3A_2096 : vector<1x16xf32> to vector<16xf32>
      %swap3A_2098 = vector.shape_cast %get3A_243 : vector<16xf32> to vector<1x16xf32>
      tpu.vector_store %arg7[%swap3A_2094, %swap3A_2095], %swap3A_2098 {strides = array<i32>} : memref<128x128xf32, #tpu.memory_space<vmem>>, vector<1x16xf32>,
      %swap3A_2099 = arith.index_cast %scan3A_2063 : i32 to index
      %swap3A_2100 = arith.constant 112 : index
      %swap3A_2101 = tpu.vector_load %arg7[%swap3A_2099, %swap3A_2100] {strides = array<i32>} : memref<128x128xf32, #tpu.memory_space<vmem>>, vector<1x16xf32>,
      %swap3A_2102 = vector.shape_cast %swap3A_2101 : vector<1x16xf32> to vector<16xf32>
      %swap3A_2103 = vector.shape_cast %get3A_248 : vector<16xf32> to vector<1x16xf32>
      tpu.vector_store %arg7[%swap3A_2099, %swap3A_2100], %swap3A_2103 {strides = array<i32>} : memref<128x128xf32, #tpu.memory_space<vmem>>, vector<1x16xf32>,
      %scan3A_2104 = arith.constant 0 : i32
      scf.yield %scan3A_2104 : i32
    }
    %scan3A_255 = arith.constant 128 : i32
    %add3A_256 = arith.constant 2 : i32
    %add3A_257 = arith.addi %mul3A_2, %add3A_256 : i32
    %dma_start3A_258 = arith.constant 0 : i32
    %dma_start3A_259 = arith.constant 128 : i32
    %dma_start3A_260 = tpu.memref_slice %arg4[%add3A_257, %dma_start3A_258, %dma_start3A_259] : memref<512x512x256xf32, #tpu.memory_space<hbm>> -> memref<1x512x128xf32, #tpu.memory_space<hbm>>
    %dma_start3A_261 = tpu.memref_squeeze %dma_start3A_260 : memref<1x512x128xf32, #tpu.memory_space<hbm>> -> memref<512x128xf32, #tpu.memory_space<hbm>>
    %dma_start3A_262 = arith.constant 0 : i32
    %dma_start3A_263 = arith.constant 128 : i32
    %dma_start3A_264 = tpu.memref_slice %arg4[%add3A_257, %dma_start3A_262, %dma_start3A_263] : memref<512x512x256xf32, #tpu.memory_space<hbm>> -> memref<1x512x128xf32, #tpu.memory_space<hbm>>
    %dma_start3A_265 = tpu.memref_squeeze %dma_start3A_264 : memref<1x512x128xf32, #tpu.memory_space<hbm>> -> memref<512x128xf32, #tpu.memory_space<hbm>>
    tpu.enqueue_dma source(%arg6 : memref<512x128xf32, #tpu.memory_space<vmem>>) target(%dma_start3A_265 : memref<512x128xf32, #tpu.memory_space<hbm>>) target_semaphore(%arg11 : memref<!tpu.dma_semaphore, #tpu.memory_space<semaphore_mem>>)
    %dma_start3A_266 = arith.constant 0 : i32
    %dma_start3A_267 = arith.constant 0 : i32
    %dma_start3A_268 = tpu.memref_slice %arg4[%add3A_257, %dma_start3A_266, %dma_start3A_267] : memref<512x512x256xf32, #tpu.memory_space<hbm>> -> memref<1x128x128xf32, #tpu.memory_space<hbm>>
    %dma_start3A_269 = tpu.memref_squeeze %dma_start3A_268 : memref<1x128x128xf32, #tpu.memory_space<hbm>> -> memref<128x128xf32, #tpu.memory_space<hbm>>
    %dma_start3A_270 = arith.constant 0 : i32
    %dma_start3A_271 = arith.constant 0 : i32
    %dma_start3A_272 = tpu.memref_slice %arg4[%add3A_257, %dma_start3A_270, %dma_start3A_271] : memref<512x512x256xf32, #tpu.memory_space<hbm>> -> memref<1x128x128xf32, #tpu.memory_space<hbm>>
    %dma_start3A_273 = tpu.memref_squeeze %dma_start3A_272 : memref<1x128x128xf32, #tpu.memory_space<hbm>> -> memref<128x128xf32, #tpu.memory_space<hbm>>
    tpu.enqueue_dma source(%arg7 : memref<128x128xf32, #tpu.memory_space<vmem>>) target(%dma_start3A_273 : memref<128x128xf32, #tpu.memory_space<hbm>>) target_semaphore(%arg9 : memref<!tpu.dma_semaphore, #tpu.memory_space<semaphore_mem>>)
    %dma_start3A_274 = arith.constant 128 : i32
    %dma_start3A_275 = arith.constant 0 : i32
    %dma_start3A_276 = tpu.memref_slice %arg4[%add3A_257, %dma_start3A_274, %dma_start3A_275] : memref<512x512x256xf32, #tpu.memory_space<hbm>> -> memref<1x128x128xf32, #tpu.memory_space<hbm>>
    %dma_start3A_277 = tpu.memref_squeeze %dma_start3A_276 : memref<1x128x128xf32, #tpu.memory_space<hbm>> -> memref<128x128xf32, #tpu.memory_space<hbm>>
    %dma_start3A_278 = arith.constant 128 : i32
    %dma_start3A_279 = arith.constant 0 : i32
    %dma_start3A_280 = tpu.memref_slice %arg4[%add3A_257, %dma_start3A_278, %dma_start3A_279] : memref<512x512x256xf32, #tpu.memory_space<hbm>> -> memref<1x128x128xf32, #tpu.memory_space<hbm>>
    %dma_start3A_281 = tpu.memref_squeeze %dma_start3A_280 : memref<1x128x128xf32, #tpu.memory_space<hbm>> -> memref<128x128xf32, #tpu.memory_space<hbm>>
    tpu.enqueue_dma source(%arg7 : memref<128x128xf32, #tpu.memory_space<vmem>>) target(%dma_start3A_281 : memref<128x128xf32, #tpu.memory_space<hbm>>) target_semaphore(%arg9 : memref<!tpu.dma_semaphore, #tpu.memory_space<semaphore_mem>>)
    %dma_start3A_282 = arith.constant 256 : i32
    %dma_start3A_283 = arith.constant 0 : i32
    %dma_start3A_284 = tpu.memref_slice %arg4[%add3A_257, %dma_start3A_282, %dma_start3A_283] : memref<512x512x256xf32, #tpu.memory_space<hbm>> -> memref<1x128x128xf32, #tpu.memory_space<hbm>>
    %dma_start3A_285 = tpu.memref_squeeze %dma_start3A_284 : memref<1x128x128xf32, #tpu.memory_space<hbm>> -> memref<128x128xf32, #tpu.memory_space<hbm>>
    %dma_start3A_286 = arith.constant 256 : i32
    %dma_start3A_287 = arith.constant 0 : i32
    %dma_start3A_288 = tpu.memref_slice %arg4[%add3A_257, %dma_start3A_286, %dma_start3A_287] : memref<512x512x256xf32, #tpu.memory_space<hbm>> -> memref<1x128x128xf32, #tpu.memory_space<hbm>>
    %dma_start3A_289 = tpu.memref_squeeze %dma_start3A_288 : memref<1x128x128xf32, #tpu.memory_space<hbm>> -> memref<128x128xf32, #tpu.memory_space<hbm>>
    tpu.enqueue_dma source(%arg7 : memref<128x128xf32, #tpu.memory_space<vmem>>) target(%dma_start3A_289 : memref<128x128xf32, #tpu.memory_space<hbm>>) target_semaphore(%arg9 : memref<!tpu.dma_semaphore, #tpu.memory_space<semaphore_mem>>)
    %dma_start3A_290 = arith.constant 384 : i32
    %dma_start3A_291 = arith.constant 0 : i32
    %dma_start3A_292 = tpu.memref_slice %arg4[%add3A_257, %dma_start3A_290, %dma_start3A_291] : memref<512x512x256xf32, #tpu.memory_space<hbm>> -> memref<1x128x128xf32, #tpu.memory_space<hbm>>
    %dma_start3A_293 = tpu.memref_squeeze %dma_start3A_292 : memref<1x128x128xf32, #tpu.memory_space<hbm>> -> memref<128x128xf32, #tpu.memory_space<hbm>>
    %dma_start3A_294 = arith.constant 384 : i32
    %dma_start3A_295 = arith.constant 0 : i32
    %dma_start3A_296 = tpu.memref_slice %arg4[%add3A_257, %dma_start3A_294, %dma_start3A_295] : memref<512x512x256xf32, #tpu.memory_space<hbm>> -> memref<1x128x128xf32, #tpu.memory_space<hbm>>
    %dma_start3A_297 = tpu.memref_squeeze %dma_start3A_296 : memref<1x128x128xf32, #tpu.memory_space<hbm>> -> memref<128x128xf32, #tpu.memory_space<hbm>>
    tpu.enqueue_dma source(%arg7 : memref<128x128xf32, #tpu.memory_space<vmem>>) target(%dma_start3A_297 : memref<128x128xf32, #tpu.memory_space<hbm>>) target_semaphore(%arg9 : memref<!tpu.dma_semaphore, #tpu.memory_space<semaphore_mem>>)
    %dma_wait3A_298 = arith.constant 0 : i32
    %dma_wait3A_299 = arith.constant 0 : i32
    %dma_wait3A_300 = tpu.memref_slice %arg4[%add3A_137, %dma_wait3A_298, %dma_wait3A_299] : memref<512x512x256xf32, #tpu.memory_space<hbm>> -> memref<1x128x128xf32, #tpu.memory_space<hbm>>
    %dma_wait3A_301 = tpu.memref_squeeze %dma_wait3A_300 : memref<1x128x128xf32, #tpu.memory_space<hbm>> -> memref<128x128xf32, #tpu.memory_space<hbm>>
    %dma_wait3A_302 = arith.constant 0 : i32
    %dma_wait3A_303 = arith.constant 0 : i32
    %dma_wait3A_304 = tpu.memref_slice %arg4[%add3A_137, %dma_wait3A_302, %dma_wait3A_303] : memref<512x512x256xf32, #tpu.memory_space<hbm>> -> memref<1x128x128xf32, #tpu.memory_space<hbm>>
    %dma_wait3A_305 = tpu.memref_squeeze %dma_wait3A_304 : memref<1x128x128xf32, #tpu.memory_space<hbm>> -> memref<128x128xf32, #tpu.memory_space<hbm>>
    tpu.wait_dma2 semaphore(%arg10 : memref<!tpu.dma_semaphore, #tpu.memory_space<semaphore_mem>>) src(%arg8 : memref<128x128xf32, #tpu.memory_space<vmem>>) dst(%dma_wait3A_305 : memref<128x128xf32, #tpu.memory_space<hbm>>)
    %dma_wait3A_306 = arith.constant 128 : i32
    %dma_wait3A_307 = arith.constant 0 : i32
    %dma_wait3A_308 = tpu.memref_slice %arg4[%add3A_137, %dma_wait3A_306, %dma_wait3A_307] : memref<512x512x256xf32, #tpu.memory_space<hbm>> -> memref<1x128x128xf32, #tpu.memory_space<hbm>>
    %dma_wait3A_309 = tpu.memref_squeeze %dma_wait3A_308 : memref<1x128x128xf32, #tpu.memory_space<hbm>> -> memref<128x128xf32, #tpu.memory_space<hbm>>
    %dma_wait3A_310 = arith.constant 128 : i32
    %dma_wait3A_311 = arith.constant 0 : i32
    %dma_wait3A_312 = tpu.memref_slice %arg4[%add3A_137, %dma_wait3A_310, %dma_wait3A_311] : memref<512x512x256xf32, #tpu.memory_space<hbm>> -> memref<1x128x128xf32, #tpu.memory_space<hbm>>
    %dma_wait3A_313 = tpu.memref_squeeze %dma_wait3A_312 : memref<1x128x128xf32, #tpu.memory_space<hbm>> -> memref<128x128xf32, #tpu.memory_space<hbm>>
    tpu.wait_dma2 semaphore(%arg10 : memref<!tpu.dma_semaphore, #tpu.memory_space<semaphore_mem>>) src(%arg8 : memref<128x128xf32, #tpu.memory_space<vmem>>) dst(%dma_wait3A_313 : memref<128x128xf32, #tpu.memory_space<hbm>>)
    %dma_wait3A_314 = arith.constant 256 : i32
    %dma_wait3A_315 = arith.constant 0 : i32
    %dma_wait3A_316 = tpu.memref_slice %arg4[%add3A_137, %dma_wait3A_314, %dma_wait3A_315] : memref<512x512x256xf32, #tpu.memory_space<hbm>> -> memref<1x128x128xf32, #tpu.memory_space<hbm>>
    %dma_wait3A_317 = tpu.memref_squeeze %dma_wait3A_316 : memref<1x128x128xf32, #tpu.memory_space<hbm>> -> memref<128x128xf32, #tpu.memory_space<hbm>>
    %dma_wait3A_318 = arith.constant 256 : i32
    %dma_wait3A_319 = arith.constant 0 : i32
    %dma_wait3A_320 = tpu.memref_slice %arg4[%add3A_137, %dma_wait3A_318, %dma_wait3A_319] : memref<512x512x256xf32, #tpu.memory_space<hbm>> -> memref<1x128x128xf32, #tpu.memory_space<hbm>>
    %dma_wait3A_321 = tpu.memref_squeeze %dma_wait3A_320 : memref<1x128x128xf32, #tpu.memory_space<hbm>> -> memref<128x128xf32, #tpu.memory_space<hbm>>
    tpu.wait_dma2 semaphore(%arg10 : memref<!tpu.dma_semaphore, #tpu.memory_space<semaphore_mem>>) src(%arg8 : memref<128x128xf32, #tpu.memory_space<vmem>>) dst(%dma_wait3A_321 : memref<128x128xf32, #tpu.memory_space<hbm>>)
    %dma_wait3A_322 = arith.constant 384 : i32
    %dma_wait3A_323 = arith.constant 0 : i32
    %dma_wait3A_324 = tpu.memref_slice %arg4[%add3A_137, %dma_wait3A_322, %dma_wait3A_323] : memref<512x512x256xf32, #tpu.memory_space<hbm>> -> memref<1x128x128xf32, #tpu.memory_space<hbm>>
    %dma_wait3A_325 = tpu.memref_squeeze %dma_wait3A_324 : memref<1x128x128xf32, #tpu.memory_space<hbm>> -> memref<128x128xf32, #tpu.memory_space<hbm>>
    %dma_wait3A_326 = arith.constant 384 : i32
    %dma_wait3A_327 = arith.constant 0 : i32
    %dma_wait3A_328 = tpu.memref_slice %arg4[%add3A_137, %dma_wait3A_326, %dma_wait3A_327] : memref<512x512x256xf32, #tpu.memory_space<hbm>> -> memref<1x128x128xf32, #tpu.memory_space<hbm>>
    %dma_wait3A_329 = tpu.memref_squeeze %dma_wait3A_328 : memref<1x128x128xf32, #tpu.memory_space<hbm>> -> memref<128x128xf32, #tpu.memory_space<hbm>>
    tpu.wait_dma2 semaphore(%arg10 : memref<!tpu.dma_semaphore, #tpu.memory_space<semaphore_mem>>) src(%arg8 : memref<128x128xf32, #tpu.memory_space<vmem>>) dst(%dma_wait3A_329 : memref<128x128xf32, #tpu.memory_space<hbm>>)
    %get3A_330 = arith.constant 3 : i32
    %get3A_331 = arith.index_cast %get3A_330 : i32 to index
    %get3A_332 = arith.constant 0 : index
    %get3A_333 = tpu.vector_load %arg5[%get3A_331, %get3A_332] {strides = array<i32>} : memref<16x128xf32, #tpu.memory_space<vmem>>, vector<1x16xf32>,
    %get3A_334 = vector.shape_cast %get3A_333 : vector<1x16xf32> to vector<16xf32>
    %get3A_335 = arith.constant 3 : i32
    %get3A_336 = arith.index_cast %get3A_335 : i32 to index
    %get3A_337 = arith.constant 16 : index
    %get3A_338 = tpu.vector_load %arg5[%get3A_336, %get3A_337] {strides = array<i32>} : memref<16x128xf32, #tpu.memory_space<vmem>>, vector<1x16xf32>,
    %get3A_339 = vector.shape_cast %get3A_338 : vector<1x16xf32> to vector<16xf32>
    %get3A_340 = arith.constant 3 : i32
    %get3A_341 = arith.index_cast %get3A_340 : i32 to index
    %get3A_342 = arith.constant 32 : index
    %get3A_343 = tpu.vector_load %arg5[%get3A_341, %get3A_342] {strides = array<i32>} : memref<16x128xf32, #tpu.memory_space<vmem>>, vector<1x16xf32>,
    %get3A_344 = vector.shape_cast %get3A_343 : vector<1x16xf32> to vector<16xf32>
    %get3A_345 = arith.constant 3 : i32
    %get3A_346 = arith.index_cast %get3A_345 : i32 to index
    %get3A_347 = arith.constant 48 : index
    %get3A_348 = tpu.vector_load %arg5[%get3A_346, %get3A_347] {strides = array<i32>} : memref<16x128xf32, #tpu.memory_space<vmem>>, vector<1x16xf32>,
    %get3A_349 = vector.shape_cast %get3A_348 : vector<1x16xf32> to vector<16xf32>
    %get3A_350 = arith.constant 3 : i32
    %get3A_351 = arith.index_cast %get3A_350 : i32 to index
    %get3A_352 = arith.constant 64 : index
    %get3A_353 = tpu.vector_load %arg5[%get3A_351, %get3A_352] {strides = array<i32>} : memref<16x128xf32, #tpu.memory_space<vmem>>, vector<1x16xf32>,
    %get3A_354 = vector.shape_cast %get3A_353 : vector<1x16xf32> to vector<16xf32>
    %get3A_355 = arith.constant 3 : i32
    %get3A_356 = arith.index_cast %get3A_355 : i32 to index
    %get3A_357 = arith.constant 80 : index
    %get3A_358 = tpu.vector_load %arg5[%get3A_356, %get3A_357] {strides = array<i32>} : memref<16x128xf32, #tpu.memory_space<vmem>>, vector<1x16xf32>,
    %get3A_359 = vector.shape_cast %get3A_358 : vector<1x16xf32> to vector<16xf32>
    %get3A_360 = arith.constant 3 : i32
    %get3A_361 = arith.index_cast %get3A_360 : i32 to index
    %get3A_362 = arith.constant 96 : index
    %get3A_363 = tpu.vector_load %arg5[%get3A_361, %get3A_362] {strides = array<i32>} : memref<16x128xf32, #tpu.memory_space<vmem>>, vector<1x16xf32>,
    %get3A_364 = vector.shape_cast %get3A_363 : vector<1x16xf32> to vector<16xf32>
    %get3A_365 = arith.constant 3 : i32
    %get3A_366 = arith.index_cast %get3A_365 : i32 to index
    %get3A_367 = arith.constant 112 : index
    %get3A_368 = tpu.vector_load %arg5[%get3A_366, %get3A_367] {strides = array<i32>} : memref<16x128xf32, #tpu.memory_space<vmem>>, vector<1x16xf32>,
    %get3A_369 = vector.shape_cast %get3A_368 : vector<1x16xf32> to vector<16xf32>
    %scan3A_370 = arith.constant 0 : i32
    %scan3A_371 = arith.constant 0 : i32
    %scan3A_372 = arith.constant 128 : i32
    %scan3A_373 = arith.addi %scan3A_371, %scan3A_372 : i32
    %scan3A_374 = arith.constant 1 : i32
    %scan3A_375 = scf.for %scan3A_2063 = %scan3A_371 to %scan3A_373 step %scan3A_374 iter_args(%scan3A_2064 = %scan3A_370) -> (i32)  : i32 {
      %swap3A = arith.index_cast %scan3A_2063 : i32 to index
      %swap3A_2065 = arith.constant 0 : index
      %swap3A_2066 = tpu.vector_load %arg8[%swap3A, %swap3A_2065] {strides = array<i32>} : memref<128x128xf32, #tpu.memory_space<vmem>>, vector<1x16xf32>,
      %swap3A_2067 = vector.shape_cast %swap3A_2066 : vector<1x16xf32> to vector<16xf32>
      %swap3A_2068 = vector.shape_cast %get3A_334 : vector<16xf32> to vector<1x16xf32>
      tpu.vector_store %arg8[%swap3A, %swap3A_2065], %swap3A_2068 {strides = array<i32>} : memref<128x128xf32, #tpu.memory_space<vmem>>, vector<1x16xf32>,
      %swap3A_2069 = arith.index_cast %scan3A_2063 : i32 to index
      %swap3A_2070 = arith.constant 16 : index
      %swap3A_2071 = tpu.vector_load %arg8[%swap3A_2069, %swap3A_2070] {strides = array<i32>} : memref<128x128xf32, #tpu.memory_space<vmem>>, vector<1x16xf32>,
      %swap3A_2072 = vector.shape_cast %swap3A_2071 : vector<1x16xf32> to vector<16xf32>
      %swap3A_2073 = vector.shape_cast %get3A_339 : vector<16xf32> to vector<1x16xf32>
      tpu.vector_store %arg8[%swap3A_2069, %swap3A_2070], %swap3A_2073 {strides = array<i32>} : memref<128x128xf32, #tpu.memory_space<vmem>>, vector<1x16xf32>,
      %swap3A_2074 = arith.index_cast %scan3A_2063 : i32 to index
      %swap3A_2075 = arith.constant 32 : index
      %swap3A_2076 = tpu.vector_load %arg8[%swap3A_2074, %swap3A_2075] {strides = array<i32>} : memref<128x128xf32, #tpu.memory_space<vmem>>, vector<1x16xf32>,
      %swap3A_2077 = vector.shape_cast %swap3A_2076 : vector<1x16xf32> to vector<16xf32>
      %swap3A_2078 = vector.shape_cast %get3A_344 : vector<16xf32> to vector<1x16xf32>
      tpu.vector_store %arg8[%swap3A_2074, %swap3A_2075], %swap3A_2078 {strides = array<i32>} : memref<128x128xf32, #tpu.memory_space<vmem>>, vector<1x16xf32>,
      %swap3A_2079 = arith.index_cast %scan3A_2063 : i32 to index
      %swap3A_2080 = arith.constant 48 : index
      %swap3A_2081 = tpu.vector_load %arg8[%swap3A_2079, %swap3A_2080] {strides = array<i32>} : memref<128x128xf32, #tpu.memory_space<vmem>>, vector<1x16xf32>,
      %swap3A_2082 = vector.shape_cast %swap3A_2081 : vector<1x16xf32> to vector<16xf32>
      %swap3A_2083 = vector.shape_cast %get3A_349 : vector<16xf32> to vector<1x16xf32>
      tpu.vector_store %arg8[%swap3A_2079, %swap3A_2080], %swap3A_2083 {strides = array<i32>} : memref<128x128xf32, #tpu.memory_space<vmem>>, vector<1x16xf32>,
      %swap3A_2084 = arith.index_cast %scan3A_2063 : i32 to index
      %swap3A_2085 = arith.constant 64 : index
      %swap3A_2086 = tpu.vector_load %arg8[%swap3A_2084, %swap3A_2085] {strides = array<i32>} : memref<128x128xf32, #tpu.memory_space<vmem>>, vector<1x16xf32>,
      %swap3A_2087 = vector.shape_cast %swap3A_2086 : vector<1x16xf32> to vector<16xf32>
      %swap3A_2088 = vector.shape_cast %get3A_354 : vector<16xf32> to vector<1x16xf32>
      tpu.vector_store %arg8[%swap3A_2084, %swap3A_2085], %swap3A_2088 {strides = array<i32>} : memref<128x128xf32, #tpu.memory_space<vmem>>, vector<1x16xf32>,
      %swap3A_2089 = arith.index_cast %scan3A_2063 : i32 to index
      %swap3A_2090 = arith.constant 80 : index
      %swap3A_2091 = tpu.vector_load %arg8[%swap3A_2089, %swap3A_2090] {strides = array<i32>} : memref<128x128xf32, #tpu.memory_space<vmem>>, vector<1x16xf32>,
      %swap3A_2092 = vector.shape_cast %swap3A_2091 : vector<1x16xf32> to vector<16xf32>
      %swap3A_2093 = vector.shape_cast %get3A_359 : vector<16xf32> to vector<1x16xf32>
      tpu.vector_store %arg8[%swap3A_2089, %swap3A_2090], %swap3A_2093 {strides = array<i32>} : memref<128x128xf32, #tpu.memory_space<vmem>>, vector<1x16xf32>,
      %swap3A_2094 = arith.index_cast %scan3A_2063 : i32 to index
      %swap3A_2095 = arith.constant 96 : index
      %swap3A_2096 = tpu.vector_load %arg8[%swap3A_2094, %swap3A_2095] {strides = array<i32>} : memref<128x128xf32, #tpu.memory_space<vmem>>, vector<1x16xf32>,
      %swap3A_2097 = vector.shape_cast %swap3A_2096 : vector<1x16xf32> to vector<16xf32>
      %swap3A_2098 = vector.shape_cast %get3A_364 : vector<16xf32> to vector<1x16xf32>
      tpu.vector_store %arg8[%swap3A_2094, %swap3A_2095], %swap3A_2098 {strides = array<i32>} : memref<128x128xf32, #tpu.memory_space<vmem>>, vector<1x16xf32>,
      %swap3A_2099 = arith.index_cast %scan3A_2063 : i32 to index
      %swap3A_2100 = arith.constant 112 : index
      %swap3A_2101 = tpu.vector_load %arg8[%swap3A_2099, %swap3A_2100] {strides = array<i32>} : memref<128x128xf32, #tpu.memory_space<vmem>>, vector<1x16xf32>,
      %swap3A_2102 = vector.shape_cast %swap3A_2101 : vector<1x16xf32> to vector<16xf32>
      %swap3A_2103 = vector.shape_cast %get3A_369 : vector<16xf32> to vector<1x16xf32>
      tpu.vector_store %arg8[%swap3A_2099, %swap3A_2100], %swap3A_2103 {strides = array<i32>} : memref<128x128xf32, #tpu.memory_space<vmem>>, vector<1x16xf32>,
      %scan3A_2104 = arith.constant 0 : i32
      scf.yield %scan3A_2104 : i32
    }
    %scan3A_376 = arith.constant 128 : i32
    %add3A_377 = arith.constant 3 : i32
    %add3A_378 = arith.addi %mul3A_2, %add3A_377 : i32
    %dma_start3A_379 = arith.constant 0 : i32
    %dma_start3A_380 = arith.constant 128 : i32
    %dma_start3A_381 = tpu.memref_slice %arg4[%add3A_378, %dma_start3A_379, %dma_start3A_380] : memref<512x512x256xf32, #tpu.memory_space<hbm>> -> memref<1x512x128xf32, #tpu.memory_space<hbm>>
    %dma_start3A_382 = tpu.memref_squeeze %dma_start3A_381 : memref<1x512x128xf32, #tpu.memory_space<hbm>> -> memref<512x128xf32, #tpu.memory_space<hbm>>
    %dma_start3A_383 = arith.constant 0 : i32
    %dma_start3A_384 = arith.constant 128 : i32
    %dma_start3A_385 = tpu.memref_slice %arg4[%add3A_378, %dma_start3A_383, %dma_start3A_384] : memref<512x512x256xf32, #tpu.memory_space<hbm>> -> memref<1x512x128xf32, #tpu.memory_space<hbm>>
    %dma_start3A_386 = tpu.memref_squeeze %dma_start3A_385 : memref<1x512x128xf32, #tpu.memory_space<hbm>> -> memref<512x128xf32, #tpu.memory_space<hbm>>
    tpu.enqueue_dma source(%arg6 : memref<512x128xf32, #tpu.memory_space<vmem>>) target(%dma_start3A_386 : memref<512x128xf32, #tpu.memory_space<hbm>>) target_semaphore(%arg11 : memref<!tpu.dma_semaphore, #tpu.memory_space<semaphore_mem>>)
    %dma_start3A_387 = arith.constant 0 : i32
    %dma_start3A_388 = arith.constant 0 : i32
    %dma_start3A_389 = tpu.memref_slice %arg4[%add3A_378, %dma_start3A_387, %dma_start3A_388] : memref<512x512x256xf32, #tpu.memory_space<hbm>> -> memref<1x128x128xf32, #tpu.memory_space<hbm>>
    %dma_start3A_390 = tpu.memref_squeeze %dma_start3A_389 : memref<1x128x128xf32, #tpu.memory_space<hbm>> -> memref<128x128xf32, #tpu.memory_space<hbm>>
    %dma_start3A_391 = arith.constant 0 : i32
    %dma_start3A_392 = arith.constant 0 : i32
    %dma_start3A_393 = tpu.memref_slice %arg4[%add3A_378, %dma_start3A_391, %dma_start3A_392] : memref<512x512x256xf32, #tpu.memory_space<hbm>> -> memref<1x128x128xf32, #tpu.memory_space<hbm>>
    %dma_start3A_394 = tpu.memref_squeeze %dma_start3A_393 : memref<1x128x128xf32, #tpu.memory_space<hbm>> -> memref<128x128xf32, #tpu.memory_space<hbm>>
    tpu.enqueue_dma source(%arg8 : memref<128x128xf32, #tpu.memory_space<vmem>>) target(%dma_start3A_394 : memref<128x128xf32, #tpu.memory_space<hbm>>) target_semaphore(%arg10 : memref<!tpu.dma_semaphore, #tpu.memory_space<semaphore_mem>>)
    %dma_start3A_395 = arith.constant 128 : i32
    %dma_start3A_396 = arith.constant 0 : i32
    %dma_start3A_397 = tpu.memref_slice %arg4[%add3A_378, %dma_start3A_395, %dma_start3A_396] : memref<512x512x256xf32, #tpu.memory_space<hbm>> -> memref<1x128x128xf32, #tpu.memory_space<hbm>>
    %dma_start3A_398 = tpu.memref_squeeze %dma_start3A_397 : memref<1x128x128xf32, #tpu.memory_space<hbm>> -> memref<128x128xf32, #tpu.memory_space<hbm>>
    %dma_start3A_399 = arith.constant 128 : i32
    %dma_start3A_400 = arith.constant 0 : i32
    %dma_start3A_401 = tpu.memref_slice %arg4[%add3A_378, %dma_start3A_399, %dma_start3A_400] : memref<512x512x256xf32, #tpu.memory_space<hbm>> -> memref<1x128x128xf32, #tpu.memory_space<hbm>>
    %dma_start3A_402 = tpu.memref_squeeze %dma_start3A_401 : memref<1x128x128xf32, #tpu.memory_space<hbm>> -> memref<128x128xf32, #tpu.memory_space<hbm>>
    tpu.enqueue_dma source(%arg8 : memref<128x128xf32, #tpu.memory_space<vmem>>) target(%dma_start3A_402 : memref<128x128xf32, #tpu.memory_space<hbm>>) target_semaphore(%arg10 : memref<!tpu.dma_semaphore, #tpu.memory_space<semaphore_mem>>)
    %dma_start3A_403 = arith.constant 256 : i32
    %dma_start3A_404 = arith.constant 0 : i32
    %dma_start3A_405 = tpu.memref_slice %arg4[%add3A_378, %dma_start3A_403, %dma_start3A_404] : memref<512x512x256xf32, #tpu.memory_space<hbm>> -> memref<1x128x128xf32, #tpu.memory_space<hbm>>
    %dma_start3A_406 = tpu.memref_squeeze %dma_start3A_405 : memref<1x128x128xf32, #tpu.memory_space<hbm>> -> memref<128x128xf32, #tpu.memory_space<hbm>>
    %dma_start3A_407 = arith.constant 256 : i32
    %dma_start3A_408 = arith.constant 0 : i32
    %dma_start3A_409 = tpu.memref_slice %arg4[%add3A_378, %dma_start3A_407, %dma_start3A_408] : memref<512x512x256xf32, #tpu.memory_space<hbm>> -> memref<1x128x128xf32, #tpu.memory_space<hbm>>
    %dma_start3A_410 = tpu.memref_squeeze %dma_start3A_409 : memref<1x128x128xf32, #tpu.memory_space<hbm>> -> memref<128x128xf32, #tpu.memory_space<hbm>>
    tpu.enqueue_dma source(%arg8 : memref<128x128xf32, #tpu.memory_space<vmem>>) target(%dma_start3A_410 : memref<128x128xf32, #tpu.memory_space<hbm>>) target_semaphore(%arg10 : memref<!tpu.dma_semaphore, #tpu.memory_space<semaphore_mem>>)
    %dma_start3A_411 = arith.constant 384 : i32
    %dma_start3A_412 = arith.constant 0 : i32
    %dma_start3A_413 = tpu.memref_slice %arg4[%add3A_378, %dma_start3A_411, %dma_start3A_412] : memref<512x512x256xf32, #tpu.memory_space<hbm>> -> memref<1x128x128xf32, #tpu.memory_space<hbm>>
    %dma_start3A_414 = tpu.memref_squeeze %dma_start3A_413 : memref<1x128x128xf32, #tpu.memory_space<hbm>> -> memref<128x128xf32, #tpu.memory_space<hbm>>
    %dma_start3A_415 = arith.constant 384 : i32
    %dma_start3A_416 = arith.constant 0 : i32
    %dma_start3A_417 = tpu.memref_slice %arg4[%add3A_378, %dma_start3A_415, %dma_start3A_416] : memref<512x512x256xf32, #tpu.memory_space<hbm>> -> memref<1x128x128xf32, #tpu.memory_space<hbm>>
    %dma_start3A_418 = tpu.memref_squeeze %dma_start3A_417 : memref<1x128x128xf32, #tpu.memory_space<hbm>> -> memref<128x128xf32, #tpu.memory_space<hbm>>
    tpu.enqueue_dma source(%arg8 : memref<128x128xf32, #tpu.memory_space<vmem>>) target(%dma_start3A_418 : memref<128x128xf32, #tpu.memory_space<hbm>>) target_semaphore(%arg10 : memref<!tpu.dma_semaphore, #tpu.memory_space<semaphore_mem>>)
    %dma_wait3A_419 = arith.constant 0 : i32
    %dma_wait3A_420 = arith.constant 0 : i32
    %dma_wait3A_421 = tpu.memref_slice %arg4[%add3A_257, %dma_wait3A_419, %dma_wait3A_420] : memref<512x512x256xf32, #tpu.memory_space<hbm>> -> memref<1x128x128xf32, #tpu.memory_space<hbm>>
    %dma_wait3A_422 = tpu.memref_squeeze %dma_wait3A_421 : memref<1x128x128xf32, #tpu.memory_space<hbm>> -> memref<128x128xf32, #tpu.memory_space<hbm>>
    %dma_wait3A_423 = arith.constant 0 : i32
    %dma_wait3A_424 = arith.constant 0 : i32
    %dma_wait3A_425 = tpu.memref_slice %arg4[%add3A_257, %dma_wait3A_423, %dma_wait3A_424] : memref<512x512x256xf32, #tpu.memory_space<hbm>> -> memref<1x128x128xf32, #tpu.memory_space<hbm>>
    %dma_wait3A_426 = tpu.memref_squeeze %dma_wait3A_425 : memref<1x128x128xf32, #tpu.memory_space<hbm>> -> memref<128x128xf32, #tpu.memory_space<hbm>>
    tpu.wait_dma2 semaphore(%arg9 : memref<!tpu.dma_semaphore, #tpu.memory_space<semaphore_mem>>) src(%arg7 : memref<128x128xf32, #tpu.memory_space<vmem>>) dst(%dma_wait3A_426 : memref<128x128xf32, #tpu.memory_space<hbm>>)
    %dma_wait3A_427 = arith.constant 128 : i32
    %dma_wait3A_428 = arith.constant 0 : i32
    %dma_wait3A_429 = tpu.memref_slice %arg4[%add3A_257, %dma_wait3A_427, %dma_wait3A_428] : memref<512x512x256xf32, #tpu.memory_space<hbm>> -> memref<1x128x128xf32, #tpu.memory_space<hbm>>
    %dma_wait3A_430 = tpu.memref_squeeze %dma_wait3A_429 : memref<1x128x128xf32, #tpu.memory_space<hbm>> -> memref<128x128xf32, #tpu.memory_space<hbm>>
    %dma_wait3A_431 = arith.constant 128 : i32
    %dma_wait3A_432 = arith.constant 0 : i32
    %dma_wait3A_433 = tpu.memref_slice %arg4[%add3A_257, %dma_wait3A_431, %dma_wait3A_432] : memref<512x512x256xf32, #tpu.memory_space<hbm>> -> memref<1x128x128xf32, #tpu.memory_space<hbm>>
    %dma_wait3A_434 = tpu.memref_squeeze %dma_wait3A_433 : memref<1x128x128xf32, #tpu.memory_space<hbm>> -> memref<128x128xf32, #tpu.memory_space<hbm>>
    tpu.wait_dma2 semaphore(%arg9 : memref<!tpu.dma_semaphore, #tpu.memory_space<semaphore_mem>>) src(%arg7 : memref<128x128xf32, #tpu.memory_space<vmem>>) dst(%dma_wait3A_434 : memref<128x128xf32, #tpu.memory_space<hbm>>)
    %dma_wait3A_435 = arith.constant 256 : i32
    %dma_wait3A_436 = arith.constant 0 : i32
    %dma_wait3A_437 = tpu.memref_slice %arg4[%add3A_257, %dma_wait3A_435, %dma_wait3A_436] : memref<512x512x256xf32, #tpu.memory_space<hbm>> -> memref<1x128x128xf32, #tpu.memory_space<hbm>>
    %dma_wait3A_438 = tpu.memref_squeeze %dma_wait3A_437 : memref<1x128x128xf32, #tpu.memory_space<hbm>> -> memref<128x128xf32, #tpu.memory_space<hbm>>
    %dma_wait3A_439 = arith.constant 256 : i32
    %dma_wait3A_440 = arith.constant 0 : i32
    %dma_wait3A_441 = tpu.memref_slice %arg4[%add3A_257, %dma_wait3A_439, %dma_wait3A_440] : memref<512x512x256xf32, #tpu.memory_space<hbm>> -> memref<1x128x128xf32, #tpu.memory_space<hbm>>
    %dma_wait3A_442 = tpu.memref_squeeze %dma_wait3A_441 : memref<1x128x128xf32, #tpu.memory_space<hbm>> -> memref<128x128xf32, #tpu.memory_space<hbm>>
    tpu.wait_dma2 semaphore(%arg9 : memref<!tpu.dma_semaphore, #tpu.memory_space<semaphore_mem>>) src(%arg7 : memref<128x128xf32, #tpu.memory_space<vmem>>) dst(%dma_wait3A_442 : memref<128x128xf32, #tpu.memory_space<hbm>>)
    %dma_wait3A_443 = arith.constant 384 : i32
    %dma_wait3A_444 = arith.constant 0 : i32
    %dma_wait3A_445 = tpu.memref_slice %arg4[%add3A_257, %dma_wait3A_443, %dma_wait3A_444] : memref<512x512x256xf32, #tpu.memory_space<hbm>> -> memref<1x128x128xf32, #tpu.memory_space<hbm>>
    %dma_wait3A_446 = tpu.memref_squeeze %dma_wait3A_445 : memref<1x128x128xf32, #tpu.memory_space<hbm>> -> memref<128x128xf32, #tpu.memory_space<hbm>>
    %dma_wait3A_447 = arith.constant 384 : i32
    %dma_wait3A_448 = arith.constant 0 : i32
    %dma_wait3A_449 = tpu.memref_slice %arg4[%add3A_257, %dma_wait3A_447, %dma_wait3A_448] : memref<512x512x256xf32, #tpu.memory_space<hbm>> -> memref<1x128x128xf32, #tpu.memory_space<hbm>>
    %dma_wait3A_450 = tpu.memref_squeeze %dma_wait3A_449 : memref<1x128x128xf32, #tpu.memory_space<hbm>> -> memref<128x128xf32, #tpu.memory_space<hbm>>
    tpu.wait_dma2 semaphore(%arg9 : memref<!tpu.dma_semaphore, #tpu.memory_space<semaphore_mem>>) src(%arg7 : memref<128x128xf32, #tpu.memory_space<vmem>>) dst(%dma_wait3A_450 : memref<128x128xf32, #tpu.memory_space<hbm>>)
    %get3A_451 = arith.constant 4 : i32
    %get3A_452 = arith.index_cast %get3A_451 : i32 to index
    %get3A_453 = arith.constant 0 : index
    %get3A_454 = tpu.vector_load %arg5[%get3A_452, %get3A_453] {strides = array<i32>} : memref<16x128xf32, #tpu.memory_space<vmem>>, vector<1x16xf32>,
    %get3A_455 = vector.shape_cast %get3A_454 : vector<1x16xf32> to vector<16xf32>
    %get3A_456 = arith.constant 4 : i32
    %get3A_457 = arith.index_cast %get3A_456 : i32 to index
    %get3A_458 = arith.constant 16 : index
    %get3A_459 = tpu.vector_load %arg5[%get3A_457, %get3A_458] {strides = array<i32>} : memref<16x128xf32, #tpu.memory_space<vmem>>, vector<1x16xf32>,
    %get3A_460 = vector.shape_cast %get3A_459 : vector<1x16xf32> to vector<16xf32>
    %get3A_461 = arith.constant 4 : i32
    %get3A_462 = arith.index_cast %get3A_461 : i32 to index
    %get3A_463 = arith.constant 32 : index
    %get3A_464 = tpu.vector_load %arg5[%get3A_462, %get3A_463] {strides = array<i32>} : memref<16x128xf32, #tpu.memory_space<vmem>>, vector<1x16xf32>,
    %get3A_465 = vector.shape_cast %get3A_464 : vector<1x16xf32> to vector<16xf32>
    %get3A_466 = arith.constant 4 : i32
    %get3A_467 = arith.index_cast %get3A_466 : i32 to index
    %get3A_468 = arith.constant 48 : index
    %get3A_469 = tpu.vector_load %arg5[%get3A_467, %get3A_468] {strides = array<i32>} : memref<16x128xf32, #tpu.memory_space<vmem>>, vector<1x16xf32>,
    %get3A_470 = vector.shape_cast %get3A_469 : vector<1x16xf32> to vector<16xf32>
    %get3A_471 = arith.constant 4 : i32
    %get3A_472 = arith.index_cast %get3A_471 : i32 to index
    %get3A_473 = arith.constant 64 : index
    %get3A_474 = tpu.vector_load %arg5[%get3A_472, %get3A_473] {strides = array<i32>} : memref<16x128xf32, #tpu.memory_space<vmem>>, vector<1x16xf32>,
    %get3A_475 = vector.shape_cast %get3A_474 : vector<1x16xf32> to vector<16xf32>
    %get3A_476 = arith.constant 4 : i32
    %get3A_477 = arith.index_cast %get3A_476 : i32 to index
    %get3A_478 = arith.constant 80 : index
    %get3A_479 = tpu.vector_load %arg5[%get3A_477, %get3A_478] {strides = array<i32>} : memref<16x128xf32, #tpu.memory_space<vmem>>, vector<1x16xf32>,
    %get3A_480 = vector.shape_cast %get3A_479 : vector<1x16xf32> to vector<16xf32>
    %get3A_481 = arith.constant 4 : i32
    %get3A_482 = arith.index_cast %get3A_481 : i32 to index
    %get3A_483 = arith.constant 96 : index
    %get3A_484 = tpu.vector_load %arg5[%get3A_482, %get3A_483] {strides = array<i32>} : memref<16x128xf32, #tpu.memory_space<vmem>>, vector<1x16xf32>,
    %get3A_485 = vector.shape_cast %get3A_484 : vector<1x16xf32> to vector<16xf32>
    %get3A_486 = arith.constant 4 : i32
    %get3A_487 = arith.index_cast %get3A_486 : i32 to index
    %get3A_488 = arith.constant 112 : index
    %get3A_489 = tpu.vector_load %arg5[%get3A_487, %get3A_488] {strides = array<i32>} : memref<16x128xf32, #tpu.memory_space<vmem>>, vector<1x16xf32>,
    %get3A_490 = vector.shape_cast %get3A_489 : vector<1x16xf32> to vector<16xf32>
    %scan3A_491 = arith.constant 0 : i32
    %scan3A_492 = arith.constant 0 : i32
    %scan3A_493 = arith.constant 128 : i32
    %scan3A_494 = arith.addi %scan3A_492, %scan3A_493 : i32
    %scan3A_495 = arith.constant 1 : i32
    %scan3A_496 = scf.for %scan3A_2063 = %scan3A_492 to %scan3A_494 step %scan3A_495 iter_args(%scan3A_2064 = %scan3A_491) -> (i32)  : i32 {
      %swap3A = arith.index_cast %scan3A_2063 : i32 to index
      %swap3A_2065 = arith.constant 0 : index
      %swap3A_2066 = tpu.vector_load %arg7[%swap3A, %swap3A_2065] {strides = array<i32>} : memref<128x128xf32, #tpu.memory_space<vmem>>, vector<1x16xf32>,
      %swap3A_2067 = vector.shape_cast %swap3A_2066 : vector<1x16xf32> to vector<16xf32>
      %swap3A_2068 = vector.shape_cast %get3A_455 : vector<16xf32> to vector<1x16xf32>
      tpu.vector_store %arg7[%swap3A, %swap3A_2065], %swap3A_2068 {strides = array<i32>} : memref<128x128xf32, #tpu.memory_space<vmem>>, vector<1x16xf32>,
      %swap3A_2069 = arith.index_cast %scan3A_2063 : i32 to index
      %swap3A_2070 = arith.constant 16 : index
      %swap3A_2071 = tpu.vector_load %arg7[%swap3A_2069, %swap3A_2070] {strides = array<i32>} : memref<128x128xf32, #tpu.memory_space<vmem>>, vector<1x16xf32>,
      %swap3A_2072 = vector.shape_cast %swap3A_2071 : vector<1x16xf32> to vector<16xf32>
      %swap3A_2073 = vector.shape_cast %get3A_460 : vector<16xf32> to vector<1x16xf32>
      tpu.vector_store %arg7[%swap3A_2069, %swap3A_2070], %swap3A_2073 {strides = array<i32>} : memref<128x128xf32, #tpu.memory_space<vmem>>, vector<1x16xf32>,
      %swap3A_2074 = arith.index_cast %scan3A_2063 : i32 to index
      %swap3A_2075 = arith.constant 32 : index
      %swap3A_2076 = tpu.vector_load %arg7[%swap3A_2074, %swap3A_2075] {strides = array<i32>} : memref<128x128xf32, #tpu.memory_space<vmem>>, vector<1x16xf32>,
      %swap3A_2077 = vector.shape_cast %swap3A_2076 : vector<1x16xf32> to vector<16xf32>
      %swap3A_2078 = vector.shape_cast %get3A_465 : vector<16xf32> to vector<1x16xf32>
      tpu.vector_store %arg7[%swap3A_2074, %swap3A_2075], %swap3A_2078 {strides = array<i32>} : memref<128x128xf32, #tpu.memory_space<vmem>>, vector<1x16xf32>,
      %swap3A_2079 = arith.index_cast %scan3A_2063 : i32 to index
      %swap3A_2080 = arith.constant 48 : index
      %swap3A_2081 = tpu.vector_load %arg7[%swap3A_2079, %swap3A_2080] {strides = array<i32>} : memref<128x128xf32, #tpu.memory_space<vmem>>, vector<1x16xf32>,
      %swap3A_2082 = vector.shape_cast %swap3A_2081 : vector<1x16xf32> to vector<16xf32>
      %swap3A_2083 = vector.shape_cast %get3A_470 : vector<16xf32> to vector<1x16xf32>
      tpu.vector_store %arg7[%swap3A_2079, %swap3A_2080], %swap3A_2083 {strides = array<i32>} : memref<128x128xf32, #tpu.memory_space<vmem>>, vector<1x16xf32>,
      %swap3A_2084 = arith.index_cast %scan3A_2063 : i32 to index
      %swap3A_2085 = arith.constant 64 : index
      %swap3A_2086 = tpu.vector_load %arg7[%swap3A_2084, %swap3A_2085] {strides = array<i32>} : memref<128x128xf32, #tpu.memory_space<vmem>>, vector<1x16xf32>,
      %swap3A_2087 = vector.shape_cast %swap3A_2086 : vector<1x16xf32> to vector<16xf32>
      %swap3A_2088 = vector.shape_cast %get3A_475 : vector<16xf32> to vector<1x16xf32>
      tpu.vector_store %arg7[%swap3A_2084, %swap3A_2085], %swap3A_2088 {strides = array<i32>} : memref<128x128xf32, #tpu.memory_space<vmem>>, vector<1x16xf32>,
      %swap3A_2089 = arith.index_cast %scan3A_2063 : i32 to index
      %swap3A_2090 = arith.constant 80 : index
      %swap3A_2091 = tpu.vector_load %arg7[%swap3A_2089, %swap3A_2090] {strides = array<i32>} : memref<128x128xf32, #tpu.memory_space<vmem>>, vector<1x16xf32>,
      %swap3A_2092 = vector.shape_cast %swap3A_2091 : vector<1x16xf32> to vector<16xf32>
      %swap3A_2093 = vector.shape_cast %get3A_480 : vector<16xf32> to vector<1x16xf32>
      tpu.vector_store %arg7[%swap3A_2089, %swap3A_2090], %swap3A_2093 {strides = array<i32>} : memref<128x128xf32, #tpu.memory_space<vmem>>, vector<1x16xf32>,
      %swap3A_2094 = arith.index_cast %scan3A_2063 : i32 to index
      %swap3A_2095 = arith.constant 96 : index
      %swap3A_2096 = tpu.vector_load %arg7[%swap3A_2094, %swap3A_2095] {strides = array<i32>} : memref<128x128xf32, #tpu.memory_space<vmem>>, vector<1x16xf32>,
      %swap3A_2097 = vector.shape_cast %swap3A_2096 : vector<1x16xf32> to vector<16xf32>
      %swap3A_2098 = vector.shape_cast %get3A_485 : vector<16xf32> to vector<1x16xf32>
      tpu.vector_store %arg7[%swap3A_2094, %swap3A_2095], %swap3A_2098 {strides = array<i32>} : memref<128x128xf32, #tpu.memory_space<vmem>>, vector<1x16xf32>,
      %swap3A_2099 = arith.index_cast %scan3A_2063 : i32 to index
      %swap3A_2100 = arith.constant 112 : index
      %swap3A_2101 = tpu.vector_load %arg7[%swap3A_2099, %swap3A_2100] {strides = array<i32>} : memref<128x128xf32, #tpu.memory_space<vmem>>, vector<1x16xf32>,
      %swap3A_2102 = vector.shape_cast %swap3A_2101 : vector<1x16xf32> to vector<16xf32>
      %swap3A_2103 = vector.shape_cast %get3A_490 : vector<16xf32> to vector<1x16xf32>
      tpu.vector_store %arg7[%swap3A_2099, %swap3A_2100], %swap3A_2103 {strides = array<i32>} : memref<128x128xf32, #tpu.memory_space<vmem>>, vector<1x16xf32>,
      %scan3A_2104 = arith.constant 0 : i32
      scf.yield %scan3A_2104 : i32
    }
    %scan3A_497 = arith.constant 128 : i32
    %add3A_498 = arith.constant 4 : i32
    %add3A_499 = arith.addi %mul3A_2, %add3A_498 : i32
    %dma_start3A_500 = arith.constant 0 : i32
    %dma_start3A_501 = arith.constant 128 : i32
    %dma_start3A_502 = tpu.memref_slice %arg4[%add3A_499, %dma_start3A_500, %dma_start3A_501] : memref<512x512x256xf32, #tpu.memory_space<hbm>> -> memref<1x512x128xf32, #tpu.memory_space<hbm>>
    %dma_start3A_503 = tpu.memref_squeeze %dma_start3A_502 : memref<1x512x128xf32, #tpu.memory_space<hbm>> -> memref<512x128xf32, #tpu.memory_space<hbm>>
    %dma_start3A_504 = arith.constant 0 : i32
    %dma_start3A_505 = arith.constant 128 : i32
    %dma_start3A_506 = tpu.memref_slice %arg4[%add3A_499, %dma_start3A_504, %dma_start3A_505] : memref<512x512x256xf32, #tpu.memory_space<hbm>> -> memref<1x512x128xf32, #tpu.memory_space<hbm>>
    %dma_start3A_507 = tpu.memref_squeeze %dma_start3A_506 : memref<1x512x128xf32, #tpu.memory_space<hbm>> -> memref<512x128xf32, #tpu.memory_space<hbm>>
    tpu.enqueue_dma source(%arg6 : memref<512x128xf32, #tpu.memory_space<vmem>>) target(%dma_start3A_507 : memref<512x128xf32, #tpu.memory_space<hbm>>) target_semaphore(%arg11 : memref<!tpu.dma_semaphore, #tpu.memory_space<semaphore_mem>>)
    %dma_start3A_508 = arith.constant 0 : i32
    %dma_start3A_509 = arith.constant 0 : i32
    %dma_start3A_510 = tpu.memref_slice %arg4[%add3A_499, %dma_start3A_508, %dma_start3A_509] : memref<512x512x256xf32, #tpu.memory_space<hbm>> -> memref<1x128x128xf32, #tpu.memory_space<hbm>>
    %dma_start3A_511 = tpu.memref_squeeze %dma_start3A_510 : memref<1x128x128xf32, #tpu.memory_space<hbm>> -> memref<128x128xf32, #tpu.memory_space<hbm>>
    %dma_start3A_512 = arith.constant 0 : i32
    %dma_start3A_513 = arith.constant 0 : i32
    %dma_start3A_514 = tpu.memref_slice %arg4[%add3A_499, %dma_start3A_512, %dma_start3A_513] : memref<512x512x256xf32, #tpu.memory_space<hbm>> -> memref<1x128x128xf32, #tpu.memory_space<hbm>>
    %dma_start3A_515 = tpu.memref_squeeze %dma_start3A_514 : memref<1x128x128xf32, #tpu.memory_space<hbm>> -> memref<128x128xf32, #tpu.memory_space<hbm>>
    tpu.enqueue_dma source(%arg7 : memref<128x128xf32, #tpu.memory_space<vmem>>) target(%dma_start3A_515 : memref<128x128xf32, #tpu.memory_space<hbm>>) target_semaphore(%arg9 : memref<!tpu.dma_semaphore, #tpu.memory_space<semaphore_mem>>)
    %dma_start3A_516 = arith.constant 128 : i32
    %dma_start3A_517 = arith.constant 0 : i32
    %dma_start3A_518 = tpu.memref_slice %arg4[%add3A_499, %dma_start3A_516, %dma_start3A_517] : memref<512x512x256xf32, #tpu.memory_space<hbm>> -> memref<1x128x128xf32, #tpu.memory_space<hbm>>
    %dma_start3A_519 = tpu.memref_squeeze %dma_start3A_518 : memref<1x128x128xf32, #tpu.memory_space<hbm>> -> memref<128x128xf32, #tpu.memory_space<hbm>>
    %dma_start3A_520 = arith.constant 128 : i32
    %dma_start3A_521 = arith.constant 0 : i32
    %dma_start3A_522 = tpu.memref_slice %arg4[%add3A_499, %dma_start3A_520, %dma_start3A_521] : memref<512x512x256xf32, #tpu.memory_space<hbm>> -> memref<1x128x128xf32, #tpu.memory_space<hbm>>
    %dma_start3A_523 = tpu.memref_squeeze %dma_start3A_522 : memref<1x128x128xf32, #tpu.memory_space<hbm>> -> memref<128x128xf32, #tpu.memory_space<hbm>>
    tpu.enqueue_dma source(%arg7 : memref<128x128xf32, #tpu.memory_space<vmem>>) target(%dma_start3A_523 : memref<128x128xf32, #tpu.memory_space<hbm>>) target_semaphore(%arg9 : memref<!tpu.dma_semaphore, #tpu.memory_space<semaphore_mem>>)
    %dma_start3A_524 = arith.constant 256 : i32
    %dma_start3A_525 = arith.constant 0 : i32
    %dma_start3A_526 = tpu.memref_slice %arg4[%add3A_499, %dma_start3A_524, %dma_start3A_525] : memref<512x512x256xf32, #tpu.memory_space<hbm>> -> memref<1x128x128xf32, #tpu.memory_space<hbm>>
    %dma_start3A_527 = tpu.memref_squeeze %dma_start3A_526 : memref<1x128x128xf32, #tpu.memory_space<hbm>> -> memref<128x128xf32, #tpu.memory_space<hbm>>
    %dma_start3A_528 = arith.constant 256 : i32
    %dma_start3A_529 = arith.constant 0 : i32
    %dma_start3A_530 = tpu.memref_slice %arg4[%add3A_499, %dma_start3A_528, %dma_start3A_529] : memref<512x512x256xf32, #tpu.memory_space<hbm>> -> memref<1x128x128xf32, #tpu.memory_space<hbm>>
    %dma_start3A_531 = tpu.memref_squeeze %dma_start3A_530 : memref<1x128x128xf32, #tpu.memory_space<hbm>> -> memref<128x128xf32, #tpu.memory_space<hbm>>
    tpu.enqueue_dma source(%arg7 : memref<128x128xf32, #tpu.memory_space<vmem>>) target(%dma_start3A_531 : memref<128x128xf32, #tpu.memory_space<hbm>>) target_semaphore(%arg9 : memref<!tpu.dma_semaphore, #tpu.memory_space<semaphore_mem>>)
    %dma_start3A_532 = arith.constant 384 : i32
    %dma_start3A_533 = arith.constant 0 : i32
    %dma_start3A_534 = tpu.memref_slice %arg4[%add3A_499, %dma_start3A_532, %dma_start3A_533] : memref<512x512x256xf32, #tpu.memory_space<hbm>> -> memref<1x128x128xf32, #tpu.memory_space<hbm>>
    %dma_start3A_535 = tpu.memref_squeeze %dma_start3A_534 : memref<1x128x128xf32, #tpu.memory_space<hbm>> -> memref<128x128xf32, #tpu.memory_space<hbm>>
    %dma_start3A_536 = arith.constant 384 : i32
    %dma_start3A_537 = arith.constant 0 : i32
    %dma_start3A_538 = tpu.memref_slice %arg4[%add3A_499, %dma_start3A_536, %dma_start3A_537] : memref<512x512x256xf32, #tpu.memory_space<hbm>> -> memref<1x128x128xf32, #tpu.memory_space<hbm>>
    %dma_start3A_539 = tpu.memref_squeeze %dma_start3A_538 : memref<1x128x128xf32, #tpu.memory_space<hbm>> -> memref<128x128xf32, #tpu.memory_space<hbm>>
    tpu.enqueue_dma source(%arg7 : memref<128x128xf32, #tpu.memory_space<vmem>>) target(%dma_start3A_539 : memref<128x128xf32, #tpu.memory_space<hbm>>) target_semaphore(%arg9 : memref<!tpu.dma_semaphore, #tpu.memory_space<semaphore_mem>>)
    %dma_wait3A_540 = arith.constant 0 : i32
    %dma_wait3A_541 = arith.constant 0 : i32
    %dma_wait3A_542 = tpu.memref_slice %arg4[%add3A_378, %dma_wait3A_540, %dma_wait3A_541] : memref<512x512x256xf32, #tpu.memory_space<hbm>> -> memref<1x128x128xf32, #tpu.memory_space<hbm>>
    %dma_wait3A_543 = tpu.memref_squeeze %dma_wait3A_542 : memref<1x128x128xf32, #tpu.memory_space<hbm>> -> memref<128x128xf32, #tpu.memory_space<hbm>>
    %dma_wait3A_544 = arith.constant 0 : i32
    %dma_wait3A_545 = arith.constant 0 : i32
    %dma_wait3A_546 = tpu.memref_slice %arg4[%add3A_378, %dma_wait3A_544, %dma_wait3A_545] : memref<512x512x256xf32, #tpu.memory_space<hbm>> -> memref<1x128x128xf32, #tpu.memory_space<hbm>>
    %dma_wait3A_547 = tpu.memref_squeeze %dma_wait3A_546 : memref<1x128x128xf32, #tpu.memory_space<hbm>> -> memref<128x128xf32, #tpu.memory_space<hbm>>
    tpu.wait_dma2 semaphore(%arg10 : memref<!tpu.dma_semaphore, #tpu.memory_space<semaphore_mem>>) src(%arg8 : memref<128x128xf32, #tpu.memory_space<vmem>>) dst(%dma_wait3A_547 : memref<128x128xf32, #tpu.memory_space<hbm>>)
    %dma_wait3A_548 = arith.constant 128 : i32
    %dma_wait3A_549 = arith.constant 0 : i32
    %dma_wait3A_550 = tpu.memref_slice %arg4[%add3A_378, %dma_wait3A_548, %dma_wait3A_549] : memref<512x512x256xf32, #tpu.memory_space<hbm>> -> memref<1x128x128xf32, #tpu.memory_space<hbm>>
    %dma_wait3A_551 = tpu.memref_squeeze %dma_wait3A_550 : memref<1x128x128xf32, #tpu.memory_space<hbm>> -> memref<128x128xf32, #tpu.memory_space<hbm>>
    %dma_wait3A_552 = arith.constant 128 : i32
    %dma_wait3A_553 = arith.constant 0 : i32
    %dma_wait3A_554 = tpu.memref_slice %arg4[%add3A_378, %dma_wait3A_552, %dma_wait3A_553] : memref<512x512x256xf32, #tpu.memory_space<hbm>> -> memref<1x128x128xf32, #tpu.memory_space<hbm>>
    %dma_wait3A_555 = tpu.memref_squeeze %dma_wait3A_554 : memref<1x128x128xf32, #tpu.memory_space<hbm>> -> memref<128x128xf32, #tpu.memory_space<hbm>>
    tpu.wait_dma2 semaphore(%arg10 : memref<!tpu.dma_semaphore, #tpu.memory_space<semaphore_mem>>) src(%arg8 : memref<128x128xf32, #tpu.memory_space<vmem>>) dst(%dma_wait3A_555 : memref<128x128xf32, #tpu.memory_space<hbm>>)
    %dma_wait3A_556 = arith.constant 256 : i32
    %dma_wait3A_557 = arith.constant 0 : i32
    %dma_wait3A_558 = tpu.memref_slice %arg4[%add3A_378, %dma_wait3A_556, %dma_wait3A_557] : memref<512x512x256xf32, #tpu.memory_space<hbm>> -> memref<1x128x128xf32, #tpu.memory_space<hbm>>
    %dma_wait3A_559 = tpu.memref_squeeze %dma_wait3A_558 : memref<1x128x128xf32, #tpu.memory_space<hbm>> -> memref<128x128xf32, #tpu.memory_space<hbm>>
    %dma_wait3A_560 = arith.constant 256 : i32
    %dma_wait3A_561 = arith.constant 0 : i32
    %dma_wait3A_562 = tpu.memref_slice %arg4[%add3A_378, %dma_wait3A_560, %dma_wait3A_561] : memref<512x512x256xf32, #tpu.memory_space<hbm>> -> memref<1x128x128xf32, #tpu.memory_space<hbm>>
    %dma_wait3A_563 = tpu.memref_squeeze %dma_wait3A_562 : memref<1x128x128xf32, #tpu.memory_space<hbm>> -> memref<128x128xf32, #tpu.memory_space<hbm>>
    tpu.wait_dma2 semaphore(%arg10 : memref<!tpu.dma_semaphore, #tpu.memory_space<semaphore_mem>>) src(%arg8 : memref<128x128xf32, #tpu.memory_space<vmem>>) dst(%dma_wait3A_563 : memref<128x128xf32, #tpu.memory_space<hbm>>)
    %dma_wait3A_564 = arith.constant 384 : i32
    %dma_wait3A_565 = arith.constant 0 : i32
    %dma_wait3A_566 = tpu.memref_slice %arg4[%add3A_378, %dma_wait3A_564, %dma_wait3A_565] : memref<512x512x256xf32, #tpu.memory_space<hbm>> -> memref<1x128x128xf32, #tpu.memory_space<hbm>>
    %dma_wait3A_567 = tpu.memref_squeeze %dma_wait3A_566 : memref<1x128x128xf32, #tpu.memory_space<hbm>> -> memref<128x128xf32, #tpu.memory_space<hbm>>
    %dma_wait3A_568 = arith.constant 384 : i32
    %dma_wait3A_569 = arith.constant 0 : i32
    %dma_wait3A_570 = tpu.memref_slice %arg4[%add3A_378, %dma_wait3A_568, %dma_wait3A_569] : memref<512x512x256xf32, #tpu.memory_space<hbm>> -> memref<1x128x128xf32, #tpu.memory_space<hbm>>
    %dma_wait3A_571 = tpu.memref_squeeze %dma_wait3A_570 : memref<1x128x128xf32, #tpu.memory_space<hbm>> -> memref<128x128xf32, #tpu.memory_space<hbm>>
    tpu.wait_dma2 semaphore(%arg10 : memref<!tpu.dma_semaphore, #tpu.memory_space<semaphore_mem>>) src(%arg8 : memref<128x128xf32, #tpu.memory_space<vmem>>) dst(%dma_wait3A_571 : memref<128x128xf32, #tpu.memory_space<hbm>>)
    %get3A_572 = arith.constant 5 : i32
    %get3A_573 = arith.index_cast %get3A_572 : i32 to index
    %get3A_574 = arith.constant 0 : index
    %get3A_575 = tpu.vector_load %arg5[%get3A_573, %get3A_574] {strides = array<i32>} : memref<16x128xf32, #tpu.memory_space<vmem>>, vector<1x16xf32>,
    %get3A_576 = vector.shape_cast %get3A_575 : vector<1x16xf32> to vector<16xf32>
    %get3A_577 = arith.constant 5 : i32
    %get3A_578 = arith.index_cast %get3A_577 : i32 to index
    %get3A_579 = arith.constant 16 : index
    %get3A_580 = tpu.vector_load %arg5[%get3A_578, %get3A_579] {strides = array<i32>} : memref<16x128xf32, #tpu.memory_space<vmem>>, vector<1x16xf32>,
    %get3A_581 = vector.shape_cast %get3A_580 : vector<1x16xf32> to vector<16xf32>
    %get3A_582 = arith.constant 5 : i32
    %get3A_583 = arith.index_cast %get3A_582 : i32 to index
    %get3A_584 = arith.constant 32 : index
    %get3A_585 = tpu.vector_load %arg5[%get3A_583, %get3A_584] {strides = array<i32>} : memref<16x128xf32, #tpu.memory_space<vmem>>, vector<1x16xf32>,
    %get3A_586 = vector.shape_cast %get3A_585 : vector<1x16xf32> to vector<16xf32>
    %get3A_587 = arith.constant 5 : i32
    %get3A_588 = arith.index_cast %get3A_587 : i32 to index
    %get3A_589 = arith.constant 48 : index
    %get3A_590 = tpu.vector_load %arg5[%get3A_588, %get3A_589] {strides = array<i32>} : memref<16x128xf32, #tpu.memory_space<vmem>>, vector<1x16xf32>,
    %get3A_591 = vector.shape_cast %get3A_590 : vector<1x16xf32> to vector<16xf32>
    %get3A_592 = arith.constant 5 : i32
    %get3A_593 = arith.index_cast %get3A_592 : i32 to index
    %get3A_594 = arith.constant 64 : index
    %get3A_595 = tpu.vector_load %arg5[%get3A_593, %get3A_594] {strides = array<i32>} : memref<16x128xf32, #tpu.memory_space<vmem>>, vector<1x16xf32>,
    %get3A_596 = vector.shape_cast %get3A_595 : vector<1x16xf32> to vector<16xf32>
    %get3A_597 = arith.constant 5 : i32
    %get3A_598 = arith.index_cast %get3A_597 : i32 to index
    %get3A_599 = arith.constant 80 : index
    %get3A_600 = tpu.vector_load %arg5[%get3A_598, %get3A_599] {strides = array<i32>} : memref<16x128xf32, #tpu.memory_space<vmem>>, vector<1x16xf32>,
    %get3A_601 = vector.shape_cast %get3A_600 : vector<1x16xf32> to vector<16xf32>
    %get3A_602 = arith.constant 5 : i32
    %get3A_603 = arith.index_cast %get3A_602 : i32 to index
    %get3A_604 = arith.constant 96 : index
    %get3A_605 = tpu.vector_load %arg5[%get3A_603, %get3A_604] {strides = array<i32>} : memref<16x128xf32, #tpu.memory_space<vmem>>, vector<1x16xf32>,
    %get3A_606 = vector.shape_cast %get3A_605 : vector<1x16xf32> to vector<16xf32>
    %get3A_607 = arith.constant 5 : i32
    %get3A_608 = arith.index_cast %get3A_607 : i32 to index
    %get3A_609 = arith.constant 112 : index
    %get3A_610 = tpu.vector_load %arg5[%get3A_608, %get3A_609] {strides = array<i32>} : memref<16x128xf32, #tpu.memory_space<vmem>>, vector<1x16xf32>,
    %get3A_611 = vector.shape_cast %get3A_610 : vector<1x16xf32> to vector<16xf32>
    %scan3A_612 = arith.constant 0 : i32
    %scan3A_613 = arith.constant 0 : i32
    %scan3A_614 = arith.constant 128 : i32
    %scan3A_615 = arith.addi %scan3A_613, %scan3A_614 : i32
    %scan3A_616 = arith.constant 1 : i32
    %scan3A_617 = scf.for %scan3A_2063 = %scan3A_613 to %scan3A_615 step %scan3A_616 iter_args(%scan3A_2064 = %scan3A_612) -> (i32)  : i32 {
      %swap3A = arith.index_cast %scan3A_2063 : i32 to index
      %swap3A_2065 = arith.constant 0 : index
      %swap3A_2066 = tpu.vector_load %arg8[%swap3A, %swap3A_2065] {strides = array<i32>} : memref<128x128xf32, #tpu.memory_space<vmem>>, vector<1x16xf32>,
      %swap3A_2067 = vector.shape_cast %swap3A_2066 : vector<1x16xf32> to vector<16xf32>
      %swap3A_2068 = vector.shape_cast %get3A_576 : vector<16xf32> to vector<1x16xf32>
      tpu.vector_store %arg8[%swap3A, %swap3A_2065], %swap3A_2068 {strides = array<i32>} : memref<128x128xf32, #tpu.memory_space<vmem>>, vector<1x16xf32>,
      %swap3A_2069 = arith.index_cast %scan3A_2063 : i32 to index
      %swap3A_2070 = arith.constant 16 : index
      %swap3A_2071 = tpu.vector_load %arg8[%swap3A_2069, %swap3A_2070] {strides = array<i32>} : memref<128x128xf32, #tpu.memory_space<vmem>>, vector<1x16xf32>,
      %swap3A_2072 = vector.shape_cast %swap3A_2071 : vector<1x16xf32> to vector<16xf32>
      %swap3A_2073 = vector.shape_cast %get3A_581 : vector<16xf32> to vector<1x16xf32>
      tpu.vector_store %arg8[%swap3A_2069, %swap3A_2070], %swap3A_2073 {strides = array<i32>} : memref<128x128xf32, #tpu.memory_space<vmem>>, vector<1x16xf32>,
      %swap3A_2074 = arith.index_cast %scan3A_2063 : i32 to index
      %swap3A_2075 = arith.constant 32 : index
      %swap3A_2076 = tpu.vector_load %arg8[%swap3A_2074, %swap3A_2075] {strides = array<i32>} : memref<128x128xf32, #tpu.memory_space<vmem>>, vector<1x16xf32>,
      %swap3A_2077 = vector.shape_cast %swap3A_2076 : vector<1x16xf32> to vector<16xf32>
      %swap3A_2078 = vector.shape_cast %get3A_586 : vector<16xf32> to vector<1x16xf32>
      tpu.vector_store %arg8[%swap3A_2074, %swap3A_2075], %swap3A_2078 {strides = array<i32>} : memref<128x128xf32, #tpu.memory_space<vmem>>, vector<1x16xf32>,
      %swap3A_2079 = arith.index_cast %scan3A_2063 : i32 to index
      %swap3A_2080 = arith.constant 48 : index
      %swap3A_2081 = tpu.vector_load %arg8[%swap3A_2079, %swap3A_2080] {strides = array<i32>} : memref<128x128xf32, #tpu.memory_space<vmem>>, vector<1x16xf32>,
      %swap3A_2082 = vector.shape_cast %swap3A_2081 : vector<1x16xf32> to vector<16xf32>
      %swap3A_2083 = vector.shape_cast %get3A_591 : vector<16xf32> to vector<1x16xf32>
      tpu.vector_store %arg8[%swap3A_2079, %swap3A_2080], %swap3A_2083 {strides = array<i32>} : memref<128x128xf32, #tpu.memory_space<vmem>>, vector<1x16xf32>,
      %swap3A_2084 = arith.index_cast %scan3A_2063 : i32 to index
      %swap3A_2085 = arith.constant 64 : index
      %swap3A_2086 = tpu.vector_load %arg8[%swap3A_2084, %swap3A_2085] {strides = array<i32>} : memref<128x128xf32, #tpu.memory_space<vmem>>, vector<1x16xf32>,
      %swap3A_2087 = vector.shape_cast %swap3A_2086 : vector<1x16xf32> to vector<16xf32>
      %swap3A_2088 = vector.shape_cast %get3A_596 : vector<16xf32> to vector<1x16xf32>
      tpu.vector_store %arg8[%swap3A_2084, %swap3A_2085], %swap3A_2088 {strides = array<i32>} : memref<128x128xf32, #tpu.memory_space<vmem>>, vector<1x16xf32>,
      %swap3A_2089 = arith.index_cast %scan3A_2063 : i32 to index
      %swap3A_2090 = arith.constant 80 : index
      %swap3A_2091 = tpu.vector_load %arg8[%swap3A_2089, %swap3A_2090] {strides = array<i32>} : memref<128x128xf32, #tpu.memory_space<vmem>>, vector<1x16xf32>,
      %swap3A_2092 = vector.shape_cast %swap3A_2091 : vector<1x16xf32> to vector<16xf32>
      %swap3A_2093 = vector.shape_cast %get3A_601 : vector<16xf32> to vector<1x16xf32>
      tpu.vector_store %arg8[%swap3A_2089, %swap3A_2090], %swap3A_2093 {strides = array<i32>} : memref<128x128xf32, #tpu.memory_space<vmem>>, vector<1x16xf32>,
      %swap3A_2094 = arith.index_cast %scan3A_2063 : i32 to index
      %swap3A_2095 = arith.constant 96 : index
      %swap3A_2096 = tpu.vector_load %arg8[%swap3A_2094, %swap3A_2095] {strides = array<i32>} : memref<128x128xf32, #tpu.memory_space<vmem>>, vector<1x16xf32>,
      %swap3A_2097 = vector.shape_cast %swap3A_2096 : vector<1x16xf32> to vector<16xf32>
      %swap3A_2098 = vector.shape_cast %get3A_606 : vector<16xf32> to vector<1x16xf32>
      tpu.vector_store %arg8[%swap3A_2094, %swap3A_2095], %swap3A_2098 {strides = array<i32>} : memref<128x128xf32, #tpu.memory_space<vmem>>, vector<1x16xf32>,
      %swap3A_2099 = arith.index_cast %scan3A_2063 : i32 to index
      %swap3A_2100 = arith.constant 112 : index
      %swap3A_2101 = tpu.vector_load %arg8[%swap3A_2099, %swap3A_2100] {strides = array<i32>} : memref<128x128xf32, #tpu.memory_space<vmem>>, vector<1x16xf32>,
      %swap3A_2102 = vector.shape_cast %swap3A_2101 : vector<1x16xf32> to vector<16xf32>
      %swap3A_2103 = vector.shape_cast %get3A_611 : vector<16xf32> to vector<1x16xf32>
      tpu.vector_store %arg8[%swap3A_2099, %swap3A_2100], %swap3A_2103 {strides = array<i32>} : memref<128x128xf32, #tpu.memory_space<vmem>>, vector<1x16xf32>,
      %scan3A_2104 = arith.constant 0 : i32
      scf.yield %scan3A_2104 : i32
    }
    %scan3A_618 = arith.constant 128 : i32
    %add3A_619 = arith.constant 5 : i32
    %add3A_620 = arith.addi %mul3A_2, %add3A_619 : i32
    %dma_start3A_621 = arith.constant 0 : i32
    %dma_start3A_622 = arith.constant 128 : i32
    %dma_start3A_623 = tpu.memref_slice %arg4[%add3A_620, %dma_start3A_621, %dma_start3A_622] : memref<512x512x256xf32, #tpu.memory_space<hbm>> -> memref<1x512x128xf32, #tpu.memory_space<hbm>>
    %dma_start3A_624 = tpu.memref_squeeze %dma_start3A_623 : memref<1x512x128xf32, #tpu.memory_space<hbm>> -> memref<512x128xf32, #tpu.memory_space<hbm>>
    %dma_start3A_625 = arith.constant 0 : i32
    %dma_start3A_626 = arith.constant 128 : i32
    %dma_start3A_627 = tpu.memref_slice %arg4[%add3A_620, %dma_start3A_625, %dma_start3A_626] : memref<512x512x256xf32, #tpu.memory_space<hbm>> -> memref<1x512x128xf32, #tpu.memory_space<hbm>>
    %dma_start3A_628 = tpu.memref_squeeze %dma_start3A_627 : memref<1x512x128xf32, #tpu.memory_space<hbm>> -> memref<512x128xf32, #tpu.memory_space<hbm>>
    tpu.enqueue_dma source(%arg6 : memref<512x128xf32, #tpu.memory_space<vmem>>) target(%dma_start3A_628 : memref<512x128xf32, #tpu.memory_space<hbm>>) target_semaphore(%arg11 : memref<!tpu.dma_semaphore, #tpu.memory_space<semaphore_mem>>)
    %dma_start3A_629 = arith.constant 0 : i32
    %dma_start3A_630 = arith.constant 0 : i32
    %dma_start3A_631 = tpu.memref_slice %arg4[%add3A_620, %dma_start3A_629, %dma_start3A_630] : memref<512x512x256xf32, #tpu.memory_space<hbm>> -> memref<1x128x128xf32, #tpu.memory_space<hbm>>
    %dma_start3A_632 = tpu.memref_squeeze %dma_start3A_631 : memref<1x128x128xf32, #tpu.memory_space<hbm>> -> memref<128x128xf32, #tpu.memory_space<hbm>>
    %dma_start3A_633 = arith.constant 0 : i32
    %dma_start3A_634 = arith.constant 0 : i32
    %dma_start3A_635 = tpu.memref_slice %arg4[%add3A_620, %dma_start3A_633, %dma_start3A_634] : memref<512x512x256xf32, #tpu.memory_space<hbm>> -> memref<1x128x128xf32, #tpu.memory_space<hbm>>
    %dma_start3A_636 = tpu.memref_squeeze %dma_start3A_635 : memref<1x128x128xf32, #tpu.memory_space<hbm>> -> memref<128x128xf32, #tpu.memory_space<hbm>>
    tpu.enqueue_dma source(%arg8 : memref<128x128xf32, #tpu.memory_space<vmem>>) target(%dma_start3A_636 : memref<128x128xf32, #tpu.memory_space<hbm>>) target_semaphore(%arg10 : memref<!tpu.dma_semaphore, #tpu.memory_space<semaphore_mem>>)
    %dma_start3A_637 = arith.constant 128 : i32
    %dma_start3A_638 = arith.constant 0 : i32
    %dma_start3A_639 = tpu.memref_slice %arg4[%add3A_620, %dma_start3A_637, %dma_start3A_638] : memref<512x512x256xf32, #tpu.memory_space<hbm>> -> memref<1x128x128xf32, #tpu.memory_space<hbm>>
    %dma_start3A_640 = tpu.memref_squeeze %dma_start3A_639 : memref<1x128x128xf32, #tpu.memory_space<hbm>> -> memref<128x128xf32, #tpu.memory_space<hbm>>
    %dma_start3A_641 = arith.constant 128 : i32
    %dma_start3A_642 = arith.constant 0 : i32
    %dma_start3A_643 = tpu.memref_slice %arg4[%add3A_620, %dma_start3A_641, %dma_start3A_642] : memref<512x512x256xf32, #tpu.memory_space<hbm>> -> memref<1x128x128xf32, #tpu.memory_space<hbm>>
    %dma_start3A_644 = tpu.memref_squeeze %dma_start3A_643 : memref<1x128x128xf32, #tpu.memory_space<hbm>> -> memref<128x128xf32, #tpu.memory_space<hbm>>
    tpu.enqueue_dma source(%arg8 : memref<128x128xf32, #tpu.memory_space<vmem>>) target(%dma_start3A_644 : memref<128x128xf32, #tpu.memory_space<hbm>>) target_semaphore(%arg10 : memref<!tpu.dma_semaphore, #tpu.memory_space<semaphore_mem>>)
    %dma_start3A_645 = arith.constant 256 : i32
    %dma_start3A_646 = arith.constant 0 : i32
    %dma_start3A_647 = tpu.memref_slice %arg4[%add3A_620, %dma_start3A_645, %dma_start3A_646] : memref<512x512x256xf32, #tpu.memory_space<hbm>> -> memref<1x128x128xf32, #tpu.memory_space<hbm>>
    %dma_start3A_648 = tpu.memref_squeeze %dma_start3A_647 : memref<1x128x128xf32, #tpu.memory_space<hbm>> -> memref<128x128xf32, #tpu.memory_space<hbm>>
    %dma_start3A_649 = arith.constant 256 : i32
    %dma_start3A_650 = arith.constant 0 : i32
    %dma_start3A_651 = tpu.memref_slice %arg4[%add3A_620, %dma_start3A_649, %dma_start3A_650] : memref<512x512x256xf32, #tpu.memory_space<hbm>> -> memref<1x128x128xf32, #tpu.memory_space<hbm>>
    %dma_start3A_652 = tpu.memref_squeeze %dma_start3A_651 : memref<1x128x128xf32, #tpu.memory_space<hbm>> -> memref<128x128xf32, #tpu.memory_space<hbm>>
    tpu.enqueue_dma source(%arg8 : memref<128x128xf32, #tpu.memory_space<vmem>>) target(%dma_start3A_652 : memref<128x128xf32, #tpu.memory_space<hbm>>) target_semaphore(%arg10 : memref<!tpu.dma_semaphore, #tpu.memory_space<semaphore_mem>>)
    %dma_start3A_653 = arith.constant 384 : i32
    %dma_start3A_654 = arith.constant 0 : i32
    %dma_start3A_655 = tpu.memref_slice %arg4[%add3A_620, %dma_start3A_653, %dma_start3A_654] : memref<512x512x256xf32, #tpu.memory_space<hbm>> -> memref<1x128x128xf32, #tpu.memory_space<hbm>>
    %dma_start3A_656 = tpu.memref_squeeze %dma_start3A_655 : memref<1x128x128xf32, #tpu.memory_space<hbm>> -> memref<128x128xf32, #tpu.memory_space<hbm>>
    %dma_start3A_657 = arith.constant 384 : i32
    %dma_start3A_658 = arith.constant 0 : i32
    %dma_start3A_659 = tpu.memref_slice %arg4[%add3A_620, %dma_start3A_657, %dma_start3A_658] : memref<512x512x256xf32, #tpu.memory_space<hbm>> -> memref<1x128x128xf32, #tpu.memory_space<hbm>>
    %dma_start3A_660 = tpu.memref_squeeze %dma_start3A_659 : memref<1x128x128xf32, #tpu.memory_space<hbm>> -> memref<128x128xf32, #tpu.memory_space<hbm>>
    tpu.enqueue_dma source(%arg8 : memref<128x128xf32, #tpu.memory_space<vmem>>) target(%dma_start3A_660 : memref<128x128xf32, #tpu.memory_space<hbm>>) target_semaphore(%arg10 : memref<!tpu.dma_semaphore, #tpu.memory_space<semaphore_mem>>)
    %dma_wait3A_661 = arith.constant 0 : i32
    %dma_wait3A_662 = arith.constant 0 : i32
    %dma_wait3A_663 = tpu.memref_slice %arg4[%add3A_499, %dma_wait3A_661, %dma_wait3A_662] : memref<512x512x256xf32, #tpu.memory_space<hbm>> -> memref<1x128x128xf32, #tpu.memory_space<hbm>>
    %dma_wait3A_664 = tpu.memref_squeeze %dma_wait3A_663 : memref<1x128x128xf32, #tpu.memory_space<hbm>> -> memref<128x128xf32, #tpu.memory_space<hbm>>
    %dma_wait3A_665 = arith.constant 0 : i32
    %dma_wait3A_666 = arith.constant 0 : i32
    %dma_wait3A_667 = tpu.memref_slice %arg4[%add3A_499, %dma_wait3A_665, %dma_wait3A_666] : memref<512x512x256xf32, #tpu.memory_space<hbm>> -> memref<1x128x128xf32, #tpu.memory_space<hbm>>
    %dma_wait3A_668 = tpu.memref_squeeze %dma_wait3A_667 : memref<1x128x128xf32, #tpu.memory_space<hbm>> -> memref<128x128xf32, #tpu.memory_space<hbm>>
    tpu.wait_dma2 semaphore(%arg9 : memref<!tpu.dma_semaphore, #tpu.memory_space<semaphore_mem>>) src(%arg7 : memref<128x128xf32, #tpu.memory_space<vmem>>) dst(%dma_wait3A_668 : memref<128x128xf32, #tpu.memory_space<hbm>>)
    %dma_wait3A_669 = arith.constant 128 : i32
    %dma_wait3A_670 = arith.constant 0 : i32
    %dma_wait3A_671 = tpu.memref_slice %arg4[%add3A_499, %dma_wait3A_669, %dma_wait3A_670] : memref<512x512x256xf32, #tpu.memory_space<hbm>> -> memref<1x128x128xf32, #tpu.memory_space<hbm>>
    %dma_wait3A_672 = tpu.memref_squeeze %dma_wait3A_671 : memref<1x128x128xf32, #tpu.memory_space<hbm>> -> memref<128x128xf32, #tpu.memory_space<hbm>>
    %dma_wait3A_673 = arith.constant 128 : i32
    %dma_wait3A_674 = arith.constant 0 : i32
    %dma_wait3A_675 = tpu.memref_slice %arg4[%add3A_499, %dma_wait3A_673, %dma_wait3A_674] : memref<512x512x256xf32, #tpu.memory_space<hbm>> -> memref<1x128x128xf32, #tpu.memory_space<hbm>>
    %dma_wait3A_676 = tpu.memref_squeeze %dma_wait3A_675 : memref<1x128x128xf32, #tpu.memory_space<hbm>> -> memref<128x128xf32, #tpu.memory_space<hbm>>
    tpu.wait_dma2 semaphore(%arg9 : memref<!tpu.dma_semaphore, #tpu.memory_space<semaphore_mem>>) src(%arg7 : memref<128x128xf32, #tpu.memory_space<vmem>>) dst(%dma_wait3A_676 : memref<128x128xf32, #tpu.memory_space<hbm>>)
    %dma_wait3A_677 = arith.constant 256 : i32
    %dma_wait3A_678 = arith.constant 0 : i32
    %dma_wait3A_679 = tpu.memref_slice %arg4[%add3A_499, %dma_wait3A_677, %dma_wait3A_678] : memref<512x512x256xf32, #tpu.memory_space<hbm>> -> memref<1x128x128xf32, #tpu.memory_space<hbm>>
    %dma_wait3A_680 = tpu.memref_squeeze %dma_wait3A_679 : memref<1x128x128xf32, #tpu.memory_space<hbm>> -> memref<128x128xf32, #tpu.memory_space<hbm>>
    %dma_wait3A_681 = arith.constant 256 : i32
    %dma_wait3A_682 = arith.constant 0 : i32
    %dma_wait3A_683 = tpu.memref_slice %arg4[%add3A_499, %dma_wait3A_681, %dma_wait3A_682] : memref<512x512x256xf32, #tpu.memory_space<hbm>> -> memref<1x128x128xf32, #tpu.memory_space<hbm>>
    %dma_wait3A_684 = tpu.memref_squeeze %dma_wait3A_683 : memref<1x128x128xf32, #tpu.memory_space<hbm>> -> memref<128x128xf32, #tpu.memory_space<hbm>>
    tpu.wait_dma2 semaphore(%arg9 : memref<!tpu.dma_semaphore, #tpu.memory_space<semaphore_mem>>) src(%arg7 : memref<128x128xf32, #tpu.memory_space<vmem>>) dst(%dma_wait3A_684 : memref<128x128xf32, #tpu.memory_space<hbm>>)
    %dma_wait3A_685 = arith.constant 384 : i32
    %dma_wait3A_686 = arith.constant 0 : i32
    %dma_wait3A_687 = tpu.memref_slice %arg4[%add3A_499, %dma_wait3A_685, %dma_wait3A_686] : memref<512x512x256xf32, #tpu.memory_space<hbm>> -> memref<1x128x128xf32, #tpu.memory_space<hbm>>
    %dma_wait3A_688 = tpu.memref_squeeze %dma_wait3A_687 : memref<1x128x128xf32, #tpu.memory_space<hbm>> -> memref<128x128xf32, #tpu.memory_space<hbm>>
    %dma_wait3A_689 = arith.constant 384 : i32
    %dma_wait3A_690 = arith.constant 0 : i32
    %dma_wait3A_691 = tpu.memref_slice %arg4[%add3A_499, %dma_wait3A_689, %dma_wait3A_690] : memref<512x512x256xf32, #tpu.memory_space<hbm>> -> memref<1x128x128xf32, #tpu.memory_space<hbm>>
    %dma_wait3A_692 = tpu.memref_squeeze %dma_wait3A_691 : memref<1x128x128xf32, #tpu.memory_space<hbm>> -> memref<128x128xf32, #tpu.memory_space<hbm>>
    tpu.wait_dma2 semaphore(%arg9 : memref<!tpu.dma_semaphore, #tpu.memory_space<semaphore_mem>>) src(%arg7 : memref<128x128xf32, #tpu.memory_space<vmem>>) dst(%dma_wait3A_692 : memref<128x128xf32, #tpu.memory_space<hbm>>)
    %get3A_693 = arith.constant 6 : i32
    %get3A_694 = arith.index_cast %get3A_693 : i32 to index
    %get3A_695 = arith.constant 0 : index
    %get3A_696 = tpu.vector_load %arg5[%get3A_694, %get3A_695] {strides = array<i32>} : memref<16x128xf32, #tpu.memory_space<vmem>>, vector<1x16xf32>,
    %get3A_697 = vector.shape_cast %get3A_696 : vector<1x16xf32> to vector<16xf32>
    %get3A_698 = arith.constant 6 : i32
    %get3A_699 = arith.index_cast %get3A_698 : i32 to index
    %get3A_700 = arith.constant 16 : index
    %get3A_701 = tpu.vector_load %arg5[%get3A_699, %get3A_700] {strides = array<i32>} : memref<16x128xf32, #tpu.memory_space<vmem>>, vector<1x16xf32>,
    %get3A_702 = vector.shape_cast %get3A_701 : vector<1x16xf32> to vector<16xf32>
    %get3A_703 = arith.constant 6 : i32
    %get3A_704 = arith.index_cast %get3A_703 : i32 to index
    %get3A_705 = arith.constant 32 : index
    %get3A_706 = tpu.vector_load %arg5[%get3A_704, %get3A_705] {strides = array<i32>} : memref<16x128xf32, #tpu.memory_space<vmem>>, vector<1x16xf32>,
    %get3A_707 = vector.shape_cast %get3A_706 : vector<1x16xf32> to vector<16xf32>
    %get3A_708 = arith.constant 6 : i32
    %get3A_709 = arith.index_cast %get3A_708 : i32 to index
    %get3A_710 = arith.constant 48 : index
    %get3A_711 = tpu.vector_load %arg5[%get3A_709, %get3A_710] {strides = array<i32>} : memref<16x128xf32, #tpu.memory_space<vmem>>, vector<1x16xf32>,
    %get3A_712 = vector.shape_cast %get3A_711 : vector<1x16xf32> to vector<16xf32>
    %get3A_713 = arith.constant 6 : i32
    %get3A_714 = arith.index_cast %get3A_713 : i32 to index
    %get3A_715 = arith.constant 64 : index
    %get3A_716 = tpu.vector_load %arg5[%get3A_714, %get3A_715] {strides = array<i32>} : memref<16x128xf32, #tpu.memory_space<vmem>>, vector<1x16xf32>,
    %get3A_717 = vector.shape_cast %get3A_716 : vector<1x16xf32> to vector<16xf32>
    %get3A_718 = arith.constant 6 : i32
    %get3A_719 = arith.index_cast %get3A_718 : i32 to index
    %get3A_720 = arith.constant 80 : index
    %get3A_721 = tpu.vector_load %arg5[%get3A_719, %get3A_720] {strides = array<i32>} : memref<16x128xf32, #tpu.memory_space<vmem>>, vector<1x16xf32>,
    %get3A_722 = vector.shape_cast %get3A_721 : vector<1x16xf32> to vector<16xf32>
    %get3A_723 = arith.constant 6 : i32
    %get3A_724 = arith.index_cast %get3A_723 : i32 to index
    %get3A_725 = arith.constant 96 : index
    %get3A_726 = tpu.vector_load %arg5[%get3A_724, %get3A_725] {strides = array<i32>} : memref<16x128xf32, #tpu.memory_space<vmem>>, vector<1x16xf32>,
    %get3A_727 = vector.shape_cast %get3A_726 : vector<1x16xf32> to vector<16xf32>
    %get3A_728 = arith.constant 6 : i32
    %get3A_729 = arith.index_cast %get3A_728 : i32 to index
    %get3A_730 = arith.constant 112 : index
    %get3A_731 = tpu.vector_load %arg5[%get3A_729, %get3A_730] {strides = array<i32>} : memref<16x128xf32, #tpu.memory_space<vmem>>, vector<1x16xf32>,
    %get3A_732 = vector.shape_cast %get3A_731 : vector<1x16xf32> to vector<16xf32>
    %scan3A_733 = arith.constant 0 : i32
    %scan3A_734 = arith.constant 0 : i32
    %scan3A_735 = arith.constant 128 : i32
    %scan3A_736 = arith.addi %scan3A_734, %scan3A_735 : i32
    %scan3A_737 = arith.constant 1 : i32
    %scan3A_738 = scf.for %scan3A_2063 = %scan3A_734 to %scan3A_736 step %scan3A_737 iter_args(%scan3A_2064 = %scan3A_733) -> (i32)  : i32 {
      %swap3A = arith.index_cast %scan3A_2063 : i32 to index
      %swap3A_2065 = arith.constant 0 : index
      %swap3A_2066 = tpu.vector_load %arg7[%swap3A, %swap3A_2065] {strides = array<i32>} : memref<128x128xf32, #tpu.memory_space<vmem>>, vector<1x16xf32>,
      %swap3A_2067 = vector.shape_cast %swap3A_2066 : vector<1x16xf32> to vector<16xf32>
      %swap3A_2068 = vector.shape_cast %get3A_697 : vector<16xf32> to vector<1x16xf32>
      tpu.vector_store %arg7[%swap3A, %swap3A_2065], %swap3A_2068 {strides = array<i32>} : memref<128x128xf32, #tpu.memory_space<vmem>>, vector<1x16xf32>,
      %swap3A_2069 = arith.index_cast %scan3A_2063 : i32 to index
      %swap3A_2070 = arith.constant 16 : index
      %swap3A_2071 = tpu.vector_load %arg7[%swap3A_2069, %swap3A_2070] {strides = array<i32>} : memref<128x128xf32, #tpu.memory_space<vmem>>, vector<1x16xf32>,
      %swap3A_2072 = vector.shape_cast %swap3A_2071 : vector<1x16xf32> to vector<16xf32>
      %swap3A_2073 = vector.shape_cast %get3A_702 : vector<16xf32> to vector<1x16xf32>
      tpu.vector_store %arg7[%swap3A_2069, %swap3A_2070], %swap3A_2073 {strides = array<i32>} : memref<128x128xf32, #tpu.memory_space<vmem>>, vector<1x16xf32>,
      %swap3A_2074 = arith.index_cast %scan3A_2063 : i32 to index
      %swap3A_2075 = arith.constant 32 : index
      %swap3A_2076 = tpu.vector_load %arg7[%swap3A_2074, %swap3A_2075] {strides = array<i32>} : memref<128x128xf32, #tpu.memory_space<vmem>>, vector<1x16xf32>,
      %swap3A_2077 = vector.shape_cast %swap3A_2076 : vector<1x16xf32> to vector<16xf32>
      %swap3A_2078 = vector.shape_cast %get3A_707 : vector<16xf32> to vector<1x16xf32>
      tpu.vector_store %arg7[%swap3A_2074, %swap3A_2075], %swap3A_2078 {strides = array<i32>} : memref<128x128xf32, #tpu.memory_space<vmem>>, vector<1x16xf32>,
      %swap3A_2079 = arith.index_cast %scan3A_2063 : i32 to index
      %swap3A_2080 = arith.constant 48 : index
      %swap3A_2081 = tpu.vector_load %arg7[%swap3A_2079, %swap3A_2080] {strides = array<i32>} : memref<128x128xf32, #tpu.memory_space<vmem>>, vector<1x16xf32>,
      %swap3A_2082 = vector.shape_cast %swap3A_2081 : vector<1x16xf32> to vector<16xf32>
      %swap3A_2083 = vector.shape_cast %get3A_712 : vector<16xf32> to vector<1x16xf32>
      tpu.vector_store %arg7[%swap3A_2079, %swap3A_2080], %swap3A_2083 {strides = array<i32>} : memref<128x128xf32, #tpu.memory_space<vmem>>, vector<1x16xf32>,
      %swap3A_2084 = arith.index_cast %scan3A_2063 : i32 to index
      %swap3A_2085 = arith.constant 64 : index
      %swap3A_2086 = tpu.vector_load %arg7[%swap3A_2084, %swap3A_2085] {strides = array<i32>} : memref<128x128xf32, #tpu.memory_space<vmem>>, vector<1x16xf32>,
      %swap3A_2087 = vector.shape_cast %swap3A_2086 : vector<1x16xf32> to vector<16xf32>
      %swap3A_2088 = vector.shape_cast %get3A_717 : vector<16xf32> to vector<1x16xf32>
      tpu.vector_store %arg7[%swap3A_2084, %swap3A_2085], %swap3A_2088 {strides = array<i32>} : memref<128x128xf32, #tpu.memory_space<vmem>>, vector<1x16xf32>,
      %swap3A_2089 = arith.index_cast %scan3A_2063 : i32 to index
      %swap3A_2090 = arith.constant 80 : index
      %swap3A_2091 = tpu.vector_load %arg7[%swap3A_2089, %swap3A_2090] {strides = array<i32>} : memref<128x128xf32, #tpu.memory_space<vmem>>, vector<1x16xf32>,
      %swap3A_2092 = vector.shape_cast %swap3A_2091 : vector<1x16xf32> to vector<16xf32>
      %swap3A_2093 = vector.shape_cast %get3A_722 : vector<16xf32> to vector<1x16xf32>
      tpu.vector_store %arg7[%swap3A_2089, %swap3A_2090], %swap3A_2093 {strides = array<i32>} : memref<128x128xf32, #tpu.memory_space<vmem>>, vector<1x16xf32>,
      %swap3A_2094 = arith.index_cast %scan3A_2063 : i32 to index
      %swap3A_2095 = arith.constant 96 : index
      %swap3A_2096 = tpu.vector_load %arg7[%swap3A_2094, %swap3A_2095] {strides = array<i32>} : memref<128x128xf32, #tpu.memory_space<vmem>>, vector<1x16xf32>,
      %swap3A_2097 = vector.shape_cast %swap3A_2096 : vector<1x16xf32> to vector<16xf32>
      %swap3A_2098 = vector.shape_cast %get3A_727 : vector<16xf32> to vector<1x16xf32>
      tpu.vector_store %arg7[%swap3A_2094, %swap3A_2095], %swap3A_2098 {strides = array<i32>} : memref<128x128xf32, #tpu.memory_space<vmem>>, vector<1x16xf32>,
      %swap3A_2099 = arith.index_cast %scan3A_2063 : i32 to index
      %swap3A_2100 = arith.constant 112 : index
      %swap3A_2101 = tpu.vector_load %arg7[%swap3A_2099, %swap3A_2100] {strides = array<i32>} : memref<128x128xf32, #tpu.memory_space<vmem>>, vector<1x16xf32>,
      %swap3A_2102 = vector.shape_cast %swap3A_2101 : vector<1x16xf32> to vector<16xf32>
      %swap3A_2103 = vector.shape_cast %get3A_732 : vector<16xf32> to vector<1x16xf32>
      tpu.vector_store %arg7[%swap3A_2099, %swap3A_2100], %swap3A_2103 {strides = array<i32>} : memref<128x128xf32, #tpu.memory_space<vmem>>, vector<1x16xf32>,
      %scan3A_2104 = arith.constant 0 : i32
      scf.yield %scan3A_2104 : i32
    }
    %scan3A_739 = arith.constant 128 : i32
    %add3A_740 = arith.constant 6 : i32
    %add3A_741 = arith.addi %mul3A_2, %add3A_740 : i32
    %dma_start3A_742 = arith.constant 0 : i32
    %dma_start3A_743 = arith.constant 128 : i32
    %dma_start3A_744 = tpu.memref_slice %arg4[%add3A_741, %dma_start3A_742, %dma_start3A_743] : memref<512x512x256xf32, #tpu.memory_space<hbm>> -> memref<1x512x128xf32, #tpu.memory_space<hbm>>
    %dma_start3A_745 = tpu.memref_squeeze %dma_start3A_744 : memref<1x512x128xf32, #tpu.memory_space<hbm>> -> memref<512x128xf32, #tpu.memory_space<hbm>>
    %dma_start3A_746 = arith.constant 0 : i32
    %dma_start3A_747 = arith.constant 128 : i32
    %dma_start3A_748 = tpu.memref_slice %arg4[%add3A_741, %dma_start3A_746, %dma_start3A_747] : memref<512x512x256xf32, #tpu.memory_space<hbm>> -> memref<1x512x128xf32, #tpu.memory_space<hbm>>
    %dma_start3A_749 = tpu.memref_squeeze %dma_start3A_748 : memref<1x512x128xf32, #tpu.memory_space<hbm>> -> memref<512x128xf32, #tpu.memory_space<hbm>>
    tpu.enqueue_dma source(%arg6 : memref<512x128xf32, #tpu.memory_space<vmem>>) target(%dma_start3A_749 : memref<512x128xf32, #tpu.memory_space<hbm>>) target_semaphore(%arg11 : memref<!tpu.dma_semaphore, #tpu.memory_space<semaphore_mem>>)
    %dma_start3A_750 = arith.constant 0 : i32
    %dma_start3A_751 = arith.constant 0 : i32
    %dma_start3A_752 = tpu.memref_slice %arg4[%add3A_741, %dma_start3A_750, %dma_start3A_751] : memref<512x512x256xf32, #tpu.memory_space<hbm>> -> memref<1x128x128xf32, #tpu.memory_space<hbm>>
    %dma_start3A_753 = tpu.memref_squeeze %dma_start3A_752 : memref<1x128x128xf32, #tpu.memory_space<hbm>> -> memref<128x128xf32, #tpu.memory_space<hbm>>
    %dma_start3A_754 = arith.constant 0 : i32
    %dma_start3A_755 = arith.constant 0 : i32
    %dma_start3A_756 = tpu.memref_slice %arg4[%add3A_741, %dma_start3A_754, %dma_start3A_755] : memref<512x512x256xf32, #tpu.memory_space<hbm>> -> memref<1x128x128xf32, #tpu.memory_space<hbm>>
    %dma_start3A_757 = tpu.memref_squeeze %dma_start3A_756 : memref<1x128x128xf32, #tpu.memory_space<hbm>> -> memref<128x128xf32, #tpu.memory_space<hbm>>
    tpu.enqueue_dma source(%arg7 : memref<128x128xf32, #tpu.memory_space<vmem>>) target(%dma_start3A_757 : memref<128x128xf32, #tpu.memory_space<hbm>>) target_semaphore(%arg9 : memref<!tpu.dma_semaphore, #tpu.memory_space<semaphore_mem>>)
    %dma_start3A_758 = arith.constant 128 : i32
    %dma_start3A_759 = arith.constant 0 : i32
    %dma_start3A_760 = tpu.memref_slice %arg4[%add3A_741, %dma_start3A_758, %dma_start3A_759] : memref<512x512x256xf32, #tpu.memory_space<hbm>> -> memref<1x128x128xf32, #tpu.memory_space<hbm>>
    %dma_start3A_761 = tpu.memref_squeeze %dma_start3A_760 : memref<1x128x128xf32, #tpu.memory_space<hbm>> -> memref<128x128xf32, #tpu.memory_space<hbm>>
    %dma_start3A_762 = arith.constant 128 : i32
    %dma_start3A_763 = arith.constant 0 : i32
    %dma_start3A_764 = tpu.memref_slice %arg4[%add3A_741, %dma_start3A_762, %dma_start3A_763] : memref<512x512x256xf32, #tpu.memory_space<hbm>> -> memref<1x128x128xf32, #tpu.memory_space<hbm>>
    %dma_start3A_765 = tpu.memref_squeeze %dma_start3A_764 : memref<1x128x128xf32, #tpu.memory_space<hbm>> -> memref<128x128xf32, #tpu.memory_space<hbm>>
    tpu.enqueue_dma source(%arg7 : memref<128x128xf32, #tpu.memory_space<vmem>>) target(%dma_start3A_765 : memref<128x128xf32, #tpu.memory_space<hbm>>) target_semaphore(%arg9 : memref<!tpu.dma_semaphore, #tpu.memory_space<semaphore_mem>>)
    %dma_start3A_766 = arith.constant 256 : i32
    %dma_start3A_767 = arith.constant 0 : i32
    %dma_start3A_768 = tpu.memref_slice %arg4[%add3A_741, %dma_start3A_766, %dma_start3A_767] : memref<512x512x256xf32, #tpu.memory_space<hbm>> -> memref<1x128x128xf32, #tpu.memory_space<hbm>>
    %dma_start3A_769 = tpu.memref_squeeze %dma_start3A_768 : memref<1x128x128xf32, #tpu.memory_space<hbm>> -> memref<128x128xf32, #tpu.memory_space<hbm>>
    %dma_start3A_770 = arith.constant 256 : i32
    %dma_start3A_771 = arith.constant 0 : i32
    %dma_start3A_772 = tpu.memref_slice %arg4[%add3A_741, %dma_start3A_770, %dma_start3A_771] : memref<512x512x256xf32, #tpu.memory_space<hbm>> -> memref<1x128x128xf32, #tpu.memory_space<hbm>>
    %dma_start3A_773 = tpu.memref_squeeze %dma_start3A_772 : memref<1x128x128xf32, #tpu.memory_space<hbm>> -> memref<128x128xf32, #tpu.memory_space<hbm>>
    tpu.enqueue_dma source(%arg7 : memref<128x128xf32, #tpu.memory_space<vmem>>) target(%dma_start3A_773 : memref<128x128xf32, #tpu.memory_space<hbm>>) target_semaphore(%arg9 : memref<!tpu.dma_semaphore, #tpu.memory_space<semaphore_mem>>)
    %dma_start3A_774 = arith.constant 384 : i32
    %dma_start3A_775 = arith.constant 0 : i32
    %dma_start3A_776 = tpu.memref_slice %arg4[%add3A_741, %dma_start3A_774, %dma_start3A_775] : memref<512x512x256xf32, #tpu.memory_space<hbm>> -> memref<1x128x128xf32, #tpu.memory_space<hbm>>
    %dma_start3A_777 = tpu.memref_squeeze %dma_start3A_776 : memref<1x128x128xf32, #tpu.memory_space<hbm>> -> memref<128x128xf32, #tpu.memory_space<hbm>>
    %dma_start3A_778 = arith.constant 384 : i32
    %dma_start3A_779 = arith.constant 0 : i32
    %dma_start3A_780 = tpu.memref_slice %arg4[%add3A_741, %dma_start3A_778, %dma_start3A_779] : memref<512x512x256xf32, #tpu.memory_space<hbm>> -> memref<1x128x128xf32, #tpu.memory_space<hbm>>
    %dma_start3A_781 = tpu.memref_squeeze %dma_start3A_780 : memref<1x128x128xf32, #tpu.memory_space<hbm>> -> memref<128x128xf32, #tpu.memory_space<hbm>>
    tpu.enqueue_dma source(%arg7 : memref<128x128xf32, #tpu.memory_space<vmem>>) target(%dma_start3A_781 : memref<128x128xf32, #tpu.memory_space<hbm>>) target_semaphore(%arg9 : memref<!tpu.dma_semaphore, #tpu.memory_space<semaphore_mem>>)
    %dma_wait3A_782 = arith.constant 0 : i32
    %dma_wait3A_783 = arith.constant 0 : i32
    %dma_wait3A_784 = tpu.memref_slice %arg4[%add3A_620, %dma_wait3A_782, %dma_wait3A_783] : memref<512x512x256xf32, #tpu.memory_space<hbm>> -> memref<1x128x128xf32, #tpu.memory_space<hbm>>
    %dma_wait3A_785 = tpu.memref_squeeze %dma_wait3A_784 : memref<1x128x128xf32, #tpu.memory_space<hbm>> -> memref<128x128xf32, #tpu.memory_space<hbm>>
    %dma_wait3A_786 = arith.constant 0 : i32
    %dma_wait3A_787 = arith.constant 0 : i32
    %dma_wait3A_788 = tpu.memref_slice %arg4[%add3A_620, %dma_wait3A_786, %dma_wait3A_787] : memref<512x512x256xf32, #tpu.memory_space<hbm>> -> memref<1x128x128xf32, #tpu.memory_space<hbm>>
    %dma_wait3A_789 = tpu.memref_squeeze %dma_wait3A_788 : memref<1x128x128xf32, #tpu.memory_space<hbm>> -> memref<128x128xf32, #tpu.memory_space<hbm>>
    tpu.wait_dma2 semaphore(%arg10 : memref<!tpu.dma_semaphore, #tpu.memory_space<semaphore_mem>>) src(%arg8 : memref<128x128xf32, #tpu.memory_space<vmem>>) dst(%dma_wait3A_789 : memref<128x128xf32, #tpu.memory_space<hbm>>)
    %dma_wait3A_790 = arith.constant 128 : i32
    %dma_wait3A_791 = arith.constant 0 : i32
    %dma_wait3A_792 = tpu.memref_slice %arg4[%add3A_620, %dma_wait3A_790, %dma_wait3A_791] : memref<512x512x256xf32, #tpu.memory_space<hbm>> -> memref<1x128x128xf32, #tpu.memory_space<hbm>>
    %dma_wait3A_793 = tpu.memref_squeeze %dma_wait3A_792 : memref<1x128x128xf32, #tpu.memory_space<hbm>> -> memref<128x128xf32, #tpu.memory_space<hbm>>
    %dma_wait3A_794 = arith.constant 128 : i32
    %dma_wait3A_795 = arith.constant 0 : i32
    %dma_wait3A_796 = tpu.memref_slice %arg4[%add3A_620, %dma_wait3A_794, %dma_wait3A_795] : memref<512x512x256xf32, #tpu.memory_space<hbm>> -> memref<1x128x128xf32, #tpu.memory_space<hbm>>
    %dma_wait3A_797 = tpu.memref_squeeze %dma_wait3A_796 : memref<1x128x128xf32, #tpu.memory_space<hbm>> -> memref<128x128xf32, #tpu.memory_space<hbm>>
    tpu.wait_dma2 semaphore(%arg10 : memref<!tpu.dma_semaphore, #tpu.memory_space<semaphore_mem>>) src(%arg8 : memref<128x128xf32, #tpu.memory_space<vmem>>) dst(%dma_wait3A_797 : memref<128x128xf32, #tpu.memory_space<hbm>>)
    %dma_wait3A_798 = arith.constant 256 : i32
    %dma_wait3A_799 = arith.constant 0 : i32
    %dma_wait3A_800 = tpu.memref_slice %arg4[%add3A_620, %dma_wait3A_798, %dma_wait3A_799] : memref<512x512x256xf32, #tpu.memory_space<hbm>> -> memref<1x128x128xf32, #tpu.memory_space<hbm>>
    %dma_wait3A_801 = tpu.memref_squeeze %dma_wait3A_800 : memref<1x128x128xf32, #tpu.memory_space<hbm>> -> memref<128x128xf32, #tpu.memory_space<hbm>>
    %dma_wait3A_802 = arith.constant 256 : i32
    %dma_wait3A_803 = arith.constant 0 : i32
    %dma_wait3A_804 = tpu.memref_slice %arg4[%add3A_620, %dma_wait3A_802, %dma_wait3A_803] : memref<512x512x256xf32, #tpu.memory_space<hbm>> -> memref<1x128x128xf32, #tpu.memory_space<hbm>>
    %dma_wait3A_805 = tpu.memref_squeeze %dma_wait3A_804 : memref<1x128x128xf32, #tpu.memory_space<hbm>> -> memref<128x128xf32, #tpu.memory_space<hbm>>
    tpu.wait_dma2 semaphore(%arg10 : memref<!tpu.dma_semaphore, #tpu.memory_space<semaphore_mem>>) src(%arg8 : memref<128x128xf32, #tpu.memory_space<vmem>>) dst(%dma_wait3A_805 : memref<128x128xf32, #tpu.memory_space<hbm>>)
    %dma_wait3A_806 = arith.constant 384 : i32
    %dma_wait3A_807 = arith.constant 0 : i32
    %dma_wait3A_808 = tpu.memref_slice %arg4[%add3A_620, %dma_wait3A_806, %dma_wait3A_807] : memref<512x512x256xf32, #tpu.memory_space<hbm>> -> memref<1x128x128xf32, #tpu.memory_space<hbm>>
    %dma_wait3A_809 = tpu.memref_squeeze %dma_wait3A_808 : memref<1x128x128xf32, #tpu.memory_space<hbm>> -> memref<128x128xf32, #tpu.memory_space<hbm>>
    %dma_wait3A_810 = arith.constant 384 : i32
    %dma_wait3A_811 = arith.constant 0 : i32
    %dma_wait3A_812 = tpu.memref_slice %arg4[%add3A_620, %dma_wait3A_810, %dma_wait3A_811] : memref<512x512x256xf32, #tpu.memory_space<hbm>> -> memref<1x128x128xf32, #tpu.memory_space<hbm>>
    %dma_wait3A_813 = tpu.memref_squeeze %dma_wait3A_812 : memref<1x128x128xf32, #tpu.memory_space<hbm>> -> memref<128x128xf32, #tpu.memory_space<hbm>>
    tpu.wait_dma2 semaphore(%arg10 : memref<!tpu.dma_semaphore, #tpu.memory_space<semaphore_mem>>) src(%arg8 : memref<128x128xf32, #tpu.memory_space<vmem>>) dst(%dma_wait3A_813 : memref<128x128xf32, #tpu.memory_space<hbm>>)
    %get3A_814 = arith.constant 7 : i32
    %get3A_815 = arith.index_cast %get3A_814 : i32 to index
    %get3A_816 = arith.constant 0 : index
    %get3A_817 = tpu.vector_load %arg5[%get3A_815, %get3A_816] {strides = array<i32>} : memref<16x128xf32, #tpu.memory_space<vmem>>, vector<1x16xf32>,
    %get3A_818 = vector.shape_cast %get3A_817 : vector<1x16xf32> to vector<16xf32>
    %get3A_819 = arith.constant 7 : i32
    %get3A_820 = arith.index_cast %get3A_819 : i32 to index
    %get3A_821 = arith.constant 16 : index
    %get3A_822 = tpu.vector_load %arg5[%get3A_820, %get3A_821] {strides = array<i32>} : memref<16x128xf32, #tpu.memory_space<vmem>>, vector<1x16xf32>,
    %get3A_823 = vector.shape_cast %get3A_822 : vector<1x16xf32> to vector<16xf32>
    %get3A_824 = arith.constant 7 : i32
    %get3A_825 = arith.index_cast %get3A_824 : i32 to index
    %get3A_826 = arith.constant 32 : index
    %get3A_827 = tpu.vector_load %arg5[%get3A_825, %get3A_826] {strides = array<i32>} : memref<16x128xf32, #tpu.memory_space<vmem>>, vector<1x16xf32>,
    %get3A_828 = vector.shape_cast %get3A_827 : vector<1x16xf32> to vector<16xf32>
    %get3A_829 = arith.constant 7 : i32
    %get3A_830 = arith.index_cast %get3A_829 : i32 to index
    %get3A_831 = arith.constant 48 : index
    %get3A_832 = tpu.vector_load %arg5[%get3A_830, %get3A_831] {strides = array<i32>} : memref<16x128xf32, #tpu.memory_space<vmem>>, vector<1x16xf32>,
    %get3A_833 = vector.shape_cast %get3A_832 : vector<1x16xf32> to vector<16xf32>
    %get3A_834 = arith.constant 7 : i32
    %get3A_835 = arith.index_cast %get3A_834 : i32 to index
    %get3A_836 = arith.constant 64 : index
    %get3A_837 = tpu.vector_load %arg5[%get3A_835, %get3A_836] {strides = array<i32>} : memref<16x128xf32, #tpu.memory_space<vmem>>, vector<1x16xf32>,
    %get3A_838 = vector.shape_cast %get3A_837 : vector<1x16xf32> to vector<16xf32>
    %get3A_839 = arith.constant 7 : i32
    %get3A_840 = arith.index_cast %get3A_839 : i32 to index
    %get3A_841 = arith.constant 80 : index
    %get3A_842 = tpu.vector_load %arg5[%get3A_840, %get3A_841] {strides = array<i32>} : memref<16x128xf32, #tpu.memory_space<vmem>>, vector<1x16xf32>,
    %get3A_843 = vector.shape_cast %get3A_842 : vector<1x16xf32> to vector<16xf32>
    %get3A_844 = arith.constant 7 : i32
    %get3A_845 = arith.index_cast %get3A_844 : i32 to index
    %get3A_846 = arith.constant 96 : index
    %get3A_847 = tpu.vector_load %arg5[%get3A_845, %get3A_846] {strides = array<i32>} : memref<16x128xf32, #tpu.memory_space<vmem>>, vector<1x16xf32>,
    %get3A_848 = vector.shape_cast %get3A_847 : vector<1x16xf32> to vector<16xf32>
    %get3A_849 = arith.constant 7 : i32
    %get3A_850 = arith.index_cast %get3A_849 : i32 to index
    %get3A_851 = arith.constant 112 : index
    %get3A_852 = tpu.vector_load %arg5[%get3A_850, %get3A_851] {strides = array<i32>} : memref<16x128xf32, #tpu.memory_space<vmem>>, vector<1x16xf32>,
    %get3A_853 = vector.shape_cast %get3A_852 : vector<1x16xf32> to vector<16xf32>
    %scan3A_854 = arith.constant 0 : i32
    %scan3A_855 = arith.constant 0 : i32
    %scan3A_856 = arith.constant 128 : i32
    %scan3A_857 = arith.addi %scan3A_855, %scan3A_856 : i32
    %scan3A_858 = arith.constant 1 : i32
    %scan3A_859 = scf.for %scan3A_2063 = %scan3A_855 to %scan3A_857 step %scan3A_858 iter_args(%scan3A_2064 = %scan3A_854) -> (i32)  : i32 {
      %swap3A = arith.index_cast %scan3A_2063 : i32 to index
      %swap3A_2065 = arith.constant 0 : index
      %swap3A_2066 = tpu.vector_load %arg8[%swap3A, %swap3A_2065] {strides = array<i32>} : memref<128x128xf32, #tpu.memory_space<vmem>>, vector<1x16xf32>,
      %swap3A_2067 = vector.shape_cast %swap3A_2066 : vector<1x16xf32> to vector<16xf32>
      %swap3A_2068 = vector.shape_cast %get3A_818 : vector<16xf32> to vector<1x16xf32>
      tpu.vector_store %arg8[%swap3A, %swap3A_2065], %swap3A_2068 {strides = array<i32>} : memref<128x128xf32, #tpu.memory_space<vmem>>, vector<1x16xf32>,
      %swap3A_2069 = arith.index_cast %scan3A_2063 : i32 to index
      %swap3A_2070 = arith.constant 16 : index
      %swap3A_2071 = tpu.vector_load %arg8[%swap3A_2069, %swap3A_2070] {strides = array<i32>} : memref<128x128xf32, #tpu.memory_space<vmem>>, vector<1x16xf32>,
      %swap3A_2072 = vector.shape_cast %swap3A_2071 : vector<1x16xf32> to vector<16xf32>
      %swap3A_2073 = vector.shape_cast %get3A_823 : vector<16xf32> to vector<1x16xf32>
      tpu.vector_store %arg8[%swap3A_2069, %swap3A_2070], %swap3A_2073 {strides = array<i32>} : memref<128x128xf32, #tpu.memory_space<vmem>>, vector<1x16xf32>,
      %swap3A_2074 = arith.index_cast %scan3A_2063 : i32 to index
      %swap3A_2075 = arith.constant 32 : index
      %swap3A_2076 = tpu.vector_load %arg8[%swap3A_2074, %swap3A_2075] {strides = array<i32>} : memref<128x128xf32, #tpu.memory_space<vmem>>, vector<1x16xf32>,
      %swap3A_2077 = vector.shape_cast %swap3A_2076 : vector<1x16xf32> to vector<16xf32>
      %swap3A_2078 = vector.shape_cast %get3A_828 : vector<16xf32> to vector<1x16xf32>
      tpu.vector_store %arg8[%swap3A_2074, %swap3A_2075], %swap3A_2078 {strides = array<i32>} : memref<128x128xf32, #tpu.memory_space<vmem>>, vector<1x16xf32>,
      %swap3A_2079 = arith.index_cast %scan3A_2063 : i32 to index
      %swap3A_2080 = arith.constant 48 : index
      %swap3A_2081 = tpu.vector_load %arg8[%swap3A_2079, %swap3A_2080] {strides = array<i32>} : memref<128x128xf32, #tpu.memory_space<vmem>>, vector<1x16xf32>,
      %swap3A_2082 = vector.shape_cast %swap3A_2081 : vector<1x16xf32> to vector<16xf32>
      %swap3A_2083 = vector.shape_cast %get3A_833 : vector<16xf32> to vector<1x16xf32>
      tpu.vector_store %arg8[%swap3A_2079, %swap3A_2080], %swap3A_2083 {strides = array<i32>} : memref<128x128xf32, #tpu.memory_space<vmem>>, vector<1x16xf32>,
      %swap3A_2084 = arith.index_cast %scan3A_2063 : i32 to index
      %swap3A_2085 = arith.constant 64 : index
      %swap3A_2086 = tpu.vector_load %arg8[%swap3A_2084, %swap3A_2085] {strides = array<i32>} : memref<128x128xf32, #tpu.memory_space<vmem>>, vector<1x16xf32>,
      %swap3A_2087 = vector.shape_cast %swap3A_2086 : vector<1x16xf32> to vector<16xf32>
      %swap3A_2088 = vector.shape_cast %get3A_838 : vector<16xf32> to vector<1x16xf32>
      tpu.vector_store %arg8[%swap3A_2084, %swap3A_2085], %swap3A_2088 {strides = array<i32>} : memref<128x128xf32, #tpu.memory_space<vmem>>, vector<1x16xf32>,
      %swap3A_2089 = arith.index_cast %scan3A_2063 : i32 to index
      %swap3A_2090 = arith.constant 80 : index
      %swap3A_2091 = tpu.vector_load %arg8[%swap3A_2089, %swap3A_2090] {strides = array<i32>} : memref<128x128xf32, #tpu.memory_space<vmem>>, vector<1x16xf32>,
      %swap3A_2092 = vector.shape_cast %swap3A_2091 : vector<1x16xf32> to vector<16xf32>
      %swap3A_2093 = vector.shape_cast %get3A_843 : vector<16xf32> to vector<1x16xf32>
      tpu.vector_store %arg8[%swap3A_2089, %swap3A_2090], %swap3A_2093 {strides = array<i32>} : memref<128x128xf32, #tpu.memory_space<vmem>>, vector<1x16xf32>,
      %swap3A_2094 = arith.index_cast %scan3A_2063 : i32 to index
      %swap3A_2095 = arith.constant 96 : index
      %swap3A_2096 = tpu.vector_load %arg8[%swap3A_2094, %swap3A_2095] {strides = array<i32>} : memref<128x128xf32, #tpu.memory_space<vmem>>, vector<1x16xf32>,
      %swap3A_2097 = vector.shape_cast %swap3A_2096 : vector<1x16xf32> to vector<16xf32>
      %swap3A_2098 = vector.shape_cast %get3A_848 : vector<16xf32> to vector<1x16xf32>
      tpu.vector_store %arg8[%swap3A_2094, %swap3A_2095], %swap3A_2098 {strides = array<i32>} : memref<128x128xf32, #tpu.memory_space<vmem>>, vector<1x16xf32>,
      %swap3A_2099 = arith.index_cast %scan3A_2063 : i32 to index
      %swap3A_2100 = arith.constant 112 : index
      %swap3A_2101 = tpu.vector_load %arg8[%swap3A_2099, %swap3A_2100] {strides = array<i32>} : memref<128x128xf32, #tpu.memory_space<vmem>>, vector<1x16xf32>,
      %swap3A_2102 = vector.shape_cast %swap3A_2101 : vector<1x16xf32> to vector<16xf32>
      %swap3A_2103 = vector.shape_cast %get3A_853 : vector<16xf32> to vector<1x16xf32>
      tpu.vector_store %arg8[%swap3A_2099, %swap3A_2100], %swap3A_2103 {strides = array<i32>} : memref<128x128xf32, #tpu.memory_space<vmem>>, vector<1x16xf32>,
      %scan3A_2104 = arith.constant 0 : i32
      scf.yield %scan3A_2104 : i32
    }
    %scan3A_860 = arith.constant 128 : i32
    %add3A_861 = arith.constant 7 : i32
    %add3A_862 = arith.addi %mul3A_2, %add3A_861 : i32
    %dma_start3A_863 = arith.constant 0 : i32
    %dma_start3A_864 = arith.constant 128 : i32
    %dma_start3A_865 = tpu.memref_slice %arg4[%add3A_862, %dma_start3A_863, %dma_start3A_864] : memref<512x512x256xf32, #tpu.memory_space<hbm>> -> memref<1x512x128xf32, #tpu.memory_space<hbm>>
    %dma_start3A_866 = tpu.memref_squeeze %dma_start3A_865 : memref<1x512x128xf32, #tpu.memory_space<hbm>> -> memref<512x128xf32, #tpu.memory_space<hbm>>
    %dma_start3A_867 = arith.constant 0 : i32
    %dma_start3A_868 = arith.constant 128 : i32
    %dma_start3A_869 = tpu.memref_slice %arg4[%add3A_862, %dma_start3A_867, %dma_start3A_868] : memref<512x512x256xf32, #tpu.memory_space<hbm>> -> memref<1x512x128xf32, #tpu.memory_space<hbm>>
    %dma_start3A_870 = tpu.memref_squeeze %dma_start3A_869 : memref<1x512x128xf32, #tpu.memory_space<hbm>> -> memref<512x128xf32, #tpu.memory_space<hbm>>
    tpu.enqueue_dma source(%arg6 : memref<512x128xf32, #tpu.memory_space<vmem>>) target(%dma_start3A_870 : memref<512x128xf32, #tpu.memory_space<hbm>>) target_semaphore(%arg11 : memref<!tpu.dma_semaphore, #tpu.memory_space<semaphore_mem>>)
    %dma_start3A_871 = arith.constant 0 : i32
    %dma_start3A_872 = arith.constant 0 : i32
    %dma_start3A_873 = tpu.memref_slice %arg4[%add3A_862, %dma_start3A_871, %dma_start3A_872] : memref<512x512x256xf32, #tpu.memory_space<hbm>> -> memref<1x128x128xf32, #tpu.memory_space<hbm>>
    %dma_start3A_874 = tpu.memref_squeeze %dma_start3A_873 : memref<1x128x128xf32, #tpu.memory_space<hbm>> -> memref<128x128xf32, #tpu.memory_space<hbm>>
    %dma_start3A_875 = arith.constant 0 : i32
    %dma_start3A_876 = arith.constant 0 : i32
    %dma_start3A_877 = tpu.memref_slice %arg4[%add3A_862, %dma_start3A_875, %dma_start3A_876] : memref<512x512x256xf32, #tpu.memory_space<hbm>> -> memref<1x128x128xf32, #tpu.memory_space<hbm>>
    %dma_start3A_878 = tpu.memref_squeeze %dma_start3A_877 : memref<1x128x128xf32, #tpu.memory_space<hbm>> -> memref<128x128xf32, #tpu.memory_space<hbm>>
    tpu.enqueue_dma source(%arg8 : memref<128x128xf32, #tpu.memory_space<vmem>>) target(%dma_start3A_878 : memref<128x128xf32, #tpu.memory_space<hbm>>) target_semaphore(%arg10 : memref<!tpu.dma_semaphore, #tpu.memory_space<semaphore_mem>>)
    %dma_start3A_879 = arith.constant 128 : i32
    %dma_start3A_880 = arith.constant 0 : i32
    %dma_start3A_881 = tpu.memref_slice %arg4[%add3A_862, %dma_start3A_879, %dma_start3A_880] : memref<512x512x256xf32, #tpu.memory_space<hbm>> -> memref<1x128x128xf32, #tpu.memory_space<hbm>>
    %dma_start3A_882 = tpu.memref_squeeze %dma_start3A_881 : memref<1x128x128xf32, #tpu.memory_space<hbm>> -> memref<128x128xf32, #tpu.memory_space<hbm>>
    %dma_start3A_883 = arith.constant 128 : i32
    %dma_start3A_884 = arith.constant 0 : i32
    %dma_start3A_885 = tpu.memref_slice %arg4[%add3A_862, %dma_start3A_883, %dma_start3A_884] : memref<512x512x256xf32, #tpu.memory_space<hbm>> -> memref<1x128x128xf32, #tpu.memory_space<hbm>>
    %dma_start3A_886 = tpu.memref_squeeze %dma_start3A_885 : memref<1x128x128xf32, #tpu.memory_space<hbm>> -> memref<128x128xf32, #tpu.memory_space<hbm>>
    tpu.enqueue_dma source(%arg8 : memref<128x128xf32, #tpu.memory_space<vmem>>) target(%dma_start3A_886 : memref<128x128xf32, #tpu.memory_space<hbm>>) target_semaphore(%arg10 : memref<!tpu.dma_semaphore, #tpu.memory_space<semaphore_mem>>)
    %dma_start3A_887 = arith.constant 256 : i32
    %dma_start3A_888 = arith.constant 0 : i32
    %dma_start3A_889 = tpu.memref_slice %arg4[%add3A_862, %dma_start3A_887, %dma_start3A_888] : memref<512x512x256xf32, #tpu.memory_space<hbm>> -> memref<1x128x128xf32, #tpu.memory_space<hbm>>
    %dma_start3A_890 = tpu.memref_squeeze %dma_start3A_889 : memref<1x128x128xf32, #tpu.memory_space<hbm>> -> memref<128x128xf32, #tpu.memory_space<hbm>>
    %dma_start3A_891 = arith.constant 256 : i32
    %dma_start3A_892 = arith.constant 0 : i32
    %dma_start3A_893 = tpu.memref_slice %arg4[%add3A_862, %dma_start3A_891, %dma_start3A_892] : memref<512x512x256xf32, #tpu.memory_space<hbm>> -> memref<1x128x128xf32, #tpu.memory_space<hbm>>
    %dma_start3A_894 = tpu.memref_squeeze %dma_start3A_893 : memref<1x128x128xf32, #tpu.memory_space<hbm>> -> memref<128x128xf32, #tpu.memory_space<hbm>>
    tpu.enqueue_dma source(%arg8 : memref<128x128xf32, #tpu.memory_space<vmem>>) target(%dma_start3A_894 : memref<128x128xf32, #tpu.memory_space<hbm>>) target_semaphore(%arg10 : memref<!tpu.dma_semaphore, #tpu.memory_space<semaphore_mem>>)
    %dma_start3A_895 = arith.constant 384 : i32
    %dma_start3A_896 = arith.constant 0 : i32
    %dma_start3A_897 = tpu.memref_slice %arg4[%add3A_862, %dma_start3A_895, %dma_start3A_896] : memref<512x512x256xf32, #tpu.memory_space<hbm>> -> memref<1x128x128xf32, #tpu.memory_space<hbm>>
    %dma_start3A_898 = tpu.memref_squeeze %dma_start3A_897 : memref<1x128x128xf32, #tpu.memory_space<hbm>> -> memref<128x128xf32, #tpu.memory_space<hbm>>
    %dma_start3A_899 = arith.constant 384 : i32
    %dma_start3A_900 = arith.constant 0 : i32
    %dma_start3A_901 = tpu.memref_slice %arg4[%add3A_862, %dma_start3A_899, %dma_start3A_900] : memref<512x512x256xf32, #tpu.memory_space<hbm>> -> memref<1x128x128xf32, #tpu.memory_space<hbm>>
    %dma_start3A_902 = tpu.memref_squeeze %dma_start3A_901 : memref<1x128x128xf32, #tpu.memory_space<hbm>> -> memref<128x128xf32, #tpu.memory_space<hbm>>
    tpu.enqueue_dma source(%arg8 : memref<128x128xf32, #tpu.memory_space<vmem>>) target(%dma_start3A_902 : memref<128x128xf32, #tpu.memory_space<hbm>>) target_semaphore(%arg10 : memref<!tpu.dma_semaphore, #tpu.memory_space<semaphore_mem>>)
    %dma_wait3A_903 = arith.constant 0 : i32
    %dma_wait3A_904 = arith.constant 0 : i32
    %dma_wait3A_905 = tpu.memref_slice %arg4[%add3A_741, %dma_wait3A_903, %dma_wait3A_904] : memref<512x512x256xf32, #tpu.memory_space<hbm>> -> memref<1x128x128xf32, #tpu.memory_space<hbm>>
    %dma_wait3A_906 = tpu.memref_squeeze %dma_wait3A_905 : memref<1x128x128xf32, #tpu.memory_space<hbm>> -> memref<128x128xf32, #tpu.memory_space<hbm>>
    %dma_wait3A_907 = arith.constant 0 : i32
    %dma_wait3A_908 = arith.constant 0 : i32
    %dma_wait3A_909 = tpu.memref_slice %arg4[%add3A_741, %dma_wait3A_907, %dma_wait3A_908] : memref<512x512x256xf32, #tpu.memory_space<hbm>> -> memref<1x128x128xf32, #tpu.memory_space<hbm>>
    %dma_wait3A_910 = tpu.memref_squeeze %dma_wait3A_909 : memref<1x128x128xf32, #tpu.memory_space<hbm>> -> memref<128x128xf32, #tpu.memory_space<hbm>>
    tpu.wait_dma2 semaphore(%arg9 : memref<!tpu.dma_semaphore, #tpu.memory_space<semaphore_mem>>) src(%arg7 : memref<128x128xf32, #tpu.memory_space<vmem>>) dst(%dma_wait3A_910 : memref<128x128xf32, #tpu.memory_space<hbm>>)
    %dma_wait3A_911 = arith.constant 128 : i32
    %dma_wait3A_912 = arith.constant 0 : i32
    %dma_wait3A_913 = tpu.memref_slice %arg4[%add3A_741, %dma_wait3A_911, %dma_wait3A_912] : memref<512x512x256xf32, #tpu.memory_space<hbm>> -> memref<1x128x128xf32, #tpu.memory_space<hbm>>
    %dma_wait3A_914 = tpu.memref_squeeze %dma_wait3A_913 : memref<1x128x128xf32, #tpu.memory_space<hbm>> -> memref<128x128xf32, #tpu.memory_space<hbm>>
    %dma_wait3A_915 = arith.constant 128 : i32
    %dma_wait3A_916 = arith.constant 0 : i32
    %dma_wait3A_917 = tpu.memref_slice %arg4[%add3A_741, %dma_wait3A_915, %dma_wait3A_916] : memref<512x512x256xf32, #tpu.memory_space<hbm>> -> memref<1x128x128xf32, #tpu.memory_space<hbm>>
    %dma_wait3A_918 = tpu.memref_squeeze %dma_wait3A_917 : memref<1x128x128xf32, #tpu.memory_space<hbm>> -> memref<128x128xf32, #tpu.memory_space<hbm>>
    tpu.wait_dma2 semaphore(%arg9 : memref<!tpu.dma_semaphore, #tpu.memory_space<semaphore_mem>>) src(%arg7 : memref<128x128xf32, #tpu.memory_space<vmem>>) dst(%dma_wait3A_918 : memref<128x128xf32, #tpu.memory_space<hbm>>)
    %dma_wait3A_919 = arith.constant 256 : i32
    %dma_wait3A_920 = arith.constant 0 : i32
    %dma_wait3A_921 = tpu.memref_slice %arg4[%add3A_741, %dma_wait3A_919, %dma_wait3A_920] : memref<512x512x256xf32, #tpu.memory_space<hbm>> -> memref<1x128x128xf32, #tpu.memory_space<hbm>>
    %dma_wait3A_922 = tpu.memref_squeeze %dma_wait3A_921 : memref<1x128x128xf32, #tpu.memory_space<hbm>> -> memref<128x128xf32, #tpu.memory_space<hbm>>
    %dma_wait3A_923 = arith.constant 256 : i32
    %dma_wait3A_924 = arith.constant 0 : i32
    %dma_wait3A_925 = tpu.memref_slice %arg4[%add3A_741, %dma_wait3A_923, %dma_wait3A_924] : memref<512x512x256xf32, #tpu.memory_space<hbm>> -> memref<1x128x128xf32, #tpu.memory_space<hbm>>
    %dma_wait3A_926 = tpu.memref_squeeze %dma_wait3A_925 : memref<1x128x128xf32, #tpu.memory_space<hbm>> -> memref<128x128xf32, #tpu.memory_space<hbm>>
    tpu.wait_dma2 semaphore(%arg9 : memref<!tpu.dma_semaphore, #tpu.memory_space<semaphore_mem>>) src(%arg7 : memref<128x128xf32, #tpu.memory_space<vmem>>) dst(%dma_wait3A_926 : memref<128x128xf32, #tpu.memory_space<hbm>>)
    %dma_wait3A_927 = arith.constant 384 : i32
    %dma_wait3A_928 = arith.constant 0 : i32
    %dma_wait3A_929 = tpu.memref_slice %arg4[%add3A_741, %dma_wait3A_927, %dma_wait3A_928] : memref<512x512x256xf32, #tpu.memory_space<hbm>> -> memref<1x128x128xf32, #tpu.memory_space<hbm>>
    %dma_wait3A_930 = tpu.memref_squeeze %dma_wait3A_929 : memref<1x128x128xf32, #tpu.memory_space<hbm>> -> memref<128x128xf32, #tpu.memory_space<hbm>>
    %dma_wait3A_931 = arith.constant 384 : i32
    %dma_wait3A_932 = arith.constant 0 : i32
    %dma_wait3A_933 = tpu.memref_slice %arg4[%add3A_741, %dma_wait3A_931, %dma_wait3A_932] : memref<512x512x256xf32, #tpu.memory_space<hbm>> -> memref<1x128x128xf32, #tpu.memory_space<hbm>>
    %dma_wait3A_934 = tpu.memref_squeeze %dma_wait3A_933 : memref<1x128x128xf32, #tpu.memory_space<hbm>> -> memref<128x128xf32, #tpu.memory_space<hbm>>
    tpu.wait_dma2 semaphore(%arg9 : memref<!tpu.dma_semaphore, #tpu.memory_space<semaphore_mem>>) src(%arg7 : memref<128x128xf32, #tpu.memory_space<vmem>>) dst(%dma_wait3A_934 : memref<128x128xf32, #tpu.memory_space<hbm>>)
    %get3A_935 = arith.constant 8 : i32
    %get3A_936 = arith.index_cast %get3A_935 : i32 to index
    %get3A_937 = arith.constant 0 : index
    %get3A_938 = tpu.vector_load %arg5[%get3A_936, %get3A_937] {strides = array<i32>} : memref<16x128xf32, #tpu.memory_space<vmem>>, vector<1x16xf32>,
    %get3A_939 = vector.shape_cast %get3A_938 : vector<1x16xf32> to vector<16xf32>
    %get3A_940 = arith.constant 8 : i32
    %get3A_941 = arith.index_cast %get3A_940 : i32 to index
    %get3A_942 = arith.constant 16 : index
    %get3A_943 = tpu.vector_load %arg5[%get3A_941, %get3A_942] {strides = array<i32>} : memref<16x128xf32, #tpu.memory_space<vmem>>, vector<1x16xf32>,
    %get3A_944 = vector.shape_cast %get3A_943 : vector<1x16xf32> to vector<16xf32>
    %get3A_945 = arith.constant 8 : i32
    %get3A_946 = arith.index_cast %get3A_945 : i32 to index
    %get3A_947 = arith.constant 32 : index
    %get3A_948 = tpu.vector_load %arg5[%get3A_946, %get3A_947] {strides = array<i32>} : memref<16x128xf32, #tpu.memory_space<vmem>>, vector<1x16xf32>,
    %get3A_949 = vector.shape_cast %get3A_948 : vector<1x16xf32> to vector<16xf32>
    %get3A_950 = arith.constant 8 : i32
    %get3A_951 = arith.index_cast %get3A_950 : i32 to index
    %get3A_952 = arith.constant 48 : index
    %get3A_953 = tpu.vector_load %arg5[%get3A_951, %get3A_952] {strides = array<i32>} : memref<16x128xf32, #tpu.memory_space<vmem>>, vector<1x16xf32>,
    %get3A_954 = vector.shape_cast %get3A_953 : vector<1x16xf32> to vector<16xf32>
    %get3A_955 = arith.constant 8 : i32
    %get3A_956 = arith.index_cast %get3A_955 : i32 to index
    %get3A_957 = arith.constant 64 : index
    %get3A_958 = tpu.vector_load %arg5[%get3A_956, %get3A_957] {strides = array<i32>} : memref<16x128xf32, #tpu.memory_space<vmem>>, vector<1x16xf32>,
    %get3A_959 = vector.shape_cast %get3A_958 : vector<1x16xf32> to vector<16xf32>
    %get3A_960 = arith.constant 8 : i32
    %get3A_961 = arith.index_cast %get3A_960 : i32 to index
    %get3A_962 = arith.constant 80 : index
    %get3A_963 = tpu.vector_load %arg5[%get3A_961, %get3A_962] {strides = array<i32>} : memref<16x128xf32, #tpu.memory_space<vmem>>, vector<1x16xf32>,
    %get3A_964 = vector.shape_cast %get3A_963 : vector<1x16xf32> to vector<16xf32>
    %get3A_965 = arith.constant 8 : i32
    %get3A_966 = arith.index_cast %get3A_965 : i32 to index
    %get3A_967 = arith.constant 96 : index
    %get3A_968 = tpu.vector_load %arg5[%get3A_966, %get3A_967] {strides = array<i32>} : memref<16x128xf32, #tpu.memory_space<vmem>>, vector<1x16xf32>,
    %get3A_969 = vector.shape_cast %get3A_968 : vector<1x16xf32> to vector<16xf32>
    %get3A_970 = arith.constant 8 : i32
    %get3A_971 = arith.index_cast %get3A_970 : i32 to index
    %get3A_972 = arith.constant 112 : index
    %get3A_973 = tpu.vector_load %arg5[%get3A_971, %get3A_972] {strides = array<i32>} : memref<16x128xf32, #tpu.memory_space<vmem>>, vector<1x16xf32>,
    %get3A_974 = vector.shape_cast %get3A_973 : vector<1x16xf32> to vector<16xf32>
    %scan3A_975 = arith.constant 0 : i32
    %scan3A_976 = arith.constant 0 : i32
    %scan3A_977 = arith.constant 128 : i32
    %scan3A_978 = arith.addi %scan3A_976, %scan3A_977 : i32
    %scan3A_979 = arith.constant 1 : i32
    %scan3A_980 = scf.for %scan3A_2063 = %scan3A_976 to %scan3A_978 step %scan3A_979 iter_args(%scan3A_2064 = %scan3A_975) -> (i32)  : i32 {
      %swap3A = arith.index_cast %scan3A_2063 : i32 to index
      %swap3A_2065 = arith.constant 0 : index
      %swap3A_2066 = tpu.vector_load %arg7[%swap3A, %swap3A_2065] {strides = array<i32>} : memref<128x128xf32, #tpu.memory_space<vmem>>, vector<1x16xf32>,
      %swap3A_2067 = vector.shape_cast %swap3A_2066 : vector<1x16xf32> to vector<16xf32>
      %swap3A_2068 = vector.shape_cast %get3A_939 : vector<16xf32> to vector<1x16xf32>
      tpu.vector_store %arg7[%swap3A, %swap3A_2065], %swap3A_2068 {strides = array<i32>} : memref<128x128xf32, #tpu.memory_space<vmem>>, vector<1x16xf32>,
      %swap3A_2069 = arith.index_cast %scan3A_2063 : i32 to index
      %swap3A_2070 = arith.constant 16 : index
      %swap3A_2071 = tpu.vector_load %arg7[%swap3A_2069, %swap3A_2070] {strides = array<i32>} : memref<128x128xf32, #tpu.memory_space<vmem>>, vector<1x16xf32>,
      %swap3A_2072 = vector.shape_cast %swap3A_2071 : vector<1x16xf32> to vector<16xf32>
      %swap3A_2073 = vector.shape_cast %get3A_944 : vector<16xf32> to vector<1x16xf32>
      tpu.vector_store %arg7[%swap3A_2069, %swap3A_2070], %swap3A_2073 {strides = array<i32>} : memref<128x128xf32, #tpu.memory_space<vmem>>, vector<1x16xf32>,
      %swap3A_2074 = arith.index_cast %scan3A_2063 : i32 to index
      %swap3A_2075 = arith.constant 32 : index
      %swap3A_2076 = tpu.vector_load %arg7[%swap3A_2074, %swap3A_2075] {strides = array<i32>} : memref<128x128xf32, #tpu.memory_space<vmem>>, vector<1x16xf32>,
      %swap3A_2077 = vector.shape_cast %swap3A_2076 : vector<1x16xf32> to vector<16xf32>
      %swap3A_2078 = vector.shape_cast %get3A_949 : vector<16xf32> to vector<1x16xf32>
      tpu.vector_store %arg7[%swap3A_2074, %swap3A_2075], %swap3A_2078 {strides = array<i32>} : memref<128x128xf32, #tpu.memory_space<vmem>>, vector<1x16xf32>,
      %swap3A_2079 = arith.index_cast %scan3A_2063 : i32 to index
      %swap3A_2080 = arith.constant 48 : index
      %swap3A_2081 = tpu.vector_load %arg7[%swap3A_2079, %swap3A_2080] {strides = array<i32>} : memref<128x128xf32, #tpu.memory_space<vmem>>, vector<1x16xf32>,
      %swap3A_2082 = vector.shape_cast %swap3A_2081 : vector<1x16xf32> to vector<16xf32>
      %swap3A_2083 = vector.shape_cast %get3A_954 : vector<16xf32> to vector<1x16xf32>
      tpu.vector_store %arg7[%swap3A_2079, %swap3A_2080], %swap3A_2083 {strides = array<i32>} : memref<128x128xf32, #tpu.memory_space<vmem>>, vector<1x16xf32>,
      %swap3A_2084 = arith.index_cast %scan3A_2063 : i32 to index
      %swap3A_2085 = arith.constant 64 : index
      %swap3A_2086 = tpu.vector_load %arg7[%swap3A_2084, %swap3A_2085] {strides = array<i32>} : memref<128x128xf32, #tpu.memory_space<vmem>>, vector<1x16xf32>,
      %swap3A_2087 = vector.shape_cast %swap3A_2086 : vector<1x16xf32> to vector<16xf32>
      %swap3A_2088 = vector.shape_cast %get3A_959 : vector<16xf32> to vector<1x16xf32>
      tpu.vector_store %arg7[%swap3A_2084, %swap3A_2085], %swap3A_2088 {strides = array<i32>} : memref<128x128xf32, #tpu.memory_space<vmem>>, vector<1x16xf32>,
      %swap3A_2089 = arith.index_cast %scan3A_2063 : i32 to index
      %swap3A_2090 = arith.constant 80 : index
      %swap3A_2091 = tpu.vector_load %arg7[%swap3A_2089, %swap3A_2090] {strides = array<i32>} : memref<128x128xf32, #tpu.memory_space<vmem>>, vector<1x16xf32>,
      %swap3A_2092 = vector.shape_cast %swap3A_2091 : vector<1x16xf32> to vector<16xf32>
      %swap3A_2093 = vector.shape_cast %get3A_964 : vector<16xf32> to vector<1x16xf32>
      tpu.vector_store %arg7[%swap3A_2089, %swap3A_2090], %swap3A_2093 {strides = array<i32>} : memref<128x128xf32, #tpu.memory_space<vmem>>, vector<1x16xf32>,
      %swap3A_2094 = arith.index_cast %scan3A_2063 : i32 to index
      %swap3A_2095 = arith.constant 96 : index
      %swap3A_2096 = tpu.vector_load %arg7[%swap3A_2094, %swap3A_2095] {strides = array<i32>} : memref<128x128xf32, #tpu.memory_space<vmem>>, vector<1x16xf32>,
      %swap3A_2097 = vector.shape_cast %swap3A_2096 : vector<1x16xf32> to vector<16xf32>
      %swap3A_2098 = vector.shape_cast %get3A_969 : vector<16xf32> to vector<1x16xf32>
      tpu.vector_store %arg7[%swap3A_2094, %swap3A_2095], %swap3A_2098 {strides = array<i32>} : memref<128x128xf32, #tpu.memory_space<vmem>>, vector<1x16xf32>,
      %swap3A_2099 = arith.index_cast %scan3A_2063 : i32 to index
      %swap3A_2100 = arith.constant 112 : index
      %swap3A_2101 = tpu.vector_load %arg7[%swap3A_2099, %swap3A_2100] {strides = array<i32>} : memref<128x128xf32, #tpu.memory_space<vmem>>, vector<1x16xf32>,
      %swap3A_2102 = vector.shape_cast %swap3A_2101 : vector<1x16xf32> to vector<16xf32>
      %swap3A_2103 = vector.shape_cast %get3A_974 : vector<16xf32> to vector<1x16xf32>
      tpu.vector_store %arg7[%swap3A_2099, %swap3A_2100], %swap3A_2103 {strides = array<i32>} : memref<128x128xf32, #tpu.memory_space<vmem>>, vector<1x16xf32>,
      %scan3A_2104 = arith.constant 0 : i32
      scf.yield %scan3A_2104 : i32
    }
    %scan3A_981 = arith.constant 128 : i32
    %add3A_982 = arith.constant 8 : i32
    %add3A_983 = arith.addi %mul3A_2, %add3A_982 : i32
    %dma_start3A_984 = arith.constant 0 : i32
    %dma_start3A_985 = arith.constant 128 : i32
    %dma_start3A_986 = tpu.memref_slice %arg4[%add3A_983, %dma_start3A_984, %dma_start3A_985] : memref<512x512x256xf32, #tpu.memory_space<hbm>> -> memref<1x512x128xf32, #tpu.memory_space<hbm>>
    %dma_start3A_987 = tpu.memref_squeeze %dma_start3A_986 : memref<1x512x128xf32, #tpu.memory_space<hbm>> -> memref<512x128xf32, #tpu.memory_space<hbm>>
    %dma_start3A_988 = arith.constant 0 : i32
    %dma_start3A_989 = arith.constant 128 : i32
    %dma_start3A_990 = tpu.memref_slice %arg4[%add3A_983, %dma_start3A_988, %dma_start3A_989] : memref<512x512x256xf32, #tpu.memory_space<hbm>> -> memref<1x512x128xf32, #tpu.memory_space<hbm>>
    %dma_start3A_991 = tpu.memref_squeeze %dma_start3A_990 : memref<1x512x128xf32, #tpu.memory_space<hbm>> -> memref<512x128xf32, #tpu.memory_space<hbm>>
    tpu.enqueue_dma source(%arg6 : memref<512x128xf32, #tpu.memory_space<vmem>>) target(%dma_start3A_991 : memref<512x128xf32, #tpu.memory_space<hbm>>) target_semaphore(%arg11 : memref<!tpu.dma_semaphore, #tpu.memory_space<semaphore_mem>>)
    %dma_start3A_992 = arith.constant 0 : i32
    %dma_start3A_993 = arith.constant 0 : i32
    %dma_start3A_994 = tpu.memref_slice %arg4[%add3A_983, %dma_start3A_992, %dma_start3A_993] : memref<512x512x256xf32, #tpu.memory_space<hbm>> -> memref<1x128x128xf32, #tpu.memory_space<hbm>>
    %dma_start3A_995 = tpu.memref_squeeze %dma_start3A_994 : memref<1x128x128xf32, #tpu.memory_space<hbm>> -> memref<128x128xf32, #tpu.memory_space<hbm>>
    %dma_start3A_996 = arith.constant 0 : i32
    %dma_start3A_997 = arith.constant 0 : i32
    %dma_start3A_998 = tpu.memref_slice %arg4[%add3A_983, %dma_start3A_996, %dma_start3A_997] : memref<512x512x256xf32, #tpu.memory_space<hbm>> -> memref<1x128x128xf32, #tpu.memory_space<hbm>>
    %dma_start3A_999 = tpu.memref_squeeze %dma_start3A_998 : memref<1x128x128xf32, #tpu.memory_space<hbm>> -> memref<128x128xf32, #tpu.memory_space<hbm>>
    tpu.enqueue_dma source(%arg7 : memref<128x128xf32, #tpu.memory_space<vmem>>) target(%dma_start3A_999 : memref<128x128xf32, #tpu.memory_space<hbm>>) target_semaphore(%arg9 : memref<!tpu.dma_semaphore, #tpu.memory_space<semaphore_mem>>)
    %dma_start3A_1000 = arith.constant 128 : i32
    %dma_start3A_1001 = arith.constant 0 : i32
    %dma_start3A_1002 = tpu.memref_slice %arg4[%add3A_983, %dma_start3A_1000, %dma_start3A_1001] : memref<512x512x256xf32, #tpu.memory_space<hbm>> -> memref<1x128x128xf32, #tpu.memory_space<hbm>>
    %dma_start3A_1003 = tpu.memref_squeeze %dma_start3A_1002 : memref<1x128x128xf32, #tpu.memory_space<hbm>> -> memref<128x128xf32, #tpu.memory_space<hbm>>
    %dma_start3A_1004 = arith.constant 128 : i32
    %dma_start3A_1005 = arith.constant 0 : i32
    %dma_start3A_1006 = tpu.memref_slice %arg4[%add3A_983, %dma_start3A_1004, %dma_start3A_1005] : memref<512x512x256xf32, #tpu.memory_space<hbm>> -> memref<1x128x128xf32, #tpu.memory_space<hbm>>
    %dma_start3A_1007 = tpu.memref_squeeze %dma_start3A_1006 : memref<1x128x128xf32, #tpu.memory_space<hbm>> -> memref<128x128xf32, #tpu.memory_space<hbm>>
    tpu.enqueue_dma source(%arg7 : memref<128x128xf32, #tpu.memory_space<vmem>>) target(%dma_start3A_1007 : memref<128x128xf32, #tpu.memory_space<hbm>>) target_semaphore(%arg9 : memref<!tpu.dma_semaphore, #tpu.memory_space<semaphore_mem>>)
    %dma_start3A_1008 = arith.constant 256 : i32
    %dma_start3A_1009 = arith.constant 0 : i32
    %dma_start3A_1010 = tpu.memref_slice %arg4[%add3A_983, %dma_start3A_1008, %dma_start3A_1009] : memref<512x512x256xf32, #tpu.memory_space<hbm>> -> memref<1x128x128xf32, #tpu.memory_space<hbm>>
    %dma_start3A_1011 = tpu.memref_squeeze %dma_start3A_1010 : memref<1x128x128xf32, #tpu.memory_space<hbm>> -> memref<128x128xf32, #tpu.memory_space<hbm>>
    %dma_start3A_1012 = arith.constant 256 : i32
    %dma_start3A_1013 = arith.constant 0 : i32
    %dma_start3A_1014 = tpu.memref_slice %arg4[%add3A_983, %dma_start3A_1012, %dma_start3A_1013] : memref<512x512x256xf32, #tpu.memory_space<hbm>> -> memref<1x128x128xf32, #tpu.memory_space<hbm>>
    %dma_start3A_1015 = tpu.memref_squeeze %dma_start3A_1014 : memref<1x128x128xf32, #tpu.memory_space<hbm>> -> memref<128x128xf32, #tpu.memory_space<hbm>>
    tpu.enqueue_dma source(%arg7 : memref<128x128xf32, #tpu.memory_space<vmem>>) target(%dma_start3A_1015 : memref<128x128xf32, #tpu.memory_space<hbm>>) target_semaphore(%arg9 : memref<!tpu.dma_semaphore, #tpu.memory_space<semaphore_mem>>)
    %dma_start3A_1016 = arith.constant 384 : i32
    %dma_start3A_1017 = arith.constant 0 : i32
    %dma_start3A_1018 = tpu.memref_slice %arg4[%add3A_983, %dma_start3A_1016, %dma_start3A_1017] : memref<512x512x256xf32, #tpu.memory_space<hbm>> -> memref<1x128x128xf32, #tpu.memory_space<hbm>>
    %dma_start3A_1019 = tpu.memref_squeeze %dma_start3A_1018 : memref<1x128x128xf32, #tpu.memory_space<hbm>> -> memref<128x128xf32, #tpu.memory_space<hbm>>
    %dma_start3A_1020 = arith.constant 384 : i32
    %dma_start3A_1021 = arith.constant 0 : i32
    %dma_start3A_1022 = tpu.memref_slice %arg4[%add3A_983, %dma_start3A_1020, %dma_start3A_1021] : memref<512x512x256xf32, #tpu.memory_space<hbm>> -> memref<1x128x128xf32, #tpu.memory_space<hbm>>
    %dma_start3A_1023 = tpu.memref_squeeze %dma_start3A_1022 : memref<1x128x128xf32, #tpu.memory_space<hbm>> -> memref<128x128xf32, #tpu.memory_space<hbm>>
    tpu.enqueue_dma source(%arg7 : memref<128x128xf32, #tpu.memory_space<vmem>>) target(%dma_start3A_1023 : memref<128x128xf32, #tpu.memory_space<hbm>>) target_semaphore(%arg9 : memref<!tpu.dma_semaphore, #tpu.memory_space<semaphore_mem>>)
    %dma_wait3A_1024 = arith.constant 0 : i32
    %dma_wait3A_1025 = arith.constant 0 : i32
    %dma_wait3A_1026 = tpu.memref_slice %arg4[%add3A_862, %dma_wait3A_1024, %dma_wait3A_1025] : memref<512x512x256xf32, #tpu.memory_space<hbm>> -> memref<1x128x128xf32, #tpu.memory_space<hbm>>
    %dma_wait3A_1027 = tpu.memref_squeeze %dma_wait3A_1026 : memref<1x128x128xf32, #tpu.memory_space<hbm>> -> memref<128x128xf32, #tpu.memory_space<hbm>>
    %dma_wait3A_1028 = arith.constant 0 : i32
    %dma_wait3A_1029 = arith.constant 0 : i32
    %dma_wait3A_1030 = tpu.memref_slice %arg4[%add3A_862, %dma_wait3A_1028, %dma_wait3A_1029] : memref<512x512x256xf32, #tpu.memory_space<hbm>> -> memref<1x128x128xf32, #tpu.memory_space<hbm>>
    %dma_wait3A_1031 = tpu.memref_squeeze %dma_wait3A_1030 : memref<1x128x128xf32, #tpu.memory_space<hbm>> -> memref<128x128xf32, #tpu.memory_space<hbm>>
    tpu.wait_dma2 semaphore(%arg10 : memref<!tpu.dma_semaphore, #tpu.memory_space<semaphore_mem>>) src(%arg8 : memref<128x128xf32, #tpu.memory_space<vmem>>) dst(%dma_wait3A_1031 : memref<128x128xf32, #tpu.memory_space<hbm>>)
    %dma_wait3A_1032 = arith.constant 128 : i32
    %dma_wait3A_1033 = arith.constant 0 : i32
    %dma_wait3A_1034 = tpu.memref_slice %arg4[%add3A_862, %dma_wait3A_1032, %dma_wait3A_1033] : memref<512x512x256xf32, #tpu.memory_space<hbm>> -> memref<1x128x128xf32, #tpu.memory_space<hbm>>
    %dma_wait3A_1035 = tpu.memref_squeeze %dma_wait3A_1034 : memref<1x128x128xf32, #tpu.memory_space<hbm>> -> memref<128x128xf32, #tpu.memory_space<hbm>>
    %dma_wait3A_1036 = arith.constant 128 : i32
    %dma_wait3A_1037 = arith.constant 0 : i32
    %dma_wait3A_1038 = tpu.memref_slice %arg4[%add3A_862, %dma_wait3A_1036, %dma_wait3A_1037] : memref<512x512x256xf32, #tpu.memory_space<hbm>> -> memref<1x128x128xf32, #tpu.memory_space<hbm>>
    %dma_wait3A_1039 = tpu.memref_squeeze %dma_wait3A_1038 : memref<1x128x128xf32, #tpu.memory_space<hbm>> -> memref<128x128xf32, #tpu.memory_space<hbm>>
    tpu.wait_dma2 semaphore(%arg10 : memref<!tpu.dma_semaphore, #tpu.memory_space<semaphore_mem>>) src(%arg8 : memref<128x128xf32, #tpu.memory_space<vmem>>) dst(%dma_wait3A_1039 : memref<128x128xf32, #tpu.memory_space<hbm>>)
    %dma_wait3A_1040 = arith.constant 256 : i32
    %dma_wait3A_1041 = arith.constant 0 : i32
    %dma_wait3A_1042 = tpu.memref_slice %arg4[%add3A_862, %dma_wait3A_1040, %dma_wait3A_1041] : memref<512x512x256xf32, #tpu.memory_space<hbm>> -> memref<1x128x128xf32, #tpu.memory_space<hbm>>
    %dma_wait3A_1043 = tpu.memref_squeeze %dma_wait3A_1042 : memref<1x128x128xf32, #tpu.memory_space<hbm>> -> memref<128x128xf32, #tpu.memory_space<hbm>>
    %dma_wait3A_1044 = arith.constant 256 : i32
    %dma_wait3A_1045 = arith.constant 0 : i32
    %dma_wait3A_1046 = tpu.memref_slice %arg4[%add3A_862, %dma_wait3A_1044, %dma_wait3A_1045] : memref<512x512x256xf32, #tpu.memory_space<hbm>> -> memref<1x128x128xf32, #tpu.memory_space<hbm>>
    %dma_wait3A_1047 = tpu.memref_squeeze %dma_wait3A_1046 : memref<1x128x128xf32, #tpu.memory_space<hbm>> -> memref<128x128xf32, #tpu.memory_space<hbm>>
    tpu.wait_dma2 semaphore(%arg10 : memref<!tpu.dma_semaphore, #tpu.memory_space<semaphore_mem>>) src(%arg8 : memref<128x128xf32, #tpu.memory_space<vmem>>) dst(%dma_wait3A_1047 : memref<128x128xf32, #tpu.memory_space<hbm>>)
    %dma_wait3A_1048 = arith.constant 384 : i32
    %dma_wait3A_1049 = arith.constant 0 : i32
    %dma_wait3A_1050 = tpu.memref_slice %arg4[%add3A_862, %dma_wait3A_1048, %dma_wait3A_1049] : memref<512x512x256xf32, #tpu.memory_space<hbm>> -> memref<1x128x128xf32, #tpu.memory_space<hbm>>
    %dma_wait3A_1051 = tpu.memref_squeeze %dma_wait3A_1050 : memref<1x128x128xf32, #tpu.memory_space<hbm>> -> memref<128x128xf32, #tpu.memory_space<hbm>>
    %dma_wait3A_1052 = arith.constant 384 : i32
    %dma_wait3A_1053 = arith.constant 0 : i32
    %dma_wait3A_1054 = tpu.memref_slice %arg4[%add3A_862, %dma_wait3A_1052, %dma_wait3A_1053] : memref<512x512x256xf32, #tpu.memory_space<hbm>> -> memref<1x128x128xf32, #tpu.memory_space<hbm>>
    %dma_wait3A_1055 = tpu.memref_squeeze %dma_wait3A_1054 : memref<1x128x128xf32, #tpu.memory_space<hbm>> -> memref<128x128xf32, #tpu.memory_space<hbm>>
    tpu.wait_dma2 semaphore(%arg10 : memref<!tpu.dma_semaphore, #tpu.memory_space<semaphore_mem>>) src(%arg8 : memref<128x128xf32, #tpu.memory_space<vmem>>) dst(%dma_wait3A_1055 : memref<128x128xf32, #tpu.memory_space<hbm>>)
    %get3A_1056 = arith.constant 9 : i32
    %get3A_1057 = arith.index_cast %get3A_1056 : i32 to index
    %get3A_1058 = arith.constant 0 : index
    %get3A_1059 = tpu.vector_load %arg5[%get3A_1057, %get3A_1058] {strides = array<i32>} : memref<16x128xf32, #tpu.memory_space<vmem>>, vector<1x16xf32>,
    %get3A_1060 = vector.shape_cast %get3A_1059 : vector<1x16xf32> to vector<16xf32>
    %get3A_1061 = arith.constant 9 : i32
    %get3A_1062 = arith.index_cast %get3A_1061 : i32 to index
    %get3A_1063 = arith.constant 16 : index
    %get3A_1064 = tpu.vector_load %arg5[%get3A_1062, %get3A_1063] {strides = array<i32>} : memref<16x128xf32, #tpu.memory_space<vmem>>, vector<1x16xf32>,
    %get3A_1065 = vector.shape_cast %get3A_1064 : vector<1x16xf32> to vector<16xf32>
    %get3A_1066 = arith.constant 9 : i32
    %get3A_1067 = arith.index_cast %get3A_1066 : i32 to index
    %get3A_1068 = arith.constant 32 : index
    %get3A_1069 = tpu.vector_load %arg5[%get3A_1067, %get3A_1068] {strides = array<i32>} : memref<16x128xf32, #tpu.memory_space<vmem>>, vector<1x16xf32>,
    %get3A_1070 = vector.shape_cast %get3A_1069 : vector<1x16xf32> to vector<16xf32>
    %get3A_1071 = arith.constant 9 : i32
    %get3A_1072 = arith.index_cast %get3A_1071 : i32 to index
    %get3A_1073 = arith.constant 48 : index
    %get3A_1074 = tpu.vector_load %arg5[%get3A_1072, %get3A_1073] {strides = array<i32>} : memref<16x128xf32, #tpu.memory_space<vmem>>, vector<1x16xf32>,
    %get3A_1075 = vector.shape_cast %get3A_1074 : vector<1x16xf32> to vector<16xf32>
    %get3A_1076 = arith.constant 9 : i32
    %get3A_1077 = arith.index_cast %get3A_1076 : i32 to index
    %get3A_1078 = arith.constant 64 : index
    %get3A_1079 = tpu.vector_load %arg5[%get3A_1077, %get3A_1078] {strides = array<i32>} : memref<16x128xf32, #tpu.memory_space<vmem>>, vector<1x16xf32>,
    %get3A_1080 = vector.shape_cast %get3A_1079 : vector<1x16xf32> to vector<16xf32>
    %get3A_1081 = arith.constant 9 : i32
    %get3A_1082 = arith.index_cast %get3A_1081 : i32 to index
    %get3A_1083 = arith.constant 80 : index
    %get3A_1084 = tpu.vector_load %arg5[%get3A_1082, %get3A_1083] {strides = array<i32>} : memref<16x128xf32, #tpu.memory_space<vmem>>, vector<1x16xf32>,
    %get3A_1085 = vector.shape_cast %get3A_1084 : vector<1x16xf32> to vector<16xf32>
    %get3A_1086 = arith.constant 9 : i32
    %get3A_1087 = arith.index_cast %get3A_1086 : i32 to index
    %get3A_1088 = arith.constant 96 : index
    %get3A_1089 = tpu.vector_load %arg5[%get3A_1087, %get3A_1088] {strides = array<i32>} : memref<16x128xf32, #tpu.memory_space<vmem>>, vector<1x16xf32>,
    %get3A_1090 = vector.shape_cast %get3A_1089 : vector<1x16xf32> to vector<16xf32>
    %get3A_1091 = arith.constant 9 : i32
    %get3A_1092 = arith.index_cast %get3A_1091 : i32 to index
    %get3A_1093 = arith.constant 112 : index
    %get3A_1094 = tpu.vector_load %arg5[%get3A_1092, %get3A_1093] {strides = array<i32>} : memref<16x128xf32, #tpu.memory_space<vmem>>, vector<1x16xf32>,
    %get3A_1095 = vector.shape_cast %get3A_1094 : vector<1x16xf32> to vector<16xf32>
    %scan3A_1096 = arith.constant 0 : i32
    %scan3A_1097 = arith.constant 0 : i32
    %scan3A_1098 = arith.constant 128 : i32
    %scan3A_1099 = arith.addi %scan3A_1097, %scan3A_1098 : i32
    %scan3A_1100 = arith.constant 1 : i32
    %scan3A_1101 = scf.for %scan3A_2063 = %scan3A_1097 to %scan3A_1099 step %scan3A_1100 iter_args(%scan3A_2064 = %scan3A_1096) -> (i32)  : i32 {
      %swap3A = arith.index_cast %scan3A_2063 : i32 to index
      %swap3A_2065 = arith.constant 0 : index
      %swap3A_2066 = tpu.vector_load %arg8[%swap3A, %swap3A_2065] {strides = array<i32>} : memref<128x128xf32, #tpu.memory_space<vmem>>, vector<1x16xf32>,
      %swap3A_2067 = vector.shape_cast %swap3A_2066 : vector<1x16xf32> to vector<16xf32>
      %swap3A_2068 = vector.shape_cast %get3A_1060 : vector<16xf32> to vector<1x16xf32>
      tpu.vector_store %arg8[%swap3A, %swap3A_2065], %swap3A_2068 {strides = array<i32>} : memref<128x128xf32, #tpu.memory_space<vmem>>, vector<1x16xf32>,
      %swap3A_2069 = arith.index_cast %scan3A_2063 : i32 to index
      %swap3A_2070 = arith.constant 16 : index
      %swap3A_2071 = tpu.vector_load %arg8[%swap3A_2069, %swap3A_2070] {strides = array<i32>} : memref<128x128xf32, #tpu.memory_space<vmem>>, vector<1x16xf32>,
      %swap3A_2072 = vector.shape_cast %swap3A_2071 : vector<1x16xf32> to vector<16xf32>
      %swap3A_2073 = vector.shape_cast %get3A_1065 : vector<16xf32> to vector<1x16xf32>
      tpu.vector_store %arg8[%swap3A_2069, %swap3A_2070], %swap3A_2073 {strides = array<i32>} : memref<128x128xf32, #tpu.memory_space<vmem>>, vector<1x16xf32>,
      %swap3A_2074 = arith.index_cast %scan3A_2063 : i32 to index
      %swap3A_2075 = arith.constant 32 : index
      %swap3A_2076 = tpu.vector_load %arg8[%swap3A_2074, %swap3A_2075] {strides = array<i32>} : memref<128x128xf32, #tpu.memory_space<vmem>>, vector<1x16xf32>,
      %swap3A_2077 = vector.shape_cast %swap3A_2076 : vector<1x16xf32> to vector<16xf32>
      %swap3A_2078 = vector.shape_cast %get3A_1070 : vector<16xf32> to vector<1x16xf32>
      tpu.vector_store %arg8[%swap3A_2074, %swap3A_2075], %swap3A_2078 {strides = array<i32>} : memref<128x128xf32, #tpu.memory_space<vmem>>, vector<1x16xf32>,
      %swap3A_2079 = arith.index_cast %scan3A_2063 : i32 to index
      %swap3A_2080 = arith.constant 48 : index
      %swap3A_2081 = tpu.vector_load %arg8[%swap3A_2079, %swap3A_2080] {strides = array<i32>} : memref<128x128xf32, #tpu.memory_space<vmem>>, vector<1x16xf32>,
      %swap3A_2082 = vector.shape_cast %swap3A_2081 : vector<1x16xf32> to vector<16xf32>
      %swap3A_2083 = vector.shape_cast %get3A_1075 : vector<16xf32> to vector<1x16xf32>
      tpu.vector_store %arg8[%swap3A_2079, %swap3A_2080], %swap3A_2083 {strides = array<i32>} : memref<128x128xf32, #tpu.memory_space<vmem>>, vector<1x16xf32>,
      %swap3A_2084 = arith.index_cast %scan3A_2063 : i32 to index
      %swap3A_2085 = arith.constant 64 : index
      %swap3A_2086 = tpu.vector_load %arg8[%swap3A_2084, %swap3A_2085] {strides = array<i32>} : memref<128x128xf32, #tpu.memory_space<vmem>>, vector<1x16xf32>,
      %swap3A_2087 = vector.shape_cast %swap3A_2086 : vector<1x16xf32> to vector<16xf32>
      %swap3A_2088 = vector.shape_cast %get3A_1080 : vector<16xf32> to vector<1x16xf32>
      tpu.vector_store %arg8[%swap3A_2084, %swap3A_2085], %swap3A_2088 {strides = array<i32>} : memref<128x128xf32, #tpu.memory_space<vmem>>, vector<1x16xf32>,
      %swap3A_2089 = arith.index_cast %scan3A_2063 : i32 to index
      %swap3A_2090 = arith.constant 80 : index
      %swap3A_2091 = tpu.vector_load %arg8[%swap3A_2089, %swap3A_2090] {strides = array<i32>} : memref<128x128xf32, #tpu.memory_space<vmem>>, vector<1x16xf32>,
      %swap3A_2092 = vector.shape_cast %swap3A_2091 : vector<1x16xf32> to vector<16xf32>
      %swap3A_2093 = vector.shape_cast %get3A_1085 : vector<16xf32> to vector<1x16xf32>
      tpu.vector_store %arg8[%swap3A_2089, %swap3A_2090], %swap3A_2093 {strides = array<i32>} : memref<128x128xf32, #tpu.memory_space<vmem>>, vector<1x16xf32>,
      %swap3A_2094 = arith.index_cast %scan3A_2063 : i32 to index
      %swap3A_2095 = arith.constant 96 : index
      %swap3A_2096 = tpu.vector_load %arg8[%swap3A_2094, %swap3A_2095] {strides = array<i32>} : memref<128x128xf32, #tpu.memory_space<vmem>>, vector<1x16xf32>,
      %swap3A_2097 = vector.shape_cast %swap3A_2096 : vector<1x16xf32> to vector<16xf32>
      %swap3A_2098 = vector.shape_cast %get3A_1090 : vector<16xf32> to vector<1x16xf32>
      tpu.vector_store %arg8[%swap3A_2094, %swap3A_2095], %swap3A_2098 {strides = array<i32>} : memref<128x128xf32, #tpu.memory_space<vmem>>, vector<1x16xf32>,
      %swap3A_2099 = arith.index_cast %scan3A_2063 : i32 to index
      %swap3A_2100 = arith.constant 112 : index
      %swap3A_2101 = tpu.vector_load %arg8[%swap3A_2099, %swap3A_2100] {strides = array<i32>} : memref<128x128xf32, #tpu.memory_space<vmem>>, vector<1x16xf32>,
      %swap3A_2102 = vector.shape_cast %swap3A_2101 : vector<1x16xf32> to vector<16xf32>
      %swap3A_2103 = vector.shape_cast %get3A_1095 : vector<16xf32> to vector<1x16xf32>
      tpu.vector_store %arg8[%swap3A_2099, %swap3A_2100], %swap3A_2103 {strides = array<i32>} : memref<128x128xf32, #tpu.memory_space<vmem>>, vector<1x16xf32>,
      %scan3A_2104 = arith.constant 0 : i32
      scf.yield %scan3A_2104 : i32
    }
    %scan3A_1102 = arith.constant 128 : i32
    %add3A_1103 = arith.constant 9 : i32
    %add3A_1104 = arith.addi %mul3A_2, %add3A_1103 : i32
    %dma_start3A_1105 = arith.constant 0 : i32
    %dma_start3A_1106 = arith.constant 128 : i32
    %dma_start3A_1107 = tpu.memref_slice %arg4[%add3A_1104, %dma_start3A_1105, %dma_start3A_1106] : memref<512x512x256xf32, #tpu.memory_space<hbm>> -> memref<1x512x128xf32, #tpu.memory_space<hbm>>
    %dma_start3A_1108 = tpu.memref_squeeze %dma_start3A_1107 : memref<1x512x128xf32, #tpu.memory_space<hbm>> -> memref<512x128xf32, #tpu.memory_space<hbm>>
    %dma_start3A_1109 = arith.constant 0 : i32
    %dma_start3A_1110 = arith.constant 128 : i32
    %dma_start3A_1111 = tpu.memref_slice %arg4[%add3A_1104, %dma_start3A_1109, %dma_start3A_1110] : memref<512x512x256xf32, #tpu.memory_space<hbm>> -> memref<1x512x128xf32, #tpu.memory_space<hbm>>
    %dma_start3A_1112 = tpu.memref_squeeze %dma_start3A_1111 : memref<1x512x128xf32, #tpu.memory_space<hbm>> -> memref<512x128xf32, #tpu.memory_space<hbm>>
    tpu.enqueue_dma source(%arg6 : memref<512x128xf32, #tpu.memory_space<vmem>>) target(%dma_start3A_1112 : memref<512x128xf32, #tpu.memory_space<hbm>>) target_semaphore(%arg11 : memref<!tpu.dma_semaphore, #tpu.memory_space<semaphore_mem>>)
    %dma_start3A_1113 = arith.constant 0 : i32
    %dma_start3A_1114 = arith.constant 0 : i32
    %dma_start3A_1115 = tpu.memref_slice %arg4[%add3A_1104, %dma_start3A_1113, %dma_start3A_1114] : memref<512x512x256xf32, #tpu.memory_space<hbm>> -> memref<1x128x128xf32, #tpu.memory_space<hbm>>
    %dma_start3A_1116 = tpu.memref_squeeze %dma_start3A_1115 : memref<1x128x128xf32, #tpu.memory_space<hbm>> -> memref<128x128xf32, #tpu.memory_space<hbm>>
    %dma_start3A_1117 = arith.constant 0 : i32
    %dma_start3A_1118 = arith.constant 0 : i32
    %dma_start3A_1119 = tpu.memref_slice %arg4[%add3A_1104, %dma_start3A_1117, %dma_start3A_1118] : memref<512x512x256xf32, #tpu.memory_space<hbm>> -> memref<1x128x128xf32, #tpu.memory_space<hbm>>
    %dma_start3A_1120 = tpu.memref_squeeze %dma_start3A_1119 : memref<1x128x128xf32, #tpu.memory_space<hbm>> -> memref<128x128xf32, #tpu.memory_space<hbm>>
    tpu.enqueue_dma source(%arg8 : memref<128x128xf32, #tpu.memory_space<vmem>>) target(%dma_start3A_1120 : memref<128x128xf32, #tpu.memory_space<hbm>>) target_semaphore(%arg10 : memref<!tpu.dma_semaphore, #tpu.memory_space<semaphore_mem>>)
    %dma_start3A_1121 = arith.constant 128 : i32
    %dma_start3A_1122 = arith.constant 0 : i32
    %dma_start3A_1123 = tpu.memref_slice %arg4[%add3A_1104, %dma_start3A_1121, %dma_start3A_1122] : memref<512x512x256xf32, #tpu.memory_space<hbm>> -> memref<1x128x128xf32, #tpu.memory_space<hbm>>
    %dma_start3A_1124 = tpu.memref_squeeze %dma_start3A_1123 : memref<1x128x128xf32, #tpu.memory_space<hbm>> -> memref<128x128xf32, #tpu.memory_space<hbm>>
    %dma_start3A_1125 = arith.constant 128 : i32
    %dma_start3A_1126 = arith.constant 0 : i32
    %dma_start3A_1127 = tpu.memref_slice %arg4[%add3A_1104, %dma_start3A_1125, %dma_start3A_1126] : memref<512x512x256xf32, #tpu.memory_space<hbm>> -> memref<1x128x128xf32, #tpu.memory_space<hbm>>
    %dma_start3A_1128 = tpu.memref_squeeze %dma_start3A_1127 : memref<1x128x128xf32, #tpu.memory_space<hbm>> -> memref<128x128xf32, #tpu.memory_space<hbm>>
    tpu.enqueue_dma source(%arg8 : memref<128x128xf32, #tpu.memory_space<vmem>>) target(%dma_start3A_1128 : memref<128x128xf32, #tpu.memory_space<hbm>>) target_semaphore(%arg10 : memref<!tpu.dma_semaphore, #tpu.memory_space<semaphore_mem>>)
    %dma_start3A_1129 = arith.constant 256 : i32
    %dma_start3A_1130 = arith.constant 0 : i32
    %dma_start3A_1131 = tpu.memref_slice %arg4[%add3A_1104, %dma_start3A_1129, %dma_start3A_1130] : memref<512x512x256xf32, #tpu.memory_space<hbm>> -> memref<1x128x128xf32, #tpu.memory_space<hbm>>
    %dma_start3A_1132 = tpu.memref_squeeze %dma_start3A_1131 : memref<1x128x128xf32, #tpu.memory_space<hbm>> -> memref<128x128xf32, #tpu.memory_space<hbm>>
    %dma_start3A_1133 = arith.constant 256 : i32
    %dma_start3A_1134 = arith.constant 0 : i32
    %dma_start3A_1135 = tpu.memref_slice %arg4[%add3A_1104, %dma_start3A_1133, %dma_start3A_1134] : memref<512x512x256xf32, #tpu.memory_space<hbm>> -> memref<1x128x128xf32, #tpu.memory_space<hbm>>
    %dma_start3A_1136 = tpu.memref_squeeze %dma_start3A_1135 : memref<1x128x128xf32, #tpu.memory_space<hbm>> -> memref<128x128xf32, #tpu.memory_space<hbm>>
    tpu.enqueue_dma source(%arg8 : memref<128x128xf32, #tpu.memory_space<vmem>>) target(%dma_start3A_1136 : memref<128x128xf32, #tpu.memory_space<hbm>>) target_semaphore(%arg10 : memref<!tpu.dma_semaphore, #tpu.memory_space<semaphore_mem>>)
    %dma_start3A_1137 = arith.constant 384 : i32
    %dma_start3A_1138 = arith.constant 0 : i32
    %dma_start3A_1139 = tpu.memref_slice %arg4[%add3A_1104, %dma_start3A_1137, %dma_start3A_1138] : memref<512x512x256xf32, #tpu.memory_space<hbm>> -> memref<1x128x128xf32, #tpu.memory_space<hbm>>
    %dma_start3A_1140 = tpu.memref_squeeze %dma_start3A_1139 : memref<1x128x128xf32, #tpu.memory_space<hbm>> -> memref<128x128xf32, #tpu.memory_space<hbm>>
    %dma_start3A_1141 = arith.constant 384 : i32
    %dma_start3A_1142 = arith.constant 0 : i32
    %dma_start3A_1143 = tpu.memref_slice %arg4[%add3A_1104, %dma_start3A_1141, %dma_start3A_1142] : memref<512x512x256xf32, #tpu.memory_space<hbm>> -> memref<1x128x128xf32, #tpu.memory_space<hbm>>
    %dma_start3A_1144 = tpu.memref_squeeze %dma_start3A_1143 : memref<1x128x128xf32, #tpu.memory_space<hbm>> -> memref<128x128xf32, #tpu.memory_space<hbm>>
    tpu.enqueue_dma source(%arg8 : memref<128x128xf32, #tpu.memory_space<vmem>>) target(%dma_start3A_1144 : memref<128x128xf32, #tpu.memory_space<hbm>>) target_semaphore(%arg10 : memref<!tpu.dma_semaphore, #tpu.memory_space<semaphore_mem>>)
    %dma_wait3A_1145 = arith.constant 0 : i32
    %dma_wait3A_1146 = arith.constant 0 : i32
    %dma_wait3A_1147 = tpu.memref_slice %arg4[%add3A_983, %dma_wait3A_1145, %dma_wait3A_1146] : memref<512x512x256xf32, #tpu.memory_space<hbm>> -> memref<1x128x128xf32, #tpu.memory_space<hbm>>
    %dma_wait3A_1148 = tpu.memref_squeeze %dma_wait3A_1147 : memref<1x128x128xf32, #tpu.memory_space<hbm>> -> memref<128x128xf32, #tpu.memory_space<hbm>>
    %dma_wait3A_1149 = arith.constant 0 : i32
    %dma_wait3A_1150 = arith.constant 0 : i32
    %dma_wait3A_1151 = tpu.memref_slice %arg4[%add3A_983, %dma_wait3A_1149, %dma_wait3A_1150] : memref<512x512x256xf32, #tpu.memory_space<hbm>> -> memref<1x128x128xf32, #tpu.memory_space<hbm>>
    %dma_wait3A_1152 = tpu.memref_squeeze %dma_wait3A_1151 : memref<1x128x128xf32, #tpu.memory_space<hbm>> -> memref<128x128xf32, #tpu.memory_space<hbm>>
    tpu.wait_dma2 semaphore(%arg9 : memref<!tpu.dma_semaphore, #tpu.memory_space<semaphore_mem>>) src(%arg7 : memref<128x128xf32, #tpu.memory_space<vmem>>) dst(%dma_wait3A_1152 : memref<128x128xf32, #tpu.memory_space<hbm>>)
    %dma_wait3A_1153 = arith.constant 128 : i32
    %dma_wait3A_1154 = arith.constant 0 : i32
    %dma_wait3A_1155 = tpu.memref_slice %arg4[%add3A_983, %dma_wait3A_1153, %dma_wait3A_1154] : memref<512x512x256xf32, #tpu.memory_space<hbm>> -> memref<1x128x128xf32, #tpu.memory_space<hbm>>
    %dma_wait3A_1156 = tpu.memref_squeeze %dma_wait3A_1155 : memref<1x128x128xf32, #tpu.memory_space<hbm>> -> memref<128x128xf32, #tpu.memory_space<hbm>>
    %dma_wait3A_1157 = arith.constant 128 : i32
    %dma_wait3A_1158 = arith.constant 0 : i32
    %dma_wait3A_1159 = tpu.memref_slice %arg4[%add3A_983, %dma_wait3A_1157, %dma_wait3A_1158] : memref<512x512x256xf32, #tpu.memory_space<hbm>> -> memref<1x128x128xf32, #tpu.memory_space<hbm>>
    %dma_wait3A_1160 = tpu.memref_squeeze %dma_wait3A_1159 : memref<1x128x128xf32, #tpu.memory_space<hbm>> -> memref<128x128xf32, #tpu.memory_space<hbm>>
    tpu.wait_dma2 semaphore(%arg9 : memref<!tpu.dma_semaphore, #tpu.memory_space<semaphore_mem>>) src(%arg7 : memref<128x128xf32, #tpu.memory_space<vmem>>) dst(%dma_wait3A_1160 : memref<128x128xf32, #tpu.memory_space<hbm>>)
    %dma_wait3A_1161 = arith.constant 256 : i32
    %dma_wait3A_1162 = arith.constant 0 : i32
    %dma_wait3A_1163 = tpu.memref_slice %arg4[%add3A_983, %dma_wait3A_1161, %dma_wait3A_1162] : memref<512x512x256xf32, #tpu.memory_space<hbm>> -> memref<1x128x128xf32, #tpu.memory_space<hbm>>
    %dma_wait3A_1164 = tpu.memref_squeeze %dma_wait3A_1163 : memref<1x128x128xf32, #tpu.memory_space<hbm>> -> memref<128x128xf32, #tpu.memory_space<hbm>>
    %dma_wait3A_1165 = arith.constant 256 : i32
    %dma_wait3A_1166 = arith.constant 0 : i32
    %dma_wait3A_1167 = tpu.memref_slice %arg4[%add3A_983, %dma_wait3A_1165, %dma_wait3A_1166] : memref<512x512x256xf32, #tpu.memory_space<hbm>> -> memref<1x128x128xf32, #tpu.memory_space<hbm>>
    %dma_wait3A_1168 = tpu.memref_squeeze %dma_wait3A_1167 : memref<1x128x128xf32, #tpu.memory_space<hbm>> -> memref<128x128xf32, #tpu.memory_space<hbm>>
    tpu.wait_dma2 semaphore(%arg9 : memref<!tpu.dma_semaphore, #tpu.memory_space<semaphore_mem>>) src(%arg7 : memref<128x128xf32, #tpu.memory_space<vmem>>) dst(%dma_wait3A_1168 : memref<128x128xf32, #tpu.memory_space<hbm>>)
    %dma_wait3A_1169 = arith.constant 384 : i32
    %dma_wait3A_1170 = arith.constant 0 : i32
    %dma_wait3A_1171 = tpu.memref_slice %arg4[%add3A_983, %dma_wait3A_1169, %dma_wait3A_1170] : memref<512x512x256xf32, #tpu.memory_space<hbm>> -> memref<1x128x128xf32, #tpu.memory_space<hbm>>
    %dma_wait3A_1172 = tpu.memref_squeeze %dma_wait3A_1171 : memref<1x128x128xf32, #tpu.memory_space<hbm>> -> memref<128x128xf32, #tpu.memory_space<hbm>>
    %dma_wait3A_1173 = arith.constant 384 : i32
    %dma_wait3A_1174 = arith.constant 0 : i32
    %dma_wait3A_1175 = tpu.memref_slice %arg4[%add3A_983, %dma_wait3A_1173, %dma_wait3A_1174] : memref<512x512x256xf32, #tpu.memory_space<hbm>> -> memref<1x128x128xf32, #tpu.memory_space<hbm>>
    %dma_wait3A_1176 = tpu.memref_squeeze %dma_wait3A_1175 : memref<1x128x128xf32, #tpu.memory_space<hbm>> -> memref<128x128xf32, #tpu.memory_space<hbm>>
    tpu.wait_dma2 semaphore(%arg9 : memref<!tpu.dma_semaphore, #tpu.memory_space<semaphore_mem>>) src(%arg7 : memref<128x128xf32, #tpu.memory_space<vmem>>) dst(%dma_wait3A_1176 : memref<128x128xf32, #tpu.memory_space<hbm>>)
    %get3A_1177 = arith.constant 10 : i32
    %get3A_1178 = arith.index_cast %get3A_1177 : i32 to index
    %get3A_1179 = arith.constant 0 : index
    %get3A_1180 = tpu.vector_load %arg5[%get3A_1178, %get3A_1179] {strides = array<i32>} : memref<16x128xf32, #tpu.memory_space<vmem>>, vector<1x16xf32>,
    %get3A_1181 = vector.shape_cast %get3A_1180 : vector<1x16xf32> to vector<16xf32>
    %get3A_1182 = arith.constant 10 : i32
    %get3A_1183 = arith.index_cast %get3A_1182 : i32 to index
    %get3A_1184 = arith.constant 16 : index
    %get3A_1185 = tpu.vector_load %arg5[%get3A_1183, %get3A_1184] {strides = array<i32>} : memref<16x128xf32, #tpu.memory_space<vmem>>, vector<1x16xf32>,
    %get3A_1186 = vector.shape_cast %get3A_1185 : vector<1x16xf32> to vector<16xf32>
    %get3A_1187 = arith.constant 10 : i32
    %get3A_1188 = arith.index_cast %get3A_1187 : i32 to index
    %get3A_1189 = arith.constant 32 : index
    %get3A_1190 = tpu.vector_load %arg5[%get3A_1188, %get3A_1189] {strides = array<i32>} : memref<16x128xf32, #tpu.memory_space<vmem>>, vector<1x16xf32>,
    %get3A_1191 = vector.shape_cast %get3A_1190 : vector<1x16xf32> to vector<16xf32>
    %get3A_1192 = arith.constant 10 : i32
    %get3A_1193 = arith.index_cast %get3A_1192 : i32 to index
    %get3A_1194 = arith.constant 48 : index
    %get3A_1195 = tpu.vector_load %arg5[%get3A_1193, %get3A_1194] {strides = array<i32>} : memref<16x128xf32, #tpu.memory_space<vmem>>, vector<1x16xf32>,
    %get3A_1196 = vector.shape_cast %get3A_1195 : vector<1x16xf32> to vector<16xf32>
    %get3A_1197 = arith.constant 10 : i32
    %get3A_1198 = arith.index_cast %get3A_1197 : i32 to index
    %get3A_1199 = arith.constant 64 : index
    %get3A_1200 = tpu.vector_load %arg5[%get3A_1198, %get3A_1199] {strides = array<i32>} : memref<16x128xf32, #tpu.memory_space<vmem>>, vector<1x16xf32>,
    %get3A_1201 = vector.shape_cast %get3A_1200 : vector<1x16xf32> to vector<16xf32>
    %get3A_1202 = arith.constant 10 : i32
    %get3A_1203 = arith.index_cast %get3A_1202 : i32 to index
    %get3A_1204 = arith.constant 80 : index
    %get3A_1205 = tpu.vector_load %arg5[%get3A_1203, %get3A_1204] {strides = array<i32>} : memref<16x128xf32, #tpu.memory_space<vmem>>, vector<1x16xf32>,
    %get3A_1206 = vector.shape_cast %get3A_1205 : vector<1x16xf32> to vector<16xf32>
    %get3A_1207 = arith.constant 10 : i32
    %get3A_1208 = arith.index_cast %get3A_1207 : i32 to index
    %get3A_1209 = arith.constant 96 : index
    %get3A_1210 = tpu.vector_load %arg5[%get3A_1208, %get3A_1209] {strides = array<i32>} : memref<16x128xf32, #tpu.memory_space<vmem>>, vector<1x16xf32>,
    %get3A_1211 = vector.shape_cast %get3A_1210 : vector<1x16xf32> to vector<16xf32>
    %get3A_1212 = arith.constant 10 : i32
    %get3A_1213 = arith.index_cast %get3A_1212 : i32 to index
    %get3A_1214 = arith.constant 112 : index
    %get3A_1215 = tpu.vector_load %arg5[%get3A_1213, %get3A_1214] {strides = array<i32>} : memref<16x128xf32, #tpu.memory_space<vmem>>, vector<1x16xf32>,
    %get3A_1216 = vector.shape_cast %get3A_1215 : vector<1x16xf32> to vector<16xf32>
    %scan3A_1217 = arith.constant 0 : i32
    %scan3A_1218 = arith.constant 0 : i32
    %scan3A_1219 = arith.constant 128 : i32
    %scan3A_1220 = arith.addi %scan3A_1218, %scan3A_1219 : i32
    %scan3A_1221 = arith.constant 1 : i32
    %scan3A_1222 = scf.for %scan3A_2063 = %scan3A_1218 to %scan3A_1220 step %scan3A_1221 iter_args(%scan3A_2064 = %scan3A_1217) -> (i32)  : i32 {
      %swap3A = arith.index_cast %scan3A_2063 : i32 to index
      %swap3A_2065 = arith.constant 0 : index
      %swap3A_2066 = tpu.vector_load %arg7[%swap3A, %swap3A_2065] {strides = array<i32>} : memref<128x128xf32, #tpu.memory_space<vmem>>, vector<1x16xf32>,
      %swap3A_2067 = vector.shape_cast %swap3A_2066 : vector<1x16xf32> to vector<16xf32>
      %swap3A_2068 = vector.shape_cast %get3A_1181 : vector<16xf32> to vector<1x16xf32>
      tpu.vector_store %arg7[%swap3A, %swap3A_2065], %swap3A_2068 {strides = array<i32>} : memref<128x128xf32, #tpu.memory_space<vmem>>, vector<1x16xf32>,
      %swap3A_2069 = arith.index_cast %scan3A_2063 : i32 to index
      %swap3A_2070 = arith.constant 16 : index
      %swap3A_2071 = tpu.vector_load %arg7[%swap3A_2069, %swap3A_2070] {strides = array<i32>} : memref<128x128xf32, #tpu.memory_space<vmem>>, vector<1x16xf32>,
      %swap3A_2072 = vector.shape_cast %swap3A_2071 : vector<1x16xf32> to vector<16xf32>
      %swap3A_2073 = vector.shape_cast %get3A_1186 : vector<16xf32> to vector<1x16xf32>
      tpu.vector_store %arg7[%swap3A_2069, %swap3A_2070], %swap3A_2073 {strides = array<i32>} : memref<128x128xf32, #tpu.memory_space<vmem>>, vector<1x16xf32>,
      %swap3A_2074 = arith.index_cast %scan3A_2063 : i32 to index
      %swap3A_2075 = arith.constant 32 : index
      %swap3A_2076 = tpu.vector_load %arg7[%swap3A_2074, %swap3A_2075] {strides = array<i32>} : memref<128x128xf32, #tpu.memory_space<vmem>>, vector<1x16xf32>,
      %swap3A_2077 = vector.shape_cast %swap3A_2076 : vector<1x16xf32> to vector<16xf32>
      %swap3A_2078 = vector.shape_cast %get3A_1191 : vector<16xf32> to vector<1x16xf32>
      tpu.vector_store %arg7[%swap3A_2074, %swap3A_2075], %swap3A_2078 {strides = array<i32>} : memref<128x128xf32, #tpu.memory_space<vmem>>, vector<1x16xf32>,
      %swap3A_2079 = arith.index_cast %scan3A_2063 : i32 to index
      %swap3A_2080 = arith.constant 48 : index
      %swap3A_2081 = tpu.vector_load %arg7[%swap3A_2079, %swap3A_2080] {strides = array<i32>} : memref<128x128xf32, #tpu.memory_space<vmem>>, vector<1x16xf32>,
      %swap3A_2082 = vector.shape_cast %swap3A_2081 : vector<1x16xf32> to vector<16xf32>
      %swap3A_2083 = vector.shape_cast %get3A_1196 : vector<16xf32> to vector<1x16xf32>
      tpu.vector_store %arg7[%swap3A_2079, %swap3A_2080], %swap3A_2083 {strides = array<i32>} : memref<128x128xf32, #tpu.memory_space<vmem>>, vector<1x16xf32>,
      %swap3A_2084 = arith.index_cast %scan3A_2063 : i32 to index
      %swap3A_2085 = arith.constant 64 : index
      %swap3A_2086 = tpu.vector_load %arg7[%swap3A_2084, %swap3A_2085] {strides = array<i32>} : memref<128x128xf32, #tpu.memory_space<vmem>>, vector<1x16xf32>,
      %swap3A_2087 = vector.shape_cast %swap3A_2086 : vector<1x16xf32> to vector<16xf32>
      %swap3A_2088 = vector.shape_cast %get3A_1201 : vector<16xf32> to vector<1x16xf32>
      tpu.vector_store %arg7[%swap3A_2084, %swap3A_2085], %swap3A_2088 {strides = array<i32>} : memref<128x128xf32, #tpu.memory_space<vmem>>, vector<1x16xf32>,
      %swap3A_2089 = arith.index_cast %scan3A_2063 : i32 to index
      %swap3A_2090 = arith.constant 80 : index
      %swap3A_2091 = tpu.vector_load %arg7[%swap3A_2089, %swap3A_2090] {strides = array<i32>} : memref<128x128xf32, #tpu.memory_space<vmem>>, vector<1x16xf32>,
      %swap3A_2092 = vector.shape_cast %swap3A_2091 : vector<1x16xf32> to vector<16xf32>
      %swap3A_2093 = vector.shape_cast %get3A_1206 : vector<16xf32> to vector<1x16xf32>
      tpu.vector_store %arg7[%swap3A_2089, %swap3A_2090], %swap3A_2093 {strides = array<i32>} : memref<128x128xf32, #tpu.memory_space<vmem>>, vector<1x16xf32>,
      %swap3A_2094 = arith.index_cast %scan3A_2063 : i32 to index
      %swap3A_2095 = arith.constant 96 : index
      %swap3A_2096 = tpu.vector_load %arg7[%swap3A_2094, %swap3A_2095] {strides = array<i32>} : memref<128x128xf32, #tpu.memory_space<vmem>>, vector<1x16xf32>,
      %swap3A_2097 = vector.shape_cast %swap3A_2096 : vector<1x16xf32> to vector<16xf32>
      %swap3A_2098 = vector.shape_cast %get3A_1211 : vector<16xf32> to vector<1x16xf32>
      tpu.vector_store %arg7[%swap3A_2094, %swap3A_2095], %swap3A_2098 {strides = array<i32>} : memref<128x128xf32, #tpu.memory_space<vmem>>, vector<1x16xf32>,
      %swap3A_2099 = arith.index_cast %scan3A_2063 : i32 to index
      %swap3A_2100 = arith.constant 112 : index
      %swap3A_2101 = tpu.vector_load %arg7[%swap3A_2099, %swap3A_2100] {strides = array<i32>} : memref<128x128xf32, #tpu.memory_space<vmem>>, vector<1x16xf32>,
      %swap3A_2102 = vector.shape_cast %swap3A_2101 : vector<1x16xf32> to vector<16xf32>
      %swap3A_2103 = vector.shape_cast %get3A_1216 : vector<16xf32> to vector<1x16xf32>
      tpu.vector_store %arg7[%swap3A_2099, %swap3A_2100], %swap3A_2103 {strides = array<i32>} : memref<128x128xf32, #tpu.memory_space<vmem>>, vector<1x16xf32>,
      %scan3A_2104 = arith.constant 0 : i32
      scf.yield %scan3A_2104 : i32
    }
    %scan3A_1223 = arith.constant 128 : i32
    %add3A_1224 = arith.constant 10 : i32
    %add3A_1225 = arith.addi %mul3A_2, %add3A_1224 : i32
    %dma_start3A_1226 = arith.constant 0 : i32
    %dma_start3A_1227 = arith.constant 128 : i32
    %dma_start3A_1228 = tpu.memref_slice %arg4[%add3A_1225, %dma_start3A_1226, %dma_start3A_1227] : memref<512x512x256xf32, #tpu.memory_space<hbm>> -> memref<1x512x128xf32, #tpu.memory_space<hbm>>
    %dma_start3A_1229 = tpu.memref_squeeze %dma_start3A_1228 : memref<1x512x128xf32, #tpu.memory_space<hbm>> -> memref<512x128xf32, #tpu.memory_space<hbm>>
    %dma_start3A_1230 = arith.constant 0 : i32
    %dma_start3A_1231 = arith.constant 128 : i32
    %dma_start3A_1232 = tpu.memref_slice %arg4[%add3A_1225, %dma_start3A_1230, %dma_start3A_1231] : memref<512x512x256xf32, #tpu.memory_space<hbm>> -> memref<1x512x128xf32, #tpu.memory_space<hbm>>
    %dma_start3A_1233 = tpu.memref_squeeze %dma_start3A_1232 : memref<1x512x128xf32, #tpu.memory_space<hbm>> -> memref<512x128xf32, #tpu.memory_space<hbm>>
    tpu.enqueue_dma source(%arg6 : memref<512x128xf32, #tpu.memory_space<vmem>>) target(%dma_start3A_1233 : memref<512x128xf32, #tpu.memory_space<hbm>>) target_semaphore(%arg11 : memref<!tpu.dma_semaphore, #tpu.memory_space<semaphore_mem>>)
    %dma_start3A_1234 = arith.constant 0 : i32
    %dma_start3A_1235 = arith.constant 0 : i32
    %dma_start3A_1236 = tpu.memref_slice %arg4[%add3A_1225, %dma_start3A_1234, %dma_start3A_1235] : memref<512x512x256xf32, #tpu.memory_space<hbm>> -> memref<1x128x128xf32, #tpu.memory_space<hbm>>
    %dma_start3A_1237 = tpu.memref_squeeze %dma_start3A_1236 : memref<1x128x128xf32, #tpu.memory_space<hbm>> -> memref<128x128xf32, #tpu.memory_space<hbm>>
    %dma_start3A_1238 = arith.constant 0 : i32
    %dma_start3A_1239 = arith.constant 0 : i32
    %dma_start3A_1240 = tpu.memref_slice %arg4[%add3A_1225, %dma_start3A_1238, %dma_start3A_1239] : memref<512x512x256xf32, #tpu.memory_space<hbm>> -> memref<1x128x128xf32, #tpu.memory_space<hbm>>
    %dma_start3A_1241 = tpu.memref_squeeze %dma_start3A_1240 : memref<1x128x128xf32, #tpu.memory_space<hbm>> -> memref<128x128xf32, #tpu.memory_space<hbm>>
    tpu.enqueue_dma source(%arg7 : memref<128x128xf32, #tpu.memory_space<vmem>>) target(%dma_start3A_1241 : memref<128x128xf32, #tpu.memory_space<hbm>>) target_semaphore(%arg9 : memref<!tpu.dma_semaphore, #tpu.memory_space<semaphore_mem>>)
    %dma_start3A_1242 = arith.constant 128 : i32
    %dma_start3A_1243 = arith.constant 0 : i32
    %dma_start3A_1244 = tpu.memref_slice %arg4[%add3A_1225, %dma_start3A_1242, %dma_start3A_1243] : memref<512x512x256xf32, #tpu.memory_space<hbm>> -> memref<1x128x128xf32, #tpu.memory_space<hbm>>
    %dma_start3A_1245 = tpu.memref_squeeze %dma_start3A_1244 : memref<1x128x128xf32, #tpu.memory_space<hbm>> -> memref<128x128xf32, #tpu.memory_space<hbm>>
    %dma_start3A_1246 = arith.constant 128 : i32
    %dma_start3A_1247 = arith.constant 0 : i32
    %dma_start3A_1248 = tpu.memref_slice %arg4[%add3A_1225, %dma_start3A_1246, %dma_start3A_1247] : memref<512x512x256xf32, #tpu.memory_space<hbm>> -> memref<1x128x128xf32, #tpu.memory_space<hbm>>
    %dma_start3A_1249 = tpu.memref_squeeze %dma_start3A_1248 : memref<1x128x128xf32, #tpu.memory_space<hbm>> -> memref<128x128xf32, #tpu.memory_space<hbm>>
    tpu.enqueue_dma source(%arg7 : memref<128x128xf32, #tpu.memory_space<vmem>>) target(%dma_start3A_1249 : memref<128x128xf32, #tpu.memory_space<hbm>>) target_semaphore(%arg9 : memref<!tpu.dma_semaphore, #tpu.memory_space<semaphore_mem>>)
    %dma_start3A_1250 = arith.constant 256 : i32
    %dma_start3A_1251 = arith.constant 0 : i32
    %dma_start3A_1252 = tpu.memref_slice %arg4[%add3A_1225, %dma_start3A_1250, %dma_start3A_1251] : memref<512x512x256xf32, #tpu.memory_space<hbm>> -> memref<1x128x128xf32, #tpu.memory_space<hbm>>
    %dma_start3A_1253 = tpu.memref_squeeze %dma_start3A_1252 : memref<1x128x128xf32, #tpu.memory_space<hbm>> -> memref<128x128xf32, #tpu.memory_space<hbm>>
    %dma_start3A_1254 = arith.constant 256 : i32
    %dma_start3A_1255 = arith.constant 0 : i32
    %dma_start3A_1256 = tpu.memref_slice %arg4[%add3A_1225, %dma_start3A_1254, %dma_start3A_1255] : memref<512x512x256xf32, #tpu.memory_space<hbm>> -> memref<1x128x128xf32, #tpu.memory_space<hbm>>
    %dma_start3A_1257 = tpu.memref_squeeze %dma_start3A_1256 : memref<1x128x128xf32, #tpu.memory_space<hbm>> -> memref<128x128xf32, #tpu.memory_space<hbm>>
    tpu.enqueue_dma source(%arg7 : memref<128x128xf32, #tpu.memory_space<vmem>>) target(%dma_start3A_1257 : memref<128x128xf32, #tpu.memory_space<hbm>>) target_semaphore(%arg9 : memref<!tpu.dma_semaphore, #tpu.memory_space<semaphore_mem>>)
    %dma_start3A_1258 = arith.constant 384 : i32
    %dma_start3A_1259 = arith.constant 0 : i32
    %dma_start3A_1260 = tpu.memref_slice %arg4[%add3A_1225, %dma_start3A_1258, %dma_start3A_1259] : memref<512x512x256xf32, #tpu.memory_space<hbm>> -> memref<1x128x128xf32, #tpu.memory_space<hbm>>
    %dma_start3A_1261 = tpu.memref_squeeze %dma_start3A_1260 : memref<1x128x128xf32, #tpu.memory_space<hbm>> -> memref<128x128xf32, #tpu.memory_space<hbm>>
    %dma_start3A_1262 = arith.constant 384 : i32
    %dma_start3A_1263 = arith.constant 0 : i32
    %dma_start3A_1264 = tpu.memref_slice %arg4[%add3A_1225, %dma_start3A_1262, %dma_start3A_1263] : memref<512x512x256xf32, #tpu.memory_space<hbm>> -> memref<1x128x128xf32, #tpu.memory_space<hbm>>
    %dma_start3A_1265 = tpu.memref_squeeze %dma_start3A_1264 : memref<1x128x128xf32, #tpu.memory_space<hbm>> -> memref<128x128xf32, #tpu.memory_space<hbm>>
    tpu.enqueue_dma source(%arg7 : memref<128x128xf32, #tpu.memory_space<vmem>>) target(%dma_start3A_1265 : memref<128x128xf32, #tpu.memory_space<hbm>>) target_semaphore(%arg9 : memref<!tpu.dma_semaphore, #tpu.memory_space<semaphore_mem>>)
    %dma_wait3A_1266 = arith.constant 0 : i32
    %dma_wait3A_1267 = arith.constant 0 : i32
    %dma_wait3A_1268 = tpu.memref_slice %arg4[%add3A_1104, %dma_wait3A_1266, %dma_wait3A_1267] : memref<512x512x256xf32, #tpu.memory_space<hbm>> -> memref<1x128x128xf32, #tpu.memory_space<hbm>>
    %dma_wait3A_1269 = tpu.memref_squeeze %dma_wait3A_1268 : memref<1x128x128xf32, #tpu.memory_space<hbm>> -> memref<128x128xf32, #tpu.memory_space<hbm>>
    %dma_wait3A_1270 = arith.constant 0 : i32
    %dma_wait3A_1271 = arith.constant 0 : i32
    %dma_wait3A_1272 = tpu.memref_slice %arg4[%add3A_1104, %dma_wait3A_1270, %dma_wait3A_1271] : memref<512x512x256xf32, #tpu.memory_space<hbm>> -> memref<1x128x128xf32, #tpu.memory_space<hbm>>
    %dma_wait3A_1273 = tpu.memref_squeeze %dma_wait3A_1272 : memref<1x128x128xf32, #tpu.memory_space<hbm>> -> memref<128x128xf32, #tpu.memory_space<hbm>>
    tpu.wait_dma2 semaphore(%arg10 : memref<!tpu.dma_semaphore, #tpu.memory_space<semaphore_mem>>) src(%arg8 : memref<128x128xf32, #tpu.memory_space<vmem>>) dst(%dma_wait3A_1273 : memref<128x128xf32, #tpu.memory_space<hbm>>)
    %dma_wait3A_1274 = arith.constant 128 : i32
    %dma_wait3A_1275 = arith.constant 0 : i32
    %dma_wait3A_1276 = tpu.memref_slice %arg4[%add3A_1104, %dma_wait3A_1274, %dma_wait3A_1275] : memref<512x512x256xf32, #tpu.memory_space<hbm>> -> memref<1x128x128xf32, #tpu.memory_space<hbm>>
    %dma_wait3A_1277 = tpu.memref_squeeze %dma_wait3A_1276 : memref<1x128x128xf32, #tpu.memory_space<hbm>> -> memref<128x128xf32, #tpu.memory_space<hbm>>
    %dma_wait3A_1278 = arith.constant 128 : i32
    %dma_wait3A_1279 = arith.constant 0 : i32
    %dma_wait3A_1280 = tpu.memref_slice %arg4[%add3A_1104, %dma_wait3A_1278, %dma_wait3A_1279] : memref<512x512x256xf32, #tpu.memory_space<hbm>> -> memref<1x128x128xf32, #tpu.memory_space<hbm>>
    %dma_wait3A_1281 = tpu.memref_squeeze %dma_wait3A_1280 : memref<1x128x128xf32, #tpu.memory_space<hbm>> -> memref<128x128xf32, #tpu.memory_space<hbm>>
    tpu.wait_dma2 semaphore(%arg10 : memref<!tpu.dma_semaphore, #tpu.memory_space<semaphore_mem>>) src(%arg8 : memref<128x128xf32, #tpu.memory_space<vmem>>) dst(%dma_wait3A_1281 : memref<128x128xf32, #tpu.memory_space<hbm>>)
    %dma_wait3A_1282 = arith.constant 256 : i32
    %dma_wait3A_1283 = arith.constant 0 : i32
    %dma_wait3A_1284 = tpu.memref_slice %arg4[%add3A_1104, %dma_wait3A_1282, %dma_wait3A_1283] : memref<512x512x256xf32, #tpu.memory_space<hbm>> -> memref<1x128x128xf32, #tpu.memory_space<hbm>>
    %dma_wait3A_1285 = tpu.memref_squeeze %dma_wait3A_1284 : memref<1x128x128xf32, #tpu.memory_space<hbm>> -> memref<128x128xf32, #tpu.memory_space<hbm>>
    %dma_wait3A_1286 = arith.constant 256 : i32
    %dma_wait3A_1287 = arith.constant 0 : i32
    %dma_wait3A_1288 = tpu.memref_slice %arg4[%add3A_1104, %dma_wait3A_1286, %dma_wait3A_1287] : memref<512x512x256xf32, #tpu.memory_space<hbm>> -> memref<1x128x128xf32, #tpu.memory_space<hbm>>
    %dma_wait3A_1289 = tpu.memref_squeeze %dma_wait3A_1288 : memref<1x128x128xf32, #tpu.memory_space<hbm>> -> memref<128x128xf32, #tpu.memory_space<hbm>>
    tpu.wait_dma2 semaphore(%arg10 : memref<!tpu.dma_semaphore, #tpu.memory_space<semaphore_mem>>) src(%arg8 : memref<128x128xf32, #tpu.memory_space<vmem>>) dst(%dma_wait3A_1289 : memref<128x128xf32, #tpu.memory_space<hbm>>)
    %dma_wait3A_1290 = arith.constant 384 : i32
    %dma_wait3A_1291 = arith.constant 0 : i32
    %dma_wait3A_1292 = tpu.memref_slice %arg4[%add3A_1104, %dma_wait3A_1290, %dma_wait3A_1291] : memref<512x512x256xf32, #tpu.memory_space<hbm>> -> memref<1x128x128xf32, #tpu.memory_space<hbm>>
    %dma_wait3A_1293 = tpu.memref_squeeze %dma_wait3A_1292 : memref<1x128x128xf32, #tpu.memory_space<hbm>> -> memref<128x128xf32, #tpu.memory_space<hbm>>
    %dma_wait3A_1294 = arith.constant 384 : i32
    %dma_wait3A_1295 = arith.constant 0 : i32
    %dma_wait3A_1296 = tpu.memref_slice %arg4[%add3A_1104, %dma_wait3A_1294, %dma_wait3A_1295] : memref<512x512x256xf32, #tpu.memory_space<hbm>> -> memref<1x128x128xf32, #tpu.memory_space<hbm>>
    %dma_wait3A_1297 = tpu.memref_squeeze %dma_wait3A_1296 : memref<1x128x128xf32, #tpu.memory_space<hbm>> -> memref<128x128xf32, #tpu.memory_space<hbm>>
    tpu.wait_dma2 semaphore(%arg10 : memref<!tpu.dma_semaphore, #tpu.memory_space<semaphore_mem>>) src(%arg8 : memref<128x128xf32, #tpu.memory_space<vmem>>) dst(%dma_wait3A_1297 : memref<128x128xf32, #tpu.memory_space<hbm>>)
    %get3A_1298 = arith.constant 11 : i32
    %get3A_1299 = arith.index_cast %get3A_1298 : i32 to index
    %get3A_1300 = arith.constant 0 : index
    %get3A_1301 = tpu.vector_load %arg5[%get3A_1299, %get3A_1300] {strides = array<i32>} : memref<16x128xf32, #tpu.memory_space<vmem>>, vector<1x16xf32>,
    %get3A_1302 = vector.shape_cast %get3A_1301 : vector<1x16xf32> to vector<16xf32>
    %get3A_1303 = arith.constant 11 : i32
    %get3A_1304 = arith.index_cast %get3A_1303 : i32 to index
    %get3A_1305 = arith.constant 16 : index
    %get3A_1306 = tpu.vector_load %arg5[%get3A_1304, %get3A_1305] {strides = array<i32>} : memref<16x128xf32, #tpu.memory_space<vmem>>, vector<1x16xf32>,
    %get3A_1307 = vector.shape_cast %get3A_1306 : vector<1x16xf32> to vector<16xf32>
    %get3A_1308 = arith.constant 11 : i32
    %get3A_1309 = arith.index_cast %get3A_1308 : i32 to index
    %get3A_1310 = arith.constant 32 : index
    %get3A_1311 = tpu.vector_load %arg5[%get3A_1309, %get3A_1310] {strides = array<i32>} : memref<16x128xf32, #tpu.memory_space<vmem>>, vector<1x16xf32>,
    %get3A_1312 = vector.shape_cast %get3A_1311 : vector<1x16xf32> to vector<16xf32>
    %get3A_1313 = arith.constant 11 : i32
    %get3A_1314 = arith.index_cast %get3A_1313 : i32 to index
    %get3A_1315 = arith.constant 48 : index
    %get3A_1316 = tpu.vector_load %arg5[%get3A_1314, %get3A_1315] {strides = array<i32>} : memref<16x128xf32, #tpu.memory_space<vmem>>, vector<1x16xf32>,
    %get3A_1317 = vector.shape_cast %get3A_1316 : vector<1x16xf32> to vector<16xf32>
    %get3A_1318 = arith.constant 11 : i32
    %get3A_1319 = arith.index_cast %get3A_1318 : i32 to index
    %get3A_1320 = arith.constant 64 : index
    %get3A_1321 = tpu.vector_load %arg5[%get3A_1319, %get3A_1320] {strides = array<i32>} : memref<16x128xf32, #tpu.memory_space<vmem>>, vector<1x16xf32>,
    %get3A_1322 = vector.shape_cast %get3A_1321 : vector<1x16xf32> to vector<16xf32>
    %get3A_1323 = arith.constant 11 : i32
    %get3A_1324 = arith.index_cast %get3A_1323 : i32 to index
    %get3A_1325 = arith.constant 80 : index
    %get3A_1326 = tpu.vector_load %arg5[%get3A_1324, %get3A_1325] {strides = array<i32>} : memref<16x128xf32, #tpu.memory_space<vmem>>, vector<1x16xf32>,
    %get3A_1327 = vector.shape_cast %get3A_1326 : vector<1x16xf32> to vector<16xf32>
    %get3A_1328 = arith.constant 11 : i32
    %get3A_1329 = arith.index_cast %get3A_1328 : i32 to index
    %get3A_1330 = arith.constant 96 : index
    %get3A_1331 = tpu.vector_load %arg5[%get3A_1329, %get3A_1330] {strides = array<i32>} : memref<16x128xf32, #tpu.memory_space<vmem>>, vector<1x16xf32>,
    %get3A_1332 = vector.shape_cast %get3A_1331 : vector<1x16xf32> to vector<16xf32>
    %get3A_1333 = arith.constant 11 : i32
    %get3A_1334 = arith.index_cast %get3A_1333 : i32 to index
    %get3A_1335 = arith.constant 112 : index
    %get3A_1336 = tpu.vector_load %arg5[%get3A_1334, %get3A_1335] {strides = array<i32>} : memref<16x128xf32, #tpu.memory_space<vmem>>, vector<1x16xf32>,
    %get3A_1337 = vector.shape_cast %get3A_1336 : vector<1x16xf32> to vector<16xf32>
    %scan3A_1338 = arith.constant 0 : i32
    %scan3A_1339 = arith.constant 0 : i32
    %scan3A_1340 = arith.constant 128 : i32
    %scan3A_1341 = arith.addi %scan3A_1339, %scan3A_1340 : i32
    %scan3A_1342 = arith.constant 1 : i32
    %scan3A_1343 = scf.for %scan3A_2063 = %scan3A_1339 to %scan3A_1341 step %scan3A_1342 iter_args(%scan3A_2064 = %scan3A_1338) -> (i32)  : i32 {
      %swap3A = arith.index_cast %scan3A_2063 : i32 to index
      %swap3A_2065 = arith.constant 0 : index
      %swap3A_2066 = tpu.vector_load %arg8[%swap3A, %swap3A_2065] {strides = array<i32>} : memref<128x128xf32, #tpu.memory_space<vmem>>, vector<1x16xf32>,
      %swap3A_2067 = vector.shape_cast %swap3A_2066 : vector<1x16xf32> to vector<16xf32>
      %swap3A_2068 = vector.shape_cast %get3A_1302 : vector<16xf32> to vector<1x16xf32>
      tpu.vector_store %arg8[%swap3A, %swap3A_2065], %swap3A_2068 {strides = array<i32>} : memref<128x128xf32, #tpu.memory_space<vmem>>, vector<1x16xf32>,
      %swap3A_2069 = arith.index_cast %scan3A_2063 : i32 to index
      %swap3A_2070 = arith.constant 16 : index
      %swap3A_2071 = tpu.vector_load %arg8[%swap3A_2069, %swap3A_2070] {strides = array<i32>} : memref<128x128xf32, #tpu.memory_space<vmem>>, vector<1x16xf32>,
      %swap3A_2072 = vector.shape_cast %swap3A_2071 : vector<1x16xf32> to vector<16xf32>
      %swap3A_2073 = vector.shape_cast %get3A_1307 : vector<16xf32> to vector<1x16xf32>
      tpu.vector_store %arg8[%swap3A_2069, %swap3A_2070], %swap3A_2073 {strides = array<i32>} : memref<128x128xf32, #tpu.memory_space<vmem>>, vector<1x16xf32>,
      %swap3A_2074 = arith.index_cast %scan3A_2063 : i32 to index
      %swap3A_2075 = arith.constant 32 : index
      %swap3A_2076 = tpu.vector_load %arg8[%swap3A_2074, %swap3A_2075] {strides = array<i32>} : memref<128x128xf32, #tpu.memory_space<vmem>>, vector<1x16xf32>,
      %swap3A_2077 = vector.shape_cast %swap3A_2076 : vector<1x16xf32> to vector<16xf32>
      %swap3A_2078 = vector.shape_cast %get3A_1312 : vector<16xf32> to vector<1x16xf32>
      tpu.vector_store %arg8[%swap3A_2074, %swap3A_2075], %swap3A_2078 {strides = array<i32>} : memref<128x128xf32, #tpu.memory_space<vmem>>, vector<1x16xf32>,
      %swap3A_2079 = arith.index_cast %scan3A_2063 : i32 to index
      %swap3A_2080 = arith.constant 48 : index
      %swap3A_2081 = tpu.vector_load %arg8[%swap3A_2079, %swap3A_2080] {strides = array<i32>} : memref<128x128xf32, #tpu.memory_space<vmem>>, vector<1x16xf32>,
      %swap3A_2082 = vector.shape_cast %swap3A_2081 : vector<1x16xf32> to vector<16xf32>
      %swap3A_2083 = vector.shape_cast %get3A_1317 : vector<16xf32> to vector<1x16xf32>
      tpu.vector_store %arg8[%swap3A_2079, %swap3A_2080], %swap3A_2083 {strides = array<i32>} : memref<128x128xf32, #tpu.memory_space<vmem>>, vector<1x16xf32>,
      %swap3A_2084 = arith.index_cast %scan3A_2063 : i32 to index
      %swap3A_2085 = arith.constant 64 : index
      %swap3A_2086 = tpu.vector_load %arg8[%swap3A_2084, %swap3A_2085] {strides = array<i32>} : memref<128x128xf32, #tpu.memory_space<vmem>>, vector<1x16xf32>,
      %swap3A_2087 = vector.shape_cast %swap3A_2086 : vector<1x16xf32> to vector<16xf32>
      %swap3A_2088 = vector.shape_cast %get3A_1322 : vector<16xf32> to vector<1x16xf32>
      tpu.vector_store %arg8[%swap3A_2084, %swap3A_2085], %swap3A_2088 {strides = array<i32>} : memref<128x128xf32, #tpu.memory_space<vmem>>, vector<1x16xf32>,
      %swap3A_2089 = arith.index_cast %scan3A_2063 : i32 to index
      %swap3A_2090 = arith.constant 80 : index
      %swap3A_2091 = tpu.vector_load %arg8[%swap3A_2089, %swap3A_2090] {strides = array<i32>} : memref<128x128xf32, #tpu.memory_space<vmem>>, vector<1x16xf32>,
      %swap3A_2092 = vector.shape_cast %swap3A_2091 : vector<1x16xf32> to vector<16xf32>
      %swap3A_2093 = vector.shape_cast %get3A_1327 : vector<16xf32> to vector<1x16xf32>
      tpu.vector_store %arg8[%swap3A_2089, %swap3A_2090], %swap3A_2093 {strides = array<i32>} : memref<128x128xf32, #tpu.memory_space<vmem>>, vector<1x16xf32>,
      %swap3A_2094 = arith.index_cast %scan3A_2063 : i32 to index
      %swap3A_2095 = arith.constant 96 : index
      %swap3A_2096 = tpu.vector_load %arg8[%swap3A_2094, %swap3A_2095] {strides = array<i32>} : memref<128x128xf32, #tpu.memory_space<vmem>>, vector<1x16xf32>,
      %swap3A_2097 = vector.shape_cast %swap3A_2096 : vector<1x16xf32> to vector<16xf32>
      %swap3A_2098 = vector.shape_cast %get3A_1332 : vector<16xf32> to vector<1x16xf32>
      tpu.vector_store %arg8[%swap3A_2094, %swap3A_2095], %swap3A_2098 {strides = array<i32>} : memref<128x128xf32, #tpu.memory_space<vmem>>, vector<1x16xf32>,
      %swap3A_2099 = arith.index_cast %scan3A_2063 : i32 to index
      %swap3A_2100 = arith.constant 112 : index
      %swap3A_2101 = tpu.vector_load %arg8[%swap3A_2099, %swap3A_2100] {strides = array<i32>} : memref<128x128xf32, #tpu.memory_space<vmem>>, vector<1x16xf32>,
      %swap3A_2102 = vector.shape_cast %swap3A_2101 : vector<1x16xf32> to vector<16xf32>
      %swap3A_2103 = vector.shape_cast %get3A_1337 : vector<16xf32> to vector<1x16xf32>
      tpu.vector_store %arg8[%swap3A_2099, %swap3A_2100], %swap3A_2103 {strides = array<i32>} : memref<128x128xf32, #tpu.memory_space<vmem>>, vector<1x16xf32>,
      %scan3A_2104 = arith.constant 0 : i32
      scf.yield %scan3A_2104 : i32
    }
    %scan3A_1344 = arith.constant 128 : i32
    %add3A_1345 = arith.constant 11 : i32
    %add3A_1346 = arith.addi %mul3A_2, %add3A_1345 : i32
    %dma_start3A_1347 = arith.constant 0 : i32
    %dma_start3A_1348 = arith.constant 128 : i32
    %dma_start3A_1349 = tpu.memref_slice %arg4[%add3A_1346, %dma_start3A_1347, %dma_start3A_1348] : memref<512x512x256xf32, #tpu.memory_space<hbm>> -> memref<1x512x128xf32, #tpu.memory_space<hbm>>
    %dma_start3A_1350 = tpu.memref_squeeze %dma_start3A_1349 : memref<1x512x128xf32, #tpu.memory_space<hbm>> -> memref<512x128xf32, #tpu.memory_space<hbm>>
    %dma_start3A_1351 = arith.constant 0 : i32
    %dma_start3A_1352 = arith.constant 128 : i32
    %dma_start3A_1353 = tpu.memref_slice %arg4[%add3A_1346, %dma_start3A_1351, %dma_start3A_1352] : memref<512x512x256xf32, #tpu.memory_space<hbm>> -> memref<1x512x128xf32, #tpu.memory_space<hbm>>
    %dma_start3A_1354 = tpu.memref_squeeze %dma_start3A_1353 : memref<1x512x128xf32, #tpu.memory_space<hbm>> -> memref<512x128xf32, #tpu.memory_space<hbm>>
    tpu.enqueue_dma source(%arg6 : memref<512x128xf32, #tpu.memory_space<vmem>>) target(%dma_start3A_1354 : memref<512x128xf32, #tpu.memory_space<hbm>>) target_semaphore(%arg11 : memref<!tpu.dma_semaphore, #tpu.memory_space<semaphore_mem>>)
    %dma_start3A_1355 = arith.constant 0 : i32
    %dma_start3A_1356 = arith.constant 0 : i32
    %dma_start3A_1357 = tpu.memref_slice %arg4[%add3A_1346, %dma_start3A_1355, %dma_start3A_1356] : memref<512x512x256xf32, #tpu.memory_space<hbm>> -> memref<1x128x128xf32, #tpu.memory_space<hbm>>
    %dma_start3A_1358 = tpu.memref_squeeze %dma_start3A_1357 : memref<1x128x128xf32, #tpu.memory_space<hbm>> -> memref<128x128xf32, #tpu.memory_space<hbm>>
    %dma_start3A_1359 = arith.constant 0 : i32
    %dma_start3A_1360 = arith.constant 0 : i32
    %dma_start3A_1361 = tpu.memref_slice %arg4[%add3A_1346, %dma_start3A_1359, %dma_start3A_1360] : memref<512x512x256xf32, #tpu.memory_space<hbm>> -> memref<1x128x128xf32, #tpu.memory_space<hbm>>
    %dma_start3A_1362 = tpu.memref_squeeze %dma_start3A_1361 : memref<1x128x128xf32, #tpu.memory_space<hbm>> -> memref<128x128xf32, #tpu.memory_space<hbm>>
    tpu.enqueue_dma source(%arg8 : memref<128x128xf32, #tpu.memory_space<vmem>>) target(%dma_start3A_1362 : memref<128x128xf32, #tpu.memory_space<hbm>>) target_semaphore(%arg10 : memref<!tpu.dma_semaphore, #tpu.memory_space<semaphore_mem>>)
    %dma_start3A_1363 = arith.constant 128 : i32
    %dma_start3A_1364 = arith.constant 0 : i32
    %dma_start3A_1365 = tpu.memref_slice %arg4[%add3A_1346, %dma_start3A_1363, %dma_start3A_1364] : memref<512x512x256xf32, #tpu.memory_space<hbm>> -> memref<1x128x128xf32, #tpu.memory_space<hbm>>
    %dma_start3A_1366 = tpu.memref_squeeze %dma_start3A_1365 : memref<1x128x128xf32, #tpu.memory_space<hbm>> -> memref<128x128xf32, #tpu.memory_space<hbm>>
    %dma_start3A_1367 = arith.constant 128 : i32
    %dma_start3A_1368 = arith.constant 0 : i32
    %dma_start3A_1369 = tpu.memref_slice %arg4[%add3A_1346, %dma_start3A_1367, %dma_start3A_1368] : memref<512x512x256xf32, #tpu.memory_space<hbm>> -> memref<1x128x128xf32, #tpu.memory_space<hbm>>
    %dma_start3A_1370 = tpu.memref_squeeze %dma_start3A_1369 : memref<1x128x128xf32, #tpu.memory_space<hbm>> -> memref<128x128xf32, #tpu.memory_space<hbm>>
    tpu.enqueue_dma source(%arg8 : memref<128x128xf32, #tpu.memory_space<vmem>>) target(%dma_start3A_1370 : memref<128x128xf32, #tpu.memory_space<hbm>>) target_semaphore(%arg10 : memref<!tpu.dma_semaphore, #tpu.memory_space<semaphore_mem>>)
    %dma_start3A_1371 = arith.constant 256 : i32
    %dma_start3A_1372 = arith.constant 0 : i32
    %dma_start3A_1373 = tpu.memref_slice %arg4[%add3A_1346, %dma_start3A_1371, %dma_start3A_1372] : memref<512x512x256xf32, #tpu.memory_space<hbm>> -> memref<1x128x128xf32, #tpu.memory_space<hbm>>
    %dma_start3A_1374 = tpu.memref_squeeze %dma_start3A_1373 : memref<1x128x128xf32, #tpu.memory_space<hbm>> -> memref<128x128xf32, #tpu.memory_space<hbm>>
    %dma_start3A_1375 = arith.constant 256 : i32
    %dma_start3A_1376 = arith.constant 0 : i32
    %dma_start3A_1377 = tpu.memref_slice %arg4[%add3A_1346, %dma_start3A_1375, %dma_start3A_1376] : memref<512x512x256xf32, #tpu.memory_space<hbm>> -> memref<1x128x128xf32, #tpu.memory_space<hbm>>
    %dma_start3A_1378 = tpu.memref_squeeze %dma_start3A_1377 : memref<1x128x128xf32, #tpu.memory_space<hbm>> -> memref<128x128xf32, #tpu.memory_space<hbm>>
    tpu.enqueue_dma source(%arg8 : memref<128x128xf32, #tpu.memory_space<vmem>>) target(%dma_start3A_1378 : memref<128x128xf32, #tpu.memory_space<hbm>>) target_semaphore(%arg10 : memref<!tpu.dma_semaphore, #tpu.memory_space<semaphore_mem>>)
    %dma_start3A_1379 = arith.constant 384 : i32
    %dma_start3A_1380 = arith.constant 0 : i32
    %dma_start3A_1381 = tpu.memref_slice %arg4[%add3A_1346, %dma_start3A_1379, %dma_start3A_1380] : memref<512x512x256xf32, #tpu.memory_space<hbm>> -> memref<1x128x128xf32, #tpu.memory_space<hbm>>
    %dma_start3A_1382 = tpu.memref_squeeze %dma_start3A_1381 : memref<1x128x128xf32, #tpu.memory_space<hbm>> -> memref<128x128xf32, #tpu.memory_space<hbm>>
    %dma_start3A_1383 = arith.constant 384 : i32
    %dma_start3A_1384 = arith.constant 0 : i32
    %dma_start3A_1385 = tpu.memref_slice %arg4[%add3A_1346, %dma_start3A_1383, %dma_start3A_1384] : memref<512x512x256xf32, #tpu.memory_space<hbm>> -> memref<1x128x128xf32, #tpu.memory_space<hbm>>
    %dma_start3A_1386 = tpu.memref_squeeze %dma_start3A_1385 : memref<1x128x128xf32, #tpu.memory_space<hbm>> -> memref<128x128xf32, #tpu.memory_space<hbm>>
    tpu.enqueue_dma source(%arg8 : memref<128x128xf32, #tpu.memory_space<vmem>>) target(%dma_start3A_1386 : memref<128x128xf32, #tpu.memory_space<hbm>>) target_semaphore(%arg10 : memref<!tpu.dma_semaphore, #tpu.memory_space<semaphore_mem>>)
    %dma_wait3A_1387 = arith.constant 0 : i32
    %dma_wait3A_1388 = arith.constant 0 : i32
    %dma_wait3A_1389 = tpu.memref_slice %arg4[%add3A_1225, %dma_wait3A_1387, %dma_wait3A_1388] : memref<512x512x256xf32, #tpu.memory_space<hbm>> -> memref<1x128x128xf32, #tpu.memory_space<hbm>>
    %dma_wait3A_1390 = tpu.memref_squeeze %dma_wait3A_1389 : memref<1x128x128xf32, #tpu.memory_space<hbm>> -> memref<128x128xf32, #tpu.memory_space<hbm>>
    %dma_wait3A_1391 = arith.constant 0 : i32
    %dma_wait3A_1392 = arith.constant 0 : i32
    %dma_wait3A_1393 = tpu.memref_slice %arg4[%add3A_1225, %dma_wait3A_1391, %dma_wait3A_1392] : memref<512x512x256xf32, #tpu.memory_space<hbm>> -> memref<1x128x128xf32, #tpu.memory_space<hbm>>
    %dma_wait3A_1394 = tpu.memref_squeeze %dma_wait3A_1393 : memref<1x128x128xf32, #tpu.memory_space<hbm>> -> memref<128x128xf32, #tpu.memory_space<hbm>>
    tpu.wait_dma2 semaphore(%arg9 : memref<!tpu.dma_semaphore, #tpu.memory_space<semaphore_mem>>) src(%arg7 : memref<128x128xf32, #tpu.memory_space<vmem>>) dst(%dma_wait3A_1394 : memref<128x128xf32, #tpu.memory_space<hbm>>)
    %dma_wait3A_1395 = arith.constant 128 : i32
    %dma_wait3A_1396 = arith.constant 0 : i32
    %dma_wait3A_1397 = tpu.memref_slice %arg4[%add3A_1225, %dma_wait3A_1395, %dma_wait3A_1396] : memref<512x512x256xf32, #tpu.memory_space<hbm>> -> memref<1x128x128xf32, #tpu.memory_space<hbm>>
    %dma_wait3A_1398 = tpu.memref_squeeze %dma_wait3A_1397 : memref<1x128x128xf32, #tpu.memory_space<hbm>> -> memref<128x128xf32, #tpu.memory_space<hbm>>
    %dma_wait3A_1399 = arith.constant 128 : i32
    %dma_wait3A_1400 = arith.constant 0 : i32
    %dma_wait3A_1401 = tpu.memref_slice %arg4[%add3A_1225, %dma_wait3A_1399, %dma_wait3A_1400] : memref<512x512x256xf32, #tpu.memory_space<hbm>> -> memref<1x128x128xf32, #tpu.memory_space<hbm>>
    %dma_wait3A_1402 = tpu.memref_squeeze %dma_wait3A_1401 : memref<1x128x128xf32, #tpu.memory_space<hbm>> -> memref<128x128xf32, #tpu.memory_space<hbm>>
    tpu.wait_dma2 semaphore(%arg9 : memref<!tpu.dma_semaphore, #tpu.memory_space<semaphore_mem>>) src(%arg7 : memref<128x128xf32, #tpu.memory_space<vmem>>) dst(%dma_wait3A_1402 : memref<128x128xf32, #tpu.memory_space<hbm>>)
    %dma_wait3A_1403 = arith.constant 256 : i32
    %dma_wait3A_1404 = arith.constant 0 : i32
    %dma_wait3A_1405 = tpu.memref_slice %arg4[%add3A_1225, %dma_wait3A_1403, %dma_wait3A_1404] : memref<512x512x256xf32, #tpu.memory_space<hbm>> -> memref<1x128x128xf32, #tpu.memory_space<hbm>>
    %dma_wait3A_1406 = tpu.memref_squeeze %dma_wait3A_1405 : memref<1x128x128xf32, #tpu.memory_space<hbm>> -> memref<128x128xf32, #tpu.memory_space<hbm>>
    %dma_wait3A_1407 = arith.constant 256 : i32
    %dma_wait3A_1408 = arith.constant 0 : i32
    %dma_wait3A_1409 = tpu.memref_slice %arg4[%add3A_1225, %dma_wait3A_1407, %dma_wait3A_1408] : memref<512x512x256xf32, #tpu.memory_space<hbm>> -> memref<1x128x128xf32, #tpu.memory_space<hbm>>
    %dma_wait3A_1410 = tpu.memref_squeeze %dma_wait3A_1409 : memref<1x128x128xf32, #tpu.memory_space<hbm>> -> memref<128x128xf32, #tpu.memory_space<hbm>>
    tpu.wait_dma2 semaphore(%arg9 : memref<!tpu.dma_semaphore, #tpu.memory_space<semaphore_mem>>) src(%arg7 : memref<128x128xf32, #tpu.memory_space<vmem>>) dst(%dma_wait3A_1410 : memref<128x128xf32, #tpu.memory_space<hbm>>)
    %dma_wait3A_1411 = arith.constant 384 : i32
    %dma_wait3A_1412 = arith.constant 0 : i32
    %dma_wait3A_1413 = tpu.memref_slice %arg4[%add3A_1225, %dma_wait3A_1411, %dma_wait3A_1412] : memref<512x512x256xf32, #tpu.memory_space<hbm>> -> memref<1x128x128xf32, #tpu.memory_space<hbm>>
    %dma_wait3A_1414 = tpu.memref_squeeze %dma_wait3A_1413 : memref<1x128x128xf32, #tpu.memory_space<hbm>> -> memref<128x128xf32, #tpu.memory_space<hbm>>
    %dma_wait3A_1415 = arith.constant 384 : i32
    %dma_wait3A_1416 = arith.constant 0 : i32
    %dma_wait3A_1417 = tpu.memref_slice %arg4[%add3A_1225, %dma_wait3A_1415, %dma_wait3A_1416] : memref<512x512x256xf32, #tpu.memory_space<hbm>> -> memref<1x128x128xf32, #tpu.memory_space<hbm>>
    %dma_wait3A_1418 = tpu.memref_squeeze %dma_wait3A_1417 : memref<1x128x128xf32, #tpu.memory_space<hbm>> -> memref<128x128xf32, #tpu.memory_space<hbm>>
    tpu.wait_dma2 semaphore(%arg9 : memref<!tpu.dma_semaphore, #tpu.memory_space<semaphore_mem>>) src(%arg7 : memref<128x128xf32, #tpu.memory_space<vmem>>) dst(%dma_wait3A_1418 : memref<128x128xf32, #tpu.memory_space<hbm>>)
    %get3A_1419 = arith.constant 12 : i32
    %get3A_1420 = arith.index_cast %get3A_1419 : i32 to index
    %get3A_1421 = arith.constant 0 : index
    %get3A_1422 = tpu.vector_load %arg5[%get3A_1420, %get3A_1421] {strides = array<i32>} : memref<16x128xf32, #tpu.memory_space<vmem>>, vector<1x16xf32>,
    %get3A_1423 = vector.shape_cast %get3A_1422 : vector<1x16xf32> to vector<16xf32>
    %get3A_1424 = arith.constant 12 : i32
    %get3A_1425 = arith.index_cast %get3A_1424 : i32 to index
    %get3A_1426 = arith.constant 16 : index
    %get3A_1427 = tpu.vector_load %arg5[%get3A_1425, %get3A_1426] {strides = array<i32>} : memref<16x128xf32, #tpu.memory_space<vmem>>, vector<1x16xf32>,
    %get3A_1428 = vector.shape_cast %get3A_1427 : vector<1x16xf32> to vector<16xf32>
    %get3A_1429 = arith.constant 12 : i32
    %get3A_1430 = arith.index_cast %get3A_1429 : i32 to index
    %get3A_1431 = arith.constant 32 : index
    %get3A_1432 = tpu.vector_load %arg5[%get3A_1430, %get3A_1431] {strides = array<i32>} : memref<16x128xf32, #tpu.memory_space<vmem>>, vector<1x16xf32>,
    %get3A_1433 = vector.shape_cast %get3A_1432 : vector<1x16xf32> to vector<16xf32>
    %get3A_1434 = arith.constant 12 : i32
    %get3A_1435 = arith.index_cast %get3A_1434 : i32 to index
    %get3A_1436 = arith.constant 48 : index
    %get3A_1437 = tpu.vector_load %arg5[%get3A_1435, %get3A_1436] {strides = array<i32>} : memref<16x128xf32, #tpu.memory_space<vmem>>, vector<1x16xf32>,
    %get3A_1438 = vector.shape_cast %get3A_1437 : vector<1x16xf32> to vector<16xf32>
    %get3A_1439 = arith.constant 12 : i32
    %get3A_1440 = arith.index_cast %get3A_1439 : i32 to index
    %get3A_1441 = arith.constant 64 : index
    %get3A_1442 = tpu.vector_load %arg5[%get3A_1440, %get3A_1441] {strides = array<i32>} : memref<16x128xf32, #tpu.memory_space<vmem>>, vector<1x16xf32>,
    %get3A_1443 = vector.shape_cast %get3A_1442 : vector<1x16xf32> to vector<16xf32>
    %get3A_1444 = arith.constant 12 : i32
    %get3A_1445 = arith.index_cast %get3A_1444 : i32 to index
    %get3A_1446 = arith.constant 80 : index
    %get3A_1447 = tpu.vector_load %arg5[%get3A_1445, %get3A_1446] {strides = array<i32>} : memref<16x128xf32, #tpu.memory_space<vmem>>, vector<1x16xf32>,
    %get3A_1448 = vector.shape_cast %get3A_1447 : vector<1x16xf32> to vector<16xf32>
    %get3A_1449 = arith.constant 12 : i32
    %get3A_1450 = arith.index_cast %get3A_1449 : i32 to index
    %get3A_1451 = arith.constant 96 : index
    %get3A_1452 = tpu.vector_load %arg5[%get3A_1450, %get3A_1451] {strides = array<i32>} : memref<16x128xf32, #tpu.memory_space<vmem>>, vector<1x16xf32>,
    %get3A_1453 = vector.shape_cast %get3A_1452 : vector<1x16xf32> to vector<16xf32>
    %get3A_1454 = arith.constant 12 : i32
    %get3A_1455 = arith.index_cast %get3A_1454 : i32 to index
    %get3A_1456 = arith.constant 112 : index
    %get3A_1457 = tpu.vector_load %arg5[%get3A_1455, %get3A_1456] {strides = array<i32>} : memref<16x128xf32, #tpu.memory_space<vmem>>, vector<1x16xf32>,
    %get3A_1458 = vector.shape_cast %get3A_1457 : vector<1x16xf32> to vector<16xf32>
    %scan3A_1459 = arith.constant 0 : i32
    %scan3A_1460 = arith.constant 0 : i32
    %scan3A_1461 = arith.constant 128 : i32
    %scan3A_1462 = arith.addi %scan3A_1460, %scan3A_1461 : i32
    %scan3A_1463 = arith.constant 1 : i32
    %scan3A_1464 = scf.for %scan3A_2063 = %scan3A_1460 to %scan3A_1462 step %scan3A_1463 iter_args(%scan3A_2064 = %scan3A_1459) -> (i32)  : i32 {
      %swap3A = arith.index_cast %scan3A_2063 : i32 to index
      %swap3A_2065 = arith.constant 0 : index
      %swap3A_2066 = tpu.vector_load %arg7[%swap3A, %swap3A_2065] {strides = array<i32>} : memref<128x128xf32, #tpu.memory_space<vmem>>, vector<1x16xf32>,
      %swap3A_2067 = vector.shape_cast %swap3A_2066 : vector<1x16xf32> to vector<16xf32>
      %swap3A_2068 = vector.shape_cast %get3A_1423 : vector<16xf32> to vector<1x16xf32>
      tpu.vector_store %arg7[%swap3A, %swap3A_2065], %swap3A_2068 {strides = array<i32>} : memref<128x128xf32, #tpu.memory_space<vmem>>, vector<1x16xf32>,
      %swap3A_2069 = arith.index_cast %scan3A_2063 : i32 to index
      %swap3A_2070 = arith.constant 16 : index
      %swap3A_2071 = tpu.vector_load %arg7[%swap3A_2069, %swap3A_2070] {strides = array<i32>} : memref<128x128xf32, #tpu.memory_space<vmem>>, vector<1x16xf32>,
      %swap3A_2072 = vector.shape_cast %swap3A_2071 : vector<1x16xf32> to vector<16xf32>
      %swap3A_2073 = vector.shape_cast %get3A_1428 : vector<16xf32> to vector<1x16xf32>
      tpu.vector_store %arg7[%swap3A_2069, %swap3A_2070], %swap3A_2073 {strides = array<i32>} : memref<128x128xf32, #tpu.memory_space<vmem>>, vector<1x16xf32>,
      %swap3A_2074 = arith.index_cast %scan3A_2063 : i32 to index
      %swap3A_2075 = arith.constant 32 : index
      %swap3A_2076 = tpu.vector_load %arg7[%swap3A_2074, %swap3A_2075] {strides = array<i32>} : memref<128x128xf32, #tpu.memory_space<vmem>>, vector<1x16xf32>,
      %swap3A_2077 = vector.shape_cast %swap3A_2076 : vector<1x16xf32> to vector<16xf32>
      %swap3A_2078 = vector.shape_cast %get3A_1433 : vector<16xf32> to vector<1x16xf32>
      tpu.vector_store %arg7[%swap3A_2074, %swap3A_2075], %swap3A_2078 {strides = array<i32>} : memref<128x128xf32, #tpu.memory_space<vmem>>, vector<1x16xf32>,
      %swap3A_2079 = arith.index_cast %scan3A_2063 : i32 to index
      %swap3A_2080 = arith.constant 48 : index
      %swap3A_2081 = tpu.vector_load %arg7[%swap3A_2079, %swap3A_2080] {strides = array<i32>} : memref<128x128xf32, #tpu.memory_space<vmem>>, vector<1x16xf32>,
      %swap3A_2082 = vector.shape_cast %swap3A_2081 : vector<1x16xf32> to vector<16xf32>
      %swap3A_2083 = vector.shape_cast %get3A_1438 : vector<16xf32> to vector<1x16xf32>
      tpu.vector_store %arg7[%swap3A_2079, %swap3A_2080], %swap3A_2083 {strides = array<i32>} : memref<128x128xf32, #tpu.memory_space<vmem>>, vector<1x16xf32>,
      %swap3A_2084 = arith.index_cast %scan3A_2063 : i32 to index
      %swap3A_2085 = arith.constant 64 : index
      %swap3A_2086 = tpu.vector_load %arg7[%swap3A_2084, %swap3A_2085] {strides = array<i32>} : memref<128x128xf32, #tpu.memory_space<vmem>>, vector<1x16xf32>,
      %swap3A_2087 = vector.shape_cast %swap3A_2086 : vector<1x16xf32> to vector<16xf32>
      %swap3A_2088 = vector.shape_cast %get3A_1443 : vector<16xf32> to vector<1x16xf32>
      tpu.vector_store %arg7[%swap3A_2084, %swap3A_2085], %swap3A_2088 {strides = array<i32>} : memref<128x128xf32, #tpu.memory_space<vmem>>, vector<1x16xf32>,
      %swap3A_2089 = arith.index_cast %scan3A_2063 : i32 to index
      %swap3A_2090 = arith.constant 80 : index
      %swap3A_2091 = tpu.vector_load %arg7[%swap3A_2089, %swap3A_2090] {strides = array<i32>} : memref<128x128xf32, #tpu.memory_space<vmem>>, vector<1x16xf32>,
      %swap3A_2092 = vector.shape_cast %swap3A_2091 : vector<1x16xf32> to vector<16xf32>
      %swap3A_2093 = vector.shape_cast %get3A_1448 : vector<16xf32> to vector<1x16xf32>
      tpu.vector_store %arg7[%swap3A_2089, %swap3A_2090], %swap3A_2093 {strides = array<i32>} : memref<128x128xf32, #tpu.memory_space<vmem>>, vector<1x16xf32>,
      %swap3A_2094 = arith.index_cast %scan3A_2063 : i32 to index
      %swap3A_2095 = arith.constant 96 : index
      %swap3A_2096 = tpu.vector_load %arg7[%swap3A_2094, %swap3A_2095] {strides = array<i32>} : memref<128x128xf32, #tpu.memory_space<vmem>>, vector<1x16xf32>,
      %swap3A_2097 = vector.shape_cast %swap3A_2096 : vector<1x16xf32> to vector<16xf32>
      %swap3A_2098 = vector.shape_cast %get3A_1453 : vector<16xf32> to vector<1x16xf32>
      tpu.vector_store %arg7[%swap3A_2094, %swap3A_2095], %swap3A_2098 {strides = array<i32>} : memref<128x128xf32, #tpu.memory_space<vmem>>, vector<1x16xf32>,
      %swap3A_2099 = arith.index_cast %scan3A_2063 : i32 to index
      %swap3A_2100 = arith.constant 112 : index
      %swap3A_2101 = tpu.vector_load %arg7[%swap3A_2099, %swap3A_2100] {strides = array<i32>} : memref<128x128xf32, #tpu.memory_space<vmem>>, vector<1x16xf32>,
      %swap3A_2102 = vector.shape_cast %swap3A_2101 : vector<1x16xf32> to vector<16xf32>
      %swap3A_2103 = vector.shape_cast %get3A_1458 : vector<16xf32> to vector<1x16xf32>
      tpu.vector_store %arg7[%swap3A_2099, %swap3A_2100], %swap3A_2103 {strides = array<i32>} : memref<128x128xf32, #tpu.memory_space<vmem>>, vector<1x16xf32>,
      %scan3A_2104 = arith.constant 0 : i32
      scf.yield %scan3A_2104 : i32
    }
    %scan3A_1465 = arith.constant 128 : i32
    %add3A_1466 = arith.constant 12 : i32
    %add3A_1467 = arith.addi %mul3A_2, %add3A_1466 : i32
    %dma_start3A_1468 = arith.constant 0 : i32
    %dma_start3A_1469 = arith.constant 128 : i32
    %dma_start3A_1470 = tpu.memref_slice %arg4[%add3A_1467, %dma_start3A_1468, %dma_start3A_1469] : memref<512x512x256xf32, #tpu.memory_space<hbm>> -> memref<1x512x128xf32, #tpu.memory_space<hbm>>
    %dma_start3A_1471 = tpu.memref_squeeze %dma_start3A_1470 : memref<1x512x128xf32, #tpu.memory_space<hbm>> -> memref<512x128xf32, #tpu.memory_space<hbm>>
    %dma_start3A_1472 = arith.constant 0 : i32
    %dma_start3A_1473 = arith.constant 128 : i32
    %dma_start3A_1474 = tpu.memref_slice %arg4[%add3A_1467, %dma_start3A_1472, %dma_start3A_1473] : memref<512x512x256xf32, #tpu.memory_space<hbm>> -> memref<1x512x128xf32, #tpu.memory_space<hbm>>
    %dma_start3A_1475 = tpu.memref_squeeze %dma_start3A_1474 : memref<1x512x128xf32, #tpu.memory_space<hbm>> -> memref<512x128xf32, #tpu.memory_space<hbm>>
    tpu.enqueue_dma source(%arg6 : memref<512x128xf32, #tpu.memory_space<vmem>>) target(%dma_start3A_1475 : memref<512x128xf32, #tpu.memory_space<hbm>>) target_semaphore(%arg11 : memref<!tpu.dma_semaphore, #tpu.memory_space<semaphore_mem>>)
    %dma_start3A_1476 = arith.constant 0 : i32
    %dma_start3A_1477 = arith.constant 0 : i32
    %dma_start3A_1478 = tpu.memref_slice %arg4[%add3A_1467, %dma_start3A_1476, %dma_start3A_1477] : memref<512x512x256xf32, #tpu.memory_space<hbm>> -> memref<1x128x128xf32, #tpu.memory_space<hbm>>
    %dma_start3A_1479 = tpu.memref_squeeze %dma_start3A_1478 : memref<1x128x128xf32, #tpu.memory_space<hbm>> -> memref<128x128xf32, #tpu.memory_space<hbm>>
    %dma_start3A_1480 = arith.constant 0 : i32
    %dma_start3A_1481 = arith.constant 0 : i32
    %dma_start3A_1482 = tpu.memref_slice %arg4[%add3A_1467, %dma_start3A_1480, %dma_start3A_1481] : memref<512x512x256xf32, #tpu.memory_space<hbm>> -> memref<1x128x128xf32, #tpu.memory_space<hbm>>
    %dma_start3A_1483 = tpu.memref_squeeze %dma_start3A_1482 : memref<1x128x128xf32, #tpu.memory_space<hbm>> -> memref<128x128xf32, #tpu.memory_space<hbm>>
    tpu.enqueue_dma source(%arg7 : memref<128x128xf32, #tpu.memory_space<vmem>>) target(%dma_start3A_1483 : memref<128x128xf32, #tpu.memory_space<hbm>>) target_semaphore(%arg9 : memref<!tpu.dma_semaphore, #tpu.memory_space<semaphore_mem>>)
    %dma_start3A_1484 = arith.constant 128 : i32
    %dma_start3A_1485 = arith.constant 0 : i32
    %dma_start3A_1486 = tpu.memref_slice %arg4[%add3A_1467, %dma_start3A_1484, %dma_start3A_1485] : memref<512x512x256xf32, #tpu.memory_space<hbm>> -> memref<1x128x128xf32, #tpu.memory_space<hbm>>
    %dma_start3A_1487 = tpu.memref_squeeze %dma_start3A_1486 : memref<1x128x128xf32, #tpu.memory_space<hbm>> -> memref<128x128xf32, #tpu.memory_space<hbm>>
    %dma_start3A_1488 = arith.constant 128 : i32
    %dma_start3A_1489 = arith.constant 0 : i32
    %dma_start3A_1490 = tpu.memref_slice %arg4[%add3A_1467, %dma_start3A_1488, %dma_start3A_1489] : memref<512x512x256xf32, #tpu.memory_space<hbm>> -> memref<1x128x128xf32, #tpu.memory_space<hbm>>
    %dma_start3A_1491 = tpu.memref_squeeze %dma_start3A_1490 : memref<1x128x128xf32, #tpu.memory_space<hbm>> -> memref<128x128xf32, #tpu.memory_space<hbm>>
    tpu.enqueue_dma source(%arg7 : memref<128x128xf32, #tpu.memory_space<vmem>>) target(%dma_start3A_1491 : memref<128x128xf32, #tpu.memory_space<hbm>>) target_semaphore(%arg9 : memref<!tpu.dma_semaphore, #tpu.memory_space<semaphore_mem>>)
    %dma_start3A_1492 = arith.constant 256 : i32
    %dma_start3A_1493 = arith.constant 0 : i32
    %dma_start3A_1494 = tpu.memref_slice %arg4[%add3A_1467, %dma_start3A_1492, %dma_start3A_1493] : memref<512x512x256xf32, #tpu.memory_space<hbm>> -> memref<1x128x128xf32, #tpu.memory_space<hbm>>
    %dma_start3A_1495 = tpu.memref_squeeze %dma_start3A_1494 : memref<1x128x128xf32, #tpu.memory_space<hbm>> -> memref<128x128xf32, #tpu.memory_space<hbm>>
    %dma_start3A_1496 = arith.constant 256 : i32
    %dma_start3A_1497 = arith.constant 0 : i32
    %dma_start3A_1498 = tpu.memref_slice %arg4[%add3A_1467, %dma_start3A_1496, %dma_start3A_1497] : memref<512x512x256xf32, #tpu.memory_space<hbm>> -> memref<1x128x128xf32, #tpu.memory_space<hbm>>
    %dma_start3A_1499 = tpu.memref_squeeze %dma_start3A_1498 : memref<1x128x128xf32, #tpu.memory_space<hbm>> -> memref<128x128xf32, #tpu.memory_space<hbm>>
    tpu.enqueue_dma source(%arg7 : memref<128x128xf32, #tpu.memory_space<vmem>>) target(%dma_start3A_1499 : memref<128x128xf32, #tpu.memory_space<hbm>>) target_semaphore(%arg9 : memref<!tpu.dma_semaphore, #tpu.memory_space<semaphore_mem>>)
    %dma_start3A_1500 = arith.constant 384 : i32
    %dma_start3A_1501 = arith.constant 0 : i32
    %dma_start3A_1502 = tpu.memref_slice %arg4[%add3A_1467, %dma_start3A_1500, %dma_start3A_1501] : memref<512x512x256xf32, #tpu.memory_space<hbm>> -> memref<1x128x128xf32, #tpu.memory_space<hbm>>
    %dma_start3A_1503 = tpu.memref_squeeze %dma_start3A_1502 : memref<1x128x128xf32, #tpu.memory_space<hbm>> -> memref<128x128xf32, #tpu.memory_space<hbm>>
    %dma_start3A_1504 = arith.constant 384 : i32
    %dma_start3A_1505 = arith.constant 0 : i32
    %dma_start3A_1506 = tpu.memref_slice %arg4[%add3A_1467, %dma_start3A_1504, %dma_start3A_1505] : memref<512x512x256xf32, #tpu.memory_space<hbm>> -> memref<1x128x128xf32, #tpu.memory_space<hbm>>
    %dma_start3A_1507 = tpu.memref_squeeze %dma_start3A_1506 : memref<1x128x128xf32, #tpu.memory_space<hbm>> -> memref<128x128xf32, #tpu.memory_space<hbm>>
    tpu.enqueue_dma source(%arg7 : memref<128x128xf32, #tpu.memory_space<vmem>>) target(%dma_start3A_1507 : memref<128x128xf32, #tpu.memory_space<hbm>>) target_semaphore(%arg9 : memref<!tpu.dma_semaphore, #tpu.memory_space<semaphore_mem>>)
    %dma_wait3A_1508 = arith.constant 0 : i32
    %dma_wait3A_1509 = arith.constant 0 : i32
    %dma_wait3A_1510 = tpu.memref_slice %arg4[%add3A_1346, %dma_wait3A_1508, %dma_wait3A_1509] : memref<512x512x256xf32, #tpu.memory_space<hbm>> -> memref<1x128x128xf32, #tpu.memory_space<hbm>>
    %dma_wait3A_1511 = tpu.memref_squeeze %dma_wait3A_1510 : memref<1x128x128xf32, #tpu.memory_space<hbm>> -> memref<128x128xf32, #tpu.memory_space<hbm>>
    %dma_wait3A_1512 = arith.constant 0 : i32
    %dma_wait3A_1513 = arith.constant 0 : i32
    %dma_wait3A_1514 = tpu.memref_slice %arg4[%add3A_1346, %dma_wait3A_1512, %dma_wait3A_1513] : memref<512x512x256xf32, #tpu.memory_space<hbm>> -> memref<1x128x128xf32, #tpu.memory_space<hbm>>
    %dma_wait3A_1515 = tpu.memref_squeeze %dma_wait3A_1514 : memref<1x128x128xf32, #tpu.memory_space<hbm>> -> memref<128x128xf32, #tpu.memory_space<hbm>>
    tpu.wait_dma2 semaphore(%arg10 : memref<!tpu.dma_semaphore, #tpu.memory_space<semaphore_mem>>) src(%arg8 : memref<128x128xf32, #tpu.memory_space<vmem>>) dst(%dma_wait3A_1515 : memref<128x128xf32, #tpu.memory_space<hbm>>)
    %dma_wait3A_1516 = arith.constant 128 : i32
    %dma_wait3A_1517 = arith.constant 0 : i32
    %dma_wait3A_1518 = tpu.memref_slice %arg4[%add3A_1346, %dma_wait3A_1516, %dma_wait3A_1517] : memref<512x512x256xf32, #tpu.memory_space<hbm>> -> memref<1x128x128xf32, #tpu.memory_space<hbm>>
    %dma_wait3A_1519 = tpu.memref_squeeze %dma_wait3A_1518 : memref<1x128x128xf32, #tpu.memory_space<hbm>> -> memref<128x128xf32, #tpu.memory_space<hbm>>
    %dma_wait3A_1520 = arith.constant 128 : i32
    %dma_wait3A_1521 = arith.constant 0 : i32
    %dma_wait3A_1522 = tpu.memref_slice %arg4[%add3A_1346, %dma_wait3A_1520, %dma_wait3A_1521] : memref<512x512x256xf32, #tpu.memory_space<hbm>> -> memref<1x128x128xf32, #tpu.memory_space<hbm>>
    %dma_wait3A_1523 = tpu.memref_squeeze %dma_wait3A_1522 : memref<1x128x128xf32, #tpu.memory_space<hbm>> -> memref<128x128xf32, #tpu.memory_space<hbm>>
    tpu.wait_dma2 semaphore(%arg10 : memref<!tpu.dma_semaphore, #tpu.memory_space<semaphore_mem>>) src(%arg8 : memref<128x128xf32, #tpu.memory_space<vmem>>) dst(%dma_wait3A_1523 : memref<128x128xf32, #tpu.memory_space<hbm>>)
    %dma_wait3A_1524 = arith.constant 256 : i32
    %dma_wait3A_1525 = arith.constant 0 : i32
    %dma_wait3A_1526 = tpu.memref_slice %arg4[%add3A_1346, %dma_wait3A_1524, %dma_wait3A_1525] : memref<512x512x256xf32, #tpu.memory_space<hbm>> -> memref<1x128x128xf32, #tpu.memory_space<hbm>>
    %dma_wait3A_1527 = tpu.memref_squeeze %dma_wait3A_1526 : memref<1x128x128xf32, #tpu.memory_space<hbm>> -> memref<128x128xf32, #tpu.memory_space<hbm>>
    %dma_wait3A_1528 = arith.constant 256 : i32
    %dma_wait3A_1529 = arith.constant 0 : i32
    %dma_wait3A_1530 = tpu.memref_slice %arg4[%add3A_1346, %dma_wait3A_1528, %dma_wait3A_1529] : memref<512x512x256xf32, #tpu.memory_space<hbm>> -> memref<1x128x128xf32, #tpu.memory_space<hbm>>
    %dma_wait3A_1531 = tpu.memref_squeeze %dma_wait3A_1530 : memref<1x128x128xf32, #tpu.memory_space<hbm>> -> memref<128x128xf32, #tpu.memory_space<hbm>>
    tpu.wait_dma2 semaphore(%arg10 : memref<!tpu.dma_semaphore, #tpu.memory_space<semaphore_mem>>) src(%arg8 : memref<128x128xf32, #tpu.memory_space<vmem>>) dst(%dma_wait3A_1531 : memref<128x128xf32, #tpu.memory_space<hbm>>)
    %dma_wait3A_1532 = arith.constant 384 : i32
    %dma_wait3A_1533 = arith.constant 0 : i32
    %dma_wait3A_1534 = tpu.memref_slice %arg4[%add3A_1346, %dma_wait3A_1532, %dma_wait3A_1533] : memref<512x512x256xf32, #tpu.memory_space<hbm>> -> memref<1x128x128xf32, #tpu.memory_space<hbm>>
    %dma_wait3A_1535 = tpu.memref_squeeze %dma_wait3A_1534 : memref<1x128x128xf32, #tpu.memory_space<hbm>> -> memref<128x128xf32, #tpu.memory_space<hbm>>
    %dma_wait3A_1536 = arith.constant 384 : i32
    %dma_wait3A_1537 = arith.constant 0 : i32
    %dma_wait3A_1538 = tpu.memref_slice %arg4[%add3A_1346, %dma_wait3A_1536, %dma_wait3A_1537] : memref<512x512x256xf32, #tpu.memory_space<hbm>> -> memref<1x128x128xf32, #tpu.memory_space<hbm>>
    %dma_wait3A_1539 = tpu.memref_squeeze %dma_wait3A_1538 : memref<1x128x128xf32, #tpu.memory_space<hbm>> -> memref<128x128xf32, #tpu.memory_space<hbm>>
    tpu.wait_dma2 semaphore(%arg10 : memref<!tpu.dma_semaphore, #tpu.memory_space<semaphore_mem>>) src(%arg8 : memref<128x128xf32, #tpu.memory_space<vmem>>) dst(%dma_wait3A_1539 : memref<128x128xf32, #tpu.memory_space<hbm>>)
    %get3A_1540 = arith.constant 13 : i32
    %get3A_1541 = arith.index_cast %get3A_1540 : i32 to index
    %get3A_1542 = arith.constant 0 : index
    %get3A_1543 = tpu.vector_load %arg5[%get3A_1541, %get3A_1542] {strides = array<i32>} : memref<16x128xf32, #tpu.memory_space<vmem>>, vector<1x16xf32>,
    %get3A_1544 = vector.shape_cast %get3A_1543 : vector<1x16xf32> to vector<16xf32>
    %get3A_1545 = arith.constant 13 : i32
    %get3A_1546 = arith.index_cast %get3A_1545 : i32 to index
    %get3A_1547 = arith.constant 16 : index
    %get3A_1548 = tpu.vector_load %arg5[%get3A_1546, %get3A_1547] {strides = array<i32>} : memref<16x128xf32, #tpu.memory_space<vmem>>, vector<1x16xf32>,
    %get3A_1549 = vector.shape_cast %get3A_1548 : vector<1x16xf32> to vector<16xf32>
    %get3A_1550 = arith.constant 13 : i32
    %get3A_1551 = arith.index_cast %get3A_1550 : i32 to index
    %get3A_1552 = arith.constant 32 : index
    %get3A_1553 = tpu.vector_load %arg5[%get3A_1551, %get3A_1552] {strides = array<i32>} : memref<16x128xf32, #tpu.memory_space<vmem>>, vector<1x16xf32>,
    %get3A_1554 = vector.shape_cast %get3A_1553 : vector<1x16xf32> to vector<16xf32>
    %get3A_1555 = arith.constant 13 : i32
    %get3A_1556 = arith.index_cast %get3A_1555 : i32 to index
    %get3A_1557 = arith.constant 48 : index
    %get3A_1558 = tpu.vector_load %arg5[%get3A_1556, %get3A_1557] {strides = array<i32>} : memref<16x128xf32, #tpu.memory_space<vmem>>, vector<1x16xf32>,
    %get3A_1559 = vector.shape_cast %get3A_1558 : vector<1x16xf32> to vector<16xf32>
    %get3A_1560 = arith.constant 13 : i32
    %get3A_1561 = arith.index_cast %get3A_1560 : i32 to index
    %get3A_1562 = arith.constant 64 : index
    %get3A_1563 = tpu.vector_load %arg5[%get3A_1561, %get3A_1562] {strides = array<i32>} : memref<16x128xf32, #tpu.memory_space<vmem>>, vector<1x16xf32>,
    %get3A_1564 = vector.shape_cast %get3A_1563 : vector<1x16xf32> to vector<16xf32>
    %get3A_1565 = arith.constant 13 : i32
    %get3A_1566 = arith.index_cast %get3A_1565 : i32 to index
    %get3A_1567 = arith.constant 80 : index
    %get3A_1568 = tpu.vector_load %arg5[%get3A_1566, %get3A_1567] {strides = array<i32>} : memref<16x128xf32, #tpu.memory_space<vmem>>, vector<1x16xf32>,
    %get3A_1569 = vector.shape_cast %get3A_1568 : vector<1x16xf32> to vector<16xf32>
    %get3A_1570 = arith.constant 13 : i32
    %get3A_1571 = arith.index_cast %get3A_1570 : i32 to index
    %get3A_1572 = arith.constant 96 : index
    %get3A_1573 = tpu.vector_load %arg5[%get3A_1571, %get3A_1572] {strides = array<i32>} : memref<16x128xf32, #tpu.memory_space<vmem>>, vector<1x16xf32>,
    %get3A_1574 = vector.shape_cast %get3A_1573 : vector<1x16xf32> to vector<16xf32>
    %get3A_1575 = arith.constant 13 : i32
    %get3A_1576 = arith.index_cast %get3A_1575 : i32 to index
    %get3A_1577 = arith.constant 112 : index
    %get3A_1578 = tpu.vector_load %arg5[%get3A_1576, %get3A_1577] {strides = array<i32>} : memref<16x128xf32, #tpu.memory_space<vmem>>, vector<1x16xf32>,
    %get3A_1579 = vector.shape_cast %get3A_1578 : vector<1x16xf32> to vector<16xf32>
    %scan3A_1580 = arith.constant 0 : i32
    %scan3A_1581 = arith.constant 0 : i32
    %scan3A_1582 = arith.constant 128 : i32
    %scan3A_1583 = arith.addi %scan3A_1581, %scan3A_1582 : i32
    %scan3A_1584 = arith.constant 1 : i32
    %scan3A_1585 = scf.for %scan3A_2063 = %scan3A_1581 to %scan3A_1583 step %scan3A_1584 iter_args(%scan3A_2064 = %scan3A_1580) -> (i32)  : i32 {
      %swap3A = arith.index_cast %scan3A_2063 : i32 to index
      %swap3A_2065 = arith.constant 0 : index
      %swap3A_2066 = tpu.vector_load %arg8[%swap3A, %swap3A_2065] {strides = array<i32>} : memref<128x128xf32, #tpu.memory_space<vmem>>, vector<1x16xf32>,
      %swap3A_2067 = vector.shape_cast %swap3A_2066 : vector<1x16xf32> to vector<16xf32>
      %swap3A_2068 = vector.shape_cast %get3A_1544 : vector<16xf32> to vector<1x16xf32>
      tpu.vector_store %arg8[%swap3A, %swap3A_2065], %swap3A_2068 {strides = array<i32>} : memref<128x128xf32, #tpu.memory_space<vmem>>, vector<1x16xf32>,
      %swap3A_2069 = arith.index_cast %scan3A_2063 : i32 to index
      %swap3A_2070 = arith.constant 16 : index
      %swap3A_2071 = tpu.vector_load %arg8[%swap3A_2069, %swap3A_2070] {strides = array<i32>} : memref<128x128xf32, #tpu.memory_space<vmem>>, vector<1x16xf32>,
      %swap3A_2072 = vector.shape_cast %swap3A_2071 : vector<1x16xf32> to vector<16xf32>
      %swap3A_2073 = vector.shape_cast %get3A_1549 : vector<16xf32> to vector<1x16xf32>
      tpu.vector_store %arg8[%swap3A_2069, %swap3A_2070], %swap3A_2073 {strides = array<i32>} : memref<128x128xf32, #tpu.memory_space<vmem>>, vector<1x16xf32>,
      %swap3A_2074 = arith.index_cast %scan3A_2063 : i32 to index
      %swap3A_2075 = arith.constant 32 : index
      %swap3A_2076 = tpu.vector_load %arg8[%swap3A_2074, %swap3A_2075] {strides = array<i32>} : memref<128x128xf32, #tpu.memory_space<vmem>>, vector<1x16xf32>,
      %swap3A_2077 = vector.shape_cast %swap3A_2076 : vector<1x16xf32> to vector<16xf32>
      %swap3A_2078 = vector.shape_cast %get3A_1554 : vector<16xf32> to vector<1x16xf32>
      tpu.vector_store %arg8[%swap3A_2074, %swap3A_2075], %swap3A_2078 {strides = array<i32>} : memref<128x128xf32, #tpu.memory_space<vmem>>, vector<1x16xf32>,
      %swap3A_2079 = arith.index_cast %scan3A_2063 : i32 to index
      %swap3A_2080 = arith.constant 48 : index
      %swap3A_2081 = tpu.vector_load %arg8[%swap3A_2079, %swap3A_2080] {strides = array<i32>} : memref<128x128xf32, #tpu.memory_space<vmem>>, vector<1x16xf32>,
      %swap3A_2082 = vector.shape_cast %swap3A_2081 : vector<1x16xf32> to vector<16xf32>
      %swap3A_2083 = vector.shape_cast %get3A_1559 : vector<16xf32> to vector<1x16xf32>
      tpu.vector_store %arg8[%swap3A_2079, %swap3A_2080], %swap3A_2083 {strides = array<i32>} : memref<128x128xf32, #tpu.memory_space<vmem>>, vector<1x16xf32>,
      %swap3A_2084 = arith.index_cast %scan3A_2063 : i32 to index
      %swap3A_2085 = arith.constant 64 : index
      %swap3A_2086 = tpu.vector_load %arg8[%swap3A_2084, %swap3A_2085] {strides = array<i32>} : memref<128x128xf32, #tpu.memory_space<vmem>>, vector<1x16xf32>,
      %swap3A_2087 = vector.shape_cast %swap3A_2086 : vector<1x16xf32> to vector<16xf32>
      %swap3A_2088 = vector.shape_cast %get3A_1564 : vector<16xf32> to vector<1x16xf32>
      tpu.vector_store %arg8[%swap3A_2084, %swap3A_2085], %swap3A_2088 {strides = array<i32>} : memref<128x128xf32, #tpu.memory_space<vmem>>, vector<1x16xf32>,
      %swap3A_2089 = arith.index_cast %scan3A_2063 : i32 to index
      %swap3A_2090 = arith.constant 80 : index
      %swap3A_2091 = tpu.vector_load %arg8[%swap3A_2089, %swap3A_2090] {strides = array<i32>} : memref<128x128xf32, #tpu.memory_space<vmem>>, vector<1x16xf32>,
      %swap3A_2092 = vector.shape_cast %swap3A_2091 : vector<1x16xf32> to vector<16xf32>
      %swap3A_2093 = vector.shape_cast %get3A_1569 : vector<16xf32> to vector<1x16xf32>
      tpu.vector_store %arg8[%swap3A_2089, %swap3A_2090], %swap3A_2093 {strides = array<i32>} : memref<128x128xf32, #tpu.memory_space<vmem>>, vector<1x16xf32>,
      %swap3A_2094 = arith.index_cast %scan3A_2063 : i32 to index
      %swap3A_2095 = arith.constant 96 : index
      %swap3A_2096 = tpu.vector_load %arg8[%swap3A_2094, %swap3A_2095] {strides = array<i32>} : memref<128x128xf32, #tpu.memory_space<vmem>>, vector<1x16xf32>,
      %swap3A_2097 = vector.shape_cast %swap3A_2096 : vector<1x16xf32> to vector<16xf32>
      %swap3A_2098 = vector.shape_cast %get3A_1574 : vector<16xf32> to vector<1x16xf32>
      tpu.vector_store %arg8[%swap3A_2094, %swap3A_2095], %swap3A_2098 {strides = array<i32>} : memref<128x128xf32, #tpu.memory_space<vmem>>, vector<1x16xf32>,
      %swap3A_2099 = arith.index_cast %scan3A_2063 : i32 to index
      %swap3A_2100 = arith.constant 112 : index
      %swap3A_2101 = tpu.vector_load %arg8[%swap3A_2099, %swap3A_2100] {strides = array<i32>} : memref<128x128xf32, #tpu.memory_space<vmem>>, vector<1x16xf32>,
      %swap3A_2102 = vector.shape_cast %swap3A_2101 : vector<1x16xf32> to vector<16xf32>
      %swap3A_2103 = vector.shape_cast %get3A_1579 : vector<16xf32> to vector<1x16xf32>
      tpu.vector_store %arg8[%swap3A_2099, %swap3A_2100], %swap3A_2103 {strides = array<i32>} : memref<128x128xf32, #tpu.memory_space<vmem>>, vector<1x16xf32>,
      %scan3A_2104 = arith.constant 0 : i32
      scf.yield %scan3A_2104 : i32
    }
    %scan3A_1586 = arith.constant 128 : i32
    %add3A_1587 = arith.constant 13 : i32
    %add3A_1588 = arith.addi %mul3A_2, %add3A_1587 : i32
    %dma_start3A_1589 = arith.constant 0 : i32
    %dma_start3A_1590 = arith.constant 128 : i32
    %dma_start3A_1591 = tpu.memref_slice %arg4[%add3A_1588, %dma_start3A_1589, %dma_start3A_1590] : memref<512x512x256xf32, #tpu.memory_space<hbm>> -> memref<1x512x128xf32, #tpu.memory_space<hbm>>
    %dma_start3A_1592 = tpu.memref_squeeze %dma_start3A_1591 : memref<1x512x128xf32, #tpu.memory_space<hbm>> -> memref<512x128xf32, #tpu.memory_space<hbm>>
    %dma_start3A_1593 = arith.constant 0 : i32
    %dma_start3A_1594 = arith.constant 128 : i32
    %dma_start3A_1595 = tpu.memref_slice %arg4[%add3A_1588, %dma_start3A_1593, %dma_start3A_1594] : memref<512x512x256xf32, #tpu.memory_space<hbm>> -> memref<1x512x128xf32, #tpu.memory_space<hbm>>
    %dma_start3A_1596 = tpu.memref_squeeze %dma_start3A_1595 : memref<1x512x128xf32, #tpu.memory_space<hbm>> -> memref<512x128xf32, #tpu.memory_space<hbm>>
    tpu.enqueue_dma source(%arg6 : memref<512x128xf32, #tpu.memory_space<vmem>>) target(%dma_start3A_1596 : memref<512x128xf32, #tpu.memory_space<hbm>>) target_semaphore(%arg11 : memref<!tpu.dma_semaphore, #tpu.memory_space<semaphore_mem>>)
    %dma_start3A_1597 = arith.constant 0 : i32
    %dma_start3A_1598 = arith.constant 0 : i32
    %dma_start3A_1599 = tpu.memref_slice %arg4[%add3A_1588, %dma_start3A_1597, %dma_start3A_1598] : memref<512x512x256xf32, #tpu.memory_space<hbm>> -> memref<1x128x128xf32, #tpu.memory_space<hbm>>
    %dma_start3A_1600 = tpu.memref_squeeze %dma_start3A_1599 : memref<1x128x128xf32, #tpu.memory_space<hbm>> -> memref<128x128xf32, #tpu.memory_space<hbm>>
    %dma_start3A_1601 = arith.constant 0 : i32
    %dma_start3A_1602 = arith.constant 0 : i32
    %dma_start3A_1603 = tpu.memref_slice %arg4[%add3A_1588, %dma_start3A_1601, %dma_start3A_1602] : memref<512x512x256xf32, #tpu.memory_space<hbm>> -> memref<1x128x128xf32, #tpu.memory_space<hbm>>
    %dma_start3A_1604 = tpu.memref_squeeze %dma_start3A_1603 : memref<1x128x128xf32, #tpu.memory_space<hbm>> -> memref<128x128xf32, #tpu.memory_space<hbm>>
    tpu.enqueue_dma source(%arg8 : memref<128x128xf32, #tpu.memory_space<vmem>>) target(%dma_start3A_1604 : memref<128x128xf32, #tpu.memory_space<hbm>>) target_semaphore(%arg10 : memref<!tpu.dma_semaphore, #tpu.memory_space<semaphore_mem>>)
    %dma_start3A_1605 = arith.constant 128 : i32
    %dma_start3A_1606 = arith.constant 0 : i32
    %dma_start3A_1607 = tpu.memref_slice %arg4[%add3A_1588, %dma_start3A_1605, %dma_start3A_1606] : memref<512x512x256xf32, #tpu.memory_space<hbm>> -> memref<1x128x128xf32, #tpu.memory_space<hbm>>
    %dma_start3A_1608 = tpu.memref_squeeze %dma_start3A_1607 : memref<1x128x128xf32, #tpu.memory_space<hbm>> -> memref<128x128xf32, #tpu.memory_space<hbm>>
    %dma_start3A_1609 = arith.constant 128 : i32
    %dma_start3A_1610 = arith.constant 0 : i32
    %dma_start3A_1611 = tpu.memref_slice %arg4[%add3A_1588, %dma_start3A_1609, %dma_start3A_1610] : memref<512x512x256xf32, #tpu.memory_space<hbm>> -> memref<1x128x128xf32, #tpu.memory_space<hbm>>
    %dma_start3A_1612 = tpu.memref_squeeze %dma_start3A_1611 : memref<1x128x128xf32, #tpu.memory_space<hbm>> -> memref<128x128xf32, #tpu.memory_space<hbm>>
    tpu.enqueue_dma source(%arg8 : memref<128x128xf32, #tpu.memory_space<vmem>>) target(%dma_start3A_1612 : memref<128x128xf32, #tpu.memory_space<hbm>>) target_semaphore(%arg10 : memref<!tpu.dma_semaphore, #tpu.memory_space<semaphore_mem>>)
    %dma_start3A_1613 = arith.constant 256 : i32
    %dma_start3A_1614 = arith.constant 0 : i32
    %dma_start3A_1615 = tpu.memref_slice %arg4[%add3A_1588, %dma_start3A_1613, %dma_start3A_1614] : memref<512x512x256xf32, #tpu.memory_space<hbm>> -> memref<1x128x128xf32, #tpu.memory_space<hbm>>
    %dma_start3A_1616 = tpu.memref_squeeze %dma_start3A_1615 : memref<1x128x128xf32, #tpu.memory_space<hbm>> -> memref<128x128xf32, #tpu.memory_space<hbm>>
    %dma_start3A_1617 = arith.constant 256 : i32
    %dma_start3A_1618 = arith.constant 0 : i32
    %dma_start3A_1619 = tpu.memref_slice %arg4[%add3A_1588, %dma_start3A_1617, %dma_start3A_1618] : memref<512x512x256xf32, #tpu.memory_space<hbm>> -> memref<1x128x128xf32, #tpu.memory_space<hbm>>
    %dma_start3A_1620 = tpu.memref_squeeze %dma_start3A_1619 : memref<1x128x128xf32, #tpu.memory_space<hbm>> -> memref<128x128xf32, #tpu.memory_space<hbm>>
    tpu.enqueue_dma source(%arg8 : memref<128x128xf32, #tpu.memory_space<vmem>>) target(%dma_start3A_1620 : memref<128x128xf32, #tpu.memory_space<hbm>>) target_semaphore(%arg10 : memref<!tpu.dma_semaphore, #tpu.memory_space<semaphore_mem>>)
    %dma_start3A_1621 = arith.constant 384 : i32
    %dma_start3A_1622 = arith.constant 0 : i32
    %dma_start3A_1623 = tpu.memref_slice %arg4[%add3A_1588, %dma_start3A_1621, %dma_start3A_1622] : memref<512x512x256xf32, #tpu.memory_space<hbm>> -> memref<1x128x128xf32, #tpu.memory_space<hbm>>
    %dma_start3A_1624 = tpu.memref_squeeze %dma_start3A_1623 : memref<1x128x128xf32, #tpu.memory_space<hbm>> -> memref<128x128xf32, #tpu.memory_space<hbm>>
    %dma_start3A_1625 = arith.constant 384 : i32
    %dma_start3A_1626 = arith.constant 0 : i32
    %dma_start3A_1627 = tpu.memref_slice %arg4[%add3A_1588, %dma_start3A_1625, %dma_start3A_1626] : memref<512x512x256xf32, #tpu.memory_space<hbm>> -> memref<1x128x128xf32, #tpu.memory_space<hbm>>
    %dma_start3A_1628 = tpu.memref_squeeze %dma_start3A_1627 : memref<1x128x128xf32, #tpu.memory_space<hbm>> -> memref<128x128xf32, #tpu.memory_space<hbm>>
    tpu.enqueue_dma source(%arg8 : memref<128x128xf32, #tpu.memory_space<vmem>>) target(%dma_start3A_1628 : memref<128x128xf32, #tpu.memory_space<hbm>>) target_semaphore(%arg10 : memref<!tpu.dma_semaphore, #tpu.memory_space<semaphore_mem>>)
    %dma_wait3A_1629 = arith.constant 0 : i32
    %dma_wait3A_1630 = arith.constant 0 : i32
    %dma_wait3A_1631 = tpu.memref_slice %arg4[%add3A_1467, %dma_wait3A_1629, %dma_wait3A_1630] : memref<512x512x256xf32, #tpu.memory_space<hbm>> -> memref<1x128x128xf32, #tpu.memory_space<hbm>>
    %dma_wait3A_1632 = tpu.memref_squeeze %dma_wait3A_1631 : memref<1x128x128xf32, #tpu.memory_space<hbm>> -> memref<128x128xf32, #tpu.memory_space<hbm>>
    %dma_wait3A_1633 = arith.constant 0 : i32
    %dma_wait3A_1634 = arith.constant 0 : i32
    %dma_wait3A_1635 = tpu.memref_slice %arg4[%add3A_1467, %dma_wait3A_1633, %dma_wait3A_1634] : memref<512x512x256xf32, #tpu.memory_space<hbm>> -> memref<1x128x128xf32, #tpu.memory_space<hbm>>
    %dma_wait3A_1636 = tpu.memref_squeeze %dma_wait3A_1635 : memref<1x128x128xf32, #tpu.memory_space<hbm>> -> memref<128x128xf32, #tpu.memory_space<hbm>>
    tpu.wait_dma2 semaphore(%arg9 : memref<!tpu.dma_semaphore, #tpu.memory_space<semaphore_mem>>) src(%arg7 : memref<128x128xf32, #tpu.memory_space<vmem>>) dst(%dma_wait3A_1636 : memref<128x128xf32, #tpu.memory_space<hbm>>)
    %dma_wait3A_1637 = arith.constant 128 : i32
    %dma_wait3A_1638 = arith.constant 0 : i32
    %dma_wait3A_1639 = tpu.memref_slice %arg4[%add3A_1467, %dma_wait3A_1637, %dma_wait3A_1638] : memref<512x512x256xf32, #tpu.memory_space<hbm>> -> memref<1x128x128xf32, #tpu.memory_space<hbm>>
    %dma_wait3A_1640 = tpu.memref_squeeze %dma_wait3A_1639 : memref<1x128x128xf32, #tpu.memory_space<hbm>> -> memref<128x128xf32, #tpu.memory_space<hbm>>
    %dma_wait3A_1641 = arith.constant 128 : i32
    %dma_wait3A_1642 = arith.constant 0 : i32
    %dma_wait3A_1643 = tpu.memref_slice %arg4[%add3A_1467, %dma_wait3A_1641, %dma_wait3A_1642] : memref<512x512x256xf32, #tpu.memory_space<hbm>> -> memref<1x128x128xf32, #tpu.memory_space<hbm>>
    %dma_wait3A_1644 = tpu.memref_squeeze %dma_wait3A_1643 : memref<1x128x128xf32, #tpu.memory_space<hbm>> -> memref<128x128xf32, #tpu.memory_space<hbm>>
    tpu.wait_dma2 semaphore(%arg9 : memref<!tpu.dma_semaphore, #tpu.memory_space<semaphore_mem>>) src(%arg7 : memref<128x128xf32, #tpu.memory_space<vmem>>) dst(%dma_wait3A_1644 : memref<128x128xf32, #tpu.memory_space<hbm>>)
    %dma_wait3A_1645 = arith.constant 256 : i32
    %dma_wait3A_1646 = arith.constant 0 : i32
    %dma_wait3A_1647 = tpu.memref_slice %arg4[%add3A_1467, %dma_wait3A_1645, %dma_wait3A_1646] : memref<512x512x256xf32, #tpu.memory_space<hbm>> -> memref<1x128x128xf32, #tpu.memory_space<hbm>>
    %dma_wait3A_1648 = tpu.memref_squeeze %dma_wait3A_1647 : memref<1x128x128xf32, #tpu.memory_space<hbm>> -> memref<128x128xf32, #tpu.memory_space<hbm>>
    %dma_wait3A_1649 = arith.constant 256 : i32
    %dma_wait3A_1650 = arith.constant 0 : i32
    %dma_wait3A_1651 = tpu.memref_slice %arg4[%add3A_1467, %dma_wait3A_1649, %dma_wait3A_1650] : memref<512x512x256xf32, #tpu.memory_space<hbm>> -> memref<1x128x128xf32, #tpu.memory_space<hbm>>
    %dma_wait3A_1652 = tpu.memref_squeeze %dma_wait3A_1651 : memref<1x128x128xf32, #tpu.memory_space<hbm>> -> memref<128x128xf32, #tpu.memory_space<hbm>>
    tpu.wait_dma2 semaphore(%arg9 : memref<!tpu.dma_semaphore, #tpu.memory_space<semaphore_mem>>) src(%arg7 : memref<128x128xf32, #tpu.memory_space<vmem>>) dst(%dma_wait3A_1652 : memref<128x128xf32, #tpu.memory_space<hbm>>)
    %dma_wait3A_1653 = arith.constant 384 : i32
    %dma_wait3A_1654 = arith.constant 0 : i32
    %dma_wait3A_1655 = tpu.memref_slice %arg4[%add3A_1467, %dma_wait3A_1653, %dma_wait3A_1654] : memref<512x512x256xf32, #tpu.memory_space<hbm>> -> memref<1x128x128xf32, #tpu.memory_space<hbm>>
    %dma_wait3A_1656 = tpu.memref_squeeze %dma_wait3A_1655 : memref<1x128x128xf32, #tpu.memory_space<hbm>> -> memref<128x128xf32, #tpu.memory_space<hbm>>
    %dma_wait3A_1657 = arith.constant 384 : i32
    %dma_wait3A_1658 = arith.constant 0 : i32
    %dma_wait3A_1659 = tpu.memref_slice %arg4[%add3A_1467, %dma_wait3A_1657, %dma_wait3A_1658] : memref<512x512x256xf32, #tpu.memory_space<hbm>> -> memref<1x128x128xf32, #tpu.memory_space<hbm>>
    %dma_wait3A_1660 = tpu.memref_squeeze %dma_wait3A_1659 : memref<1x128x128xf32, #tpu.memory_space<hbm>> -> memref<128x128xf32, #tpu.memory_space<hbm>>
    tpu.wait_dma2 semaphore(%arg9 : memref<!tpu.dma_semaphore, #tpu.memory_space<semaphore_mem>>) src(%arg7 : memref<128x128xf32, #tpu.memory_space<vmem>>) dst(%dma_wait3A_1660 : memref<128x128xf32, #tpu.memory_space<hbm>>)
    %get3A_1661 = arith.constant 14 : i32
    %get3A_1662 = arith.index_cast %get3A_1661 : i32 to index
    %get3A_1663 = arith.constant 0 : index
    %get3A_1664 = tpu.vector_load %arg5[%get3A_1662, %get3A_1663] {strides = array<i32>} : memref<16x128xf32, #tpu.memory_space<vmem>>, vector<1x16xf32>,
    %get3A_1665 = vector.shape_cast %get3A_1664 : vector<1x16xf32> to vector<16xf32>
    %get3A_1666 = arith.constant 14 : i32
    %get3A_1667 = arith.index_cast %get3A_1666 : i32 to index
    %get3A_1668 = arith.constant 16 : index
    %get3A_1669 = tpu.vector_load %arg5[%get3A_1667, %get3A_1668] {strides = array<i32>} : memref<16x128xf32, #tpu.memory_space<vmem>>, vector<1x16xf32>,
    %get3A_1670 = vector.shape_cast %get3A_1669 : vector<1x16xf32> to vector<16xf32>
    %get3A_1671 = arith.constant 14 : i32
    %get3A_1672 = arith.index_cast %get3A_1671 : i32 to index
    %get3A_1673 = arith.constant 32 : index
    %get3A_1674 = tpu.vector_load %arg5[%get3A_1672, %get3A_1673] {strides = array<i32>} : memref<16x128xf32, #tpu.memory_space<vmem>>, vector<1x16xf32>,
    %get3A_1675 = vector.shape_cast %get3A_1674 : vector<1x16xf32> to vector<16xf32>
    %get3A_1676 = arith.constant 14 : i32
    %get3A_1677 = arith.index_cast %get3A_1676 : i32 to index
    %get3A_1678 = arith.constant 48 : index
    %get3A_1679 = tpu.vector_load %arg5[%get3A_1677, %get3A_1678] {strides = array<i32>} : memref<16x128xf32, #tpu.memory_space<vmem>>, vector<1x16xf32>,
    %get3A_1680 = vector.shape_cast %get3A_1679 : vector<1x16xf32> to vector<16xf32>
    %get3A_1681 = arith.constant 14 : i32
    %get3A_1682 = arith.index_cast %get3A_1681 : i32 to index
    %get3A_1683 = arith.constant 64 : index
    %get3A_1684 = tpu.vector_load %arg5[%get3A_1682, %get3A_1683] {strides = array<i32>} : memref<16x128xf32, #tpu.memory_space<vmem>>, vector<1x16xf32>,
    %get3A_1685 = vector.shape_cast %get3A_1684 : vector<1x16xf32> to vector<16xf32>
    %get3A_1686 = arith.constant 14 : i32
    %get3A_1687 = arith.index_cast %get3A_1686 : i32 to index
    %get3A_1688 = arith.constant 80 : index
    %get3A_1689 = tpu.vector_load %arg5[%get3A_1687, %get3A_1688] {strides = array<i32>} : memref<16x128xf32, #tpu.memory_space<vmem>>, vector<1x16xf32>,
    %get3A_1690 = vector.shape_cast %get3A_1689 : vector<1x16xf32> to vector<16xf32>
    %get3A_1691 = arith.constant 14 : i32
    %get3A_1692 = arith.index_cast %get3A_1691 : i32 to index
    %get3A_1693 = arith.constant 96 : index
    %get3A_1694 = tpu.vector_load %arg5[%get3A_1692, %get3A_1693] {strides = array<i32>} : memref<16x128xf32, #tpu.memory_space<vmem>>, vector<1x16xf32>,
    %get3A_1695 = vector.shape_cast %get3A_1694 : vector<1x16xf32> to vector<16xf32>
    %get3A_1696 = arith.constant 14 : i32
    %get3A_1697 = arith.index_cast %get3A_1696 : i32 to index
    %get3A_1698 = arith.constant 112 : index
    %get3A_1699 = tpu.vector_load %arg5[%get3A_1697, %get3A_1698] {strides = array<i32>} : memref<16x128xf32, #tpu.memory_space<vmem>>, vector<1x16xf32>,
    %get3A_1700 = vector.shape_cast %get3A_1699 : vector<1x16xf32> to vector<16xf32>
    %scan3A_1701 = arith.constant 0 : i32
    %scan3A_1702 = arith.constant 0 : i32
    %scan3A_1703 = arith.constant 128 : i32
    %scan3A_1704 = arith.addi %scan3A_1702, %scan3A_1703 : i32
    %scan3A_1705 = arith.constant 1 : i32
    %scan3A_1706 = scf.for %scan3A_2063 = %scan3A_1702 to %scan3A_1704 step %scan3A_1705 iter_args(%scan3A_2064 = %scan3A_1701) -> (i32)  : i32 {
      %swap3A = arith.index_cast %scan3A_2063 : i32 to index
      %swap3A_2065 = arith.constant 0 : index
      %swap3A_2066 = tpu.vector_load %arg7[%swap3A, %swap3A_2065] {strides = array<i32>} : memref<128x128xf32, #tpu.memory_space<vmem>>, vector<1x16xf32>,
      %swap3A_2067 = vector.shape_cast %swap3A_2066 : vector<1x16xf32> to vector<16xf32>
      %swap3A_2068 = vector.shape_cast %get3A_1665 : vector<16xf32> to vector<1x16xf32>
      tpu.vector_store %arg7[%swap3A, %swap3A_2065], %swap3A_2068 {strides = array<i32>} : memref<128x128xf32, #tpu.memory_space<vmem>>, vector<1x16xf32>,
      %swap3A_2069 = arith.index_cast %scan3A_2063 : i32 to index
      %swap3A_2070 = arith.constant 16 : index
      %swap3A_2071 = tpu.vector_load %arg7[%swap3A_2069, %swap3A_2070] {strides = array<i32>} : memref<128x128xf32, #tpu.memory_space<vmem>>, vector<1x16xf32>,
      %swap3A_2072 = vector.shape_cast %swap3A_2071 : vector<1x16xf32> to vector<16xf32>
      %swap3A_2073 = vector.shape_cast %get3A_1670 : vector<16xf32> to vector<1x16xf32>
      tpu.vector_store %arg7[%swap3A_2069, %swap3A_2070], %swap3A_2073 {strides = array<i32>} : memref<128x128xf32, #tpu.memory_space<vmem>>, vector<1x16xf32>,
      %swap3A_2074 = arith.index_cast %scan3A_2063 : i32 to index
      %swap3A_2075 = arith.constant 32 : index
      %swap3A_2076 = tpu.vector_load %arg7[%swap3A_2074, %swap3A_2075] {strides = array<i32>} : memref<128x128xf32, #tpu.memory_space<vmem>>, vector<1x16xf32>,
      %swap3A_2077 = vector.shape_cast %swap3A_2076 : vector<1x16xf32> to vector<16xf32>
      %swap3A_2078 = vector.shape_cast %get3A_1675 : vector<16xf32> to vector<1x16xf32>
      tpu.vector_store %arg7[%swap3A_2074, %swap3A_2075], %swap3A_2078 {strides = array<i32>} : memref<128x128xf32, #tpu.memory_space<vmem>>, vector<1x16xf32>,
      %swap3A_2079 = arith.index_cast %scan3A_2063 : i32 to index
      %swap3A_2080 = arith.constant 48 : index
      %swap3A_2081 = tpu.vector_load %arg7[%swap3A_2079, %swap3A_2080] {strides = array<i32>} : memref<128x128xf32, #tpu.memory_space<vmem>>, vector<1x16xf32>,
      %swap3A_2082 = vector.shape_cast %swap3A_2081 : vector<1x16xf32> to vector<16xf32>
      %swap3A_2083 = vector.shape_cast %get3A_1680 : vector<16xf32> to vector<1x16xf32>
      tpu.vector_store %arg7[%swap3A_2079, %swap3A_2080], %swap3A_2083 {strides = array<i32>} : memref<128x128xf32, #tpu.memory_space<vmem>>, vector<1x16xf32>,
      %swap3A_2084 = arith.index_cast %scan3A_2063 : i32 to index
      %swap3A_2085 = arith.constant 64 : index
      %swap3A_2086 = tpu.vector_load %arg7[%swap3A_2084, %swap3A_2085] {strides = array<i32>} : memref<128x128xf32, #tpu.memory_space<vmem>>, vector<1x16xf32>,
      %swap3A_2087 = vector.shape_cast %swap3A_2086 : vector<1x16xf32> to vector<16xf32>
      %swap3A_2088 = vector.shape_cast %get3A_1685 : vector<16xf32> to vector<1x16xf32>
      tpu.vector_store %arg7[%swap3A_2084, %swap3A_2085], %swap3A_2088 {strides = array<i32>} : memref<128x128xf32, #tpu.memory_space<vmem>>, vector<1x16xf32>,
      %swap3A_2089 = arith.index_cast %scan3A_2063 : i32 to index
      %swap3A_2090 = arith.constant 80 : index
      %swap3A_2091 = tpu.vector_load %arg7[%swap3A_2089, %swap3A_2090] {strides = array<i32>} : memref<128x128xf32, #tpu.memory_space<vmem>>, vector<1x16xf32>,
      %swap3A_2092 = vector.shape_cast %swap3A_2091 : vector<1x16xf32> to vector<16xf32>
      %swap3A_2093 = vector.shape_cast %get3A_1690 : vector<16xf32> to vector<1x16xf32>
      tpu.vector_store %arg7[%swap3A_2089, %swap3A_2090], %swap3A_2093 {strides = array<i32>} : memref<128x128xf32, #tpu.memory_space<vmem>>, vector<1x16xf32>,
      %swap3A_2094 = arith.index_cast %scan3A_2063 : i32 to index
      %swap3A_2095 = arith.constant 96 : index
      %swap3A_2096 = tpu.vector_load %arg7[%swap3A_2094, %swap3A_2095] {strides = array<i32>} : memref<128x128xf32, #tpu.memory_space<vmem>>, vector<1x16xf32>,
      %swap3A_2097 = vector.shape_cast %swap3A_2096 : vector<1x16xf32> to vector<16xf32>
      %swap3A_2098 = vector.shape_cast %get3A_1695 : vector<16xf32> to vector<1x16xf32>
      tpu.vector_store %arg7[%swap3A_2094, %swap3A_2095], %swap3A_2098 {strides = array<i32>} : memref<128x128xf32, #tpu.memory_space<vmem>>, vector<1x16xf32>,
      %swap3A_2099 = arith.index_cast %scan3A_2063 : i32 to index
      %swap3A_2100 = arith.constant 112 : index
      %swap3A_2101 = tpu.vector_load %arg7[%swap3A_2099, %swap3A_2100] {strides = array<i32>} : memref<128x128xf32, #tpu.memory_space<vmem>>, vector<1x16xf32>,
      %swap3A_2102 = vector.shape_cast %swap3A_2101 : vector<1x16xf32> to vector<16xf32>
      %swap3A_2103 = vector.shape_cast %get3A_1700 : vector<16xf32> to vector<1x16xf32>
      tpu.vector_store %arg7[%swap3A_2099, %swap3A_2100], %swap3A_2103 {strides = array<i32>} : memref<128x128xf32, #tpu.memory_space<vmem>>, vector<1x16xf32>,
      %scan3A_2104 = arith.constant 0 : i32
      scf.yield %scan3A_2104 : i32
    }
    %scan3A_1707 = arith.constant 128 : i32
    %add3A_1708 = arith.constant 14 : i32
    %add3A_1709 = arith.addi %mul3A_2, %add3A_1708 : i32
    %dma_start3A_1710 = arith.constant 0 : i32
    %dma_start3A_1711 = arith.constant 128 : i32
    %dma_start3A_1712 = tpu.memref_slice %arg4[%add3A_1709, %dma_start3A_1710, %dma_start3A_1711] : memref<512x512x256xf32, #tpu.memory_space<hbm>> -> memref<1x512x128xf32, #tpu.memory_space<hbm>>
    %dma_start3A_1713 = tpu.memref_squeeze %dma_start3A_1712 : memref<1x512x128xf32, #tpu.memory_space<hbm>> -> memref<512x128xf32, #tpu.memory_space<hbm>>
    %dma_start3A_1714 = arith.constant 0 : i32
    %dma_start3A_1715 = arith.constant 128 : i32
    %dma_start3A_1716 = tpu.memref_slice %arg4[%add3A_1709, %dma_start3A_1714, %dma_start3A_1715] : memref<512x512x256xf32, #tpu.memory_space<hbm>> -> memref<1x512x128xf32, #tpu.memory_space<hbm>>
    %dma_start3A_1717 = tpu.memref_squeeze %dma_start3A_1716 : memref<1x512x128xf32, #tpu.memory_space<hbm>> -> memref<512x128xf32, #tpu.memory_space<hbm>>
    tpu.enqueue_dma source(%arg6 : memref<512x128xf32, #tpu.memory_space<vmem>>) target(%dma_start3A_1717 : memref<512x128xf32, #tpu.memory_space<hbm>>) target_semaphore(%arg11 : memref<!tpu.dma_semaphore, #tpu.memory_space<semaphore_mem>>)
    %dma_start3A_1718 = arith.constant 0 : i32
    %dma_start3A_1719 = arith.constant 0 : i32
    %dma_start3A_1720 = tpu.memref_slice %arg4[%add3A_1709, %dma_start3A_1718, %dma_start3A_1719] : memref<512x512x256xf32, #tpu.memory_space<hbm>> -> memref<1x128x128xf32, #tpu.memory_space<hbm>>
    %dma_start3A_1721 = tpu.memref_squeeze %dma_start3A_1720 : memref<1x128x128xf32, #tpu.memory_space<hbm>> -> memref<128x128xf32, #tpu.memory_space<hbm>>
    %dma_start3A_1722 = arith.constant 0 : i32
    %dma_start3A_1723 = arith.constant 0 : i32
    %dma_start3A_1724 = tpu.memref_slice %arg4[%add3A_1709, %dma_start3A_1722, %dma_start3A_1723] : memref<512x512x256xf32, #tpu.memory_space<hbm>> -> memref<1x128x128xf32, #tpu.memory_space<hbm>>
    %dma_start3A_1725 = tpu.memref_squeeze %dma_start3A_1724 : memref<1x128x128xf32, #tpu.memory_space<hbm>> -> memref<128x128xf32, #tpu.memory_space<hbm>>
    tpu.enqueue_dma source(%arg7 : memref<128x128xf32, #tpu.memory_space<vmem>>) target(%dma_start3A_1725 : memref<128x128xf32, #tpu.memory_space<hbm>>) target_semaphore(%arg9 : memref<!tpu.dma_semaphore, #tpu.memory_space<semaphore_mem>>)
    %dma_start3A_1726 = arith.constant 128 : i32
    %dma_start3A_1727 = arith.constant 0 : i32
    %dma_start3A_1728 = tpu.memref_slice %arg4[%add3A_1709, %dma_start3A_1726, %dma_start3A_1727] : memref<512x512x256xf32, #tpu.memory_space<hbm>> -> memref<1x128x128xf32, #tpu.memory_space<hbm>>
    %dma_start3A_1729 = tpu.memref_squeeze %dma_start3A_1728 : memref<1x128x128xf32, #tpu.memory_space<hbm>> -> memref<128x128xf32, #tpu.memory_space<hbm>>
    %dma_start3A_1730 = arith.constant 128 : i32
    %dma_start3A_1731 = arith.constant 0 : i32
    %dma_start3A_1732 = tpu.memref_slice %arg4[%add3A_1709, %dma_start3A_1730, %dma_start3A_1731] : memref<512x512x256xf32, #tpu.memory_space<hbm>> -> memref<1x128x128xf32, #tpu.memory_space<hbm>>
    %dma_start3A_1733 = tpu.memref_squeeze %dma_start3A_1732 : memref<1x128x128xf32, #tpu.memory_space<hbm>> -> memref<128x128xf32, #tpu.memory_space<hbm>>
    tpu.enqueue_dma source(%arg7 : memref<128x128xf32, #tpu.memory_space<vmem>>) target(%dma_start3A_1733 : memref<128x128xf32, #tpu.memory_space<hbm>>) target_semaphore(%arg9 : memref<!tpu.dma_semaphore, #tpu.memory_space<semaphore_mem>>)
    %dma_start3A_1734 = arith.constant 256 : i32
    %dma_start3A_1735 = arith.constant 0 : i32
    %dma_start3A_1736 = tpu.memref_slice %arg4[%add3A_1709, %dma_start3A_1734, %dma_start3A_1735] : memref<512x512x256xf32, #tpu.memory_space<hbm>> -> memref<1x128x128xf32, #tpu.memory_space<hbm>>
    %dma_start3A_1737 = tpu.memref_squeeze %dma_start3A_1736 : memref<1x128x128xf32, #tpu.memory_space<hbm>> -> memref<128x128xf32, #tpu.memory_space<hbm>>
    %dma_start3A_1738 = arith.constant 256 : i32
    %dma_start3A_1739 = arith.constant 0 : i32
    %dma_start3A_1740 = tpu.memref_slice %arg4[%add3A_1709, %dma_start3A_1738, %dma_start3A_1739] : memref<512x512x256xf32, #tpu.memory_space<hbm>> -> memref<1x128x128xf32, #tpu.memory_space<hbm>>
    %dma_start3A_1741 = tpu.memref_squeeze %dma_start3A_1740 : memref<1x128x128xf32, #tpu.memory_space<hbm>> -> memref<128x128xf32, #tpu.memory_space<hbm>>
    tpu.enqueue_dma source(%arg7 : memref<128x128xf32, #tpu.memory_space<vmem>>) target(%dma_start3A_1741 : memref<128x128xf32, #tpu.memory_space<hbm>>) target_semaphore(%arg9 : memref<!tpu.dma_semaphore, #tpu.memory_space<semaphore_mem>>)
    %dma_start3A_1742 = arith.constant 384 : i32
    %dma_start3A_1743 = arith.constant 0 : i32
    %dma_start3A_1744 = tpu.memref_slice %arg4[%add3A_1709, %dma_start3A_1742, %dma_start3A_1743] : memref<512x512x256xf32, #tpu.memory_space<hbm>> -> memref<1x128x128xf32, #tpu.memory_space<hbm>>
    %dma_start3A_1745 = tpu.memref_squeeze %dma_start3A_1744 : memref<1x128x128xf32, #tpu.memory_space<hbm>> -> memref<128x128xf32, #tpu.memory_space<hbm>>
    %dma_start3A_1746 = arith.constant 384 : i32
    %dma_start3A_1747 = arith.constant 0 : i32
    %dma_start3A_1748 = tpu.memref_slice %arg4[%add3A_1709, %dma_start3A_1746, %dma_start3A_1747] : memref<512x512x256xf32, #tpu.memory_space<hbm>> -> memref<1x128x128xf32, #tpu.memory_space<hbm>>
    %dma_start3A_1749 = tpu.memref_squeeze %dma_start3A_1748 : memref<1x128x128xf32, #tpu.memory_space<hbm>> -> memref<128x128xf32, #tpu.memory_space<hbm>>
    tpu.enqueue_dma source(%arg7 : memref<128x128xf32, #tpu.memory_space<vmem>>) target(%dma_start3A_1749 : memref<128x128xf32, #tpu.memory_space<hbm>>) target_semaphore(%arg9 : memref<!tpu.dma_semaphore, #tpu.memory_space<semaphore_mem>>)
    %dma_wait3A_1750 = arith.constant 0 : i32
    %dma_wait3A_1751 = arith.constant 0 : i32
    %dma_wait3A_1752 = tpu.memref_slice %arg4[%add3A_1588, %dma_wait3A_1750, %dma_wait3A_1751] : memref<512x512x256xf32, #tpu.memory_space<hbm>> -> memref<1x128x128xf32, #tpu.memory_space<hbm>>
    %dma_wait3A_1753 = tpu.memref_squeeze %dma_wait3A_1752 : memref<1x128x128xf32, #tpu.memory_space<hbm>> -> memref<128x128xf32, #tpu.memory_space<hbm>>
    %dma_wait3A_1754 = arith.constant 0 : i32
    %dma_wait3A_1755 = arith.constant 0 : i32
    %dma_wait3A_1756 = tpu.memref_slice %arg4[%add3A_1588, %dma_wait3A_1754, %dma_wait3A_1755] : memref<512x512x256xf32, #tpu.memory_space<hbm>> -> memref<1x128x128xf32, #tpu.memory_space<hbm>>
    %dma_wait3A_1757 = tpu.memref_squeeze %dma_wait3A_1756 : memref<1x128x128xf32, #tpu.memory_space<hbm>> -> memref<128x128xf32, #tpu.memory_space<hbm>>
    tpu.wait_dma2 semaphore(%arg10 : memref<!tpu.dma_semaphore, #tpu.memory_space<semaphore_mem>>) src(%arg8 : memref<128x128xf32, #tpu.memory_space<vmem>>) dst(%dma_wait3A_1757 : memref<128x128xf32, #tpu.memory_space<hbm>>)
    %dma_wait3A_1758 = arith.constant 128 : i32
    %dma_wait3A_1759 = arith.constant 0 : i32
    %dma_wait3A_1760 = tpu.memref_slice %arg4[%add3A_1588, %dma_wait3A_1758, %dma_wait3A_1759] : memref<512x512x256xf32, #tpu.memory_space<hbm>> -> memref<1x128x128xf32, #tpu.memory_space<hbm>>
    %dma_wait3A_1761 = tpu.memref_squeeze %dma_wait3A_1760 : memref<1x128x128xf32, #tpu.memory_space<hbm>> -> memref<128x128xf32, #tpu.memory_space<hbm>>
    %dma_wait3A_1762 = arith.constant 128 : i32
    %dma_wait3A_1763 = arith.constant 0 : i32
    %dma_wait3A_1764 = tpu.memref_slice %arg4[%add3A_1588, %dma_wait3A_1762, %dma_wait3A_1763] : memref<512x512x256xf32, #tpu.memory_space<hbm>> -> memref<1x128x128xf32, #tpu.memory_space<hbm>>
    %dma_wait3A_1765 = tpu.memref_squeeze %dma_wait3A_1764 : memref<1x128x128xf32, #tpu.memory_space<hbm>> -> memref<128x128xf32, #tpu.memory_space<hbm>>
    tpu.wait_dma2 semaphore(%arg10 : memref<!tpu.dma_semaphore, #tpu.memory_space<semaphore_mem>>) src(%arg8 : memref<128x128xf32, #tpu.memory_space<vmem>>) dst(%dma_wait3A_1765 : memref<128x128xf32, #tpu.memory_space<hbm>>)
    %dma_wait3A_1766 = arith.constant 256 : i32
    %dma_wait3A_1767 = arith.constant 0 : i32
    %dma_wait3A_1768 = tpu.memref_slice %arg4[%add3A_1588, %dma_wait3A_1766, %dma_wait3A_1767] : memref<512x512x256xf32, #tpu.memory_space<hbm>> -> memref<1x128x128xf32, #tpu.memory_space<hbm>>
    %dma_wait3A_1769 = tpu.memref_squeeze %dma_wait3A_1768 : memref<1x128x128xf32, #tpu.memory_space<hbm>> -> memref<128x128xf32, #tpu.memory_space<hbm>>
    %dma_wait3A_1770 = arith.constant 256 : i32
    %dma_wait3A_1771 = arith.constant 0 : i32
    %dma_wait3A_1772 = tpu.memref_slice %arg4[%add3A_1588, %dma_wait3A_1770, %dma_wait3A_1771] : memref<512x512x256xf32, #tpu.memory_space<hbm>> -> memref<1x128x128xf32, #tpu.memory_space<hbm>>
    %dma_wait3A_1773 = tpu.memref_squeeze %dma_wait3A_1772 : memref<1x128x128xf32, #tpu.memory_space<hbm>> -> memref<128x128xf32, #tpu.memory_space<hbm>>
    tpu.wait_dma2 semaphore(%arg10 : memref<!tpu.dma_semaphore, #tpu.memory_space<semaphore_mem>>) src(%arg8 : memref<128x128xf32, #tpu.memory_space<vmem>>) dst(%dma_wait3A_1773 : memref<128x128xf32, #tpu.memory_space<hbm>>)
    %dma_wait3A_1774 = arith.constant 384 : i32
    %dma_wait3A_1775 = arith.constant 0 : i32
    %dma_wait3A_1776 = tpu.memref_slice %arg4[%add3A_1588, %dma_wait3A_1774, %dma_wait3A_1775] : memref<512x512x256xf32, #tpu.memory_space<hbm>> -> memref<1x128x128xf32, #tpu.memory_space<hbm>>
    %dma_wait3A_1777 = tpu.memref_squeeze %dma_wait3A_1776 : memref<1x128x128xf32, #tpu.memory_space<hbm>> -> memref<128x128xf32, #tpu.memory_space<hbm>>
    %dma_wait3A_1778 = arith.constant 384 : i32
    %dma_wait3A_1779 = arith.constant 0 : i32
    %dma_wait3A_1780 = tpu.memref_slice %arg4[%add3A_1588, %dma_wait3A_1778, %dma_wait3A_1779] : memref<512x512x256xf32, #tpu.memory_space<hbm>> -> memref<1x128x128xf32, #tpu.memory_space<hbm>>
    %dma_wait3A_1781 = tpu.memref_squeeze %dma_wait3A_1780 : memref<1x128x128xf32, #tpu.memory_space<hbm>> -> memref<128x128xf32, #tpu.memory_space<hbm>>
    tpu.wait_dma2 semaphore(%arg10 : memref<!tpu.dma_semaphore, #tpu.memory_space<semaphore_mem>>) src(%arg8 : memref<128x128xf32, #tpu.memory_space<vmem>>) dst(%dma_wait3A_1781 : memref<128x128xf32, #tpu.memory_space<hbm>>)
    %get3A_1782 = arith.constant 15 : i32
    %get3A_1783 = arith.index_cast %get3A_1782 : i32 to index
    %get3A_1784 = arith.constant 0 : index
    %get3A_1785 = tpu.vector_load %arg5[%get3A_1783, %get3A_1784] {strides = array<i32>} : memref<16x128xf32, #tpu.memory_space<vmem>>, vector<1x16xf32>,
    %get3A_1786 = vector.shape_cast %get3A_1785 : vector<1x16xf32> to vector<16xf32>
    %get3A_1787 = arith.constant 15 : i32
    %get3A_1788 = arith.index_cast %get3A_1787 : i32 to index
    %get3A_1789 = arith.constant 16 : index
    %get3A_1790 = tpu.vector_load %arg5[%get3A_1788, %get3A_1789] {strides = array<i32>} : memref<16x128xf32, #tpu.memory_space<vmem>>, vector<1x16xf32>,
    %get3A_1791 = vector.shape_cast %get3A_1790 : vector<1x16xf32> to vector<16xf32>
    %get3A_1792 = arith.constant 15 : i32
    %get3A_1793 = arith.index_cast %get3A_1792 : i32 to index
    %get3A_1794 = arith.constant 32 : index
    %get3A_1795 = tpu.vector_load %arg5[%get3A_1793, %get3A_1794] {strides = array<i32>} : memref<16x128xf32, #tpu.memory_space<vmem>>, vector<1x16xf32>,
    %get3A_1796 = vector.shape_cast %get3A_1795 : vector<1x16xf32> to vector<16xf32>
    %get3A_1797 = arith.constant 15 : i32
    %get3A_1798 = arith.index_cast %get3A_1797 : i32 to index
    %get3A_1799 = arith.constant 48 : index
    %get3A_1800 = tpu.vector_load %arg5[%get3A_1798, %get3A_1799] {strides = array<i32>} : memref<16x128xf32, #tpu.memory_space<vmem>>, vector<1x16xf32>,
    %get3A_1801 = vector.shape_cast %get3A_1800 : vector<1x16xf32> to vector<16xf32>
    %get3A_1802 = arith.constant 15 : i32
    %get3A_1803 = arith.index_cast %get3A_1802 : i32 to index
    %get3A_1804 = arith.constant 64 : index
    %get3A_1805 = tpu.vector_load %arg5[%get3A_1803, %get3A_1804] {strides = array<i32>} : memref<16x128xf32, #tpu.memory_space<vmem>>, vector<1x16xf32>,
    %get3A_1806 = vector.shape_cast %get3A_1805 : vector<1x16xf32> to vector<16xf32>
    %get3A_1807 = arith.constant 15 : i32
    %get3A_1808 = arith.index_cast %get3A_1807 : i32 to index
    %get3A_1809 = arith.constant 80 : index
    %get3A_1810 = tpu.vector_load %arg5[%get3A_1808, %get3A_1809] {strides = array<i32>} : memref<16x128xf32, #tpu.memory_space<vmem>>, vector<1x16xf32>,
    %get3A_1811 = vector.shape_cast %get3A_1810 : vector<1x16xf32> to vector<16xf32>
    %get3A_1812 = arith.constant 15 : i32
    %get3A_1813 = arith.index_cast %get3A_1812 : i32 to index
    %get3A_1814 = arith.constant 96 : index
    %get3A_1815 = tpu.vector_load %arg5[%get3A_1813, %get3A_1814] {strides = array<i32>} : memref<16x128xf32, #tpu.memory_space<vmem>>, vector<1x16xf32>,
    %get3A_1816 = vector.shape_cast %get3A_1815 : vector<1x16xf32> to vector<16xf32>
    %get3A_1817 = arith.constant 15 : i32
    %get3A_1818 = arith.index_cast %get3A_1817 : i32 to index
    %get3A_1819 = arith.constant 112 : index
    %get3A_1820 = tpu.vector_load %arg5[%get3A_1818, %get3A_1819] {strides = array<i32>} : memref<16x128xf32, #tpu.memory_space<vmem>>, vector<1x16xf32>,
    %get3A_1821 = vector.shape_cast %get3A_1820 : vector<1x16xf32> to vector<16xf32>
    %scan3A_1822 = arith.constant 0 : i32
    %scan3A_1823 = arith.constant 0 : i32
    %scan3A_1824 = arith.constant 128 : i32
    %scan3A_1825 = arith.addi %scan3A_1823, %scan3A_1824 : i32
    %scan3A_1826 = arith.constant 1 : i32
    %scan3A_1827 = scf.for %scan3A_2063 = %scan3A_1823 to %scan3A_1825 step %scan3A_1826 iter_args(%scan3A_2064 = %scan3A_1822) -> (i32)  : i32 {
      %swap3A = arith.index_cast %scan3A_2063 : i32 to index
      %swap3A_2065 = arith.constant 0 : index
      %swap3A_2066 = tpu.vector_load %arg8[%swap3A, %swap3A_2065] {strides = array<i32>} : memref<128x128xf32, #tpu.memory_space<vmem>>, vector<1x16xf32>,
      %swap3A_2067 = vector.shape_cast %swap3A_2066 : vector<1x16xf32> to vector<16xf32>
      %swap3A_2068 = vector.shape_cast %get3A_1786 : vector<16xf32> to vector<1x16xf32>
      tpu.vector_store %arg8[%swap3A, %swap3A_2065], %swap3A_2068 {strides = array<i32>} : memref<128x128xf32, #tpu.memory_space<vmem>>, vector<1x16xf32>,
      %swap3A_2069 = arith.index_cast %scan3A_2063 : i32 to index
      %swap3A_2070 = arith.constant 16 : index
      %swap3A_2071 = tpu.vector_load %arg8[%swap3A_2069, %swap3A_2070] {strides = array<i32>} : memref<128x128xf32, #tpu.memory_space<vmem>>, vector<1x16xf32>,
      %swap3A_2072 = vector.shape_cast %swap3A_2071 : vector<1x16xf32> to vector<16xf32>
      %swap3A_2073 = vector.shape_cast %get3A_1791 : vector<16xf32> to vector<1x16xf32>
      tpu.vector_store %arg8[%swap3A_2069, %swap3A_2070], %swap3A_2073 {strides = array<i32>} : memref<128x128xf32, #tpu.memory_space<vmem>>, vector<1x16xf32>,
      %swap3A_2074 = arith.index_cast %scan3A_2063 : i32 to index
      %swap3A_2075 = arith.constant 32 : index
      %swap3A_2076 = tpu.vector_load %arg8[%swap3A_2074, %swap3A_2075] {strides = array<i32>} : memref<128x128xf32, #tpu.memory_space<vmem>>, vector<1x16xf32>,
      %swap3A_2077 = vector.shape_cast %swap3A_2076 : vector<1x16xf32> to vector<16xf32>
      %swap3A_2078 = vector.shape_cast %get3A_1796 : vector<16xf32> to vector<1x16xf32>
      tpu.vector_store %arg8[%swap3A_2074, %swap3A_2075], %swap3A_2078 {strides = array<i32>} : memref<128x128xf32, #tpu.memory_space<vmem>>, vector<1x16xf32>,
      %swap3A_2079 = arith.index_cast %scan3A_2063 : i32 to index
      %swap3A_2080 = arith.constant 48 : index
      %swap3A_2081 = tpu.vector_load %arg8[%swap3A_2079, %swap3A_2080] {strides = array<i32>} : memref<128x128xf32, #tpu.memory_space<vmem>>, vector<1x16xf32>,
      %swap3A_2082 = vector.shape_cast %swap3A_2081 : vector<1x16xf32> to vector<16xf32>
      %swap3A_2083 = vector.shape_cast %get3A_1801 : vector<16xf32> to vector<1x16xf32>
      tpu.vector_store %arg8[%swap3A_2079, %swap3A_2080], %swap3A_2083 {strides = array<i32>} : memref<128x128xf32, #tpu.memory_space<vmem>>, vector<1x16xf32>,
      %swap3A_2084 = arith.index_cast %scan3A_2063 : i32 to index
      %swap3A_2085 = arith.constant 64 : index
      %swap3A_2086 = tpu.vector_load %arg8[%swap3A_2084, %swap3A_2085] {strides = array<i32>} : memref<128x128xf32, #tpu.memory_space<vmem>>, vector<1x16xf32>,
      %swap3A_2087 = vector.shape_cast %swap3A_2086 : vector<1x16xf32> to vector<16xf32>
      %swap3A_2088 = vector.shape_cast %get3A_1806 : vector<16xf32> to vector<1x16xf32>
      tpu.vector_store %arg8[%swap3A_2084, %swap3A_2085], %swap3A_2088 {strides = array<i32>} : memref<128x128xf32, #tpu.memory_space<vmem>>, vector<1x16xf32>,
      %swap3A_2089 = arith.index_cast %scan3A_2063 : i32 to index
      %swap3A_2090 = arith.constant 80 : index
      %swap3A_2091 = tpu.vector_load %arg8[%swap3A_2089, %swap3A_2090] {strides = array<i32>} : memref<128x128xf32, #tpu.memory_space<vmem>>, vector<1x16xf32>,
      %swap3A_2092 = vector.shape_cast %swap3A_2091 : vector<1x16xf32> to vector<16xf32>
      %swap3A_2093 = vector.shape_cast %get3A_1811 : vector<16xf32> to vector<1x16xf32>
      tpu.vector_store %arg8[%swap3A_2089, %swap3A_2090], %swap3A_2093 {strides = array<i32>} : memref<128x128xf32, #tpu.memory_space<vmem>>, vector<1x16xf32>,
      %swap3A_2094 = arith.index_cast %scan3A_2063 : i32 to index
      %swap3A_2095 = arith.constant 96 : index
      %swap3A_2096 = tpu.vector_load %arg8[%swap3A_2094, %swap3A_2095] {strides = array<i32>} : memref<128x128xf32, #tpu.memory_space<vmem>>, vector<1x16xf32>,
      %swap3A_2097 = vector.shape_cast %swap3A_2096 : vector<1x16xf32> to vector<16xf32>
      %swap3A_2098 = vector.shape_cast %get3A_1816 : vector<16xf32> to vector<1x16xf32>
      tpu.vector_store %arg8[%swap3A_2094, %swap3A_2095], %swap3A_2098 {strides = array<i32>} : memref<128x128xf32, #tpu.memory_space<vmem>>, vector<1x16xf32>,
      %swap3A_2099 = arith.index_cast %scan3A_2063 : i32 to index
      %swap3A_2100 = arith.constant 112 : index
      %swap3A_2101 = tpu.vector_load %arg8[%swap3A_2099, %swap3A_2100] {strides = array<i32>} : memref<128x128xf32, #tpu.memory_space<vmem>>, vector<1x16xf32>,
      %swap3A_2102 = vector.shape_cast %swap3A_2101 : vector<1x16xf32> to vector<16xf32>
      %swap3A_2103 = vector.shape_cast %get3A_1821 : vector<16xf32> to vector<1x16xf32>
      tpu.vector_store %arg8[%swap3A_2099, %swap3A_2100], %swap3A_2103 {strides = array<i32>} : memref<128x128xf32, #tpu.memory_space<vmem>>, vector<1x16xf32>,
      %scan3A_2104 = arith.constant 0 : i32
      scf.yield %scan3A_2104 : i32
    }
    %scan3A_1828 = arith.constant 128 : i32
    %add3A_1829 = arith.constant 15 : i32
    %add3A_1830 = arith.addi %mul3A_2, %add3A_1829 : i32
    %dma_start3A_1831 = arith.constant 0 : i32
    %dma_start3A_1832 = arith.constant 128 : i32
    %dma_start3A_1833 = tpu.memref_slice %arg4[%add3A_1830, %dma_start3A_1831, %dma_start3A_1832] : memref<512x512x256xf32, #tpu.memory_space<hbm>> -> memref<1x512x128xf32, #tpu.memory_space<hbm>>
    %dma_start3A_1834 = tpu.memref_squeeze %dma_start3A_1833 : memref<1x512x128xf32, #tpu.memory_space<hbm>> -> memref<512x128xf32, #tpu.memory_space<hbm>>
    %dma_start3A_1835 = arith.constant 0 : i32
    %dma_start3A_1836 = arith.constant 128 : i32
    %dma_start3A_1837 = tpu.memref_slice %arg4[%add3A_1830, %dma_start3A_1835, %dma_start3A_1836] : memref<512x512x256xf32, #tpu.memory_space<hbm>> -> memref<1x512x128xf32, #tpu.memory_space<hbm>>
    %dma_start3A_1838 = tpu.memref_squeeze %dma_start3A_1837 : memref<1x512x128xf32, #tpu.memory_space<hbm>> -> memref<512x128xf32, #tpu.memory_space<hbm>>
    tpu.enqueue_dma source(%arg6 : memref<512x128xf32, #tpu.memory_space<vmem>>) target(%dma_start3A_1838 : memref<512x128xf32, #tpu.memory_space<hbm>>) target_semaphore(%arg11 : memref<!tpu.dma_semaphore, #tpu.memory_space<semaphore_mem>>)
    %dma_start3A_1839 = arith.constant 0 : i32
    %dma_start3A_1840 = arith.constant 0 : i32
    %dma_start3A_1841 = tpu.memref_slice %arg4[%add3A_1830, %dma_start3A_1839, %dma_start3A_1840] : memref<512x512x256xf32, #tpu.memory_space<hbm>> -> memref<1x128x128xf32, #tpu.memory_space<hbm>>
    %dma_start3A_1842 = tpu.memref_squeeze %dma_start3A_1841 : memref<1x128x128xf32, #tpu.memory_space<hbm>> -> memref<128x128xf32, #tpu.memory_space<hbm>>
    %dma_start3A_1843 = arith.constant 0 : i32
    %dma_start3A_1844 = arith.constant 0 : i32
    %dma_start3A_1845 = tpu.memref_slice %arg4[%add3A_1830, %dma_start3A_1843, %dma_start3A_1844] : memref<512x512x256xf32, #tpu.memory_space<hbm>> -> memref<1x128x128xf32, #tpu.memory_space<hbm>>
    %dma_start3A_1846 = tpu.memref_squeeze %dma_start3A_1845 : memref<1x128x128xf32, #tpu.memory_space<hbm>> -> memref<128x128xf32, #tpu.memory_space<hbm>>
    tpu.enqueue_dma source(%arg8 : memref<128x128xf32, #tpu.memory_space<vmem>>) target(%dma_start3A_1846 : memref<128x128xf32, #tpu.memory_space<hbm>>) target_semaphore(%arg10 : memref<!tpu.dma_semaphore, #tpu.memory_space<semaphore_mem>>)
    %dma_start3A_1847 = arith.constant 128 : i32
    %dma_start3A_1848 = arith.constant 0 : i32
    %dma_start3A_1849 = tpu.memref_slice %arg4[%add3A_1830, %dma_start3A_1847, %dma_start3A_1848] : memref<512x512x256xf32, #tpu.memory_space<hbm>> -> memref<1x128x128xf32, #tpu.memory_space<hbm>>
    %dma_start3A_1850 = tpu.memref_squeeze %dma_start3A_1849 : memref<1x128x128xf32, #tpu.memory_space<hbm>> -> memref<128x128xf32, #tpu.memory_space<hbm>>
    %dma_start3A_1851 = arith.constant 128 : i32
    %dma_start3A_1852 = arith.constant 0 : i32
    %dma_start3A_1853 = tpu.memref_slice %arg4[%add3A_1830, %dma_start3A_1851, %dma_start3A_1852] : memref<512x512x256xf32, #tpu.memory_space<hbm>> -> memref<1x128x128xf32, #tpu.memory_space<hbm>>
    %dma_start3A_1854 = tpu.memref_squeeze %dma_start3A_1853 : memref<1x128x128xf32, #tpu.memory_space<hbm>> -> memref<128x128xf32, #tpu.memory_space<hbm>>
    tpu.enqueue_dma source(%arg8 : memref<128x128xf32, #tpu.memory_space<vmem>>) target(%dma_start3A_1854 : memref<128x128xf32, #tpu.memory_space<hbm>>) target_semaphore(%arg10 : memref<!tpu.dma_semaphore, #tpu.memory_space<semaphore_mem>>)
    %dma_start3A_1855 = arith.constant 256 : i32
    %dma_start3A_1856 = arith.constant 0 : i32
    %dma_start3A_1857 = tpu.memref_slice %arg4[%add3A_1830, %dma_start3A_1855, %dma_start3A_1856] : memref<512x512x256xf32, #tpu.memory_space<hbm>> -> memref<1x128x128xf32, #tpu.memory_space<hbm>>
    %dma_start3A_1858 = tpu.memref_squeeze %dma_start3A_1857 : memref<1x128x128xf32, #tpu.memory_space<hbm>> -> memref<128x128xf32, #tpu.memory_space<hbm>>
    %dma_start3A_1859 = arith.constant 256 : i32
    %dma_start3A_1860 = arith.constant 0 : i32
    %dma_start3A_1861 = tpu.memref_slice %arg4[%add3A_1830, %dma_start3A_1859, %dma_start3A_1860] : memref<512x512x256xf32, #tpu.memory_space<hbm>> -> memref<1x128x128xf32, #tpu.memory_space<hbm>>
    %dma_start3A_1862 = tpu.memref_squeeze %dma_start3A_1861 : memref<1x128x128xf32, #tpu.memory_space<hbm>> -> memref<128x128xf32, #tpu.memory_space<hbm>>
    tpu.enqueue_dma source(%arg8 : memref<128x128xf32, #tpu.memory_space<vmem>>) target(%dma_start3A_1862 : memref<128x128xf32, #tpu.memory_space<hbm>>) target_semaphore(%arg10 : memref<!tpu.dma_semaphore, #tpu.memory_space<semaphore_mem>>)
    %dma_start3A_1863 = arith.constant 384 : i32
    %dma_start3A_1864 = arith.constant 0 : i32
    %dma_start3A_1865 = tpu.memref_slice %arg4[%add3A_1830, %dma_start3A_1863, %dma_start3A_1864] : memref<512x512x256xf32, #tpu.memory_space<hbm>> -> memref<1x128x128xf32, #tpu.memory_space<hbm>>
    %dma_start3A_1866 = tpu.memref_squeeze %dma_start3A_1865 : memref<1x128x128xf32, #tpu.memory_space<hbm>> -> memref<128x128xf32, #tpu.memory_space<hbm>>
    %dma_start3A_1867 = arith.constant 384 : i32
    %dma_start3A_1868 = arith.constant 0 : i32
    %dma_start3A_1869 = tpu.memref_slice %arg4[%add3A_1830, %dma_start3A_1867, %dma_start3A_1868] : memref<512x512x256xf32, #tpu.memory_space<hbm>> -> memref<1x128x128xf32, #tpu.memory_space<hbm>>
    %dma_start3A_1870 = tpu.memref_squeeze %dma_start3A_1869 : memref<1x128x128xf32, #tpu.memory_space<hbm>> -> memref<128x128xf32, #tpu.memory_space<hbm>>
    tpu.enqueue_dma source(%arg8 : memref<128x128xf32, #tpu.memory_space<vmem>>) target(%dma_start3A_1870 : memref<128x128xf32, #tpu.memory_space<hbm>>) target_semaphore(%arg10 : memref<!tpu.dma_semaphore, #tpu.memory_space<semaphore_mem>>)
    %dma_wait3A_1871 = arith.constant 0 : i32
    %dma_wait3A_1872 = arith.constant 0 : i32
    %dma_wait3A_1873 = tpu.memref_slice %arg4[%add3A_1709, %dma_wait3A_1871, %dma_wait3A_1872] : memref<512x512x256xf32, #tpu.memory_space<hbm>> -> memref<1x128x128xf32, #tpu.memory_space<hbm>>
    %dma_wait3A_1874 = tpu.memref_squeeze %dma_wait3A_1873 : memref<1x128x128xf32, #tpu.memory_space<hbm>> -> memref<128x128xf32, #tpu.memory_space<hbm>>
    %dma_wait3A_1875 = arith.constant 0 : i32
    %dma_wait3A_1876 = arith.constant 0 : i32
    %dma_wait3A_1877 = tpu.memref_slice %arg4[%add3A_1709, %dma_wait3A_1875, %dma_wait3A_1876] : memref<512x512x256xf32, #tpu.memory_space<hbm>> -> memref<1x128x128xf32, #tpu.memory_space<hbm>>
    %dma_wait3A_1878 = tpu.memref_squeeze %dma_wait3A_1877 : memref<1x128x128xf32, #tpu.memory_space<hbm>> -> memref<128x128xf32, #tpu.memory_space<hbm>>
    tpu.wait_dma2 semaphore(%arg9 : memref<!tpu.dma_semaphore, #tpu.memory_space<semaphore_mem>>) src(%arg7 : memref<128x128xf32, #tpu.memory_space<vmem>>) dst(%dma_wait3A_1878 : memref<128x128xf32, #tpu.memory_space<hbm>>)
    %dma_wait3A_1879 = arith.constant 128 : i32
    %dma_wait3A_1880 = arith.constant 0 : i32
    %dma_wait3A_1881 = tpu.memref_slice %arg4[%add3A_1709, %dma_wait3A_1879, %dma_wait3A_1880] : memref<512x512x256xf32, #tpu.memory_space<hbm>> -> memref<1x128x128xf32, #tpu.memory_space<hbm>>
    %dma_wait3A_1882 = tpu.memref_squeeze %dma_wait3A_1881 : memref<1x128x128xf32, #tpu.memory_space<hbm>> -> memref<128x128xf32, #tpu.memory_space<hbm>>
    %dma_wait3A_1883 = arith.constant 128 : i32
    %dma_wait3A_1884 = arith.constant 0 : i32
    %dma_wait3A_1885 = tpu.memref_slice %arg4[%add3A_1709, %dma_wait3A_1883, %dma_wait3A_1884] : memref<512x512x256xf32, #tpu.memory_space<hbm>> -> memref<1x128x128xf32, #tpu.memory_space<hbm>>
    %dma_wait3A_1886 = tpu.memref_squeeze %dma_wait3A_1885 : memref<1x128x128xf32, #tpu.memory_space<hbm>> -> memref<128x128xf32, #tpu.memory_space<hbm>>
    tpu.wait_dma2 semaphore(%arg9 : memref<!tpu.dma_semaphore, #tpu.memory_space<semaphore_mem>>) src(%arg7 : memref<128x128xf32, #tpu.memory_space<vmem>>) dst(%dma_wait3A_1886 : memref<128x128xf32, #tpu.memory_space<hbm>>)
    %dma_wait3A_1887 = arith.constant 256 : i32
    %dma_wait3A_1888 = arith.constant 0 : i32
    %dma_wait3A_1889 = tpu.memref_slice %arg4[%add3A_1709, %dma_wait3A_1887, %dma_wait3A_1888] : memref<512x512x256xf32, #tpu.memory_space<hbm>> -> memref<1x128x128xf32, #tpu.memory_space<hbm>>
    %dma_wait3A_1890 = tpu.memref_squeeze %dma_wait3A_1889 : memref<1x128x128xf32, #tpu.memory_space<hbm>> -> memref<128x128xf32, #tpu.memory_space<hbm>>
    %dma_wait3A_1891 = arith.constant 256 : i32
    %dma_wait3A_1892 = arith.constant 0 : i32
    %dma_wait3A_1893 = tpu.memref_slice %arg4[%add3A_1709, %dma_wait3A_1891, %dma_wait3A_1892] : memref<512x512x256xf32, #tpu.memory_space<hbm>> -> memref<1x128x128xf32, #tpu.memory_space<hbm>>
    %dma_wait3A_1894 = tpu.memref_squeeze %dma_wait3A_1893 : memref<1x128x128xf32, #tpu.memory_space<hbm>> -> memref<128x128xf32, #tpu.memory_space<hbm>>
    tpu.wait_dma2 semaphore(%arg9 : memref<!tpu.dma_semaphore, #tpu.memory_space<semaphore_mem>>) src(%arg7 : memref<128x128xf32, #tpu.memory_space<vmem>>) dst(%dma_wait3A_1894 : memref<128x128xf32, #tpu.memory_space<hbm>>)
    %dma_wait3A_1895 = arith.constant 384 : i32
    %dma_wait3A_1896 = arith.constant 0 : i32
    %dma_wait3A_1897 = tpu.memref_slice %arg4[%add3A_1709, %dma_wait3A_1895, %dma_wait3A_1896] : memref<512x512x256xf32, #tpu.memory_space<hbm>> -> memref<1x128x128xf32, #tpu.memory_space<hbm>>
    %dma_wait3A_1898 = tpu.memref_squeeze %dma_wait3A_1897 : memref<1x128x128xf32, #tpu.memory_space<hbm>> -> memref<128x128xf32, #tpu.memory_space<hbm>>
    %dma_wait3A_1899 = arith.constant 384 : i32
    %dma_wait3A_1900 = arith.constant 0 : i32
    %dma_wait3A_1901 = tpu.memref_slice %arg4[%add3A_1709, %dma_wait3A_1899, %dma_wait3A_1900] : memref<512x512x256xf32, #tpu.memory_space<hbm>> -> memref<1x128x128xf32, #tpu.memory_space<hbm>>
    %dma_wait3A_1902 = tpu.memref_squeeze %dma_wait3A_1901 : memref<1x128x128xf32, #tpu.memory_space<hbm>> -> memref<128x128xf32, #tpu.memory_space<hbm>>
    tpu.wait_dma2 semaphore(%arg9 : memref<!tpu.dma_semaphore, #tpu.memory_space<semaphore_mem>>) src(%arg7 : memref<128x128xf32, #tpu.memory_space<vmem>>) dst(%dma_wait3A_1902 : memref<128x128xf32, #tpu.memory_space<hbm>>)
    %dma_wait3A_1903 = arith.constant 0 : i32
    %dma_wait3A_1904 = arith.constant 0 : i32
    %dma_wait3A_1905 = tpu.memref_slice %arg4[%add3A_1830, %dma_wait3A_1903, %dma_wait3A_1904] : memref<512x512x256xf32, #tpu.memory_space<hbm>> -> memref<1x128x128xf32, #tpu.memory_space<hbm>>
    %dma_wait3A_1906 = tpu.memref_squeeze %dma_wait3A_1905 : memref<1x128x128xf32, #tpu.memory_space<hbm>> -> memref<128x128xf32, #tpu.memory_space<hbm>>
    %dma_wait3A_1907 = arith.constant 0 : i32
    %dma_wait3A_1908 = arith.constant 0 : i32
    %dma_wait3A_1909 = tpu.memref_slice %arg4[%add3A_1830, %dma_wait3A_1907, %dma_wait3A_1908] : memref<512x512x256xf32, #tpu.memory_space<hbm>> -> memref<1x128x128xf32, #tpu.memory_space<hbm>>
    %dma_wait3A_1910 = tpu.memref_squeeze %dma_wait3A_1909 : memref<1x128x128xf32, #tpu.memory_space<hbm>> -> memref<128x128xf32, #tpu.memory_space<hbm>>
    tpu.wait_dma2 semaphore(%arg10 : memref<!tpu.dma_semaphore, #tpu.memory_space<semaphore_mem>>) src(%arg8 : memref<128x128xf32, #tpu.memory_space<vmem>>) dst(%dma_wait3A_1910 : memref<128x128xf32, #tpu.memory_space<hbm>>)
    %dma_wait3A_1911 = arith.constant 128 : i32
    %dma_wait3A_1912 = arith.constant 0 : i32
    %dma_wait3A_1913 = tpu.memref_slice %arg4[%add3A_1830, %dma_wait3A_1911, %dma_wait3A_1912] : memref<512x512x256xf32, #tpu.memory_space<hbm>> -> memref<1x128x128xf32, #tpu.memory_space<hbm>>
    %dma_wait3A_1914 = tpu.memref_squeeze %dma_wait3A_1913 : memref<1x128x128xf32, #tpu.memory_space<hbm>> -> memref<128x128xf32, #tpu.memory_space<hbm>>
    %dma_wait3A_1915 = arith.constant 128 : i32
    %dma_wait3A_1916 = arith.constant 0 : i32
    %dma_wait3A_1917 = tpu.memref_slice %arg4[%add3A_1830, %dma_wait3A_1915, %dma_wait3A_1916] : memref<512x512x256xf32, #tpu.memory_space<hbm>> -> memref<1x128x128xf32, #tpu.memory_space<hbm>>
    %dma_wait3A_1918 = tpu.memref_squeeze %dma_wait3A_1917 : memref<1x128x128xf32, #tpu.memory_space<hbm>> -> memref<128x128xf32, #tpu.memory_space<hbm>>
    tpu.wait_dma2 semaphore(%arg10 : memref<!tpu.dma_semaphore, #tpu.memory_space<semaphore_mem>>) src(%arg8 : memref<128x128xf32, #tpu.memory_space<vmem>>) dst(%dma_wait3A_1918 : memref<128x128xf32, #tpu.memory_space<hbm>>)
    %dma_wait3A_1919 = arith.constant 256 : i32
    %dma_wait3A_1920 = arith.constant 0 : i32
    %dma_wait3A_1921 = tpu.memref_slice %arg4[%add3A_1830, %dma_wait3A_1919, %dma_wait3A_1920] : memref<512x512x256xf32, #tpu.memory_space<hbm>> -> memref<1x128x128xf32, #tpu.memory_space<hbm>>
    %dma_wait3A_1922 = tpu.memref_squeeze %dma_wait3A_1921 : memref<1x128x128xf32, #tpu.memory_space<hbm>> -> memref<128x128xf32, #tpu.memory_space<hbm>>
    %dma_wait3A_1923 = arith.constant 256 : i32
    %dma_wait3A_1924 = arith.constant 0 : i32
    %dma_wait3A_1925 = tpu.memref_slice %arg4[%add3A_1830, %dma_wait3A_1923, %dma_wait3A_1924] : memref<512x512x256xf32, #tpu.memory_space<hbm>> -> memref<1x128x128xf32, #tpu.memory_space<hbm>>
    %dma_wait3A_1926 = tpu.memref_squeeze %dma_wait3A_1925 : memref<1x128x128xf32, #tpu.memory_space<hbm>> -> memref<128x128xf32, #tpu.memory_space<hbm>>
    tpu.wait_dma2 semaphore(%arg10 : memref<!tpu.dma_semaphore, #tpu.memory_space<semaphore_mem>>) src(%arg8 : memref<128x128xf32, #tpu.memory_space<vmem>>) dst(%dma_wait3A_1926 : memref<128x128xf32, #tpu.memory_space<hbm>>)
    %dma_wait3A_1927 = arith.constant 384 : i32
    %dma_wait3A_1928 = arith.constant 0 : i32
    %dma_wait3A_1929 = tpu.memref_slice %arg4[%add3A_1830, %dma_wait3A_1927, %dma_wait3A_1928] : memref<512x512x256xf32, #tpu.memory_space<hbm>> -> memref<1x128x128xf32, #tpu.memory_space<hbm>>
    %dma_wait3A_1930 = tpu.memref_squeeze %dma_wait3A_1929 : memref<1x128x128xf32, #tpu.memory_space<hbm>> -> memref<128x128xf32, #tpu.memory_space<hbm>>
    %dma_wait3A_1931 = arith.constant 384 : i32
    %dma_wait3A_1932 = arith.constant 0 : i32
    %dma_wait3A_1933 = tpu.memref_slice %arg4[%add3A_1830, %dma_wait3A_1931, %dma_wait3A_1932] : memref<512x512x256xf32, #tpu.memory_space<hbm>> -> memref<1x128x128xf32, #tpu.memory_space<hbm>>
    %dma_wait3A_1934 = tpu.memref_squeeze %dma_wait3A_1933 : memref<1x128x128xf32, #tpu.memory_space<hbm>> -> memref<128x128xf32, #tpu.memory_space<hbm>>
    tpu.wait_dma2 semaphore(%arg10 : memref<!tpu.dma_semaphore, #tpu.memory_space<semaphore_mem>>) src(%arg8 : memref<128x128xf32, #tpu.memory_space<vmem>>) dst(%dma_wait3A_1934 : memref<128x128xf32, #tpu.memory_space<hbm>>)
    %dma_wait3A_1935 = arith.constant 0 : i32
    %dma_wait3A_1936 = arith.constant 128 : i32
    %dma_wait3A_1937 = tpu.memref_slice %arg4[%add3A_49, %dma_wait3A_1935, %dma_wait3A_1936] : memref<512x512x256xf32, #tpu.memory_space<hbm>> -> memref<1x512x128xf32, #tpu.memory_space<hbm>>
    %dma_wait3A_1938 = tpu.memref_squeeze %dma_wait3A_1937 : memref<1x512x128xf32, #tpu.memory_space<hbm>> -> memref<512x128xf32, #tpu.memory_space<hbm>>
    %dma_wait3A_1939 = arith.constant 0 : i32
    %dma_wait3A_1940 = arith.constant 128 : i32
    %dma_wait3A_1941 = tpu.memref_slice %arg4[%add3A_49, %dma_wait3A_1939, %dma_wait3A_1940] : memref<512x512x256xf32, #tpu.memory_space<hbm>> -> memref<1x512x128xf32, #tpu.memory_space<hbm>>
    %dma_wait3A_1942 = tpu.memref_squeeze %dma_wait3A_1941 : memref<1x512x128xf32, #tpu.memory_space<hbm>> -> memref<512x128xf32, #tpu.memory_space<hbm>>
    tpu.wait_dma2 semaphore(%arg11 : memref<!tpu.dma_semaphore, #tpu.memory_space<semaphore_mem>>) src(%arg6 : memref<512x128xf32, #tpu.memory_space<vmem>>) dst(%dma_wait3A_1942 : memref<512x128xf32, #tpu.memory_space<hbm>>)
    %dma_wait3A_1943 = arith.constant 0 : i32
    %dma_wait3A_1944 = arith.constant 128 : i32
    %dma_wait3A_1945 = tpu.memref_slice %arg4[%add3A_137, %dma_wait3A_1943, %dma_wait3A_1944] : memref<512x512x256xf32, #tpu.memory_space<hbm>> -> memref<1x512x128xf32, #tpu.memory_space<hbm>>
    %dma_wait3A_1946 = tpu.memref_squeeze %dma_wait3A_1945 : memref<1x512x128xf32, #tpu.memory_space<hbm>> -> memref<512x128xf32, #tpu.memory_space<hbm>>
    %dma_wait3A_1947 = arith.constant 0 : i32
    %dma_wait3A_1948 = arith.constant 128 : i32
    %dma_wait3A_1949 = tpu.memref_slice %arg4[%add3A_137, %dma_wait3A_1947, %dma_wait3A_1948] : memref<512x512x256xf32, #tpu.memory_space<hbm>> -> memref<1x512x128xf32, #tpu.memory_space<hbm>>
    %dma_wait3A_1950 = tpu.memref_squeeze %dma_wait3A_1949 : memref<1x512x128xf32, #tpu.memory_space<hbm>> -> memref<512x128xf32, #tpu.memory_space<hbm>>
    tpu.wait_dma2 semaphore(%arg11 : memref<!tpu.dma_semaphore, #tpu.memory_space<semaphore_mem>>) src(%arg6 : memref<512x128xf32, #tpu.memory_space<vmem>>) dst(%dma_wait3A_1950 : memref<512x128xf32, #tpu.memory_space<hbm>>)
    %dma_wait3A_1951 = arith.constant 0 : i32
    %dma_wait3A_1952 = arith.constant 128 : i32
    %dma_wait3A_1953 = tpu.memref_slice %arg4[%add3A_257, %dma_wait3A_1951, %dma_wait3A_1952] : memref<512x512x256xf32, #tpu.memory_space<hbm>> -> memref<1x512x128xf32, #tpu.memory_space<hbm>>
    %dma_wait3A_1954 = tpu.memref_squeeze %dma_wait3A_1953 : memref<1x512x128xf32, #tpu.memory_space<hbm>> -> memref<512x128xf32, #tpu.memory_space<hbm>>
    %dma_wait3A_1955 = arith.constant 0 : i32
    %dma_wait3A_1956 = arith.constant 128 : i32
    %dma_wait3A_1957 = tpu.memref_slice %arg4[%add3A_257, %dma_wait3A_1955, %dma_wait3A_1956] : memref<512x512x256xf32, #tpu.memory_space<hbm>> -> memref<1x512x128xf32, #tpu.memory_space<hbm>>
    %dma_wait3A_1958 = tpu.memref_squeeze %dma_wait3A_1957 : memref<1x512x128xf32, #tpu.memory_space<hbm>> -> memref<512x128xf32, #tpu.memory_space<hbm>>
    tpu.wait_dma2 semaphore(%arg11 : memref<!tpu.dma_semaphore, #tpu.memory_space<semaphore_mem>>) src(%arg6 : memref<512x128xf32, #tpu.memory_space<vmem>>) dst(%dma_wait3A_1958 : memref<512x128xf32, #tpu.memory_space<hbm>>)
    %dma_wait3A_1959 = arith.constant 0 : i32
    %dma_wait3A_1960 = arith.constant 128 : i32
    %dma_wait3A_1961 = tpu.memref_slice %arg4[%add3A_378, %dma_wait3A_1959, %dma_wait3A_1960] : memref<512x512x256xf32, #tpu.memory_space<hbm>> -> memref<1x512x128xf32, #tpu.memory_space<hbm>>
    %dma_wait3A_1962 = tpu.memref_squeeze %dma_wait3A_1961 : memref<1x512x128xf32, #tpu.memory_space<hbm>> -> memref<512x128xf32, #tpu.memory_space<hbm>>
    %dma_wait3A_1963 = arith.constant 0 : i32
    %dma_wait3A_1964 = arith.constant 128 : i32
    %dma_wait3A_1965 = tpu.memref_slice %arg4[%add3A_378, %dma_wait3A_1963, %dma_wait3A_1964] : memref<512x512x256xf32, #tpu.memory_space<hbm>> -> memref<1x512x128xf32, #tpu.memory_space<hbm>>
    %dma_wait3A_1966 = tpu.memref_squeeze %dma_wait3A_1965 : memref<1x512x128xf32, #tpu.memory_space<hbm>> -> memref<512x128xf32, #tpu.memory_space<hbm>>
    tpu.wait_dma2 semaphore(%arg11 : memref<!tpu.dma_semaphore, #tpu.memory_space<semaphore_mem>>) src(%arg6 : memref<512x128xf32, #tpu.memory_space<vmem>>) dst(%dma_wait3A_1966 : memref<512x128xf32, #tpu.memory_space<hbm>>)
    %dma_wait3A_1967 = arith.constant 0 : i32
    %dma_wait3A_1968 = arith.constant 128 : i32
    %dma_wait3A_1969 = tpu.memref_slice %arg4[%add3A_499, %dma_wait3A_1967, %dma_wait3A_1968] : memref<512x512x256xf32, #tpu.memory_space<hbm>> -> memref<1x512x128xf32, #tpu.memory_space<hbm>>
    %dma_wait3A_1970 = tpu.memref_squeeze %dma_wait3A_1969 : memref<1x512x128xf32, #tpu.memory_space<hbm>> -> memref<512x128xf32, #tpu.memory_space<hbm>>
    %dma_wait3A_1971 = arith.constant 0 : i32
    %dma_wait3A_1972 = arith.constant 128 : i32
    %dma_wait3A_1973 = tpu.memref_slice %arg4[%add3A_499, %dma_wait3A_1971, %dma_wait3A_1972] : memref<512x512x256xf32, #tpu.memory_space<hbm>> -> memref<1x512x128xf32, #tpu.memory_space<hbm>>
    %dma_wait3A_1974 = tpu.memref_squeeze %dma_wait3A_1973 : memref<1x512x128xf32, #tpu.memory_space<hbm>> -> memref<512x128xf32, #tpu.memory_space<hbm>>
    tpu.wait_dma2 semaphore(%arg11 : memref<!tpu.dma_semaphore, #tpu.memory_space<semaphore_mem>>) src(%arg6 : memref<512x128xf32, #tpu.memory_space<vmem>>) dst(%dma_wait3A_1974 : memref<512x128xf32, #tpu.memory_space<hbm>>)
    %dma_wait3A_1975 = arith.constant 0 : i32
    %dma_wait3A_1976 = arith.constant 128 : i32
    %dma_wait3A_1977 = tpu.memref_slice %arg4[%add3A_620, %dma_wait3A_1975, %dma_wait3A_1976] : memref<512x512x256xf32, #tpu.memory_space<hbm>> -> memref<1x512x128xf32, #tpu.memory_space<hbm>>
    %dma_wait3A_1978 = tpu.memref_squeeze %dma_wait3A_1977 : memref<1x512x128xf32, #tpu.memory_space<hbm>> -> memref<512x128xf32, #tpu.memory_space<hbm>>
    %dma_wait3A_1979 = arith.constant 0 : i32
    %dma_wait3A_1980 = arith.constant 128 : i32
    %dma_wait3A_1981 = tpu.memref_slice %arg4[%add3A_620, %dma_wait3A_1979, %dma_wait3A_1980] : memref<512x512x256xf32, #tpu.memory_space<hbm>> -> memref<1x512x128xf32, #tpu.memory_space<hbm>>
    %dma_wait3A_1982 = tpu.memref_squeeze %dma_wait3A_1981 : memref<1x512x128xf32, #tpu.memory_space<hbm>> -> memref<512x128xf32, #tpu.memory_space<hbm>>
    tpu.wait_dma2 semaphore(%arg11 : memref<!tpu.dma_semaphore, #tpu.memory_space<semaphore_mem>>) src(%arg6 : memref<512x128xf32, #tpu.memory_space<vmem>>) dst(%dma_wait3A_1982 : memref<512x128xf32, #tpu.memory_space<hbm>>)
    %dma_wait3A_1983 = arith.constant 0 : i32
    %dma_wait3A_1984 = arith.constant 128 : i32
    %dma_wait3A_1985 = tpu.memref_slice %arg4[%add3A_741, %dma_wait3A_1983, %dma_wait3A_1984] : memref<512x512x256xf32, #tpu.memory_space<hbm>> -> memref<1x512x128xf32, #tpu.memory_space<hbm>>
    %dma_wait3A_1986 = tpu.memref_squeeze %dma_wait3A_1985 : memref<1x512x128xf32, #tpu.memory_space<hbm>> -> memref<512x128xf32, #tpu.memory_space<hbm>>
    %dma_wait3A_1987 = arith.constant 0 : i32
    %dma_wait3A_1988 = arith.constant 128 : i32
    %dma_wait3A_1989 = tpu.memref_slice %arg4[%add3A_741, %dma_wait3A_1987, %dma_wait3A_1988] : memref<512x512x256xf32, #tpu.memory_space<hbm>> -> memref<1x512x128xf32, #tpu.memory_space<hbm>>
    %dma_wait3A_1990 = tpu.memref_squeeze %dma_wait3A_1989 : memref<1x512x128xf32, #tpu.memory_space<hbm>> -> memref<512x128xf32, #tpu.memory_space<hbm>>
    tpu.wait_dma2 semaphore(%arg11 : memref<!tpu.dma_semaphore, #tpu.memory_space<semaphore_mem>>) src(%arg6 : memref<512x128xf32, #tpu.memory_space<vmem>>) dst(%dma_wait3A_1990 : memref<512x128xf32, #tpu.memory_space<hbm>>)
    %dma_wait3A_1991 = arith.constant 0 : i32
    %dma_wait3A_1992 = arith.constant 128 : i32
    %dma_wait3A_1993 = tpu.memref_slice %arg4[%add3A_862, %dma_wait3A_1991, %dma_wait3A_1992] : memref<512x512x256xf32, #tpu.memory_space<hbm>> -> memref<1x512x128xf32, #tpu.memory_space<hbm>>
    %dma_wait3A_1994 = tpu.memref_squeeze %dma_wait3A_1993 : memref<1x512x128xf32, #tpu.memory_space<hbm>> -> memref<512x128xf32, #tpu.memory_space<hbm>>
    %dma_wait3A_1995 = arith.constant 0 : i32
    %dma_wait3A_1996 = arith.constant 128 : i32
    %dma_wait3A_1997 = tpu.memref_slice %arg4[%add3A_862, %dma_wait3A_1995, %dma_wait3A_1996] : memref<512x512x256xf32, #tpu.memory_space<hbm>> -> memref<1x512x128xf32, #tpu.memory_space<hbm>>
    %dma_wait3A_1998 = tpu.memref_squeeze %dma_wait3A_1997 : memref<1x512x128xf32, #tpu.memory_space<hbm>> -> memref<512x128xf32, #tpu.memory_space<hbm>>
    tpu.wait_dma2 semaphore(%arg11 : memref<!tpu.dma_semaphore, #tpu.memory_space<semaphore_mem>>) src(%arg6 : memref<512x128xf32, #tpu.memory_space<vmem>>) dst(%dma_wait3A_1998 : memref<512x128xf32, #tpu.memory_space<hbm>>)
    %dma_wait3A_1999 = arith.constant 0 : i32
    %dma_wait3A_2000 = arith.constant 128 : i32
    %dma_wait3A_2001 = tpu.memref_slice %arg4[%add3A_983, %dma_wait3A_1999, %dma_wait3A_2000] : memref<512x512x256xf32, #tpu.memory_space<hbm>> -> memref<1x512x128xf32, #tpu.memory_space<hbm>>
    %dma_wait3A_2002 = tpu.memref_squeeze %dma_wait3A_2001 : memref<1x512x128xf32, #tpu.memory_space<hbm>> -> memref<512x128xf32, #tpu.memory_space<hbm>>
    %dma_wait3A_2003 = arith.constant 0 : i32
    %dma_wait3A_2004 = arith.constant 128 : i32
    %dma_wait3A_2005 = tpu.memref_slice %arg4[%add3A_983, %dma_wait3A_2003, %dma_wait3A_2004] : memref<512x512x256xf32, #tpu.memory_space<hbm>> -> memref<1x512x128xf32, #tpu.memory_space<hbm>>
    %dma_wait3A_2006 = tpu.memref_squeeze %dma_wait3A_2005 : memref<1x512x128xf32, #tpu.memory_space<hbm>> -> memref<512x128xf32, #tpu.memory_space<hbm>>
    tpu.wait_dma2 semaphore(%arg11 : memref<!tpu.dma_semaphore, #tpu.memory_space<semaphore_mem>>) src(%arg6 : memref<512x128xf32, #tpu.memory_space<vmem>>) dst(%dma_wait3A_2006 : memref<512x128xf32, #tpu.memory_space<hbm>>)
    %dma_wait3A_2007 = arith.constant 0 : i32
    %dma_wait3A_2008 = arith.constant 128 : i32
    %dma_wait3A_2009 = tpu.memref_slice %arg4[%add3A_1104, %dma_wait3A_2007, %dma_wait3A_2008] : memref<512x512x256xf32, #tpu.memory_space<hbm>> -> memref<1x512x128xf32, #tpu.memory_space<hbm>>
    %dma_wait3A_2010 = tpu.memref_squeeze %dma_wait3A_2009 : memref<1x512x128xf32, #tpu.memory_space<hbm>> -> memref<512x128xf32, #tpu.memory_space<hbm>>
    %dma_wait3A_2011 = arith.constant 0 : i32
    %dma_wait3A_2012 = arith.constant 128 : i32
    %dma_wait3A_2013 = tpu.memref_slice %arg4[%add3A_1104, %dma_wait3A_2011, %dma_wait3A_2012] : memref<512x512x256xf32, #tpu.memory_space<hbm>> -> memref<1x512x128xf32, #tpu.memory_space<hbm>>
    %dma_wait3A_2014 = tpu.memref_squeeze %dma_wait3A_2013 : memref<1x512x128xf32, #tpu.memory_space<hbm>> -> memref<512x128xf32, #tpu.memory_space<hbm>>
    tpu.wait_dma2 semaphore(%arg11 : memref<!tpu.dma_semaphore, #tpu.memory_space<semaphore_mem>>) src(%arg6 : memref<512x128xf32, #tpu.memory_space<vmem>>) dst(%dma_wait3A_2014 : memref<512x128xf32, #tpu.memory_space<hbm>>)
    %dma_wait3A_2015 = arith.constant 0 : i32
    %dma_wait3A_2016 = arith.constant 128 : i32
    %dma_wait3A_2017 = tpu.memref_slice %arg4[%add3A_1225, %dma_wait3A_2015, %dma_wait3A_2016] : memref<512x512x256xf32, #tpu.memory_space<hbm>> -> memref<1x512x128xf32, #tpu.memory_space<hbm>>
    %dma_wait3A_2018 = tpu.memref_squeeze %dma_wait3A_2017 : memref<1x512x128xf32, #tpu.memory_space<hbm>> -> memref<512x128xf32, #tpu.memory_space<hbm>>
    %dma_wait3A_2019 = arith.constant 0 : i32
    %dma_wait3A_2020 = arith.constant 128 : i32
    %dma_wait3A_2021 = tpu.memref_slice %arg4[%add3A_1225, %dma_wait3A_2019, %dma_wait3A_2020] : memref<512x512x256xf32, #tpu.memory_space<hbm>> -> memref<1x512x128xf32, #tpu.memory_space<hbm>>
    %dma_wait3A_2022 = tpu.memref_squeeze %dma_wait3A_2021 : memref<1x512x128xf32, #tpu.memory_space<hbm>> -> memref<512x128xf32, #tpu.memory_space<hbm>>
    tpu.wait_dma2 semaphore(%arg11 : memref<!tpu.dma_semaphore, #tpu.memory_space<semaphore_mem>>) src(%arg6 : memref<512x128xf32, #tpu.memory_space<vmem>>) dst(%dma_wait3A_2022 : memref<512x128xf32, #tpu.memory_space<hbm>>)
    %dma_wait3A_2023 = arith.constant 0 : i32
    %dma_wait3A_2024 = arith.constant 128 : i32
    %dma_wait3A_2025 = tpu.memref_slice %arg4[%add3A_1346, %dma_wait3A_2023, %dma_wait3A_2024] : memref<512x512x256xf32, #tpu.memory_space<hbm>> -> memref<1x512x128xf32, #tpu.memory_space<hbm>>
    %dma_wait3A_2026 = tpu.memref_squeeze %dma_wait3A_2025 : memref<1x512x128xf32, #tpu.memory_space<hbm>> -> memref<512x128xf32, #tpu.memory_space<hbm>>
    %dma_wait3A_2027 = arith.constant 0 : i32
    %dma_wait3A_2028 = arith.constant 128 : i32
    %dma_wait3A_2029 = tpu.memref_slice %arg4[%add3A_1346, %dma_wait3A_2027, %dma_wait3A_2028] : memref<512x512x256xf32, #tpu.memory_space<hbm>> -> memref<1x512x128xf32, #tpu.memory_space<hbm>>
    %dma_wait3A_2030 = tpu.memref_squeeze %dma_wait3A_2029 : memref<1x512x128xf32, #tpu.memory_space<hbm>> -> memref<512x128xf32, #tpu.memory_space<hbm>>
    tpu.wait_dma2 semaphore(%arg11 : memref<!tpu.dma_semaphore, #tpu.memory_space<semaphore_mem>>) src(%arg6 : memref<512x128xf32, #tpu.memory_space<vmem>>) dst(%dma_wait3A_2030 : memref<512x128xf32, #tpu.memory_space<hbm>>)
    %dma_wait3A_2031 = arith.constant 0 : i32
    %dma_wait3A_2032 = arith.constant 128 : i32
    %dma_wait3A_2033 = tpu.memref_slice %arg4[%add3A_1467, %dma_wait3A_2031, %dma_wait3A_2032] : memref<512x512x256xf32, #tpu.memory_space<hbm>> -> memref<1x512x128xf32, #tpu.memory_space<hbm>>
    %dma_wait3A_2034 = tpu.memref_squeeze %dma_wait3A_2033 : memref<1x512x128xf32, #tpu.memory_space<hbm>> -> memref<512x128xf32, #tpu.memory_space<hbm>>
    %dma_wait3A_2035 = arith.constant 0 : i32
    %dma_wait3A_2036 = arith.constant 128 : i32
    %dma_wait3A_2037 = tpu.memref_slice %arg4[%add3A_1467, %dma_wait3A_2035, %dma_wait3A_2036] : memref<512x512x256xf32, #tpu.memory_space<hbm>> -> memref<1x512x128xf32, #tpu.memory_space<hbm>>
    %dma_wait3A_2038 = tpu.memref_squeeze %dma_wait3A_2037 : memref<1x512x128xf32, #tpu.memory_space<hbm>> -> memref<512x128xf32, #tpu.memory_space<hbm>>
    tpu.wait_dma2 semaphore(%arg11 : memref<!tpu.dma_semaphore, #tpu.memory_space<semaphore_mem>>) src(%arg6 : memref<512x128xf32, #tpu.memory_space<vmem>>) dst(%dma_wait3A_2038 : memref<512x128xf32, #tpu.memory_space<hbm>>)
    %dma_wait3A_2039 = arith.constant 0 : i32
    %dma_wait3A_2040 = arith.constant 128 : i32
    %dma_wait3A_2041 = tpu.memref_slice %arg4[%add3A_1588, %dma_wait3A_2039, %dma_wait3A_2040] : memref<512x512x256xf32, #tpu.memory_space<hbm>> -> memref<1x512x128xf32, #tpu.memory_space<hbm>>
    %dma_wait3A_2042 = tpu.memref_squeeze %dma_wait3A_2041 : memref<1x512x128xf32, #tpu.memory_space<hbm>> -> memref<512x128xf32, #tpu.memory_space<hbm>>
    %dma_wait3A_2043 = arith.constant 0 : i32
    %dma_wait3A_2044 = arith.constant 128 : i32
    %dma_wait3A_2045 = tpu.memref_slice %arg4[%add3A_1588, %dma_wait3A_2043, %dma_wait3A_2044] : memref<512x512x256xf32, #tpu.memory_space<hbm>> -> memref<1x512x128xf32, #tpu.memory_space<hbm>>
    %dma_wait3A_2046 = tpu.memref_squeeze %dma_wait3A_2045 : memref<1x512x128xf32, #tpu.memory_space<hbm>> -> memref<512x128xf32, #tpu.memory_space<hbm>>
    tpu.wait_dma2 semaphore(%arg11 : memref<!tpu.dma_semaphore, #tpu.memory_space<semaphore_mem>>) src(%arg6 : memref<512x128xf32, #tpu.memory_space<vmem>>) dst(%dma_wait3A_2046 : memref<512x128xf32, #tpu.memory_space<hbm>>)
    %dma_wait3A_2047 = arith.constant 0 : i32
    %dma_wait3A_2048 = arith.constant 128 : i32
    %dma_wait3A_2049 = tpu.memref_slice %arg4[%add3A_1709, %dma_wait3A_2047, %dma_wait3A_2048] : memref<512x512x256xf32, #tpu.memory_space<hbm>> -> memref<1x512x128xf32, #tpu.memory_space<hbm>>
    %dma_wait3A_2050 = tpu.memref_squeeze %dma_wait3A_2049 : memref<1x512x128xf32, #tpu.memory_space<hbm>> -> memref<512x128xf32, #tpu.memory_space<hbm>>
    %dma_wait3A_2051 = arith.constant 0 : i32
    %dma_wait3A_2052 = arith.constant 128 : i32
    %dma_wait3A_2053 = tpu.memref_slice %arg4[%add3A_1709, %dma_wait3A_2051, %dma_wait3A_2052] : memref<512x512x256xf32, #tpu.memory_space<hbm>> -> memref<1x512x128xf32, #tpu.memory_space<hbm>>
    %dma_wait3A_2054 = tpu.memref_squeeze %dma_wait3A_2053 : memref<1x512x128xf32, #tpu.memory_space<hbm>> -> memref<512x128xf32, #tpu.memory_space<hbm>>
    tpu.wait_dma2 semaphore(%arg11 : memref<!tpu.dma_semaphore, #tpu.memory_space<semaphore_mem>>) src(%arg6 : memref<512x128xf32, #tpu.memory_space<vmem>>) dst(%dma_wait3A_2054 : memref<512x128xf32, #tpu.memory_space<hbm>>)
    %dma_wait3A_2055 = arith.constant 0 : i32
    %dma_wait3A_2056 = arith.constant 128 : i32
    %dma_wait3A_2057 = tpu.memref_slice %arg4[%add3A_1830, %dma_wait3A_2055, %dma_wait3A_2056] : memref<512x512x256xf32, #tpu.memory_space<hbm>> -> memref<1x512x128xf32, #tpu.memory_space<hbm>>
    %dma_wait3A_2058 = tpu.memref_squeeze %dma_wait3A_2057 : memref<1x512x128xf32, #tpu.memory_space<hbm>> -> memref<512x128xf32, #tpu.memory_space<hbm>>
    %dma_wait3A_2059 = arith.constant 0 : i32
    %dma_wait3A_2060 = arith.constant 128 : i32
    %dma_wait3A_2061 = tpu.memref_slice %arg4[%add3A_1830, %dma_wait3A_2059, %dma_wait3A_2060] : memref<512x512x256xf32, #tpu.memory_space<hbm>> -> memref<1x512x128xf32, #tpu.memory_space<hbm>>
    %dma_wait3A_2062 = tpu.memref_squeeze %dma_wait3A_2061 : memref<1x512x128xf32, #tpu.memory_space<hbm>> -> memref<512x128xf32, #tpu.memory_space<hbm>>
    tpu.wait_dma2 semaphore(%arg11 : memref<!tpu.dma_semaphore, #tpu.memory_space<semaphore_mem>>) src(%arg6 : memref<512x128xf32, #tpu.memory_space<vmem>>) dst(%dma_wait3A_2062 : memref<512x128xf32, #tpu.memory_space<hbm>>)
    return
  }
}

</mosaic_0001>

<sc_bundles>
// kernel: kernel.3.cloned.1.call-start
scs
__scs_entry_jumppad:
0x0: {  	(pc) =	sbr.rel $0x88, $3  }
0x1: {  	(tag) =	ssettag $0x0;
	lr =	simm.s32 $0x1  }
0x2: {  	[smem:$0x3F9F] =	sst lr;
	_ =	strace $0xD0000000  }
0x3: {  	_ = 	snop  }
0x4: {  	_ = 	snop  }
0x5: {  	_ = 	snop  }
0x6: {  	_ = 	snop  }
0x7: {  	_ = 	snop  }
__scs_overlays_trampoline_lowered:
0x8: {  	[smem:$0x3FAE] =	sst s0  }
0x9: {  	[smem:$0x3FAF] =	sst s1  }
0xa: {  	[smem:$0x3FB0] =	sst s2  }
0xb: {  	[smem:$0x3FB1] =	sst s3  }
0xc: {  	[smem:$0x3FB2] =	sst s4  }
0xd: {  	[smem:$0x3FB3] =	sst s5  }
0xe: {  	[smem:$0x3FB4] =	sst s6  }
0xf: {  	[smem:$0x3FB5] =	sst s7  }
0x10: {  	[smem:$0x3FB6] =	sst s8  }
0x11: {  	[smem:$0x3FB7] =	sst s9;
	s0 =	simm.s32 @!p0 $0x0  }
0x12: {  	s1 =	sld [smem:$0x3F9D];
	s0 =	simm.s32 @p0 $0x1  }
0x13: {  	[smem:$0x3FB8] =	sst s0;
	s0 =	simm.s32 @!p1 $0x0  }
0x14: {  	s2 =	sld [smem:$0x3F9C];
	s0 =	simm.s32 @p1 $0x1  }
0x15: {  	[smem:$0x3FB9] =	sst s0;
	s0 =	simm.s32 @!p2 $0x0  }
0x16: {  	s3 =	sld [smem:$0x3FDB];
	s0 =	simm.s32 @p2 $0x1  }
0x17: {  	s4 =	simm.s32 $0x1BF5;
	[smem:$0x3FBB] =	sst s0  }
0x18: {  	s0 =	sld [smem:$0x3F9E];
	_ =	swait.ge [sflag:s4], $0x0  }
0x19: {  	s7 =	sld [smem:$0x3F9F]  }
0x1a: {  	s8 =	sadd.s32 $0xFFFFE003, lr  }
0x1b: {  	s9 =	sadd.s32 $0xFFFFFEF7, lr;
	s5 =	simm.s32 $0xFFFFFFFF;
	p2 =	slt.u32 s8, $0xFFFFF086  }
0x1c: {  	p1 =	slt.u32 s9, $0xF7A;
	s5 =	simm.s32 @!p2 $0x0  }
0x1d: {  	s5 =	simm.s32 @p1 $0x1;
	p0 =	seq.s32 s7, s2  }
0x1e: {  	s7 =	smul.u32 @!p0 $0xF7A, s2;
	p2 =	seq.s32 @!p0 s5, $0x0  }
0x1f: {  	s9 =	smul.u32 $0xF7A, s1;
	s8 =	simm.s32 @!p0 $0x1BF5;
	p2 =	por !p2, p0  }
0x20: {  	[sflag:s8] =	ssyncset.s32 @!p0 $0xFFFFF086;
	s6 =	sadd.s32 @!p0 s3, s7;
	s7 =	simm.s32 @!p0 $0x108  }
0x21: {  	s3 =	sadd.s32 s3, s9;
	s6 =	sadd.s32 @!p0 $0x88, s6;
	s7 =	simm.s32 @p2 $0x1082  }
0x22: {  	[simem:s7], [sflag:s8] =	dma.local @!p0 [hbm:s6], $0xF7A  }
0x23: {  	s9 =	sor.u32 $0xD0000000, s2;
	s6 =	simm.s32 $0x108;
	_ =	swait.ge @!p0 [sflag:s8], $0x0  }
0x24: {  	s3 =	sadd.s32 $0x88, s3;
	s6 =	simm.s32 @!p1 $0x1082;
	[sflag:s4] =	ssyncset.s32 $0xFFFFF086  }
0x25: {  	[simem:s6], [sflag:s4] =	dma.local [hbm:s3], $0xF7A  }
0x26: {  	[smem:$0x3F9F] =	sst s1;
	(tag) =	ssettag s2;
	_ =	strace s9  }
0x27: {  	s1 =	sld [smem:$0x3FAF]  }
0x28: {  	s2 =	sld [smem:$0x3FB0]  }
0x29: {  	s4 =	sld [smem:$0x3FB2]  }
0x2a: {  	p0 =	seq.s32 s5, $0x0;
	s5 =	sld [smem:$0x3FB3]  }
0x2b: {  	s6 =	sld [smem:$0x3FB4]  }
0x2c: {  	s7 =	sld [smem:$0x3FB5]  }
0x2d: {  	s3 =	simm.s32 $0x108;
	s8 =	sld [smem:$0x3FB6]  }
0x2e: {  	s3 =	simm.s32 @!p0 $0x1082;
	s9 =	sld [smem:$0x3FB7]  }
0x2f: {  	lr =	sadd.s32 s0, s3;
	s0 =	sld [smem:$0x3FAE]  }
0x30: {  	s3 =	sld [smem:$0x3FB1]  }
0x31: {  	[smem:$0x3FBA] =	sst s10  }
0x32: {  	s10 =	sld [smem:$0x3FB8];
	_ =	sdelay $0x3  }
0x33: {  	p0 =	seq.s32 s10, $0x1;
	s10 =	sld [smem:$0x3FBA];
	_ =	sdelay $0x3  }
0x34: {  	[smem:$0x3FBA] =	sst s10  }
0x35: {  	s10 =	sld [smem:$0x3FB9];
	_ =	sdelay $0x3  }
0x36: {  	p1 =	seq.s32 s10, $0x1;
	s10 =	sld [smem:$0x3FBA];
	_ =	sdelay $0x3  }
0x37: {  	[smem:$0x3FBA] =	sst s10  }
0x38: {  	s10 =	sld [smem:$0x3FBB]  }
0x39: {  	_ = 	snop;
	(pc) =	sbr.ind lr, $3  }
0x3a: {  	_ = 	snop  }
0x3b: {  	_ = 	snop  }
0x3c: {  	p2 =	seq.s32 s10, $0x1;
	s10 =	sld [smem:$0x3FBA]  }
0x3d: {  	_ =	shalt  }
0x3e: {  	_ =	shalt  }
0x3f: {  	_ =	shalt  }
0x40: {  	_ =	shalt  }
0x41: {  	_ =	shalt  }
0x42: {  	_ =	shalt  }
0x43: {  	_ =	shalt  }
0x44: {  	_ =	shalt  }
0x45: {  	_ =	shalt  }
0x46: {  	_ =	shalt  }
0x47: {  	_ =	shalt  }
0x48: {  	_ =	shalt  }
0x49: {  	_ =	shalt  }
0x4a: {  	_ =	shalt  }
0x4b: {  	_ =	shalt  }
0x4c: {  	_ =	shalt  }
0x4d: {  	_ =	shalt  }
0x4e: {  	_ =	shalt  }
0x4f: {  	_ =	shalt  }
0x50: {  	_ =	shalt  }
0x51: {  	_ =	shalt  }
0x52: {  	_ =	shalt  }
0x53: {  	_ =	shalt  }
0x54: {  	_ =	shalt  }
0x55: {  	_ =	shalt  }
0x56: {  	_ =	shalt  }
0x57: {  	_ =	shalt  }
0x58: {  	_ =	shalt  }
0x59: {  	_ =	shalt  }
0x5a: {  	_ =	shalt  }
0x5b: {  	_ =	shalt  }
0x5c: {  	_ =	shalt  }
0x5d: {  	_ =	shalt  }
0x5e: {  	_ =	shalt  }
0x5f: {  	_ =	shalt  }
0x60: {  	_ =	shalt  }
0x61: {  	_ =	shalt  }
0x62: {  	_ =	shalt  }
0x63: {  	_ =	shalt  }
0x64: {  	_ =	shalt  }
0x65: {  	_ =	shalt  }
0x66: {  	_ =	shalt  }
0x67: {  	_ =	shalt  }
0x68: {  	_ =	shalt  }
0x69: {  	_ =	shalt  }
0x6a: {  	_ =	shalt  }
0x6b: {  	_ =	shalt  }
0x6c: {  	_ =	shalt  }
0x6d: {  	_ =	shalt  }
0x6e: {  	_ =	shalt  }
0x6f: {  	_ =	shalt  }
0x70: {  	_ =	shalt  }
0x71: {  	_ =	shalt  }
0x72: {  	_ =	shalt  }
0x73: {  	_ =	shalt  }
0x74: {  	_ =	shalt  }
0x75: {  	_ =	shalt  }
0x76: {  	_ =	shalt  }
0x77: {  	_ =	shalt  }
0x78: {  	_ =	shalt  }
0x79: {  	_ =	shalt  }
0x7a: {  	_ =	shalt  }
0x7b: {  	_ =	shalt  }
0x7c: {  	_ =	shalt  }
0x7d: {  	_ =	shalt  }
0x7e: {  	_ =	shalt  }
0x7f: {  	_ =	shalt  }
0x80: {  	_ =	shalt  }
0x81: {  	_ =	shalt  }
0x82: {  	_ =	shalt  }
0x83: {  	_ =	shalt  }
0x84: {  	_ =	shalt  }
0x85: {  	_ =	shalt  }
0x86: {  	_ =	shalt  }
0x87: {  	_ =	shalt  }
.Lfunc_end0:
.L_simem_size_0:
called_computation_lowered:
.L_overlay_start_0:
0x88: {  	s2 =	sld [smem:$0x3FD9]  }
0x89: {  	s3 =	sld [smem:$0x3FFE];
	_ =	sdelay $0x1  }
0x8a: {  	s1 =	srdreg.scid  }
0x8b: {  	s0 =	sand.u32 $0x1, s1  }
0x8c: {  	s18 =	sshll.u32 s0, $0xA;
	s2 =	sadd.s32 s3, s2  }
0x8d: {  	s2 =	sadd.s32 s2, s18  }
0x8e: {  	[smem:$0x3FC6] =	sst s2  }
0x8f: {  	_ = 	snop  }
0x90: {  	s2 =	sld [smem:$0x3FC9]  }
0x91: {  	s19 =	sld [smem:$0x3FC8]  }
0x92: {  	s4 =	sld [smem:$0x3FD0];
	(tm) =	ssettm $0x1  }
0x93: {  	s5 =	sld [smem:$0x3FFB];
	_ =	sdelay $0x3  }
0x94: {  	_ =	strace s5  }
0x95: {  	s5 =	sld [smem:$0x3FFC];
	_ =	sdelay $0x3  }
0x96: {  	_ =	strace s5  }
0x97: {  	s5 =	sld [smem:$0x3FFD];
	_ =	sdelay $0x3  }
0x98: {  	_ =	strace s5  }
0x99: {  	_ =	strace $0x8FFFFFFF  }
0x9a: {  	s20 =	sld [smem:$0x3FDB];
	_ =	sdelay $0x1  }
0x9b: {  	s6 =	simm.s32 $_scs_section_size  }
0x9c: {  	s7 =	simm.s32 $_size__tile_overlayer_lowered;
	s8 =	simm.s32 $_tile_overlayer_lowered  }
0x9d: {  	s23 =	simm.s32 $0x1BFF;
	s22 =	sshll.u32 s8, $0x1;
	s5 =	sadd.s32 s6, s20  }
0x9e: {  	s9 =	simm.s32 $0x0;
	s21 =	sshll.u32 s7, $0x1;
	s7 =	sadd.s32 s22, s5  }
0x9f: {  	[timem:s9], [sflag:s23] =	dma.local [hbm:s7], s21  }
0xa0: {  	_ =	swait.ge [sflag:s23], s21  }
0xa1: {  	s6 =	ssub.s32 $0x0, s21;
	[sflag:s23] =	ssyncset.done $0x0  }
0xa2: {  	[sflag:s23] =	ssyncadd.s32 s6;
	_ =	sdelay $0x1  }
0xa3: {  	s24 =	simm.s32 $0x1B8B  }
0xa4: {  	_ =	swait.ge [sflag:s24], $0x1  }
0xa5: {  	[sflag:s24] =	ssyncset.done $0x0  }
0xa6: {  	s25 =	simm.s32 $0x1B8E;
	[sflag:s24] =	ssyncadd.s32 $0xFFFFFFFF  }
0xa7: {  	s26 =	simm.s32 $execute0_lowered;
	[smem:$0x3FD2] =	sst s25  }
0xa8: {  	s6 =	sshll.u32 s26, $0x1;
	_ =	strace $0x80000046;
	[dreg:$0x1] =	wrdreg $0xFFFFFFFF  }
0xa9: {  	s28 =	simm.s32 $_size_execute0_lowered;
	s5 =	sadd.s32 s5, s6;
	[dreg:$0x0] =	wrdreg $0x0  }
0xaa: {  	s6 =	sshll.u32 s28, $0x1;
	[dreg:$0x2] =	wrdreg s5  }
0xab: {  	[dreg:$0x3] =	wrdreg s6  }
0xac: {  	[dreg:$0x4] =	wrdreg $0xC0  }
0xad: {  	_ =	task [dreg:s9], $0x5FFFF  }
0xae: {  	[dreg:$0x1] =	wrdreg $0xFFFFFFFF  }
0xaf: {  	[dreg:$0x0] =	wrdreg $0x60  }
0xb0: {  	[dreg:$0x2] =	wrdreg s2  }
0xb1: {  	[dreg:$0x3] =	wrdreg s19  }
0xb2: {  	[dreg:$0x4] =	wrdreg s4  }
0xb3: {  	[dreg:$0x5] =	wrdreg $0x9  }
0xb4: {  	_ =	task.clear_ibuf [dreg:s9], $0x6FFFF;
	_ =	strace $0x90000046  }
0xb5: {  	s29 =	simm.s32 $0x9;
	_ =	strace $0x80000048  }
0xb6: {  	_ =	swait.ge [sflag:s29], $0x1  }
0xb7: {  	[sflag:s29] =	ssyncadd.s32 $0xFFFFFFFF  }
0xb8: {  	_ =	strace $0x90000048  }
0xb9: {  	_ =	sfence  }
0xba: {  	s30 =	sld [smem:$0x0];
	_ =	sdelay $0x2  }
0xbb: {  	s31 =	sshll.u32 s1, $0xD;
	s1 =	sshrl.u32 s1, $0x2  }
0xbc: {  	s3 =	sand.u32 $0x4000, s31;
	s1 =	sadd.s32 s1, s30  }
0xbd: {  	s0 =	sor.u32 s3, s0;
	s1 =	sshll.u32 s1, $0x11  }
0xbe: {  	s0 =	sor.u32 s1, s0  }
0xbf: {  	s0 =	sadd.s32 $0x8F2B, s0  }
0xc0: {  	[sflag:s0] =	ssyncadd.remote.s32 $0x1  }
0xc1: {  	_ =	sfence.sel $0xFFFF  }
0xc2: {  	[dreg:$0x0] =	wrdreg $0xFFFFFFFF;
	(pc) =	sbr.abs _section_cstart, $3  }
0xc3: {  	[dreg:$0x1] =	wrdreg $0xFFFFFFFF  }
0xc4: {  	_ =	task.clear_ibuf [dreg:s9], $0x2FFFF;
	_ =	strace $0x9FFFFFFF  }
0xc5: {  	(tm) =	ssettm $0x7FFFFFFF  }
tec
execute0_lowered:
.L_overlay_start_1:
0x0: {  	(tag) =	ssettag $0x1  }
0x1: {  	s0 =	rddreg [dreg:$0x0];
	s2 =	srdreg.scid  }
0x2: {  	s1 =	rddreg [dreg:$0x2];
	s3 =	stileid.u32;
	s2 =	sand.u32 $0x1, s2  }
0x3: {  	s5 =	simm.s32 $0x0;
	s3 =	sshll.u32 s3, $0x5;
	s4 =	sshll.u32 s2, $0x4  }
0x4: {  	[smem:$0x7FF] =	sst s5;
	s2 =	ssub.s32 $0x2, s2;
	s3 =	sor.u32 s4, s3  }
0x5: {  	s13 =	sshrl.u32 s2, $0x1;
	s14 =	sshll.u32 s3, $0xE;
	s3 =	sshll.u32 s3, $0x4  }
0x6: {  	_ =	strace $0x80000047;
	s2 =	ssub.s32 s2, s13;
	s0 =	sadd.s32 s0, s3  }
0x7: {  	s4 =	sadd.s32 s1, s14;
	s10 =	smax.u32 s2, $0x1;
	[dreg:$0x4] =	wrdreg s0  }
0x8: {  	s15 =	sadd.s32 $0x80, s4;
	[dreg:$0x18] =	wrdreg s10  }
0x9: {  	s16 =	sadd.s32 $0x1000, s4;
	[dreg:$0x5] =	wrdreg s15  }
0xa: {  	s17 =	sadd.s32 $0x2000, s4;
	[dreg:$0x6] =	wrdreg s16  }
0xb: {  	s18 =	sadd.s32 $0x3000, s4;
	[dreg:$0x7] =	wrdreg s17  }
0xc: {  	s19 =	sadd.s32 $0x4080, s4;
	[dreg:$0x8] =	wrdreg s18  }
0xd: {  	s20 =	sadd.s32 $0x4000, s4;
	[dreg:$0x9] =	wrdreg s19  }
0xe: {  	s21 =	sadd.s32 $0x5000, s4;
	[dreg:$0xa] =	wrdreg s20  }
0xf: {  	s22 =	sadd.s32 $0x6000, s4;
	[dreg:$0xb] =	wrdreg s21  }
0x10: {  	s23 =	sadd.s32 $0x7000, s4;
	[dreg:$0xc] =	wrdreg s22  }
0x11: {  	s24 =	sadd.s32 $0x8080, s4;
	[dreg:$0xd] =	wrdreg s23  }
0x12: {  	s25 =	sadd.s32 $0x8000, s4;
	[dreg:$0xe] =	wrdreg s24  }
0x13: {  	s26 =	sadd.s32 $0x9000, s4;
	[dreg:$0xf] =	wrdreg s25  }
0x14: {  	s1 =	sadd.s32 $0xA000, s4;
	[dreg:$0x10] =	wrdreg s26  }
0x15: {  	s3 =	sadd.s32 $0xB000, s4;
	[dreg:$0x11] =	wrdreg s1  }
0x16: {  	s5 =	sadd.s32 $0xC080, s4;
	[dreg:$0x12] =	wrdreg s3  }
0x17: {  	s6 =	sadd.s32 $0xC000, s4;
	[dreg:$0x13] =	wrdreg s5  }
0x18: {  	s7 =	sadd.s32 $0xD000, s4;
	[dreg:$0x14] =	wrdreg s6  }
0x19: {  	s8 =	sadd.s32 $0xE000, s4;
	[dreg:$0x15] =	wrdreg s7  }
0x1a: {  	s9 =	sadd.s32 $0xF000, s4;
	[dreg:$0x16] =	wrdreg s8  }
0x1b: {  	s11 =	sadd.s32 $0x10080, s4;
	[dreg:$0x17] =	wrdreg s9  }
0x1c: {  	s12 =	sadd.s32 $0x10000, s4;
	[dreg:$0x19] =	wrdreg s11  }
0x1d: {  	s13 =	sadd.s32 $0x11000, s4;
	[dreg:$0x1a] =	wrdreg s12  }
0x1e: {  	s14 =	sadd.s32 $0x12000, s4;
	[dreg:$0x1b] =	wrdreg s13  }
0x1f: {  	s2 =	sadd.s32 $0x1D000, s4;
	[dreg:$0x1c] =	wrdreg s14  }
0x20: {  	s10 =	sadd.s32 $0x23000, s4;
	[smem:$0x7E6] =	sst s2  }
0x21: {  	s15 =	sadd.s32 $0x13000, s4;
	[smem:$0x7ED] =	sst s10  }
0x22: {  	s16 =	sadd.s32 $0x14080, s4;
	[dreg:$0x1d] =	wrdreg s15  }
0x23: {  	s17 =	sadd.s32 $0x14000, s4;
	[dreg:$0x1e] =	wrdreg s16  }
0x24: {  	s18 =	sadd.s32 $0x15000, s4;
	[dreg:$0x1f] =	wrdreg s17  }
0x25: {  	s19 =	sadd.s32 $0x16000, s4;
	[smem:$0x7DC] =	sst s18  }
0x26: {  	s20 =	sadd.s32 $0x17000, s4;
	[smem:$0x7DD] =	sst s19  }
0x27: {  	s21 =	sadd.s32 $0x18080, s4;
	[smem:$0x7DE] =	sst s20  }
0x28: {  	s22 =	sadd.s32 $0x18000, s4;
	[smem:$0x7DF] =	sst s21  }
0x29: {  	s23 =	sadd.s32 $0x19000, s4;
	[smem:$0x7E0] =	sst s22  }
0x2a: {  	s24 =	sadd.s32 $0x1A000, s4;
	[smem:$0x7E1] =	sst s23  }
0x2b: {  	s25 =	sadd.s32 $0x1B000, s4;
	[smem:$0x7E2] =	sst s24  }
0x2c: {  	s26 =	sadd.s32 $0x1C080, s4;
	[smem:$0x7E3] =	sst s25  }
0x2d: {  	s1 =	sadd.s32 $0x1C000, s4;
	[smem:$0x7E4] =	sst s26  }
0x2e: {  	s3 =	sadd.s32 $0x1E000, s4;
	[smem:$0x7E5] =	sst s1  }
0x2f: {  	s5 =	sadd.s32 $0x1F000, s4;
	[smem:$0x7E7] =	sst s3  }
0x30: {  	s6 =	sadd.s32 $0x20080, s4;
	[smem:$0x7E8] =	sst s5  }
0x31: {  	s7 =	sadd.s32 $0x20000, s4;
	[smem:$0x7E9] =	sst s6  }
0x32: {  	s8 =	sadd.s32 $0x21000, s4;
	[smem:$0x7EA] =	sst s7  }
0x33: {  	s9 =	sadd.s32 $0x22000, s4;
	[smem:$0x7EB] =	sst s8  }
0x34: {  	s11 =	sadd.s32 $0x24080, s4;
	[smem:$0x7EC] =	sst s9  }
0x35: {  	s12 =	sadd.s32 $0x24000, s4;
	[smem:$0x7EE] =	sst s11  }
0x36: {  	s28 =	simm.s32 $0x800;
	s13 =	sadd.s32 $0x25000, s4;
	[smem:$0x7EF] =	sst s12  }
0x37: {  	s29 =	simm.s32 $0x400;
	s14 =	sadd.s32 $0x26000, s4;
	[smem:$0x7F0] =	sst s13  }
0x38: {  	s30 =	simm.s32 $0x10800;
	[smem:$0x7F1] =	sst s14;
	s15 =	sadd.s32 $0x27000, s4  }
0x39: {  	s31 =	simm.s32 $0x14800;
	s16 =	sadd.s32 $0x28080, s4;
	[smem:$0x7F2] =	sst s15  }
0x3a: {  	s0 =	simm.s32 $0x1;
	s17 =	sadd.s32 $0x28000, s4;
	[smem:$0x7F3] =	sst s16  }
0x3b: {  	s10 =	sadd.s32 $0x33000, s4;
	s18 =	sadd.s32 $0x29000, s4;
	[smem:$0x7F4] =	sst s17  }
0x3c: {  	s2 =	simm.s32 $0x3;
	s19 =	sadd.s32 $0x2A000, s4;
	[smem:$0x7F5] =	sst s18  }
0x3d: {  	s20 =	sadd.s32 $0x2B000, s4;
	s21 =	sadd.s32 $0x2C080, s4;
	[smem:$0x7F6] =	sst s19  }
0x3e: {  	s22 =	sadd.s32 $0x2C000, s4;
	s23 =	sadd.s32 $0x2D000, s4;
	[smem:$0x7F7] =	sst s20  }
0x3f: {  	s24 =	sadd.s32 $0x2E000, s4;
	s25 =	sadd.s32 $0x2F000, s4;
	[smem:$0x7F8] =	sst s21  }
0x40: {  	s26 =	sadd.s32 $0x30080, s4;
	s7 =	sadd.s32 $0x30000, s4;
	[smem:$0x7F9] =	sst s22  }
0x41: {  	s8 =	sadd.s32 $0x31000, s4;
	s9 =	sadd.s32 $0x32000, s4;
	[smem:$0x7FA] =	sst s23  }
0x42: {  	s11 =	sadd.s32 $0x34080, s4;
	s12 =	sadd.s32 $0x34000, s4;
	[smem:$0x7FB] =	sst s24  }
0x43: {  	s13 =	sadd.s32 $0x35000, s4;
	s14 =	sadd.s32 $0x36000, s4;
	[smem:$0x7FC] =	sst s25  }
0x44: {  	s1 =	simm.s32 $0x2;
	s3 =	simm.s32 $0x0;
	[smem:$0x7FD] =	sst s26  }
0x45: {  	s15 =	sadd.s32 $0x37000, s4;
	s16 =	sadd.s32 $0x38080, s4;
	s17 =	sadd.s32 $0x38000, s4  }
0x46: {  	s18 =	sadd.s32 $0x39000, s4;
	s19 =	sadd.s32 $0x3A000, s4;
	s20 =	sadd.s32 $0x3B000, s4  }
0x47: {  	s21 =	sadd.s32 $0x3C080, s4;
	s22 =	sadd.s32 $0x3C000, s4;
	s23 =	sadd.s32 $0x3D000, s4  }
0x48: {  	s24 =	sadd.s32 $0x3E000, s4;
	s25 =	sadd.s32 $0x3F000, s4;
	s26 =	simm.s32 $0x4  }
.LBB2_1:
0x49: {  	s6 =	simm.s32 $0x0;
	s5 =	rddreg [dreg:$0x4]  }
0x4a: {  	[tilespmem:s6], [sflag:$0x4] =	stream.linear.gather [hbm4b:s5+s6], $0x800, $0x38;
	[tilespmem:$0x18800] =	vst v63  }
0x4b: {  	_ =	swait.ge [sflag:s26], $0x800  }
0x4c: {  	[sflag:s26] =	ssyncset.done $0x0  }
0x4d: {  	[sflag:s26] =	ssyncadd.s32 $0xFFFFF800  }
0x4e: {  	s5 =	rddreg [dreg:$0x1]  }
0x4f: {  	[tilespmem:s28], [sflag:$0x4] =	stream.linear.gather [hbm4b:s5+s6], $0x10000, $0x38;
	[tilespmem:$0x18800] =	vst v63  }
0x50: {  	_ =	swait.ge [sflag:s26], $0x10000  }
0x51: {  	[sflag:s26] =	ssyncset.done $0x0  }
0x52: {  	[sflag:s26] =	ssyncadd.s32 $0xFFFF0000  }
0x53: {  	v0 =	vld [tilespmem:$0x0]  }
0x54: {  	v1 =	vld [tilespmem:$0x10]  }
0x55: {  	v2 =	vld [tilespmem:$0x20]  }
0x56: {  	v7 =	vld [tilespmem:$0x70]  }
0x57: {  	v3 =	vld [tilespmem:$0x30]  }
0x58: {  	v4 =	vld [tilespmem:$0x40]  }
0x59: {  	v5 =	vld [tilespmem:$0x50]  }
0x5a: {  	s5 =	simm.s32 $0x0;
	s6 =	simm.s32 $0x200;
	v6 =	vld [tilespmem:$0x60]  }
.LBB2_2:
0x5b: {  	p0 =	sne.s32 s6, $0xFE00;
	[tilespmem:s5+$0x10870] =	vst v7  }
0x5c: {  	[tilespmem:s5+$0x10800] =	vst v0  }
0x5d: {  	[tilespmem:s5+$0x10810] =	vst v1  }
.Ltmp0:
0x5e: {  	[tilespmem:s5+$0x10820] =	vst v2;
	(pc) =	sbr.rel @p0 .LBB2_2-.Ltmp0, $4  }
0x5f: {  	[tilespmem:s5+$0x10830] =	vst v3  }
0x60: {  	[tilespmem:s5+$0x10840] =	vst v4  }
0x61: {  	[tilespmem:s5+$0x10850] =	vst v5  }
0x62: {  	[tilespmem:s5+$0x10860] =	vst v6;
	s5 =	sshra.s32 s6, $0x2;
	s6 =	sadd.s32 $0x200, s6  }
0x63: {  	[tilespmem:s5+$0x10870] =	vst v7  }
0x64: {  	[tilespmem:s5+$0x10800] =	vst v0  }
0x65: {  	[tilespmem:s5+$0x10810] =	vst v1  }
0x66: {  	[tilespmem:s5+$0x10820] =	vst v2  }
0x67: {  	[tilespmem:s5+$0x10830] =	vst v3  }
0x68: {  	[tilespmem:s5+$0x10840] =	vst v4  }
0x69: {  	[tilespmem:s5+$0x10850] =	vst v5  }
0x6a: {  	[tilespmem:s5+$0x10860] =	vst v6;
	s6 =	rddreg [dreg:$0x5]  }
0x6b: {  	[hbm4b:s6+s29] =	stream.strided.scatter [tilespmem:s28], [sflag:$0x3], $0x10000, s28, s29, $0x38;
	[tilespmem:$0x18800] =	vst v63  }
0x6c: {  	_ = 	snop  }
0x6d: {  	[hbm4b:s4+s29] =	stream.strided.scatter [tilespmem:s30], [sflag:$0x1], $0x4000, s28, s29, $0x38;
	[tilespmem:$0x18800] =	vst v63  }
0x6e: {  	s6 =	rddreg [dreg:$0x6]  }
0x6f: {  	[hbm4b:s6+s29] =	stream.strided.scatter [tilespmem:s30], [sflag:$0x1], $0x4000, s28, s29, $0x38;
	[tilespmem:$0x18800] =	vst v63  }
0x70: {  	s6 =	rddreg [dreg:$0x7]  }
0x71: {  	[hbm4b:s6+s29] =	stream.strided.scatter [tilespmem:s30], [sflag:$0x1], $0x4000, s28, s29, $0x38;
	[tilespmem:$0x18800] =	vst v63  }
0x72: {  	s6 =	rddreg [dreg:$0x8]  }
0x73: {  	[hbm4b:s6+s29] =	stream.strided.scatter [tilespmem:s30], [sflag:$0x1], $0x4000, s28, s29, $0x38;
	[tilespmem:$0x18800] =	vst v63  }
0x74: {  	v0 =	vld [tilespmem:$0x80]  }
0x75: {  	v1 =	vld [tilespmem:$0x90]  }
0x76: {  	v2 =	vld [tilespmem:$0xA0]  }
0x77: {  	v7 =	vld [tilespmem:$0xF0]  }
0x78: {  	v3 =	vld [tilespmem:$0xB0]  }
0x79: {  	v4 =	vld [tilespmem:$0xC0]  }
0x7a: {  	v5 =	vld [tilespmem:$0xD0]  }
0x7b: {  	s5 =	simm.s32 $0x0;
	s6 =	simm.s32 $0x200;
	v6 =	vld [tilespmem:$0xE0]  }
.LBB2_4:
0x7c: {  	p0 =	sne.s32 s6, $0xFE00;
	[tilespmem:s5+$0x14870] =	vst v7  }
0x7d: {  	[tilespmem:s5+$0x14800] =	vst v0  }
0x7e: {  	[tilespmem:s5+$0x14810] =	vst v1  }
.Ltmp1:
0x7f: {  	[tilespmem:s5+$0x14820] =	vst v2;
	(pc) =	sbr.rel @p0 .LBB2_4-.Ltmp1, $4  }
0x80: {  	[tilespmem:s5+$0x14830] =	vst v3  }
0x81: {  	[tilespmem:s5+$0x14840] =	vst v4  }
0x82: {  	[tilespmem:s5+$0x14850] =	vst v5  }
0x83: {  	[tilespmem:s5+$0x14860] =	vst v6;
	s5 =	sshra.s32 s6, $0x2;
	s6 =	sadd.s32 $0x200, s6  }
0x84: {  	[tilespmem:s5+$0x14870] =	vst v7  }
0x85: {  	[tilespmem:s5+$0x14800] =	vst v0  }
0x86: {  	[tilespmem:s5+$0x14810] =	vst v1  }
0x87: {  	[tilespmem:s5+$0x14820] =	vst v2  }
0x88: {  	[tilespmem:s5+$0x14830] =	vst v3  }
0x89: {  	[tilespmem:s5+$0x14840] =	vst v4  }
0x8a: {  	[tilespmem:s5+$0x14850] =	vst v5  }
0x8b: {  	[tilespmem:s5+$0x14860] =	vst v6;
	s6 =	rddreg [dreg:$0x9]  }
0x8c: {  	[hbm4b:s6+s29] =	stream.strided.scatter [tilespmem:s28], [sflag:$0x3], $0x10000, s28, s29, $0x38;
	[tilespmem:$0x18800] =	vst v63  }
0x8d: {  	s6 =	rddreg [dreg:$0xa]  }
0x8e: {  	[hbm4b:s6+s29] =	stream.strided.scatter [tilespmem:s31], [sflag:$0x2], $0x4000, s28, s29, $0x38;
	[tilespmem:$0x18800] =	vst v63  }
0x8f: {  	s6 =	rddreg [dreg:$0xb]  }
0x90: {  	[hbm4b:s6+s29] =	stream.strided.scatter [tilespmem:s31], [sflag:$0x2], $0x4000, s28, s29, $0x38;
	[tilespmem:$0x18800] =	vst v63  }
0x91: {  	s6 =	rddreg [dreg:$0xc]  }
0x92: {  	[hbm4b:s6+s29] =	stream.strided.scatter [tilespmem:s31], [sflag:$0x2], $0x4000, s28, s29, $0x38;
	[tilespmem:$0x18800] =	vst v63  }
0x93: {  	s6 =	rddreg [dreg:$0xd]  }
0x94: {  	[hbm4b:s6+s29] =	stream.strided.scatter [tilespmem:s31], [sflag:$0x2], $0x4000, s28, s29, $0x38;
	[tilespmem:$0x18800] =	vst v63  }
0x95: {  	_ =	swait.ge [sflag:s0], $0x4000  }
0x96: {  	[sflag:s0] =	ssyncset.done $0x0  }
0x97: {  	[sflag:s0] =	ssyncadd.s32 $0xFFFFC000  }
0x98: {  	_ =	swait.ge [sflag:s0], $0x4000  }
0x99: {  	[sflag:s0] =	ssyncset.done $0x0  }
0x9a: {  	[sflag:s0] =	ssyncadd.s32 $0xFFFFC000  }
0x9b: {  	_ =	swait.ge [sflag:s0], $0x4000  }
0x9c: {  	[sflag:s0] =	ssyncset.done $0x0  }
0x9d: {  	[sflag:s0] =	ssyncadd.s32 $0xFFFFC000  }
0x9e: {  	_ =	swait.ge [sflag:s0], $0x4000  }
0x9f: {  	[sflag:s0] =	ssyncset.done $0x0  }
0xa0: {  	[sflag:s0] =	ssyncadd.s32 $0xFFFFC000  }
0xa1: {  	v0 =	vld [tilespmem:$0x100]  }
0xa2: {  	v1 =	vld [tilespmem:$0x110]  }
0xa3: {  	v2 =	vld [tilespmem:$0x120]  }
0xa4: {  	v7 =	vld [tilespmem:$0x170]  }
0xa5: {  	v3 =	vld [tilespmem:$0x130]  }
0xa6: {  	v4 =	vld [tilespmem:$0x140]  }
0xa7: {  	v5 =	vld [tilespmem:$0x150]  }
0xa8: {  	s5 =	simm.s32 $0x0;
	s6 =	simm.s32 $0x200;
	v6 =	vld [tilespmem:$0x160]  }
.LBB2_6:
0xa9: {  	p0 =	sne.s32 s6, $0xFE00;
	[tilespmem:s5+$0x10870] =	vst v7  }
0xaa: {  	[tilespmem:s5+$0x10800] =	vst v0  }
0xab: {  	[tilespmem:s5+$0x10810] =	vst v1  }
.Ltmp2:
0xac: {  	[tilespmem:s5+$0x10820] =	vst v2;
	(pc) =	sbr.rel @p0 .LBB2_6-.Ltmp2, $4  }
0xad: {  	[tilespmem:s5+$0x10830] =	vst v3  }
0xae: {  	[tilespmem:s5+$0x10840] =	vst v4  }
0xaf: {  	[tilespmem:s5+$0x10850] =	vst v5  }
0xb0: {  	[tilespmem:s5+$0x10860] =	vst v6;
	s5 =	sshra.s32 s6, $0x2;
	s6 =	sadd.s32 $0x200, s6  }
0xb1: {  	[tilespmem:s5+$0x10870] =	vst v7  }
0xb2: {  	[tilespmem:s5+$0x10800] =	vst v0  }
0xb3: {  	[tilespmem:s5+$0x10810] =	vst v1  }
0xb4: {  	[tilespmem:s5+$0x10820] =	vst v2  }
0xb5: {  	[tilespmem:s5+$0x10830] =	vst v3  }
0xb6: {  	[tilespmem:s5+$0x10840] =	vst v4  }
0xb7: {  	[tilespmem:s5+$0x10850] =	vst v5  }
0xb8: {  	[tilespmem:s5+$0x10860] =	vst v6;
	s6 =	rddreg [dreg:$0xe]  }
0xb9: {  	[hbm4b:s6+s29] =	stream.strided.scatter [tilespmem:s28], [sflag:$0x3], $0x10000, s28, s29, $0x38;
	[tilespmem:$0x18800] =	vst v63  }
0xba: {  	s6 =	rddreg [dreg:$0xf]  }
0xbb: {  	[hbm4b:s6+s29] =	stream.strided.scatter [tilespmem:s30], [sflag:$0x1], $0x4000, s28, s29, $0x38;
	[tilespmem:$0x18800] =	vst v63  }
0xbc: {  	s6 =	rddreg [dreg:$0x10]  }
0xbd: {  	[hbm4b:s6+s29] =	stream.strided.scatter [tilespmem:s30], [sflag:$0x1], $0x4000, s28, s29, $0x38;
	[tilespmem:$0x18800] =	vst v63  }
0xbe: {  	s6 =	rddreg [dreg:$0x11]  }
0xbf: {  	[hbm4b:s6+s29] =	stream.strided.scatter [tilespmem:s30], [sflag:$0x1], $0x4000, s28, s29, $0x38;
	[tilespmem:$0x18800] =	vst v63  }
0xc0: {  	s6 =	rddreg [dreg:$0x12]  }
0xc1: {  	[hbm4b:s6+s29] =	stream.strided.scatter [tilespmem:s30], [sflag:$0x1], $0x4000, s28, s29, $0x38;
	[tilespmem:$0x18800] =	vst v63  }
0xc2: {  	_ =	swait.ge [sflag:s1], $0x4000  }
0xc3: {  	[sflag:s1] =	ssyncset.done $0x0  }
0xc4: {  	[sflag:s1] =	ssyncadd.s32 $0xFFFFC000  }
0xc5: {  	_ =	swait.ge [sflag:s1], $0x4000  }
0xc6: {  	[sflag:s1] =	ssyncset.done $0x0  }
0xc7: {  	[sflag:s1] =	ssyncadd.s32 $0xFFFFC000  }
0xc8: {  	_ =	swait.ge [sflag:s1], $0x4000  }
0xc9: {  	[sflag:s1] =	ssyncset.done $0x0  }
0xca: {  	[sflag:s1] =	ssyncadd.s32 $0xFFFFC000  }
0xcb: {  	_ =	swait.ge [sflag:s1], $0x4000  }
0xcc: {  	[sflag:s1] =	ssyncset.done $0x0  }
0xcd: {  	[sflag:s1] =	ssyncadd.s32 $0xFFFFC000  }
0xce: {  	v0 =	vld [tilespmem:$0x180]  }
0xcf: {  	v1 =	vld [tilespmem:$0x190]  }
0xd0: {  	v2 =	vld [tilespmem:$0x1A0]  }
0xd1: {  	v7 =	vld [tilespmem:$0x1F0]  }
0xd2: {  	v3 =	vld [tilespmem:$0x1B0]  }
0xd3: {  	v4 =	vld [tilespmem:$0x1C0]  }
0xd4: {  	v5 =	vld [tilespmem:$0x1D0]  }
0xd5: {  	s5 =	simm.s32 $0x0;
	s6 =	simm.s32 $0x200;
	v6 =	vld [tilespmem:$0x1E0]  }
.LBB2_8:
0xd6: {  	p0 =	sne.s32 s6, $0xFE00;
	[tilespmem:s5+$0x14870] =	vst v7  }
0xd7: {  	[tilespmem:s5+$0x14800] =	vst v0  }
0xd8: {  	[tilespmem:s5+$0x14810] =	vst v1  }
.Ltmp3:
0xd9: {  	[tilespmem:s5+$0x14820] =	vst v2;
	(pc) =	sbr.rel @p0 .LBB2_8-.Ltmp3, $4  }
0xda: {  	[tilespmem:s5+$0x14830] =	vst v3  }
0xdb: {  	[tilespmem:s5+$0x14840] =	vst v4  }
0xdc: {  	[tilespmem:s5+$0x14850] =	vst v5  }
0xdd: {  	[tilespmem:s5+$0x14860] =	vst v6;
	s5 =	sshra.s32 s6, $0x2;
	s6 =	sadd.s32 $0x200, s6  }
0xde: {  	[tilespmem:s5+$0x14870] =	vst v7  }
0xdf: {  	[tilespmem:s5+$0x14800] =	vst v0  }
0xe0: {  	[tilespmem:s5+$0x14810] =	vst v1  }
0xe1: {  	[tilespmem:s5+$0x14820] =	vst v2  }
0xe2: {  	[tilespmem:s5+$0x14830] =	vst v3  }
0xe3: {  	[tilespmem:s5+$0x14840] =	vst v4  }
0xe4: {  	[tilespmem:s5+$0x14850] =	vst v5  }
0xe5: {  	[tilespmem:s5+$0x14860] =	vst v6;
	s6 =	rddreg [dreg:$0x13]  }
0xe6: {  	[hbm4b:s6+s29] =	stream.strided.scatter [tilespmem:s28], [sflag:$0x3], $0x10000, s28, s29, $0x38;
	[tilespmem:$0x18800] =	vst v63  }
0xe7: {  	s6 =	rddreg [dreg:$0x14]  }
0xe8: {  	[hbm4b:s6+s29] =	stream.strided.scatter [tilespmem:s31], [sflag:$0x2], $0x4000, s28, s29, $0x38;
	[tilespmem:$0x18800] =	vst v63  }
0xe9: {  	s6 =	rddreg [dreg:$0x15]  }
0xea: {  	[hbm4b:s6+s29] =	stream.strided.scatter [tilespmem:s31], [sflag:$0x2], $0x4000, s28, s29, $0x38;
	[tilespmem:$0x18800] =	vst v63  }
0xeb: {  	s6 =	rddreg [dreg:$0x16]  }
0xec: {  	[hbm4b:s6+s29] =	stream.strided.scatter [tilespmem:s31], [sflag:$0x2], $0x4000, s28, s29, $0x38;
	[tilespmem:$0x18800] =	vst v63  }
0xed: {  	s6 =	rddreg [dreg:$0x17]  }
0xee: {  	[hbm4b:s6+s29] =	stream.strided.scatter [tilespmem:s31], [sflag:$0x2], $0x4000, s28, s29, $0x38;
	[tilespmem:$0x18800] =	vst v63  }
0xef: {  	_ =	swait.ge [sflag:s0], $0x4000  }
0xf0: {  	[sflag:s0] =	ssyncset.done $0x0  }
0xf1: {  	[sflag:s0] =	ssyncadd.s32 $0xFFFFC000  }
0xf2: {  	_ =	swait.ge [sflag:s0], $0x4000  }
0xf3: {  	[sflag:s0] =	ssyncset.done $0x0  }
0xf4: {  	[sflag:s0] =	ssyncadd.s32 $0xFFFFC000  }
0xf5: {  	_ =	swait.ge [sflag:s0], $0x4000  }
0xf6: {  	[sflag:s0] =	ssyncset.done $0x0  }
0xf7: {  	[sflag:s0] =	ssyncadd.s32 $0xFFFFC000  }
0xf8: {  	_ =	swait.ge [sflag:s0], $0x4000  }
0xf9: {  	[sflag:s0] =	ssyncset.done $0x0  }
0xfa: {  	[sflag:s0] =	ssyncadd.s32 $0xFFFFC000  }
0xfb: {  	v0 =	vld [tilespmem:$0x200]  }
0xfc: {  	v1 =	vld [tilespmem:$0x210]  }
0xfd: {  	v2 =	vld [tilespmem:$0x220]  }
0xfe: {  	v7 =	vld [tilespmem:$0x270]  }
0xff: {  	v3 =	vld [tilespmem:$0x230]  }
0x100: {  	v4 =	vld [tilespmem:$0x240]  }
0x101: {  	v5 =	vld [tilespmem:$0x250]  }
0x102: {  	s5 =	simm.s32 $0x0;
	s6 =	simm.s32 $0x200;
	v6 =	vld [tilespmem:$0x260]  }
.LBB2_10:
0x103: {  	p0 =	sne.s32 s6, $0xFE00;
	[tilespmem:s5+$0x10870] =	vst v7  }
0x104: {  	[tilespmem:s5+$0x10800] =	vst v0  }
0x105: {  	[tilespmem:s5+$0x10810] =	vst v1  }
.Ltmp4:
0x106: {  	[tilespmem:s5+$0x10820] =	vst v2;
	(pc) =	sbr.rel @p0 .LBB2_10-.Ltmp4, $4  }
0x107: {  	[tilespmem:s5+$0x10830] =	vst v3  }
0x108: {  	[tilespmem:s5+$0x10840] =	vst v4  }
0x109: {  	[tilespmem:s5+$0x10850] =	vst v5  }
0x10a: {  	[tilespmem:s5+$0x10860] =	vst v6;
	s5 =	sshra.s32 s6, $0x2;
	s6 =	sadd.s32 $0x200, s6  }
0x10b: {  	[tilespmem:s5+$0x10870] =	vst v7  }
0x10c: {  	[tilespmem:s5+$0x10800] =	vst v0  }
0x10d: {  	[tilespmem:s5+$0x10810] =	vst v1  }
0x10e: {  	[tilespmem:s5+$0x10820] =	vst v2  }
0x10f: {  	[tilespmem:s5+$0x10830] =	vst v3  }
0x110: {  	[tilespmem:s5+$0x10840] =	vst v4  }
0x111: {  	[tilespmem:s5+$0x10850] =	vst v5  }
0x112: {  	[tilespmem:s5+$0x10860] =	vst v6;
	s6 =	rddreg [dreg:$0x19]  }
0x113: {  	[hbm4b:s6+s29] =	stream.strided.scatter [tilespmem:s28], [sflag:$0x3], $0x10000, s28, s29, $0x38;
	[tilespmem:$0x18800] =	vst v63  }
0x114: {  	s6 =	rddreg [dreg:$0x1a]  }
0x115: {  	[hbm4b:s6+s29] =	stream.strided.scatter [tilespmem:s30], [sflag:$0x1], $0x4000, s28, s29, $0x38;
	[tilespmem:$0x18800] =	vst v63  }
0x116: {  	s6 =	rddreg [dreg:$0x1b]  }
0x117: {  	[hbm4b:s6+s29] =	stream.strided.scatter [tilespmem:s30], [sflag:$0x1], $0x4000, s28, s29, $0x38;
	[tilespmem:$0x18800] =	vst v63  }
0x118: {  	s6 =	rddreg [dreg:$0x1c]  }
0x119: {  	[hbm4b:s6+s29] =	stream.strided.scatter [tilespmem:s30], [sflag:$0x1], $0x4000, s28, s29, $0x38;
	[tilespmem:$0x18800] =	vst v63  }
0x11a: {  	s6 =	rddreg [dreg:$0x1d]  }
0x11b: {  	[hbm4b:s6+s29] =	stream.strided.scatter [tilespmem:s30], [sflag:$0x1], $0x4000, s28, s29, $0x38;
	[tilespmem:$0x18800] =	vst v63  }
0x11c: {  	_ =	swait.ge [sflag:s1], $0x4000  }
0x11d: {  	[sflag:s1] =	ssyncset.done $0x0  }
0x11e: {  	[sflag:s1] =	ssyncadd.s32 $0xFFFFC000  }
0x11f: {  	_ =	swait.ge [sflag:s1], $0x4000  }
0x120: {  	[sflag:s1] =	ssyncset.done $0x0  }
0x121: {  	[sflag:s1] =	ssyncadd.s32 $0xFFFFC000  }
0x122: {  	_ =	swait.ge [sflag:s1], $0x4000  }
0x123: {  	[sflag:s1] =	ssyncset.done $0x0  }
0x124: {  	[sflag:s1] =	ssyncadd.s32 $0xFFFFC000  }
0x125: {  	_ =	swait.ge [sflag:s1], $0x4000  }
0x126: {  	[sflag:s1] =	ssyncset.done $0x0  }
0x127: {  	[sflag:s1] =	ssyncadd.s32 $0xFFFFC000  }
0x128: {  	v0 =	vld [tilespmem:$0x280]  }
0x129: {  	v1 =	vld [tilespmem:$0x290]  }
0x12a: {  	v2 =	vld [tilespmem:$0x2A0]  }
0x12b: {  	v7 =	vld [tilespmem:$0x2F0]  }
0x12c: {  	v3 =	vld [tilespmem:$0x2B0]  }
0x12d: {  	v4 =	vld [tilespmem:$0x2C0]  }
0x12e: {  	v5 =	vld [tilespmem:$0x2D0]  }
0x12f: {  	s5 =	simm.s32 $0x0;
	s6 =	simm.s32 $0x200;
	v6 =	vld [tilespmem:$0x2E0]  }
.LBB2_12:
0x130: {  	p0 =	sne.s32 s6, $0xFE00;
	[tilespmem:s5+$0x14870] =	vst v7  }
0x131: {  	[tilespmem:s5+$0x14800] =	vst v0  }
0x132: {  	[tilespmem:s5+$0x14810] =	vst v1  }
.Ltmp5:
0x133: {  	[tilespmem:s5+$0x14820] =	vst v2;
	(pc) =	sbr.rel @p0 .LBB2_12-.Ltmp5, $4  }
0x134: {  	[tilespmem:s5+$0x14830] =	vst v3  }
0x135: {  	[tilespmem:s5+$0x14840] =	vst v4  }
0x136: {  	[tilespmem:s5+$0x14850] =	vst v5  }
0x137: {  	[tilespmem:s5+$0x14860] =	vst v6;
	s5 =	sshra.s32 s6, $0x2;
	s6 =	sadd.s32 $0x200, s6  }
0x138: {  	[tilespmem:s5+$0x14870] =	vst v7  }
0x139: {  	[tilespmem:s5+$0x14800] =	vst v0  }
0x13a: {  	[tilespmem:s5+$0x14810] =	vst v1  }
0x13b: {  	[tilespmem:s5+$0x14820] =	vst v2  }
0x13c: {  	[tilespmem:s5+$0x14830] =	vst v3  }
0x13d: {  	[tilespmem:s5+$0x14840] =	vst v4  }
0x13e: {  	[tilespmem:s5+$0x14850] =	vst v5  }
0x13f: {  	[tilespmem:s5+$0x14860] =	vst v6;
	s6 =	rddreg [dreg:$0x1e]  }
0x140: {  	[hbm4b:s6+s29] =	stream.strided.scatter [tilespmem:s28], [sflag:$0x3], $0x10000, s28, s29, $0x38;
	[tilespmem:$0x18800] =	vst v63  }
0x141: {  	s6 =	rddreg [dreg:$0x1f]  }
0x142: {  	[hbm4b:s6+s29] =	stream.strided.scatter [tilespmem:s31], [sflag:$0x2], $0x4000, s28, s29, $0x38;
	[tilespmem:$0x18800] =	vst v63  }
0x143: {  	s6 =	sld [smem:$0x7DC];
	_ =	sdelay $0x2  }
0x144: {  	[hbm4b:s6+s29] =	stream.strided.scatter [tilespmem:s31], [sflag:$0x2], $0x4000, s28, s29, $0x38;
	[tilespmem:$0x18800] =	vst v63  }
0x145: {  	s6 =	sld [smem:$0x7DD];
	_ =	sdelay $0x2  }
0x146: {  	[hbm4b:s6+s29] =	stream.strided.scatter [tilespmem:s31], [sflag:$0x2], $0x4000, s28, s29, $0x38;
	[tilespmem:$0x18800] =	vst v63  }
0x147: {  	s6 =	sld [smem:$0x7DE];
	_ =	sdelay $0x2  }
0x148: {  	[hbm4b:s6+s29] =	stream.strided.scatter [tilespmem:s31], [sflag:$0x2], $0x4000, s28, s29, $0x38;
	[tilespmem:$0x18800] =	vst v63  }
0x149: {  	_ =	swait.ge [sflag:s0], $0x4000  }
0x14a: {  	[sflag:s0] =	ssyncset.done $0x0  }
0x14b: {  	[sflag:s0] =	ssyncadd.s32 $0xFFFFC000  }
0x14c: {  	_ =	swait.ge [sflag:s0], $0x4000  }
0x14d: {  	[sflag:s0] =	ssyncset.done $0x0  }
0x14e: {  	[sflag:s0] =	ssyncadd.s32 $0xFFFFC000  }
0x14f: {  	_ =	swait.ge [sflag:s0], $0x4000  }
0x150: {  	[sflag:s0] =	ssyncset.done $0x0  }
0x151: {  	[sflag:s0] =	ssyncadd.s32 $0xFFFFC000  }
0x152: {  	_ =	swait.ge [sflag:s0], $0x4000  }
0x153: {  	[sflag:s0] =	ssyncset.done $0x0  }
0x154: {  	[sflag:s0] =	ssyncadd.s32 $0xFFFFC000  }
0x155: {  	v0 =	vld [tilespmem:$0x300]  }
0x156: {  	v1 =	vld [tilespmem:$0x310]  }
0x157: {  	v2 =	vld [tilespmem:$0x320]  }
0x158: {  	v7 =	vld [tilespmem:$0x370]  }
0x159: {  	v3 =	vld [tilespmem:$0x330]  }
0x15a: {  	v4 =	vld [tilespmem:$0x340]  }
0x15b: {  	v5 =	vld [tilespmem:$0x350]  }
0x15c: {  	s5 =	simm.s32 $0x0;
	s6 =	simm.s32 $0x200;
	v6 =	vld [tilespmem:$0x360]  }
.LBB2_14:
0x15d: {  	p0 =	sne.s32 s6, $0xFE00;
	[tilespmem:s5+$0x10870] =	vst v7  }
0x15e: {  	[tilespmem:s5+$0x10800] =	vst v0  }
0x15f: {  	[tilespmem:s5+$0x10810] =	vst v1  }
.Ltmp6:
0x160: {  	[tilespmem:s5+$0x10820] =	vst v2;
	(pc) =	sbr.rel @p0 .LBB2_14-.Ltmp6, $4  }
0x161: {  	[tilespmem:s5+$0x10830] =	vst v3  }
0x162: {  	[tilespmem:s5+$0x10840] =	vst v4  }
0x163: {  	[tilespmem:s5+$0x10850] =	vst v5  }
0x164: {  	[tilespmem:s5+$0x10860] =	vst v6;
	s5 =	sshra.s32 s6, $0x2;
	s6 =	sadd.s32 $0x200, s6  }
0x165: {  	[tilespmem:s5+$0x10870] =	vst v7  }
0x166: {  	[tilespmem:s5+$0x10800] =	vst v0  }
0x167: {  	[tilespmem:s5+$0x10810] =	vst v1  }
0x168: {  	[tilespmem:s5+$0x10820] =	vst v2  }
0x169: {  	[tilespmem:s5+$0x10830] =	vst v3  }
0x16a: {  	[tilespmem:s5+$0x10840] =	vst v4;
	s6 =	sld [smem:$0x7DF]  }
0x16b: {  	[tilespmem:s5+$0x10850] =	vst v5  }
0x16c: {  	[tilespmem:s5+$0x10860] =	vst v6  }
0x16d: {  	[hbm4b:s6+s29] =	stream.strided.scatter [tilespmem:s28], [sflag:$0x3], $0x10000, s28, s29, $0x38;
	[tilespmem:$0x18800] =	vst v63  }
0x16e: {  	s6 =	sld [smem:$0x7E0];
	_ =	sdelay $0x2  }
0x16f: {  	[hbm4b:s6+s29] =	stream.strided.scatter [tilespmem:s30], [sflag:$0x1], $0x4000, s28, s29, $0x38;
	[tilespmem:$0x18800] =	vst v63  }
0x170: {  	s6 =	sld [smem:$0x7E1];
	_ =	sdelay $0x2  }
0x171: {  	[hbm4b:s6+s29] =	stream.strided.scatter [tilespmem:s30], [sflag:$0x1], $0x4000, s28, s29, $0x38;
	[tilespmem:$0x18800] =	vst v63  }
0x172: {  	s6 =	sld [smem:$0x7E2];
	_ =	sdelay $0x2  }
0x173: {  	[hbm4b:s6+s29] =	stream.strided.scatter [tilespmem:s30], [sflag:$0x1], $0x4000, s28, s29, $0x38;
	[tilespmem:$0x18800] =	vst v63  }
0x174: {  	s6 =	sld [smem:$0x7E3];
	_ =	sdelay $0x2  }
0x175: {  	[hbm4b:s6+s29] =	stream.strided.scatter [tilespmem:s30], [sflag:$0x1], $0x4000, s28, s29, $0x38;
	[tilespmem:$0x18800] =	vst v63  }
0x176: {  	_ =	swait.ge [sflag:s1], $0x4000  }
0x177: {  	[sflag:s1] =	ssyncset.done $0x0  }
0x178: {  	[sflag:s1] =	ssyncadd.s32 $0xFFFFC000  }
0x179: {  	_ =	swait.ge [sflag:s1], $0x4000  }
0x17a: {  	[sflag:s1] =	ssyncset.done $0x0  }
0x17b: {  	[sflag:s1] =	ssyncadd.s32 $0xFFFFC000  }
0x17c: {  	_ =	swait.ge [sflag:s1], $0x4000  }
0x17d: {  	[sflag:s1] =	ssyncset.done $0x0  }
0x17e: {  	[sflag:s1] =	ssyncadd.s32 $0xFFFFC000  }
0x17f: {  	_ =	swait.ge [sflag:s1], $0x4000  }
0x180: {  	[sflag:s1] =	ssyncset.done $0x0  }
0x181: {  	[sflag:s1] =	ssyncadd.s32 $0xFFFFC000  }
0x182: {  	v0 =	vld [tilespmem:$0x380]  }
0x183: {  	v1 =	vld [tilespmem:$0x390]  }
0x184: {  	v2 =	vld [tilespmem:$0x3A0]  }
0x185: {  	v7 =	vld [tilespmem:$0x3F0]  }
0x186: {  	v3 =	vld [tilespmem:$0x3B0]  }
0x187: {  	v4 =	vld [tilespmem:$0x3C0]  }
0x188: {  	v5 =	vld [tilespmem:$0x3D0]  }
0x189: {  	s5 =	simm.s32 $0x0;
	s6 =	simm.s32 $0x200;
	v6 =	vld [tilespmem:$0x3E0]  }
.LBB2_16:
0x18a: {  	p0 =	sne.s32 s6, $0xFE00;
	[tilespmem:s5+$0x14870] =	vst v7  }
0x18b: {  	[tilespmem:s5+$0x14800] =	vst v0  }
0x18c: {  	[tilespmem:s5+$0x14810] =	vst v1  }
.Ltmp7:
0x18d: {  	[tilespmem:s5+$0x14820] =	vst v2;
	(pc) =	sbr.rel @p0 .LBB2_16-.Ltmp7, $4  }
0x18e: {  	[tilespmem:s5+$0x14830] =	vst v3  }
0x18f: {  	[tilespmem:s5+$0x14840] =	vst v4  }
0x190: {  	[tilespmem:s5+$0x14850] =	vst v5  }
0x191: {  	[tilespmem:s5+$0x14860] =	vst v6;
	s5 =	sshra.s32 s6, $0x2;
	s6 =	sadd.s32 $0x200, s6  }
0x192: {  	[tilespmem:s5+$0x14870] =	vst v7  }
0x193: {  	[tilespmem:s5+$0x14800] =	vst v0  }
0x194: {  	[tilespmem:s5+$0x14810] =	vst v1  }
0x195: {  	[tilespmem:s5+$0x14820] =	vst v2  }
0x196: {  	[tilespmem:s5+$0x14830] =	vst v3  }
0x197: {  	[tilespmem:s5+$0x14840] =	vst v4;
	s6 =	sld [smem:$0x7E4]  }
0x198: {  	[tilespmem:s5+$0x14850] =	vst v5  }
0x199: {  	[tilespmem:s5+$0x14860] =	vst v6  }
0x19a: {  	[hbm4b:s6+s29] =	stream.strided.scatter [tilespmem:s28], [sflag:$0x3], $0x10000, s28, s29, $0x38;
	[tilespmem:$0x18800] =	vst v63  }
0x19b: {  	s6 =	sld [smem:$0x7E5];
	_ =	sdelay $0x2  }
0x19c: {  	[hbm4b:s6+s29] =	stream.strided.scatter [tilespmem:s31], [sflag:$0x2], $0x4000, s28, s29, $0x38;
	[tilespmem:$0x18800] =	vst v63  }
0x19d: {  	s6 =	sld [smem:$0x7E6];
	_ =	sdelay $0x2  }
0x19e: {  	[hbm4b:s6+s29] =	stream.strided.scatter [tilespmem:s31], [sflag:$0x2], $0x4000, s28, s29, $0x38;
	[tilespmem:$0x18800] =	vst v63  }
0x19f: {  	s6 =	sld [smem:$0x7E7];
	_ =	sdelay $0x2  }
0x1a0: {  	[hbm4b:s6+s29] =	stream.strided.scatter [tilespmem:s31], [sflag:$0x2], $0x4000, s28, s29, $0x38;
	[tilespmem:$0x18800] =	vst v63  }
0x1a1: {  	s6 =	sld [smem:$0x7E8];
	_ =	sdelay $0x2  }
0x1a2: {  	[hbm4b:s6+s29] =	stream.strided.scatter [tilespmem:s31], [sflag:$0x2], $0x4000, s28, s29, $0x38;
	[tilespmem:$0x18800] =	vst v63  }
0x1a3: {  	_ =	swait.ge [sflag:s0], $0x4000  }
0x1a4: {  	[sflag:s0] =	ssyncset.done $0x0  }
0x1a5: {  	[sflag:s0] =	ssyncadd.s32 $0xFFFFC000  }
0x1a6: {  	_ =	swait.ge [sflag:s0], $0x4000  }
0x1a7: {  	[sflag:s0] =	ssyncset.done $0x0  }
0x1a8: {  	[sflag:s0] =	ssyncadd.s32 $0xFFFFC000  }
0x1a9: {  	_ =	swait.ge [sflag:s0], $0x4000  }
0x1aa: {  	[sflag:s0] =	ssyncset.done $0x0  }
0x1ab: {  	[sflag:s0] =	ssyncadd.s32 $0xFFFFC000  }
0x1ac: {  	_ =	swait.ge [sflag:s0], $0x4000  }
0x1ad: {  	[sflag:s0] =	ssyncset.done $0x0  }
0x1ae: {  	[sflag:s0] =	ssyncadd.s32 $0xFFFFC000  }
0x1af: {  	v0 =	vld [tilespmem:$0x400]  }
0x1b0: {  	v1 =	vld [tilespmem:$0x410]  }
0x1b1: {  	v2 =	vld [tilespmem:$0x420]  }
0x1b2: {  	v7 =	vld [tilespmem:$0x470]  }
0x1b3: {  	v3 =	vld [tilespmem:$0x430]  }
0x1b4: {  	v4 =	vld [tilespmem:$0x440]  }
0x1b5: {  	v5 =	vld [tilespmem:$0x450]  }
0x1b6: {  	s5 =	simm.s32 $0x0;
	s6 =	simm.s32 $0x200;
	v6 =	vld [tilespmem:$0x460]  }
.LBB2_18:
0x1b7: {  	p0 =	sne.s32 s6, $0xFE00;
	[tilespmem:s5+$0x10870] =	vst v7  }
0x1b8: {  	[tilespmem:s5+$0x10800] =	vst v0  }
0x1b9: {  	[tilespmem:s5+$0x10810] =	vst v1  }
.Ltmp8:
0x1ba: {  	[tilespmem:s5+$0x10820] =	vst v2;
	(pc) =	sbr.rel @p0 .LBB2_18-.Ltmp8, $4  }
0x1bb: {  	[tilespmem:s5+$0x10830] =	vst v3  }
0x1bc: {  	[tilespmem:s5+$0x10840] =	vst v4  }
0x1bd: {  	[tilespmem:s5+$0x10850] =	vst v5  }
0x1be: {  	[tilespmem:s5+$0x10860] =	vst v6;
	s5 =	sshra.s32 s6, $0x2;
	s6 =	sadd.s32 $0x200, s6  }
0x1bf: {  	[tilespmem:s5+$0x10870] =	vst v7  }
0x1c0: {  	[tilespmem:s5+$0x10800] =	vst v0  }
0x1c1: {  	[tilespmem:s5+$0x10810] =	vst v1  }
0x1c2: {  	[tilespmem:s5+$0x10820] =	vst v2  }
0x1c3: {  	[tilespmem:s5+$0x10830] =	vst v3  }
0x1c4: {  	[tilespmem:s5+$0x10840] =	vst v4;
	s6 =	sld [smem:$0x7E9]  }
0x1c5: {  	[tilespmem:s5+$0x10850] =	vst v5  }
0x1c6: {  	[tilespmem:s5+$0x10860] =	vst v6  }
0x1c7: {  	[hbm4b:s6+s29] =	stream.strided.scatter [tilespmem:s28], [sflag:$0x3], $0x10000, s28, s29, $0x38;
	[tilespmem:$0x18800] =	vst v63  }
0x1c8: {  	s6 =	sld [smem:$0x7EA];
	_ =	sdelay $0x2  }
0x1c9: {  	[hbm4b:s6+s29] =	stream.strided.scatter [tilespmem:s30], [sflag:$0x1], $0x4000, s28, s29, $0x38;
	[tilespmem:$0x18800] =	vst v63  }
0x1ca: {  	s6 =	sld [smem:$0x7EB];
	_ =	sdelay $0x2  }
0x1cb: {  	[hbm4b:s6+s29] =	stream.strided.scatter [tilespmem:s30], [sflag:$0x1], $0x4000, s28, s29, $0x38;
	[tilespmem:$0x18800] =	vst v63  }
0x1cc: {  	s6 =	sld [smem:$0x7EC];
	_ =	sdelay $0x2  }
0x1cd: {  	[hbm4b:s6+s29] =	stream.strided.scatter [tilespmem:s30], [sflag:$0x1], $0x4000, s28, s29, $0x38;
	[tilespmem:$0x18800] =	vst v63  }
0x1ce: {  	s6 =	sld [smem:$0x7ED];
	_ =	sdelay $0x2  }
0x1cf: {  	[hbm4b:s6+s29] =	stream.strided.scatter [tilespmem:s30], [sflag:$0x1], $0x4000, s28, s29, $0x38;
	[tilespmem:$0x18800] =	vst v63  }
0x1d0: {  	_ =	swait.ge [sflag:s1], $0x4000  }
0x1d1: {  	[sflag:s1] =	ssyncset.done $0x0  }
0x1d2: {  	[sflag:s1] =	ssyncadd.s32 $0xFFFFC000  }
0x1d3: {  	_ =	swait.ge [sflag:s1], $0x4000  }
0x1d4: {  	[sflag:s1] =	ssyncset.done $0x0  }
0x1d5: {  	[sflag:s1] =	ssyncadd.s32 $0xFFFFC000  }
0x1d6: {  	_ =	swait.ge [sflag:s1], $0x4000  }
0x1d7: {  	[sflag:s1] =	ssyncset.done $0x0  }
0x1d8: {  	[sflag:s1] =	ssyncadd.s32 $0xFFFFC000  }
0x1d9: {  	_ =	swait.ge [sflag:s1], $0x4000  }
0x1da: {  	[sflag:s1] =	ssyncset.done $0x0  }
0x1db: {  	[sflag:s1] =	ssyncadd.s32 $0xFFFFC000  }
0x1dc: {  	v0 =	vld [tilespmem:$0x480]  }
0x1dd: {  	v1 =	vld [tilespmem:$0x490]  }
0x1de: {  	v2 =	vld [tilespmem:$0x4A0]  }
0x1df: {  	v7 =	vld [tilespmem:$0x4F0]  }
0x1e0: {  	v3 =	vld [tilespmem:$0x4B0]  }
0x1e1: {  	v4 =	vld [tilespmem:$0x4C0]  }
0x1e2: {  	v5 =	vld [tilespmem:$0x4D0]  }
0x1e3: {  	s5 =	simm.s32 $0x0;
	s6 =	simm.s32 $0x200;
	v6 =	vld [tilespmem:$0x4E0]  }
.LBB2_20:
0x1e4: {  	p0 =	sne.s32 s6, $0xFE00;
	[tilespmem:s5+$0x14870] =	vst v7  }
0x1e5: {  	[tilespmem:s5+$0x14800] =	vst v0  }
0x1e6: {  	[tilespmem:s5+$0x14810] =	vst v1  }
.Ltmp9:
0x1e7: {  	[tilespmem:s5+$0x14820] =	vst v2;
	(pc) =	sbr.rel @p0 .LBB2_20-.Ltmp9, $4  }
0x1e8: {  	[tilespmem:s5+$0x14830] =	vst v3  }
0x1e9: {  	[tilespmem:s5+$0x14840] =	vst v4  }
0x1ea: {  	[tilespmem:s5+$0x14850] =	vst v5  }
0x1eb: {  	[tilespmem:s5+$0x14860] =	vst v6;
	s5 =	sshra.s32 s6, $0x2;
	s6 =	sadd.s32 $0x200, s6  }
0x1ec: {  	[tilespmem:s5+$0x14870] =	vst v7  }
0x1ed: {  	[tilespmem:s5+$0x14800] =	vst v0  }
0x1ee: {  	[tilespmem:s5+$0x14810] =	vst v1  }
0x1ef: {  	[tilespmem:s5+$0x14820] =	vst v2  }
0x1f0: {  	[tilespmem:s5+$0x14830] =	vst v3  }
0x1f1: {  	[tilespmem:s5+$0x14840] =	vst v4;
	s6 =	sld [smem:$0x7EE]  }
0x1f2: {  	[tilespmem:s5+$0x14850] =	vst v5  }
0x1f3: {  	[tilespmem:s5+$0x14860] =	vst v6  }
0x1f4: {  	[hbm4b:s6+s29] =	stream.strided.scatter [tilespmem:s28], [sflag:$0x3], $0x10000, s28, s29, $0x38;
	[tilespmem:$0x18800] =	vst v63  }
0x1f5: {  	s6 =	sld [smem:$0x7EF];
	_ =	sdelay $0x2  }
0x1f6: {  	[hbm4b:s6+s29] =	stream.strided.scatter [tilespmem:s31], [sflag:$0x2], $0x4000, s28, s29, $0x38;
	[tilespmem:$0x18800] =	vst v63  }
0x1f7: {  	s6 =	sld [smem:$0x7F0];
	_ =	sdelay $0x2  }
0x1f8: {  	[hbm4b:s6+s29] =	stream.strided.scatter [tilespmem:s31], [sflag:$0x2], $0x4000, s28, s29, $0x38;
	[tilespmem:$0x18800] =	vst v63  }
0x1f9: {  	s6 =	sld [smem:$0x7F1];
	_ =	sdelay $0x2  }
0x1fa: {  	[hbm4b:s6+s29] =	stream.strided.scatter [tilespmem:s31], [sflag:$0x2], $0x4000, s28, s29, $0x38;
	[tilespmem:$0x18800] =	vst v63  }
0x1fb: {  	s6 =	sld [smem:$0x7F2];
	_ =	sdelay $0x2  }
0x1fc: {  	[hbm4b:s6+s29] =	stream.strided.scatter [tilespmem:s31], [sflag:$0x2], $0x4000, s28, s29, $0x38;
	[tilespmem:$0x18800] =	vst v63  }
0x1fd: {  	_ =	swait.ge [sflag:s0], $0x4000  }
0x1fe: {  	[sflag:s0] =	ssyncset.done $0x0  }
0x1ff: {  	[sflag:s0] =	ssyncadd.s32 $0xFFFFC000  }
0x200: {  	_ =	swait.ge [sflag:s0], $0x4000  }
0x201: {  	[sflag:s0] =	ssyncset.done $0x0  }
0x202: {  	[sflag:s0] =	ssyncadd.s32 $0xFFFFC000  }
0x203: {  	_ =	swait.ge [sflag:s0], $0x4000  }
0x204: {  	[sflag:s0] =	ssyncset.done $0x0  }
0x205: {  	[sflag:s0] =	ssyncadd.s32 $0xFFFFC000  }
0x206: {  	_ =	swait.ge [sflag:s0], $0x4000  }
0x207: {  	[sflag:s0] =	ssyncset.done $0x0  }
0x208: {  	[sflag:s0] =	ssyncadd.s32 $0xFFFFC000  }
0x209: {  	v0 =	vld [tilespmem:$0x500]  }
0x20a: {  	v1 =	vld [tilespmem:$0x510]  }
0x20b: {  	v2 =	vld [tilespmem:$0x520]  }
0x20c: {  	v7 =	vld [tilespmem:$0x570]  }
0x20d: {  	v3 =	vld [tilespmem:$0x530]  }
0x20e: {  	v4 =	vld [tilespmem:$0x540]  }
0x20f: {  	v5 =	vld [tilespmem:$0x550]  }
0x210: {  	s5 =	simm.s32 $0x0;
	s6 =	simm.s32 $0x200;
	v6 =	vld [tilespmem:$0x560]  }
.LBB2_22:
0x211: {  	p0 =	sne.s32 s6, $0xFE00;
	[tilespmem:s5+$0x10870] =	vst v7  }
0x212: {  	[tilespmem:s5+$0x10800] =	vst v0  }
0x213: {  	[tilespmem:s5+$0x10810] =	vst v1  }
.Ltmp10:
0x214: {  	[tilespmem:s5+$0x10820] =	vst v2;
	(pc) =	sbr.rel @p0 .LBB2_22-.Ltmp10, $4  }
0x215: {  	[tilespmem:s5+$0x10830] =	vst v3  }
0x216: {  	[tilespmem:s5+$0x10840] =	vst v4  }
0x217: {  	[tilespmem:s5+$0x10850] =	vst v5  }
0x218: {  	[tilespmem:s5+$0x10860] =	vst v6;
	s5 =	sshra.s32 s6, $0x2;
	s6 =	sadd.s32 $0x200, s6  }
0x219: {  	[tilespmem:s5+$0x10870] =	vst v7  }
0x21a: {  	[tilespmem:s5+$0x10800] =	vst v0  }
0x21b: {  	[tilespmem:s5+$0x10810] =	vst v1  }
0x21c: {  	[tilespmem:s5+$0x10820] =	vst v2  }
0x21d: {  	[tilespmem:s5+$0x10830] =	vst v3  }
0x21e: {  	[tilespmem:s5+$0x10840] =	vst v4;
	s6 =	sld [smem:$0x7F3]  }
0x21f: {  	[tilespmem:s5+$0x10850] =	vst v5  }
0x220: {  	[tilespmem:s5+$0x10860] =	vst v6  }
0x221: {  	[hbm4b:s6+s29] =	stream.strided.scatter [tilespmem:s28], [sflag:$0x3], $0x10000, s28, s29, $0x38;
	[tilespmem:$0x18800] =	vst v63  }
0x222: {  	s6 =	sld [smem:$0x7F4];
	_ =	sdelay $0x2  }
0x223: {  	[hbm4b:s6+s29] =	stream.strided.scatter [tilespmem:s30], [sflag:$0x1], $0x4000, s28, s29, $0x38;
	[tilespmem:$0x18800] =	vst v63  }
0x224: {  	s6 =	sld [smem:$0x7F5];
	_ =	sdelay $0x2  }
0x225: {  	[hbm4b:s6+s29] =	stream.strided.scatter [tilespmem:s30], [sflag:$0x1], $0x4000, s28, s29, $0x38;
	[tilespmem:$0x18800] =	vst v63  }
0x226: {  	s6 =	sld [smem:$0x7F6];
	_ =	sdelay $0x2  }
0x227: {  	[hbm4b:s6+s29] =	stream.strided.scatter [tilespmem:s30], [sflag:$0x1], $0x4000, s28, s29, $0x38;
	[tilespmem:$0x18800] =	vst v63  }
0x228: {  	s6 =	sld [smem:$0x7F7];
	_ =	sdelay $0x2  }
0x229: {  	[hbm4b:s6+s29] =	stream.strided.scatter [tilespmem:s30], [sflag:$0x1], $0x4000, s28, s29, $0x38;
	[tilespmem:$0x18800] =	vst v63  }
0x22a: {  	_ =	swait.ge [sflag:s1], $0x4000  }
0x22b: {  	[sflag:s1] =	ssyncset.done $0x0  }
0x22c: {  	[sflag:s1] =	ssyncadd.s32 $0xFFFFC000  }
0x22d: {  	_ =	swait.ge [sflag:s1], $0x4000  }
0x22e: {  	[sflag:s1] =	ssyncset.done $0x0  }
0x22f: {  	[sflag:s1] =	ssyncadd.s32 $0xFFFFC000  }
0x230: {  	_ =	swait.ge [sflag:s1], $0x4000  }
0x231: {  	[sflag:s1] =	ssyncset.done $0x0  }
0x232: {  	[sflag:s1] =	ssyncadd.s32 $0xFFFFC000  }
0x233: {  	_ =	swait.ge [sflag:s1], $0x4000  }
0x234: {  	[sflag:s1] =	ssyncset.done $0x0  }
0x235: {  	[sflag:s1] =	ssyncadd.s32 $0xFFFFC000  }
0x236: {  	v0 =	vld [tilespmem:$0x580]  }
0x237: {  	v1 =	vld [tilespmem:$0x590]  }
0x238: {  	v2 =	vld [tilespmem:$0x5A0]  }
0x239: {  	v7 =	vld [tilespmem:$0x5F0]  }
0x23a: {  	v3 =	vld [tilespmem:$0x5B0]  }
0x23b: {  	v4 =	vld [tilespmem:$0x5C0]  }
0x23c: {  	v5 =	vld [tilespmem:$0x5D0]  }
0x23d: {  	s5 =	simm.s32 $0x0;
	s6 =	simm.s32 $0x200;
	v6 =	vld [tilespmem:$0x5E0]  }
.LBB2_24:
0x23e: {  	p0 =	sne.s32 s6, $0xFE00;
	[tilespmem:s5+$0x14870] =	vst v7  }
0x23f: {  	[tilespmem:s5+$0x14800] =	vst v0  }
0x240: {  	[tilespmem:s5+$0x14810] =	vst v1  }
.Ltmp11:
0x241: {  	[tilespmem:s5+$0x14820] =	vst v2;
	(pc) =	sbr.rel @p0 .LBB2_24-.Ltmp11, $4  }
0x242: {  	[tilespmem:s5+$0x14830] =	vst v3  }
0x243: {  	[tilespmem:s5+$0x14840] =	vst v4  }
0x244: {  	[tilespmem:s5+$0x14850] =	vst v5  }
0x245: {  	[tilespmem:s5+$0x14860] =	vst v6;
	s5 =	sshra.s32 s6, $0x2;
	s6 =	sadd.s32 $0x200, s6  }
0x246: {  	[tilespmem:s5+$0x14870] =	vst v7  }
0x247: {  	[tilespmem:s5+$0x14800] =	vst v0  }
0x248: {  	[tilespmem:s5+$0x14810] =	vst v1  }
0x249: {  	[tilespmem:s5+$0x14820] =	vst v2  }
0x24a: {  	[tilespmem:s5+$0x14830] =	vst v3  }
0x24b: {  	[tilespmem:s5+$0x14840] =	vst v4;
	s6 =	sld [smem:$0x7F8]  }
0x24c: {  	[tilespmem:s5+$0x14850] =	vst v5  }
0x24d: {  	[tilespmem:s5+$0x14860] =	vst v6  }
0x24e: {  	[hbm4b:s6+s29] =	stream.strided.scatter [tilespmem:s28], [sflag:$0x3], $0x10000, s28, s29, $0x38;
	[tilespmem:$0x18800] =	vst v63  }
0x24f: {  	s6 =	sld [smem:$0x7F9];
	_ =	sdelay $0x2  }
0x250: {  	[hbm4b:s6+s29] =	stream.strided.scatter [tilespmem:s31], [sflag:$0x2], $0x4000, s28, s29, $0x38;
	[tilespmem:$0x18800] =	vst v63  }
0x251: {  	s6 =	sld [smem:$0x7FA];
	_ =	sdelay $0x2  }
0x252: {  	[hbm4b:s6+s29] =	stream.strided.scatter [tilespmem:s31], [sflag:$0x2], $0x4000, s28, s29, $0x38;
	[tilespmem:$0x18800] =	vst v63  }
0x253: {  	s6 =	sld [smem:$0x7FB];
	_ =	sdelay $0x2  }
0x254: {  	[hbm4b:s6+s29] =	stream.strided.scatter [tilespmem:s31], [sflag:$0x2], $0x4000, s28, s29, $0x38;
	[tilespmem:$0x18800] =	vst v63  }
0x255: {  	s6 =	sld [smem:$0x7FC];
	_ =	sdelay $0x2  }
0x256: {  	[hbm4b:s6+s29] =	stream.strided.scatter [tilespmem:s31], [sflag:$0x2], $0x4000, s28, s29, $0x38;
	[tilespmem:$0x18800] =	vst v63  }
0x257: {  	_ =	swait.ge [sflag:s0], $0x4000  }
0x258: {  	[sflag:s0] =	ssyncset.done $0x0  }
0x259: {  	[sflag:s0] =	ssyncadd.s32 $0xFFFFC000  }
0x25a: {  	_ =	swait.ge [sflag:s0], $0x4000  }
0x25b: {  	[sflag:s0] =	ssyncset.done $0x0  }
0x25c: {  	[sflag:s0] =	ssyncadd.s32 $0xFFFFC000  }
0x25d: {  	_ =	swait.ge [sflag:s0], $0x4000  }
0x25e: {  	[sflag:s0] =	ssyncset.done $0x0  }
0x25f: {  	[sflag:s0] =	ssyncadd.s32 $0xFFFFC000  }
0x260: {  	_ =	swait.ge [sflag:s0], $0x4000  }
0x261: {  	[sflag:s0] =	ssyncset.done $0x0  }
0x262: {  	[sflag:s0] =	ssyncadd.s32 $0xFFFFC000  }
0x263: {  	v0 =	vld [tilespmem:$0x600]  }
0x264: {  	v1 =	vld [tilespmem:$0x610]  }
0x265: {  	v2 =	vld [tilespmem:$0x620]  }
0x266: {  	v7 =	vld [tilespmem:$0x670]  }
0x267: {  	v3 =	vld [tilespmem:$0x630]  }
0x268: {  	v4 =	vld [tilespmem:$0x640]  }
0x269: {  	v5 =	vld [tilespmem:$0x650]  }
0x26a: {  	s5 =	simm.s32 $0x0;
	s6 =	simm.s32 $0x200;
	v6 =	vld [tilespmem:$0x660]  }
.LBB2_26:
0x26b: {  	p0 =	sne.s32 s6, $0xFE00;
	[tilespmem:s5+$0x10870] =	vst v7  }
0x26c: {  	[tilespmem:s5+$0x10800] =	vst v0  }
0x26d: {  	[tilespmem:s5+$0x10810] =	vst v1  }
.Ltmp12:
0x26e: {  	[tilespmem:s5+$0x10820] =	vst v2;
	(pc) =	sbr.rel @p0 .LBB2_26-.Ltmp12, $4  }
0x26f: {  	[tilespmem:s5+$0x10830] =	vst v3  }
0x270: {  	[tilespmem:s5+$0x10840] =	vst v4  }
0x271: {  	[tilespmem:s5+$0x10850] =	vst v5  }
0x272: {  	[tilespmem:s5+$0x10860] =	vst v6;
	s5 =	sshra.s32 s6, $0x2;
	s6 =	sadd.s32 $0x200, s6  }
0x273: {  	[tilespmem:s5+$0x10870] =	vst v7  }
0x274: {  	[tilespmem:s5+$0x10800] =	vst v0  }
0x275: {  	[tilespmem:s5+$0x10810] =	vst v1  }
0x276: {  	[tilespmem:s5+$0x10820] =	vst v2  }
0x277: {  	[tilespmem:s5+$0x10830] =	vst v3  }
0x278: {  	[tilespmem:s5+$0x10840] =	vst v4;
	s6 =	sld [smem:$0x7FD]  }
0x279: {  	[tilespmem:s5+$0x10850] =	vst v5  }
0x27a: {  	[tilespmem:s5+$0x10860] =	vst v6  }
0x27b: {  	[hbm4b:s6+s29] =	stream.strided.scatter [tilespmem:s28], [sflag:$0x3], $0x10000, s28, s29, $0x38;
	[tilespmem:$0x18800] =	vst v63  }
0x27c: {  	_ = 	snop  }
0x27d: {  	[hbm4b:s7+s29] =	stream.strided.scatter [tilespmem:s30], [sflag:$0x1], $0x4000, s28, s29, $0x38;
	[tilespmem:$0x18800] =	vst v63  }
0x27e: {  	_ = 	snop  }
0x27f: {  	[hbm4b:s8+s29] =	stream.strided.scatter [tilespmem:s30], [sflag:$0x1], $0x4000, s28, s29, $0x38;
	[tilespmem:$0x18800] =	vst v63  }
0x280: {  	_ = 	snop  }
0x281: {  	[hbm4b:s9+s29] =	stream.strided.scatter [tilespmem:s30], [sflag:$0x1], $0x4000, s28, s29, $0x38;
	[tilespmem:$0x18800] =	vst v63  }
0x282: {  	_ = 	snop  }
0x283: {  	[hbm4b:s10+s29] =	stream.strided.scatter [tilespmem:s30], [sflag:$0x1], $0x4000, s28, s29, $0x38;
	[tilespmem:$0x18800] =	vst v63  }
0x284: {  	_ =	swait.ge [sflag:s1], $0x4000  }
0x285: {  	[sflag:s1] =	ssyncset.done $0x0  }
0x286: {  	[sflag:s1] =	ssyncadd.s32 $0xFFFFC000  }
0x287: {  	_ =	swait.ge [sflag:s1], $0x4000  }
0x288: {  	[sflag:s1] =	ssyncset.done $0x0  }
0x289: {  	[sflag:s1] =	ssyncadd.s32 $0xFFFFC000  }
0x28a: {  	_ =	swait.ge [sflag:s1], $0x4000  }
0x28b: {  	[sflag:s1] =	ssyncset.done $0x0  }
0x28c: {  	[sflag:s1] =	ssyncadd.s32 $0xFFFFC000  }
0x28d: {  	_ =	swait.ge [sflag:s1], $0x4000  }
0x28e: {  	[sflag:s1] =	ssyncset.done $0x0  }
0x28f: {  	[sflag:s1] =	ssyncadd.s32 $0xFFFFC000  }
0x290: {  	v0 =	vld [tilespmem:$0x680]  }
0x291: {  	v1 =	vld [tilespmem:$0x690]  }
0x292: {  	v2 =	vld [tilespmem:$0x6A0]  }
0x293: {  	v7 =	vld [tilespmem:$0x6F0]  }
0x294: {  	v3 =	vld [tilespmem:$0x6B0]  }
0x295: {  	v4 =	vld [tilespmem:$0x6C0]  }
0x296: {  	v5 =	vld [tilespmem:$0x6D0]  }
0x297: {  	s5 =	simm.s32 $0x0;
	s6 =	simm.s32 $0x200;
	v6 =	vld [tilespmem:$0x6E0]  }
.LBB2_28:
0x298: {  	p0 =	sne.s32 s6, $0xFE00;
	[tilespmem:s5+$0x14870] =	vst v7  }
0x299: {  	[tilespmem:s5+$0x14800] =	vst v0  }
0x29a: {  	[tilespmem:s5+$0x14810] =	vst v1  }
.Ltmp13:
0x29b: {  	[tilespmem:s5+$0x14820] =	vst v2;
	(pc) =	sbr.rel @p0 .LBB2_28-.Ltmp13, $4  }
0x29c: {  	[tilespmem:s5+$0x14830] =	vst v3  }
0x29d: {  	[tilespmem:s5+$0x14840] =	vst v4  }
0x29e: {  	[tilespmem:s5+$0x14850] =	vst v5  }
0x29f: {  	[tilespmem:s5+$0x14860] =	vst v6;
	s5 =	sshra.s32 s6, $0x2;
	s6 =	sadd.s32 $0x200, s6  }
0x2a0: {  	[tilespmem:s5+$0x14870] =	vst v7  }
0x2a1: {  	[tilespmem:s5+$0x14800] =	vst v0  }
0x2a2: {  	[tilespmem:s5+$0x14810] =	vst v1  }
0x2a3: {  	[tilespmem:s5+$0x14820] =	vst v2  }
0x2a4: {  	[tilespmem:s5+$0x14830] =	vst v3  }
0x2a5: {  	[tilespmem:s5+$0x14840] =	vst v4  }
0x2a6: {  	[tilespmem:s5+$0x14850] =	vst v5  }
0x2a7: {  	[tilespmem:s5+$0x14860] =	vst v6  }
0x2a8: {  	[hbm4b:s11+s29] =	stream.strided.scatter [tilespmem:s28], [sflag:$0x3], $0x10000, s28, s29, $0x38;
	[tilespmem:$0x18800] =	vst v63  }
0x2a9: {  	_ = 	snop  }
0x2aa: {  	[hbm4b:s12+s29] =	stream.strided.scatter [tilespmem:s31], [sflag:$0x2], $0x4000, s28, s29, $0x38;
	[tilespmem:$0x18800] =	vst v63  }
0x2ab: {  	_ = 	snop  }
0x2ac: {  	[hbm4b:s13+s29] =	stream.strided.scatter [tilespmem:s31], [sflag:$0x2], $0x4000, s28, s29, $0x38;
	[tilespmem:$0x18800] =	vst v63  }
0x2ad: {  	_ = 	snop  }
0x2ae: {  	[hbm4b:s14+s29] =	stream.strided.scatter [tilespmem:s31], [sflag:$0x2], $0x4000, s28, s29, $0x38;
	[tilespmem:$0x18800] =	vst v63  }
0x2af: {  	_ = 	snop  }
0x2b0: {  	[hbm4b:s15+s29] =	stream.strided.scatter [tilespmem:s31], [sflag:$0x2], $0x4000, s28, s29, $0x38;
	[tilespmem:$0x18800] =	vst v63  }
0x2b1: {  	_ =	swait.ge [sflag:s0], $0x4000  }
0x2b2: {  	[sflag:s0] =	ssyncset.done $0x0  }
0x2b3: {  	[sflag:s0] =	ssyncadd.s32 $0xFFFFC000  }
0x2b4: {  	_ =	swait.ge [sflag:s0], $0x4000  }
0x2b5: {  	[sflag:s0] =	ssyncset.done $0x0  }
0x2b6: {  	[sflag:s0] =	ssyncadd.s32 $0xFFFFC000  }
0x2b7: {  	_ =	swait.ge [sflag:s0], $0x4000  }
0x2b8: {  	[sflag:s0] =	ssyncset.done $0x0  }
0x2b9: {  	[sflag:s0] =	ssyncadd.s32 $0xFFFFC000  }
0x2ba: {  	_ =	swait.ge [sflag:s0], $0x4000  }
0x2bb: {  	[sflag:s0] =	ssyncset.done $0x0  }
0x2bc: {  	[sflag:s0] =	ssyncadd.s32 $0xFFFFC000  }
0x2bd: {  	v0 =	vld [tilespmem:$0x700]  }
0x2be: {  	v1 =	vld [tilespmem:$0x710]  }
0x2bf: {  	v2 =	vld [tilespmem:$0x720]  }
0x2c0: {  	v7 =	vld [tilespmem:$0x770]  }
0x2c1: {  	v3 =	vld [tilespmem:$0x730]  }
0x2c2: {  	v4 =	vld [tilespmem:$0x740]  }
0x2c3: {  	v5 =	vld [tilespmem:$0x750]  }
0x2c4: {  	s5 =	simm.s32 $0x0;
	s6 =	simm.s32 $0x200;
	v6 =	vld [tilespmem:$0x760]  }
.LBB2_30:
0x2c5: {  	p0 =	sne.s32 s6, $0xFE00;
	[tilespmem:s5+$0x10870] =	vst v7  }
0x2c6: {  	[tilespmem:s5+$0x10800] =	vst v0  }
0x2c7: {  	[tilespmem:s5+$0x10810] =	vst v1  }
.Ltmp14:
0x2c8: {  	[tilespmem:s5+$0x10820] =	vst v2;
	(pc) =	sbr.rel @p0 .LBB2_30-.Ltmp14, $4  }
0x2c9: {  	[tilespmem:s5+$0x10830] =	vst v3  }
0x2ca: {  	[tilespmem:s5+$0x10840] =	vst v4  }
0x2cb: {  	[tilespmem:s5+$0x10850] =	vst v5  }
0x2cc: {  	[tilespmem:s5+$0x10860] =	vst v6;
	s5 =	sshra.s32 s6, $0x2;
	s6 =	sadd.s32 $0x200, s6  }
0x2cd: {  	[tilespmem:s5+$0x10870] =	vst v7  }
0x2ce: {  	[tilespmem:s5+$0x10800] =	vst v0  }
0x2cf: {  	[tilespmem:s5+$0x10810] =	vst v1  }
0x2d0: {  	[tilespmem:s5+$0x10820] =	vst v2  }
0x2d1: {  	[tilespmem:s5+$0x10830] =	vst v3  }
0x2d2: {  	[tilespmem:s5+$0x10840] =	vst v4  }
0x2d3: {  	[tilespmem:s5+$0x10850] =	vst v5  }
0x2d4: {  	[tilespmem:s5+$0x10860] =	vst v6  }
0x2d5: {  	[hbm4b:s16+s29] =	stream.strided.scatter [tilespmem:s28], [sflag:$0x3], $0x10000, s28, s29, $0x38;
	[tilespmem:$0x18800] =	vst v63  }
0x2d6: {  	_ = 	snop  }
0x2d7: {  	[hbm4b:s17+s29] =	stream.strided.scatter [tilespmem:s30], [sflag:$0x1], $0x4000, s28, s29, $0x38;
	[tilespmem:$0x18800] =	vst v63  }
0x2d8: {  	_ = 	snop  }
0x2d9: {  	[hbm4b:s18+s29] =	stream.strided.scatter [tilespmem:s30], [sflag:$0x1], $0x4000, s28, s29, $0x38;
	[tilespmem:$0x18800] =	vst v63  }
0x2da: {  	_ = 	snop  }
0x2db: {  	[hbm4b:s19+s29] =	stream.strided.scatter [tilespmem:s30], [sflag:$0x1], $0x4000, s28, s29, $0x38;
	[tilespmem:$0x18800] =	vst v63  }
0x2dc: {  	_ = 	snop  }
0x2dd: {  	[hbm4b:s20+s29] =	stream.strided.scatter [tilespmem:s30], [sflag:$0x1], $0x4000, s28, s29, $0x38;
	[tilespmem:$0x18800] =	vst v63  }
0x2de: {  	_ =	swait.ge [sflag:s1], $0x4000  }
0x2df: {  	[sflag:s1] =	ssyncset.done $0x0  }
0x2e0: {  	[sflag:s1] =	ssyncadd.s32 $0xFFFFC000  }
0x2e1: {  	_ =	swait.ge [sflag:s1], $0x4000  }
0x2e2: {  	[sflag:s1] =	ssyncset.done $0x0  }
0x2e3: {  	[sflag:s1] =	ssyncadd.s32 $0xFFFFC000  }
0x2e4: {  	_ =	swait.ge [sflag:s1], $0x4000  }
0x2e5: {  	[sflag:s1] =	ssyncset.done $0x0  }
0x2e6: {  	[sflag:s1] =	ssyncadd.s32 $0xFFFFC000  }
0x2e7: {  	_ =	swait.ge [sflag:s1], $0x4000  }
0x2e8: {  	[sflag:s1] =	ssyncset.done $0x0  }
0x2e9: {  	[sflag:s1] =	ssyncadd.s32 $0xFFFFC000  }
0x2ea: {  	v0 =	vld [tilespmem:$0x780]  }
0x2eb: {  	v1 =	vld [tilespmem:$0x790]  }
0x2ec: {  	v2 =	vld [tilespmem:$0x7A0]  }
0x2ed: {  	v7 =	vld [tilespmem:$0x7F0]  }
0x2ee: {  	v3 =	vld [tilespmem:$0x7B0]  }
0x2ef: {  	v4 =	vld [tilespmem:$0x7C0]  }
0x2f0: {  	v5 =	vld [tilespmem:$0x7D0]  }
0x2f1: {  	s5 =	simm.s32 $0x0;
	s6 =	simm.s32 $0x200;
	v6 =	vld [tilespmem:$0x7E0]  }
.LBB2_32:
0x2f2: {  	p0 =	sne.s32 s6, $0xFE00;
	[tilespmem:s5+$0x14870] =	vst v7  }
0x2f3: {  	[tilespmem:s5+$0x14800] =	vst v0  }
0x2f4: {  	[tilespmem:s5+$0x14810] =	vst v1  }
.Ltmp15:
0x2f5: {  	[tilespmem:s5+$0x14820] =	vst v2;
	(pc) =	sbr.rel @p0 .LBB2_32-.Ltmp15, $4  }
0x2f6: {  	[tilespmem:s5+$0x14830] =	vst v3  }
0x2f7: {  	[tilespmem:s5+$0x14840] =	vst v4  }
0x2f8: {  	[tilespmem:s5+$0x14850] =	vst v5  }
0x2f9: {  	[tilespmem:s5+$0x14860] =	vst v6;
	s5 =	sshra.s32 s6, $0x2;
	s6 =	sadd.s32 $0x200, s6  }
0x2fa: {  	[tilespmem:s5+$0x14870] =	vst v7  }
0x2fb: {  	[tilespmem:s5+$0x14800] =	vst v0  }
0x2fc: {  	[tilespmem:s5+$0x14810] =	vst v1  }
0x2fd: {  	[tilespmem:s5+$0x14820] =	vst v2  }
0x2fe: {  	[tilespmem:s5+$0x14830] =	vst v3  }
0x2ff: {  	[tilespmem:s5+$0x14840] =	vst v4  }
0x300: {  	[tilespmem:s5+$0x14850] =	vst v5  }
0x301: {  	[tilespmem:s5+$0x14860] =	vst v6  }
0x302: {  	[hbm4b:s21+s29] =	stream.strided.scatter [tilespmem:s28], [sflag:$0x3], $0x10000, s28, s29, $0x38;
	[tilespmem:$0x18800] =	vst v63  }
0x303: {  	_ = 	snop  }
0x304: {  	[hbm4b:s22+s29] =	stream.strided.scatter [tilespmem:s31], [sflag:$0x2], $0x4000, s28, s29, $0x38;
	[tilespmem:$0x18800] =	vst v63  }
0x305: {  	_ = 	snop  }
0x306: {  	[hbm4b:s23+s29] =	stream.strided.scatter [tilespmem:s31], [sflag:$0x2], $0x4000, s28, s29, $0x38;
	[tilespmem:$0x18800] =	vst v63  }
0x307: {  	_ = 	snop  }
0x308: {  	[hbm4b:s24+s29] =	stream.strided.scatter [tilespmem:s31], [sflag:$0x2], $0x4000, s28, s29, $0x38;
	[tilespmem:$0x18800] =	vst v63  }
0x309: {  	_ = 	snop  }
0x30a: {  	[hbm4b:s25+s29] =	stream.strided.scatter [tilespmem:s31], [sflag:$0x2], $0x4000, s28, s29, $0x38;
	[tilespmem:$0x18800] =	vst v63  }
0x30b: {  	_ =	swait.ge [sflag:s0], $0x4000  }
0x30c: {  	[sflag:s0] =	ssyncset.done $0x0  }
0x30d: {  	[sflag:s0] =	ssyncadd.s32 $0xFFFFC000  }
0x30e: {  	_ =	swait.ge [sflag:s0], $0x4000  }
0x30f: {  	[sflag:s0] =	ssyncset.done $0x0  }
0x310: {  	[sflag:s0] =	ssyncadd.s32 $0xFFFFC000  }
0x311: {  	_ =	swait.ge [sflag:s0], $0x4000  }
0x312: {  	[sflag:s0] =	ssyncset.done $0x0  }
0x313: {  	[sflag:s0] =	ssyncadd.s32 $0xFFFFC000  }
0x314: {  	_ =	swait.ge [sflag:s0], $0x4000  }
0x315: {  	[sflag:s0] =	ssyncset.done $0x0  }
0x316: {  	[sflag:s0] =	ssyncadd.s32 $0xFFFFC000  }
0x317: {  	_ =	swait.ge [sflag:s1], $0x4000  }
0x318: {  	[sflag:s1] =	ssyncset.done $0x0  }
0x319: {  	[sflag:s1] =	ssyncadd.s32 $0xFFFFC000  }
0x31a: {  	_ =	swait.ge [sflag:s1], $0x4000  }
0x31b: {  	[sflag:s1] =	ssyncset.done $0x0  }
0x31c: {  	[sflag:s1] =	ssyncadd.s32 $0xFFFFC000  }
0x31d: {  	_ =	swait.ge [sflag:s1], $0x4000  }
0x31e: {  	[sflag:s1] =	ssyncset.done $0x0  }
0x31f: {  	[sflag:s1] =	ssyncadd.s32 $0xFFFFC000  }
0x320: {  	_ =	swait.ge [sflag:s1], $0x4000  }
0x321: {  	[sflag:s1] =	ssyncset.done $0x0  }
0x322: {  	[sflag:s1] =	ssyncadd.s32 $0xFFFFC000  }
0x323: {  	_ =	swait.ge [sflag:s2], $0x10000  }
0x324: {  	[sflag:s2] =	ssyncset.done $0x0  }
0x325: {  	[sflag:s2] =	ssyncadd.s32 $0xFFFF0000  }
0x326: {  	_ =	swait.ge [sflag:s2], $0x10000  }
0x327: {  	[sflag:s2] =	ssyncset.done $0x0  }
0x328: {  	[sflag:s2] =	ssyncadd.s32 $0xFFFF0000  }
0x329: {  	_ =	swait.ge [sflag:s2], $0x10000  }
0x32a: {  	[sflag:s2] =	ssyncset.done $0x0  }
0x32b: {  	[sflag:s2] =	ssyncadd.s32 $0xFFFF0000  }
0x32c: {  	_ =	swait.ge [sflag:s2], $0x10000  }
0x32d: {  	[sflag:s2] =	ssyncset.done $0x0  }
0x32e: {  	[sflag:s2] =	ssyncadd.s32 $0xFFFF0000  }
0x32f: {  	_ =	swait.ge [sflag:s2], $0x10000  }
0x330: {  	[sflag:s2] =	ssyncset.done $0x0  }
0x331: {  	[sflag:s2] =	ssyncadd.s32 $0xFFFF0000  }
0x332: {  	_ =	swait.ge [sflag:s2], $0x10000  }
0x333: {  	[sflag:s2] =	ssyncset.done $0x0  }
0x334: {  	[sflag:s2] =	ssyncadd.s32 $0xFFFF0000  }
0x335: {  	_ =	swait.ge [sflag:s2], $0x10000  }
0x336: {  	[sflag:s2] =	ssyncset.done $0x0  }
0x337: {  	[sflag:s2] =	ssyncadd.s32 $0xFFFF0000  }
0x338: {  	_ =	swait.ge [sflag:s2], $0x10000  }
0x339: {  	[sflag:s2] =	ssyncset.done $0x0  }
0x33a: {  	[sflag:s2] =	ssyncadd.s32 $0xFFFF0000  }
0x33b: {  	_ =	swait.ge [sflag:s2], $0x10000  }
0x33c: {  	[sflag:s2] =	ssyncset.done $0x0  }
0x33d: {  	[sflag:s2] =	ssyncadd.s32 $0xFFFF0000  }
0x33e: {  	_ =	swait.ge [sflag:s2], $0x10000  }
0x33f: {  	[sflag:s2] =	ssyncset.done $0x0  }
0x340: {  	[sflag:s2] =	ssyncadd.s32 $0xFFFF0000  }
0x341: {  	_ =	swait.ge [sflag:s2], $0x10000  }
0x342: {  	[sflag:s2] =	ssyncset.done $0x0  }
0x343: {  	[sflag:s2] =	ssyncadd.s32 $0xFFFF0000  }
0x344: {  	_ =	swait.ge [sflag:s2], $0x10000  }
0x345: {  	[sflag:s2] =	ssyncset.done $0x0  }
0x346: {  	[sflag:s2] =	ssyncadd.s32 $0xFFFF0000  }
0x347: {  	_ =	swait.ge [sflag:s2], $0x10000  }
0x348: {  	[sflag:s2] =	ssyncset.done $0x0  }
0x349: {  	[sflag:s2] =	ssyncadd.s32 $0xFFFF0000  }
0x34a: {  	_ =	swait.ge [sflag:s2], $0x10000  }
0x34b: {  	[sflag:s2] =	ssyncset.done $0x0  }
0x34c: {  	[sflag:s2] =	ssyncadd.s32 $0xFFFF0000  }
0x34d: {  	_ =	swait.ge [sflag:s2], $0x10000  }
0x34e: {  	[sflag:s2] =	ssyncset.done $0x0  }
0x34f: {  	[sflag:s2] =	ssyncadd.s32 $0xFFFF0000  }
0x350: {  	_ =	swait.ge [sflag:s2], $0x10000  }
0x351: {  	s3 =	sadd.s32 $0x1, s3;
	s6 =	rddreg [dreg:$0x18]  }
0x352: {  	p0 =	sne.s32 s3, s6  }
.Ltmp16:
0x353: {  	_ = 	snop;
	(pc) =	sbr.rel @p0 .LBB2_1-.Ltmp16, $3  }
0x354: {  	_ =	sdelay $0x1  }
0x355: {  	[sflag:s2] =	ssyncset.done $0x0  }
0x356: {  	[sflag:s2] =	ssyncadd.s32 $0xFFFF0000  }
0x357: {  	_ =	sfence.sel $0x180000  }
0x358: {  	[bflag:$0x0] =	sbarrier.arrive $0xFFFF  }
0x359: {  	_ =	strace $0x90000047  }
0x35a: {  	s0 =	stileid.u32;
	[bflag:$0x2] =	sbarrier.arrive $0xFFFF  }
0x35b: {  	p0 =	sne.s32 s0, $0x0;
	s0 =	rddreg [dreg:$0x3]  }
0x35c: {  	s0 =	sadd.s32 @!p0 $0x100000, s0  }
0x35d: {  	[sflag:s0] =	ssyncadd.tile.s32 @!p0 $0x1;
	_ =	shalt  }
.Lfunc_end2:
_tile_overlayer_lowered:
.L_overlay_start_2:
0x35e: {  	(tag) =	ssettag $0x2  }
0x35f: {  	s0 =	rddreg [dreg:$0x0];
	s2 =	stileid.u32  }
0x360: {  	s1 =	rddreg [dreg:$0x1];
	p0 =	sne.s32 s2, $0x0  }
0x361: {  	s3 =	rddreg [dreg:$0x2];
	[bflag:$0x3] =	sbarrier.arrive $0xFFFF;
	s2 =	simm.s32 @!p0 $0x1C04  }
0x362: {  	[timem:s3], [sflag:s2] =	dma.local @!p0 [hbm:s0], s1  }
0x363: {  	s0 =	simm.s32 @!p0 $0x4  }
0x364: {  	_ =	swait.ge @!p0 [sflag:s0], s1  }
0x365: {  	s1 =	ssub.s32 @!p0 $0x0, s1;
	[sflag:s0] =	ssyncset.done @!p0 $0x0  }
0x366: {  	[sflag:s0] =	ssyncadd.s32 @!p0 s1  }
0x367: {  	[bflag:$0x3] =	sbarrier.arrive $0xFFFF  }
0x368: {  	_ =	shalt  }

</sc_bundles>
